<compile_context>
chip_gen: v7x
topology: tpu7x:2x2x1
jax: 0.10.2.dev20260603
libtpu: 0.0.44.dev20260713+nightly
codegen_flags: <defaults>
</compile_context>

<pallas_src>
import functools

import jax
import jax.numpy as jnp
from jax import lax
from jax.experimental import pallas as pl
from jax.experimental.pallas import tpu as pltpu
from jax.experimental.pallas import tpu_sc as plsc

NPTS = 10000
KNBR = 16
M1, M2 = 2500, 1250
M1P, M2P = 2560, 1280
NP1, NP2 = 10240, 2560
QB = 128
NWORK = 32


def _sc_gather(table, idx):
    V, D = table.shape
    (B,) = idx.shape
    assert B % (8 * NWORK) == 0 and D % 16 == 0
    bpw = B // NWORK
    ch = 128 if bpw % 128 == 0 else bpw
    nch = bpw // ch
    mesh = plsc.VectorSubcoreMesh(core_axis_name="c", subcore_axis_name="s")

    @functools.partial(
        pl.kernel,
        mesh=mesh,
        compiler_params=pltpu.CompilerParams(use_tc_tiling_on_sc=False),
        out_type=jax.ShapeDtypeStruct((B, D), jnp.float32),
        scratch_types=[
            pltpu.VMEM((bpw,), jnp.int32),
            pltpu.VMEM((bpw, D), jnp.float32),
            pltpu.SemaphoreType.DMA,
        ],
    )
    def gather_kernel(table_hbm, idx_hbm, out_hbm, idx_v, rows_v, sem):
        wid = lax.axis_index("s") * 2 + lax.axis_index("c")
        base = wid * bpw
        pltpu.sync_copy(idx_hbm.at[pl.ds(base, bpw)], idx_v)
        copies = [
            pltpu.async_copy(
                table_hbm.at[idx_v.at[pl.ds(j * ch, ch)]],
                rows_v.at[pl.ds(j * ch, ch)],
                sem,
            )
            for j in range(nch)
        ]
        for c in copies:
            c.wait()
        pltpu.sync_copy(rows_v, out_hbm.at[pl.ds(base, bpw)])

    return gather_kernel(table, idx)


def _mlp_body(x_ref, w_ref, b_ref, o_ref):
    o_ref[...] = jax.nn.relu(
        jnp.dot(x_ref[...], w_ref[...], preferred_element_type=jnp.float32)
        + b_ref[...]
    )


def _tc_mlp(x, w, b):
    n, _ = x.shape
    dout = w.shape[1]
    return pl.pallas_call(
        _mlp_body,
        out_shape=jax.ShapeDtypeStruct((n, dout), jnp.float32),
    )(x, w, b.reshape(1, -1))


def _knn_body(qb, fold, sbits, npad, q8_ref, post8_ref, out_ref):
    npf = npad // fold
    smask = (1 << sbits) - 1
    maxi = jnp.int32(2147483647)
    dd = jnp.dot(q8_ref[...], post8_ref[...],
                 preferred_element_type=jnp.float32)
    bits = lax.bitcast_convert_type(dd, jnp.int32)
    m1 = m2 = m3 = m4 = None
    for s in range(fold):
        k = (bits[:, s * npf : (s + 1) * npf] & ~smask) | jnp.int32(s)
        if m1 is None:
            m1 = k
            m2 = m3 = m4 = jnp.full((qb, npf), maxi)
        else:
            t1 = jnp.maximum(m1, k)
            m1 = jnp.minimum(m1, k)
            t2 = jnp.maximum(m2, t1)
            m2 = jnp.minimum(m2, t1)
            t3 = jnp.maximum(m3, t2)
            m3 = jnp.minimum(m3, t2)
            m4 = jnp.minimum(m4, t3)
    iota = lax.broadcasted_iota(jnp.int32, (qb, npf), 1)
    for t in range(KNBR):
        mkey = jnp.min(m1, axis=1, keepdims=True)
        jidx = jnp.min(jnp.where(m1 <= mkey, iota, jnp.int32(npf)), axis=1,
                       keepdims=True)
        out_ref[:, t : t + 1] = (mkey & smask) * npf + jidx
        onehot = iota == jidx
        m1 = jnp.where(onehot, m2, m1)
        m2 = jnp.where(onehot, m3, m2)
        m3 = jnp.where(onehot, m4, m3)
        m4 = jnp.where(onehot, maxi, m4)


def _tc_knn(qb, fold, sbits, q8, post8):
    mp = q8.shape[0]
    npad = post8.shape[1]
    grid = mp // qb
    return pl.pallas_call(
        functools.partial(_knn_body, qb, fold, sbits, npad),
        grid=(grid,),
        in_specs=[
            pl.BlockSpec((qb, 8), lambda i: (i, 0)),
            pl.BlockSpec((8, npad), lambda i: (0, 0)),
        ],
        out_specs=pl.BlockSpec((qb, KNBR), lambda i: (i, 0)),
        out_shape=jax.ShapeDtypeStruct((mp, KNBR), jnp.int32),
    )(q8, post8)


def _conv_body(C, wa_ref, wb_ref, w9_ref, bpp_ref, wat_ref, wab_ref, ba_ref,
               wgt_ref, wgb_ref, bg_ref, g_ref, posq_ref, o_ref):
    BE = QB * KNBR
    xj = g_ref[:, :C]
    posj = g_ref[:, C:]
    ie = lax.broadcasted_iota(jnp.int32, (BE, QB), 0) // KNBR
    iq = lax.broadcasted_iota(jnp.int32, (BE, QB), 1)
    expand = (ie == iq).astype(jnp.float32)
    posq = posq_ref[...]
    posi = jnp.dot(expand, posq, preferred_element_type=jnp.float32)
    vij = posi - posj
    dij = jnp.sqrt(jnp.sum(vij * vij, axis=1, keepdims=True))
    ri_q = jnp.dot(posq, wa_ref[...], preferred_element_type=jnp.float32)
    rij = jax.nn.relu(
        jnp.dot(expand, ri_q, preferred_element_type=jnp.float32)
        + jnp.dot(posj, wb_ref[...], preferred_element_type=jnp.float32)
        + dij * w9_ref[...]
        + bpp_ref[...]
    )
    gat = jax.nn.relu(
        jnp.dot(xj, wat_ref[...], preferred_element_type=jnp.float32)
        + jnp.dot(rij, wab_ref[...], preferred_element_type=jnp.float32)
        + ba_ref[...]
    )
    mx = jnp.max(gat, axis=1, keepdims=True)
    ex = jnp.exp(gat - mx)
    s = ex / jnp.sum(ex, axis=1, keepdims=True)
    msg_l = s[:, :C] * xj
    msg_r = s[:, C:] * rij
    iq2 = lax.broadcasted_iota(jnp.int32, (QB, BE), 0)
    ie2 = lax.broadcasted_iota(jnp.int32, (QB, BE), 1) // KNBR
    reduce = (iq2 == ie2).astype(jnp.float32)
    al = jnp.dot(reduce, msg_l, preferred_element_type=jnp.float32)
    ar = jnp.dot(reduce, msg_r, preferred_element_type=jnp.float32)
    o_ref[...] = jax.nn.relu(
        jnp.dot(al, wgt_ref[...], preferred_element_type=jnp.float32)
        + jnp.dot(ar, wgb_ref[...], preferred_element_type=jnp.float32)
        + bg_ref[...]
    )


def _tc_conv(C, g, posq, wa, wb, w9, bpp, wat, wab, ba, wgt, wgb, bg):
    mp = posq.shape[0]
    BE = QB * KNBR
    grid = mp // QB
    full = lambda r, c: pl.BlockSpec((r, c), lambda i: (0, 0))
    return pl.pallas_call(
        functools.partial(_conv_body, C),
        grid=(grid,),
        in_specs=[
            full(16, C), full(16, C), full(1, C), full(1, C),
            full(C, 2 * C), full(C, 2 * C), full(1, 2 * C),
            full(C, 2 * C), full(C, 2 * C), full(1, 2 * C),
            pl.BlockSpec((BE, C + 16), lambda i: (i, 0)),
            pl.BlockSpec((QB, 16), lambda i: (i, 0)),
        ],
        out_specs=pl.BlockSpec((QB, 2 * C), lambda i: (i, 0)),
        out_shape=jax.ShapeDtypeStruct((mp, 2 * C), jnp.float32),
    )(wa, wb, w9, bpp, wat, wab, ba, wgt, wgb, bg, g, posq)


def _final_body(h2_ref, xg_ref, wu_ref, bu_ref, ws_ref, bs_ref, o_ref):
    up = jax.nn.relu(
        jnp.dot(h2_ref[...], wu_ref[...], preferred_element_type=jnp.float32)
        + bu_ref[...]
    )
    sc = jax.nn.relu(
        jnp.dot(xg_ref[:, :128], ws_ref[...], preferred_element_type=jnp.float32)
        + bs_ref[...]
    )
    o_ref[...] = jax.nn.relu(sc + up)


def _tc_final(h2, xg, wu, bu, ws, bs):
    n = h2.shape[0]
    return pl.pallas_call(
        _final_body,
        out_shape=jax.ShapeDtypeStruct((n, 128), jnp.float32),
    )(h2, xg, wu, bu.reshape(1, -1), ws, bs.reshape(1, -1))


def _prep_conv_weights(p, C):
    wpp, bpp = p["point_pos"][0]
    wa, ba = p["attn"][0]
    wg, bg = p["global"][0]
    a16 = jnp.zeros((16, C), jnp.float32).at[:3].set(wpp[0:3] + wpp[6:9])
    b16 = jnp.zeros((16, C), jnp.float32).at[:3].set(wpp[3:6] - wpp[6:9])
    w9 = wpp[9:10]
    return (a16, b16, w9, bpp.reshape(1, -1), wa[:C], wa[C:],
            ba.reshape(1, -1), wg[:C], wg[C:], bg.reshape(1, -1))


def _pad_rows(a, n):
    return jnp.concatenate(
        [a, jnp.zeros((n - a.shape[0],) + a.shape[1:], a.dtype)], axis=0)


def _post8(p3, npad):
    full = jnp.full((npad, 3), 1e9, jnp.float32).at[: p3.shape[0]].set(p3)
    pn = jnp.sum(full * full, axis=1)
    return (jnp.zeros((8, npad), jnp.float32)
            .at[0:3].set(full.T).at[3].set(pn).at[4].set(1.0))


def _q8(posq):
    q = posq[:, :3]
    qn = jnp.sum(q * q, axis=1)
    return (jnp.zeros((posq.shape[0], 8), jnp.float32)
            .at[:, 0:3].set(-2.0 * q).at[:, 3].set(1.0).at[:, 4].set(qn))


def kernel(x, pos, batch, params):
    idx1 = jax.random.permutation(jax.random.key(1), NPTS)[:M1]
    idx2 = jax.random.permutation(jax.random.key(2), M1)[:M2]
    idx = idx1[idx2]

    idx1p = _pad_rows(idx1, M1P)
    idx2p = _pad_rows(idx2, M2P)
    idxp = _pad_rows(idx, M2P)

    pos16 = jnp.zeros((NPTS, 16), jnp.float32).at[:, :3].set(pos)

    (wd, bd), = params["down"]
    h0 = _tc_mlp(x, wd, bd)
    posq1 = _sc_gather(pos16, idx1p)

    nbr1 = _tc_knn(256, 64, 6, _q8(posq1), _post8(pos, NP1))
    tab1 = jnp.concatenate([h0, pos16], axis=1)
    g1 = _sc_gather(tab1, nbr1.reshape(-1))
    h1 = _tc_conv(32, g1, posq1, *_prep_conv_weights(params["conv1"], 32))

    pos1_16 = posq1[:M1]
    posq2 = _sc_gather(pos1_16, idx2p)
    nbr2 = _tc_knn(M2P, 20, 5, _q8(posq2), _post8(pos1_16[:, :3], NP2))
    tab2 = jnp.concatenate([h1[:M1], pos1_16], axis=1)
    g2 = _sc_gather(tab2, nbr2.reshape(-1))
    h2 = _tc_conv(64, g2, posq2, *_prep_conv_weights(params["conv2"], 64))

    batf = lax.bitcast_convert_type(batch, jnp.float32).reshape(NPTS, 1)
    tabf = jnp.concatenate(
        [x, pos, batf, jnp.zeros((NPTS, 12), jnp.float32)], axis=1)
    gf = _sc_gather(tabf, idxp)
    (wu, bu), = params["up"]
    (ws, bs), = params["shortcut"]
    outp = _tc_final(h2, gf, wu, bu, ws, bs)

    out = outp[:M2]
    pos2 = gf[:M2, 128:131]
    batch_out = lax.bitcast_convert_type(gf[:M2, 131], jnp.int32)
    return out, pos2, batch_out

# --- scband reference (transcript-rebuilt; emitter-appended) ---
"""Pipeline reference for scband-rand-lanet-res-89481348645716 (READ-ONLY COPY).

The authoritative reference and input builder live on the scoring server;
editing this copy changes nothing except your own understanding.
"""

import jax, jax.numpy as jnp
import numpy as np

INDIM = 128
OUTDIM = 128
RATIO1, RATIO2 = 0.25, 0.5
K = 16
N = 10000


def init_mlp(key, dims):
    params = []
    for i in range(len(dims) - 1):
        key, k1 = jax.random.split(key)
        scale = 1.0 / np.sqrt(dims[i])
        W = jax.random.normal(k1, (dims[i], dims[i + 1]), dtype=jnp.float32) * scale
        b = jnp.zeros((dims[i + 1],), dtype=jnp.float32)
        params.append((W, b))
    return params


def mlp_apply(params, x):
    for W, b in params:
        x = jax.nn.relu(x @ W + b)
    return x


def setup_inputs(seed: int = 0):
    key = jax.random.key(seed)
    ks = jax.random.split(key, 12)
    x = jax.random.normal(ks[0], (N, INDIM), dtype=jnp.float32)
    pos = jax.random.normal(ks[1], (N, 3), dtype=jnp.float32)
    batch = jnp.zeros((N,), dtype=jnp.int32)
    params = {
        'down': init_mlp(ks[2], [INDIM, OUTDIM // 4]),
        'conv1': {
            'point_pos': init_mlp(ks[3], [10, 32]),
            'attn': init_mlp(ks[4], [64, 64]),
            'global': init_mlp(ks[5], [64, 64]),
        },
        'conv2': {
            'point_pos': init_mlp(ks[6], [10, 64]),
            'attn': init_mlp(ks[7], [128, 128]),
            'global': init_mlp(ks[8], [128, 128]),
        },
        'up': init_mlp(ks[9], [OUTDIM, OUTDIM]),
        'shortcut': init_mlp(ks[10], [INDIM, OUTDIM]),
    }
    return {'x': x, 'pos': pos, 'batch': batch, 'params': params}


def _randla_conv(x, pos, p, ratio, k, key):
    # RandomSampler(ratio): random subset of points
    n = pos.shape[0]
    m = int(n * ratio)
    idx = jax.random.permutation(key, n)[:m]
    pos_y = pos[idx]
    # KNNNeighbourFinder(k): k nearest neighbours in full cloud for each sampled point
    d2 = jnp.sum((pos_y[:, None, :] - pos[None, :, :]) ** 2, axis=-1)  # [m, n]
    _, nbr = jax.lax.top_k(-d2, k)  # [m, k]
    src = nbr.reshape(-1)                    # edge_index[0] = col (source, full cloud)
    dst = jnp.repeat(jnp.arange(m), k)       # edge_index[1] = row (target, sampled)
    # RandlaKernel.message
    x_j = x[src]
    pos_i = pos_y[dst]
    pos_j = pos[src]
    vij = pos_i - pos_j
    dij = jnp.linalg.norm(vij, axis=1, keepdims=True)
    rel = jnp.concatenate([pos_i, pos_j, vij, dij], axis=1)  # [E, 10]
    rij = mlp_apply(p['point_pos'], rel)
    fij = jnp.concatenate([x_j, rij], axis=1)
    g = mlp_apply(p['attn'], fij)
    s = jax.nn.softmax(g, axis=-1)
    msg = s * fij
    # aggr='add' scatter over target nodes
    aggr = jnp.zeros((m, msg.shape[1]), dtype=msg.dtype).at[dst].add(msg)
    # update
    out = mlp_apply(p['global'], aggr)
    return out, pos_y, idx


def _forward(x, pos, params):
    # BaseResnetBlock: downsample -> dilated residual conv -> upsample + shortcut
    shortcut = x
    h = mlp_apply(params['down'], x)
    h, pos1, idx1 = _randla_conv(h, pos, params['conv1'], RATIO1, K, jax.random.key(1))
    h, pos2, idx2 = _randla_conv(h, pos1, params['conv2'], RATIO2, K, jax.random.key(2))
    h = mlp_apply(params['up'], h)
    idx = idx1[idx2]
    sc = mlp_apply(params['shortcut'], shortcut[idx])
    out = jax.nn.relu(sc + h)
    return out, pos2, idx


def reference(x, pos, batch, params):
    out, pos2, idx = _forward(x, pos, params)
    return out, pos2, batch[idx]

if __name__ == "__main__":
    import jax
    _d = setup_inputs()
    print(jax.jit(kernel)(*tuple(_d.values())))

</pallas_src>

<mosaic_0001>
#map = affine_map<(d0, d1) -> (0, 0)>
#map1 = affine_map<(d0, d1) -> (0)>
module attributes {stable_mosaic.version = 14 : i64} {
  func.func @gather_kernel(%arg0: i32, %arg1: i32, %arg2: memref<10000x144xf32, #tpu.memory_space<hbm>>, %arg3: memref<1280xi32, #tpu.memory_space<hbm>>, %arg4: memref<1280x144xf32, #tpu.memory_space<hbm>>, %arg5: memref<40xi32, #tpu.memory_space<vmem>>, %arg6: memref<40x144xf32, #tpu.memory_space<vmem>>, %arg7: memref<!tpu.dma_semaphore, #tpu.memory_space<semaphore_mem>>) attributes {dimension_semantics = [#tpu.dimension_semantics<core_parallel>, #tpu.dimension_semantics<subcore_parallel>], iteration_bounds = array<i64: 2, 16>, scalar_prefetch = 0 : i64, scratch_operands = 3 : i64, tpu.core_type = #tpu.core_type<sc_vector_subcore>, window_params = [{transform_indices = #map}, {transform_indices = #map1}, {transform_indices = #map}]} {
    %mul3A = arith.constant 2 : i32
    %mul3A_0 = arith.muli %arg1, %mul3A : i32
    %add3A = arith.addi %mul3A_0, %arg0 : i32
    %mul3A_1 = arith.constant 40 : i32
    %mul3A_2 = arith.muli %add3A, %mul3A_1 : i32
    "tpu.region"() ({
      %run_scoped3A = tpu.sem_alloc : memref<!tpu.dma_semaphore, #tpu.memory_space<semaphore_mem>>
      %dma_start3A_17 = tpu.memref_slice %arg3[%mul3A_2] : memref<1280xi32, #tpu.memory_space<hbm>> -> memref<40xi32, #tpu.memory_space<hbm>>
      %dma_start3A_18 = tpu.memref_slice %arg3[%mul3A_2] : memref<1280xi32, #tpu.memory_space<hbm>> -> memref<40xi32, #tpu.memory_space<hbm>>
      tpu.enqueue_dma source(%dma_start3A_18 : memref<40xi32, #tpu.memory_space<hbm>>) target(%arg5 : memref<40xi32, #tpu.memory_space<vmem>>) target_semaphore(%run_scoped3A : memref<!tpu.dma_semaphore, #tpu.memory_space<semaphore_mem>>)
      %dma_wait3A_19 = tpu.memref_slice %arg3[%mul3A_2] : memref<1280xi32, #tpu.memory_space<hbm>> -> memref<40xi32, #tpu.memory_space<hbm>>
      %dma_wait3A_20 = tpu.memref_slice %arg3[%mul3A_2] : memref<1280xi32, #tpu.memory_space<hbm>> -> memref<40xi32, #tpu.memory_space<hbm>>
      tpu.wait_dma2 semaphore(%run_scoped3A : memref<!tpu.dma_semaphore, #tpu.memory_space<semaphore_mem>>) src(%dma_wait3A_20 : memref<40xi32, #tpu.memory_space<hbm>>) dst(%arg5 : memref<40xi32, #tpu.memory_space<vmem>>)
      tpu.yield
    }) : () -> ()
    %dma_start3A = arith.constant 0 : i32
    %dma_start3A_3 = arith.constant 0 : i32
    %dma_start3A_4 = tpu.memref_slice %arg6[%dma_start3A, %dma_start3A_3] : memref<40x144xf32, #tpu.memory_space<vmem>> -> memref<40x144xf32, #tpu.memory_space<vmem>>
    %dma_start3A_5 = arith.constant 0 : i32
    %dma_start3A_6 = tpu.memref_slice %arg5[%dma_start3A_5] : memref<40xi32, #tpu.memory_space<vmem>> -> memref<40xi32, #tpu.memory_space<vmem>>
    %dma_start3A_7 = arith.constant 0 : i32
    %dma_start3A_8 = arith.constant 0 : i32
    %dma_start3A_9 = tpu.memref_slice %arg2[%dma_start3A_7, %dma_start3A_8] : memref<10000x144xf32, #tpu.memory_space<hbm>> -> memref<10000x144xf32, #tpu.memory_space<hbm>>
    tpu.enqueue_indirect_dma source(%dma_start3A_9 : memref<10000x144xf32, #tpu.memory_space<hbm>>) target(%dma_start3A_4 : memref<40x144xf32, #tpu.memory_space<vmem>>) offsets(%dma_start3A_6 : memref<40xi32, #tpu.memory_space<vmem>>) semaphore(%arg7 : memref<!tpu.dma_semaphore, #tpu.memory_space<semaphore_mem>>)
    %dma_wait3A = arith.constant 0 : i32
    %dma_wait3A_10 = arith.constant 0 : i32
    %dma_wait3A_11 = tpu.memref_slice %arg6[%dma_wait3A, %dma_wait3A_10] : memref<40x144xf32, #tpu.memory_space<vmem>> -> memref<40x144xf32, #tpu.memory_space<vmem>>
    %dma_wait3A_12 = arith.constant 0 : i32
    %dma_wait3A_13 = tpu.memref_slice %arg5[%dma_wait3A_12] : memref<40xi32, #tpu.memory_space<vmem>> -> memref<40xi32, #tpu.memory_space<vmem>>
    %dma_wait3A_14 = arith.constant 0 : i32
    %dma_wait3A_15 = arith.constant 0 : i32
    %dma_wait3A_16 = tpu.memref_slice %arg2[%dma_wait3A_14, %dma_wait3A_15] : memref<10000x144xf32, #tpu.memory_space<hbm>> -> memref<10000x144xf32, #tpu.memory_space<hbm>>
    tpu.wait_indirect_dma semaphore(%arg7 : memref<!tpu.dma_semaphore, #tpu.memory_space<semaphore_mem>>) src(%dma_wait3A_16 : memref<10000x144xf32, #tpu.memory_space<hbm>>) dst(%dma_wait3A_11 : memref<40x144xf32, #tpu.memory_space<vmem>>)
    "tpu.region"() ({
      %run_scoped3A = tpu.sem_alloc : memref<!tpu.dma_semaphore, #tpu.memory_space<semaphore_mem>>
      %dma_start3A_17 = arith.constant 0 : i32
      %dma_start3A_18 = tpu.memref_slice %arg4[%mul3A_2, %dma_start3A_17] : memref<1280x144xf32, #tpu.memory_space<hbm>> -> memref<40x144xf32, #tpu.memory_space<hbm>>
      %dma_start3A_19 = arith.constant 0 : i32
      %dma_start3A_20 = tpu.memref_slice %arg4[%mul3A_2, %dma_start3A_19] : memref<1280x144xf32, #tpu.memory_space<hbm>> -> memref<40x144xf32, #tpu.memory_space<hbm>>
      tpu.enqueue_dma source(%arg6 : memref<40x144xf32, #tpu.memory_space<vmem>>) target(%dma_start3A_20 : memref<40x144xf32, #tpu.memory_space<hbm>>) target_semaphore(%run_scoped3A : memref<!tpu.dma_semaphore, #tpu.memory_space<semaphore_mem>>)
      %dma_wait3A_21 = arith.constant 0 : i32
      %dma_wait3A_22 = tpu.memref_slice %arg4[%mul3A_2, %dma_wait3A_21] : memref<1280x144xf32, #tpu.memory_space<hbm>> -> memref<40x144xf32, #tpu.memory_space<hbm>>
      %dma_wait3A_23 = arith.constant 0 : i32
      %dma_wait3A_24 = tpu.memref_slice %arg4[%mul3A_2, %dma_wait3A_23] : memref<1280x144xf32, #tpu.memory_space<hbm>> -> memref<40x144xf32, #tpu.memory_space<hbm>>
      tpu.wait_dma2 semaphore(%run_scoped3A : memref<!tpu.dma_semaphore, #tpu.memory_space<semaphore_mem>>) src(%arg6 : memref<40x144xf32, #tpu.memory_space<vmem>>) dst(%dma_wait3A_24 : memref<40x144xf32, #tpu.memory_space<hbm>>)
      tpu.yield
    }) : () -> ()
    return
  }
}

#map = affine_map<(d0, d1) -> (0, 0)>
#map1 = affine_map<(d0, d1) -> (0)>
module attributes {stable_mosaic.version = 14 : i64} {
  func.func @gather_kernel(%arg0: i32, %arg1: i32, %arg2: memref<10000x16xf32, #tpu.memory_space<hbm>>, %arg3: memref<2560xi32, #tpu.memory_space<hbm>>, %arg4: memref<2560x16xf32, #tpu.memory_space<hbm>>, %arg5: memref<80xi32, #tpu.memory_space<vmem>>, %arg6: memref<80x16xf32, #tpu.memory_space<vmem>>, %arg7: memref<!tpu.dma_semaphore, #tpu.memory_space<semaphore_mem>>) attributes {dimension_semantics = [#tpu.dimension_semantics<core_parallel>, #tpu.dimension_semantics<subcore_parallel>], iteration_bounds = array<i64: 2, 16>, scalar_prefetch = 0 : i64, scratch_operands = 3 : i64, tpu.core_type = #tpu.core_type<sc_vector_subcore>, window_params = [{transform_indices = #map}, {transform_indices = #map1}, {transform_indices = #map}]} {
    %mul3A = arith.constant 2 : i32
    %mul3A_0 = arith.muli %arg1, %mul3A : i32
    %add3A = arith.addi %mul3A_0, %arg0 : i32
    %mul3A_1 = arith.constant 80 : i32
    %mul3A_2 = arith.muli %add3A, %mul3A_1 : i32
    "tpu.region"() ({
      %run_scoped3A = tpu.sem_alloc : memref<!tpu.dma_semaphore, #tpu.memory_space<semaphore_mem>>
      %dma_start3A_17 = tpu.memref_slice %arg3[%mul3A_2] : memref<2560xi32, #tpu.memory_space<hbm>> -> memref<80xi32, #tpu.memory_space<hbm>>
      %dma_start3A_18 = tpu.memref_slice %arg3[%mul3A_2] : memref<2560xi32, #tpu.memory_space<hbm>> -> memref<80xi32, #tpu.memory_space<hbm>>
      tpu.enqueue_dma source(%dma_start3A_18 : memref<80xi32, #tpu.memory_space<hbm>>) target(%arg5 : memref<80xi32, #tpu.memory_space<vmem>>) target_semaphore(%run_scoped3A : memref<!tpu.dma_semaphore, #tpu.memory_space<semaphore_mem>>)
      %dma_wait3A_19 = tpu.memref_slice %arg3[%mul3A_2] : memref<2560xi32, #tpu.memory_space<hbm>> -> memref<80xi32, #tpu.memory_space<hbm>>
      %dma_wait3A_20 = tpu.memref_slice %arg3[%mul3A_2] : memref<2560xi32, #tpu.memory_space<hbm>> -> memref<80xi32, #tpu.memory_space<hbm>>
      tpu.wait_dma2 semaphore(%run_scoped3A : memref<!tpu.dma_semaphore, #tpu.memory_space<semaphore_mem>>) src(%dma_wait3A_20 : memref<80xi32, #tpu.memory_space<hbm>>) dst(%arg5 : memref<80xi32, #tpu.memory_space<vmem>>)
      tpu.yield
    }) : () -> ()
    %dma_start3A = arith.constant 0 : i32
    %dma_start3A_3 = arith.constant 0 : i32
    %dma_start3A_4 = tpu.memref_slice %arg6[%dma_start3A, %dma_start3A_3] : memref<80x16xf32, #tpu.memory_space<vmem>> -> memref<80x16xf32, #tpu.memory_space<vmem>>
    %dma_start3A_5 = arith.constant 0 : i32
    %dma_start3A_6 = tpu.memref_slice %arg5[%dma_start3A_5] : memref<80xi32, #tpu.memory_space<vmem>> -> memref<80xi32, #tpu.memory_space<vmem>>
    %dma_start3A_7 = arith.constant 0 : i32
    %dma_start3A_8 = arith.constant 0 : i32
    %dma_start3A_9 = tpu.memref_slice %arg2[%dma_start3A_7, %dma_start3A_8] : memref<10000x16xf32, #tpu.memory_space<hbm>> -> memref<10000x16xf32, #tpu.memory_space<hbm>>
    tpu.enqueue_indirect_dma source(%dma_start3A_9 : memref<10000x16xf32, #tpu.memory_space<hbm>>) target(%dma_start3A_4 : memref<80x16xf32, #tpu.memory_space<vmem>>) offsets(%dma_start3A_6 : memref<80xi32, #tpu.memory_space<vmem>>) semaphore(%arg7 : memref<!tpu.dma_semaphore, #tpu.memory_space<semaphore_mem>>)
    %dma_wait3A = arith.constant 0 : i32
    %dma_wait3A_10 = arith.constant 0 : i32
    %dma_wait3A_11 = tpu.memref_slice %arg6[%dma_wait3A, %dma_wait3A_10] : memref<80x16xf32, #tpu.memory_space<vmem>> -> memref<80x16xf32, #tpu.memory_space<vmem>>
    %dma_wait3A_12 = arith.constant 0 : i32
    %dma_wait3A_13 = tpu.memref_slice %arg5[%dma_wait3A_12] : memref<80xi32, #tpu.memory_space<vmem>> -> memref<80xi32, #tpu.memory_space<vmem>>
    %dma_wait3A_14 = arith.constant 0 : i32
    %dma_wait3A_15 = arith.constant 0 : i32
    %dma_wait3A_16 = tpu.memref_slice %arg2[%dma_wait3A_14, %dma_wait3A_15] : memref<10000x16xf32, #tpu.memory_space<hbm>> -> memref<10000x16xf32, #tpu.memory_space<hbm>>
    tpu.wait_indirect_dma semaphore(%arg7 : memref<!tpu.dma_semaphore, #tpu.memory_space<semaphore_mem>>) src(%dma_wait3A_16 : memref<10000x16xf32, #tpu.memory_space<hbm>>) dst(%dma_wait3A_11 : memref<80x16xf32, #tpu.memory_space<vmem>>)
    "tpu.region"() ({
      %run_scoped3A = tpu.sem_alloc : memref<!tpu.dma_semaphore, #tpu.memory_space<semaphore_mem>>
      %dma_start3A_17 = arith.constant 0 : i32
      %dma_start3A_18 = tpu.memref_slice %arg4[%mul3A_2, %dma_start3A_17] : memref<2560x16xf32, #tpu.memory_space<hbm>> -> memref<80x16xf32, #tpu.memory_space<hbm>>
      %dma_start3A_19 = arith.constant 0 : i32
      %dma_start3A_20 = tpu.memref_slice %arg4[%mul3A_2, %dma_start3A_19] : memref<2560x16xf32, #tpu.memory_space<hbm>> -> memref<80x16xf32, #tpu.memory_space<hbm>>
      tpu.enqueue_dma source(%arg6 : memref<80x16xf32, #tpu.memory_space<vmem>>) target(%dma_start3A_20 : memref<80x16xf32, #tpu.memory_space<hbm>>) target_semaphore(%run_scoped3A : memref<!tpu.dma_semaphore, #tpu.memory_space<semaphore_mem>>)
      %dma_wait3A_21 = arith.constant 0 : i32
      %dma_wait3A_22 = tpu.memref_slice %arg4[%mul3A_2, %dma_wait3A_21] : memref<2560x16xf32, #tpu.memory_space<hbm>> -> memref<80x16xf32, #tpu.memory_space<hbm>>
      %dma_wait3A_23 = arith.constant 0 : i32
      %dma_wait3A_24 = tpu.memref_slice %arg4[%mul3A_2, %dma_wait3A_23] : memref<2560x16xf32, #tpu.memory_space<hbm>> -> memref<80x16xf32, #tpu.memory_space<hbm>>
      tpu.wait_dma2 semaphore(%run_scoped3A : memref<!tpu.dma_semaphore, #tpu.memory_space<semaphore_mem>>) src(%arg6 : memref<80x16xf32, #tpu.memory_space<vmem>>) dst(%dma_wait3A_24 : memref<80x16xf32, #tpu.memory_space<hbm>>)
      tpu.yield
    }) : () -> ()
    return
  }
}

#map = affine_map<(d0, d1) -> (0, 0)>
#map1 = affine_map<(d0, d1) -> (0)>
module attributes {stable_mosaic.version = 14 : i64} {
  func.func @gather_kernel(%arg0: i32, %arg1: i32, %arg2: memref<10000x48xf32, #tpu.memory_space<hbm>>, %arg3: memref<40960xi32, #tpu.memory_space<hbm>>, %arg4: memref<40960x48xf32, #tpu.memory_space<hbm>>, %arg5: memref<1280xi32, #tpu.memory_space<vmem>>, %arg6: memref<1280x48xf32, #tpu.memory_space<vmem>>, %arg7: memref<!tpu.dma_semaphore, #tpu.memory_space<semaphore_mem>>) attributes {dimension_semantics = [#tpu.dimension_semantics<core_parallel>, #tpu.dimension_semantics<subcore_parallel>], iteration_bounds = array<i64: 2, 16>, scalar_prefetch = 0 : i64, scratch_operands = 3 : i64, tpu.core_type = #tpu.core_type<sc_vector_subcore>, window_params = [{transform_indices = #map}, {transform_indices = #map1}, {transform_indices = #map}]} {
    %mul3A = arith.constant 2 : i32
    %mul3A_0 = arith.muli %arg1, %mul3A : i32
    %add3A = arith.addi %mul3A_0, %arg0 : i32
    %mul3A_1 = arith.constant 1280 : i32
    %mul3A_2 = arith.muli %add3A, %mul3A_1 : i32
    "tpu.region"() ({
      %run_scoped3A = tpu.sem_alloc : memref<!tpu.dma_semaphore, #tpu.memory_space<semaphore_mem>>
      %dma_start3A_161 = tpu.memref_slice %arg3[%mul3A_2] : memref<40960xi32, #tpu.memory_space<hbm>> -> memref<1280xi32, #tpu.memory_space<hbm>>
      %dma_start3A_162 = tpu.memref_slice %arg3[%mul3A_2] : memref<40960xi32, #tpu.memory_space<hbm>> -> memref<1280xi32, #tpu.memory_space<hbm>>
      tpu.enqueue_dma source(%dma_start3A_162 : memref<1280xi32, #tpu.memory_space<hbm>>) target(%arg5 : memref<1280xi32, #tpu.memory_space<vmem>>) target_semaphore(%run_scoped3A : memref<!tpu.dma_semaphore, #tpu.memory_space<semaphore_mem>>)
      %dma_wait3A_163 = tpu.memref_slice %arg3[%mul3A_2] : memref<40960xi32, #tpu.memory_space<hbm>> -> memref<1280xi32, #tpu.memory_space<hbm>>
      %dma_wait3A_164 = tpu.memref_slice %arg3[%mul3A_2] : memref<40960xi32, #tpu.memory_space<hbm>> -> memref<1280xi32, #tpu.memory_space<hbm>>
      tpu.wait_dma2 semaphore(%run_scoped3A : memref<!tpu.dma_semaphore, #tpu.memory_space<semaphore_mem>>) src(%dma_wait3A_164 : memref<1280xi32, #tpu.memory_space<hbm>>) dst(%arg5 : memref<1280xi32, #tpu.memory_space<vmem>>)
      tpu.yield
    }) : () -> ()
    %dma_start3A = arith.constant 0 : i32
    %dma_start3A_3 = arith.constant 0 : i32
    %dma_start3A_4 = tpu.memref_slice %arg6[%dma_start3A, %dma_start3A_3] : memref<1280x48xf32, #tpu.memory_space<vmem>> -> memref<128x48xf32, #tpu.memory_space<vmem>>
    %dma_start3A_5 = arith.constant 0 : i32
    %dma_start3A_6 = tpu.memref_slice %arg5[%dma_start3A_5] : memref<1280xi32, #tpu.memory_space<vmem>> -> memref<128xi32, #tpu.memory_space<vmem>>
    %dma_start3A_7 = arith.constant 0 : i32
    %dma_start3A_8 = arith.constant 0 : i32
    %dma_start3A_9 = tpu.memref_slice %arg2[%dma_start3A_7, %dma_start3A_8] : memref<10000x48xf32, #tpu.memory_space<hbm>> -> memref<10000x48xf32, #tpu.memory_space<hbm>>
    tpu.enqueue_indirect_dma source(%dma_start3A_9 : memref<10000x48xf32, #tpu.memory_space<hbm>>) target(%dma_start3A_4 : memref<128x48xf32, #tpu.memory_space<vmem>>) offsets(%dma_start3A_6 : memref<128xi32, #tpu.memory_space<vmem>>) semaphore(%arg7 : memref<!tpu.dma_semaphore, #tpu.memory_space<semaphore_mem>>)
    %dma_start3A_10 = arith.constant 128 : i32
    %dma_start3A_11 = arith.constant 0 : i32
    %dma_start3A_12 = tpu.memref_slice %arg6[%dma_start3A_10, %dma_start3A_11] : memref<1280x48xf32, #tpu.memory_space<vmem>> -> memref<128x48xf32, #tpu.memory_space<vmem>>
    %dma_start3A_13 = arith.constant 128 : i32
    %dma_start3A_14 = tpu.memref_slice %arg5[%dma_start3A_13] : memref<1280xi32, #tpu.memory_space<vmem>> -> memref<128xi32, #tpu.memory_space<vmem>>
    %dma_start3A_15 = arith.constant 0 : i32
    %dma_start3A_16 = arith.constant 0 : i32
    %dma_start3A_17 = tpu.memref_slice %arg2[%dma_start3A_15, %dma_start3A_16] : memref<10000x48xf32, #tpu.memory_space<hbm>> -> memref<10000x48xf32, #tpu.memory_space<hbm>>
    tpu.enqueue_indirect_dma source(%dma_start3A_17 : memref<10000x48xf32, #tpu.memory_space<hbm>>) target(%dma_start3A_12 : memref<128x48xf32, #tpu.memory_space<vmem>>) offsets(%dma_start3A_14 : memref<128xi32, #tpu.memory_space<vmem>>) semaphore(%arg7 : memref<!tpu.dma_semaphore, #tpu.memory_space<semaphore_mem>>)
    %dma_start3A_18 = arith.constant 256 : i32
    %dma_start3A_19 = arith.constant 0 : i32
    %dma_start3A_20 = tpu.memref_slice %arg6[%dma_start3A_18, %dma_start3A_19] : memref<1280x48xf32, #tpu.memory_space<vmem>> -> memref<128x48xf32, #tpu.memory_space<vmem>>
    %dma_start3A_21 = arith.constant 256 : i32
    %dma_start3A_22 = tpu.memref_slice %arg5[%dma_start3A_21] : memref<1280xi32, #tpu.memory_space<vmem>> -> memref<128xi32, #tpu.memory_space<vmem>>
    %dma_start3A_23 = arith.constant 0 : i32
    %dma_start3A_24 = arith.constant 0 : i32
    %dma_start3A_25 = tpu.memref_slice %arg2[%dma_start3A_23, %dma_start3A_24] : memref<10000x48xf32, #tpu.memory_space<hbm>> -> memref<10000x48xf32, #tpu.memory_space<hbm>>
    tpu.enqueue_indirect_dma source(%dma_start3A_25 : memref<10000x48xf32, #tpu.memory_space<hbm>>) target(%dma_start3A_20 : memref<128x48xf32, #tpu.memory_space<vmem>>) offsets(%dma_start3A_22 : memref<128xi32, #tpu.memory_space<vmem>>) semaphore(%arg7 : memref<!tpu.dma_semaphore, #tpu.memory_space<semaphore_mem>>)
    %dma_start3A_26 = arith.constant 384 : i32
    %dma_start3A_27 = arith.constant 0 : i32
    %dma_start3A_28 = tpu.memref_slice %arg6[%dma_start3A_26, %dma_start3A_27] : memref<1280x48xf32, #tpu.memory_space<vmem>> -> memref<128x48xf32, #tpu.memory_space<vmem>>
    %dma_start3A_29 = arith.constant 384 : i32
    %dma_start3A_30 = tpu.memref_slice %arg5[%dma_start3A_29] : memref<1280xi32, #tpu.memory_space<vmem>> -> memref<128xi32, #tpu.memory_space<vmem>>
    %dma_start3A_31 = arith.constant 0 : i32
    %dma_start3A_32 = arith.constant 0 : i32
    %dma_start3A_33 = tpu.memref_slice %arg2[%dma_start3A_31, %dma_start3A_32] : memref<10000x48xf32, #tpu.memory_space<hbm>> -> memref<10000x48xf32, #tpu.memory_space<hbm>>
    tpu.enqueue_indirect_dma source(%dma_start3A_33 : memref<10000x48xf32, #tpu.memory_space<hbm>>) target(%dma_start3A_28 : memref<128x48xf32, #tpu.memory_space<vmem>>) offsets(%dma_start3A_30 : memref<128xi32, #tpu.memory_space<vmem>>) semaphore(%arg7 : memref<!tpu.dma_semaphore, #tpu.memory_space<semaphore_mem>>)
    %dma_start3A_34 = arith.constant 512 : i32
    %dma_start3A_35 = arith.constant 0 : i32
    %dma_start3A_36 = tpu.memref_slice %arg6[%dma_start3A_34, %dma_start3A_35] : memref<1280x48xf32, #tpu.memory_space<vmem>> -> memref<128x48xf32, #tpu.memory_space<vmem>>
    %dma_start3A_37 = arith.constant 512 : i32
    %dma_start3A_38 = tpu.memref_slice %arg5[%dma_start3A_37] : memref<1280xi32, #tpu.memory_space<vmem>> -> memref<128xi32, #tpu.memory_space<vmem>>
    %dma_start3A_39 = arith.constant 0 : i32
    %dma_start3A_40 = arith.constant 0 : i32
    %dma_start3A_41 = tpu.memref_slice %arg2[%dma_start3A_39, %dma_start3A_40] : memref<10000x48xf32, #tpu.memory_space<hbm>> -> memref<10000x48xf32, #tpu.memory_space<hbm>>
    tpu.enqueue_indirect_dma source(%dma_start3A_41 : memref<10000x48xf32, #tpu.memory_space<hbm>>) target(%dma_start3A_36 : memref<128x48xf32, #tpu.memory_space<vmem>>) offsets(%dma_start3A_38 : memref<128xi32, #tpu.memory_space<vmem>>) semaphore(%arg7 : memref<!tpu.dma_semaphore, #tpu.memory_space<semaphore_mem>>)
    %dma_start3A_42 = arith.constant 640 : i32
    %dma_start3A_43 = arith.constant 0 : i32
    %dma_start3A_44 = tpu.memref_slice %arg6[%dma_start3A_42, %dma_start3A_43] : memref<1280x48xf32, #tpu.memory_space<vmem>> -> memref<128x48xf32, #tpu.memory_space<vmem>>
    %dma_start3A_45 = arith.constant 640 : i32
    %dma_start3A_46 = tpu.memref_slice %arg5[%dma_start3A_45] : memref<1280xi32, #tpu.memory_space<vmem>> -> memref<128xi32, #tpu.memory_space<vmem>>
    %dma_start3A_47 = arith.constant 0 : i32
    %dma_start3A_48 = arith.constant 0 : i32
    %dma_start3A_49 = tpu.memref_slice %arg2[%dma_start3A_47, %dma_start3A_48] : memref<10000x48xf32, #tpu.memory_space<hbm>> -> memref<10000x48xf32, #tpu.memory_space<hbm>>
    tpu.enqueue_indirect_dma source(%dma_start3A_49 : memref<10000x48xf32, #tpu.memory_space<hbm>>) target(%dma_start3A_44 : memref<128x48xf32, #tpu.memory_space<vmem>>) offsets(%dma_start3A_46 : memref<128xi32, #tpu.memory_space<vmem>>) semaphore(%arg7 : memref<!tpu.dma_semaphore, #tpu.memory_space<semaphore_mem>>)
    %dma_start3A_50 = arith.constant 768 : i32
    %dma_start3A_51 = arith.constant 0 : i32
    %dma_start3A_52 = tpu.memref_slice %arg6[%dma_start3A_50, %dma_start3A_51] : memref<1280x48xf32, #tpu.memory_space<vmem>> -> memref<128x48xf32, #tpu.memory_space<vmem>>
    %dma_start3A_53 = arith.constant 768 : i32
    %dma_start3A_54 = tpu.memref_slice %arg5[%dma_start3A_53] : memref<1280xi32, #tpu.memory_space<vmem>> -> memref<128xi32, #tpu.memory_space<vmem>>
    %dma_start3A_55 = arith.constant 0 : i32
    %dma_start3A_56 = arith.constant 0 : i32
    %dma_start3A_57 = tpu.memref_slice %arg2[%dma_start3A_55, %dma_start3A_56] : memref<10000x48xf32, #tpu.memory_space<hbm>> -> memref<10000x48xf32, #tpu.memory_space<hbm>>
    tpu.enqueue_indirect_dma source(%dma_start3A_57 : memref<10000x48xf32, #tpu.memory_space<hbm>>) target(%dma_start3A_52 : memref<128x48xf32, #tpu.memory_space<vmem>>) offsets(%dma_start3A_54 : memref<128xi32, #tpu.memory_space<vmem>>) semaphore(%arg7 : memref<!tpu.dma_semaphore, #tpu.memory_space<semaphore_mem>>)
    %dma_start3A_58 = arith.constant 896 : i32
    %dma_start3A_59 = arith.constant 0 : i32
    %dma_start3A_60 = tpu.memref_slice %arg6[%dma_start3A_58, %dma_start3A_59] : memref<1280x48xf32, #tpu.memory_space<vmem>> -> memref<128x48xf32, #tpu.memory_space<vmem>>
    %dma_start3A_61 = arith.constant 896 : i32
    %dma_start3A_62 = tpu.memref_slice %arg5[%dma_start3A_61] : memref<1280xi32, #tpu.memory_space<vmem>> -> memref<128xi32, #tpu.memory_space<vmem>>
    %dma_start3A_63 = arith.constant 0 : i32
    %dma_start3A_64 = arith.constant 0 : i32
    %dma_start3A_65 = tpu.memref_slice %arg2[%dma_start3A_63, %dma_start3A_64] : memref<10000x48xf32, #tpu.memory_space<hbm>> -> memref<10000x48xf32, #tpu.memory_space<hbm>>
    tpu.enqueue_indirect_dma source(%dma_start3A_65 : memref<10000x48xf32, #tpu.memory_space<hbm>>) target(%dma_start3A_60 : memref<128x48xf32, #tpu.memory_space<vmem>>) offsets(%dma_start3A_62 : memref<128xi32, #tpu.memory_space<vmem>>) semaphore(%arg7 : memref<!tpu.dma_semaphore, #tpu.memory_space<semaphore_mem>>)
    %dma_start3A_66 = arith.constant 1024 : i32
    %dma_start3A_67 = arith.constant 0 : i32
    %dma_start3A_68 = tpu.memref_slice %arg6[%dma_start3A_66, %dma_start3A_67] : memref<1280x48xf32, #tpu.memory_space<vmem>> -> memref<128x48xf32, #tpu.memory_space<vmem>>
    %dma_start3A_69 = arith.constant 1024 : i32
    %dma_start3A_70 = tpu.memref_slice %arg5[%dma_start3A_69] : memref<1280xi32, #tpu.memory_space<vmem>> -> memref<128xi32, #tpu.memory_space<vmem>>
    %dma_start3A_71 = arith.constant 0 : i32
    %dma_start3A_72 = arith.constant 0 : i32
    %dma_start3A_73 = tpu.memref_slice %arg2[%dma_start3A_71, %dma_start3A_72] : memref<10000x48xf32, #tpu.memory_space<hbm>> -> memref<10000x48xf32, #tpu.memory_space<hbm>>
    tpu.enqueue_indirect_dma source(%dma_start3A_73 : memref<10000x48xf32, #tpu.memory_space<hbm>>) target(%dma_start3A_68 : memref<128x48xf32, #tpu.memory_space<vmem>>) offsets(%dma_start3A_70 : memref<128xi32, #tpu.memory_space<vmem>>) semaphore(%arg7 : memref<!tpu.dma_semaphore, #tpu.memory_space<semaphore_mem>>)
    %dma_start3A_74 = arith.constant 1152 : i32
    %dma_start3A_75 = arith.constant 0 : i32
    %dma_start3A_76 = tpu.memref_slice %arg6[%dma_start3A_74, %dma_start3A_75] : memref<1280x48xf32, #tpu.memory_space<vmem>> -> memref<128x48xf32, #tpu.memory_space<vmem>>
    %dma_start3A_77 = arith.constant 1152 : i32
    %dma_start3A_78 = tpu.memref_slice %arg5[%dma_start3A_77] : memref<1280xi32, #tpu.memory_space<vmem>> -> memref<128xi32, #tpu.memory_space<vmem>>
    %dma_start3A_79 = arith.constant 0 : i32
    %dma_start3A_80 = arith.constant 0 : i32
    %dma_start3A_81 = tpu.memref_slice %arg2[%dma_start3A_79, %dma_start3A_80] : memref<10000x48xf32, #tpu.memory_space<hbm>> -> memref<10000x48xf32, #tpu.memory_space<hbm>>
    tpu.enqueue_indirect_dma source(%dma_start3A_81 : memref<10000x48xf32, #tpu.memory_space<hbm>>) target(%dma_start3A_76 : memref<128x48xf32, #tpu.memory_space<vmem>>) offsets(%dma_start3A_78 : memref<128xi32, #tpu.memory_space<vmem>>) semaphore(%arg7 : memref<!tpu.dma_semaphore, #tpu.memory_space<semaphore_mem>>)
    %dma_wait3A = arith.constant 0 : i32
    %dma_wait3A_82 = arith.constant 0 : i32
    %dma_wait3A_83 = tpu.memref_slice %arg6[%dma_wait3A, %dma_wait3A_82] : memref<1280x48xf32, #tpu.memory_space<vmem>> -> memref<128x48xf32, #tpu.memory_space<vmem>>
    %dma_wait3A_84 = arith.constant 0 : i32
    %dma_wait3A_85 = tpu.memref_slice %arg5[%dma_wait3A_84] : memref<1280xi32, #tpu.memory_space<vmem>> -> memref<128xi32, #tpu.memory_space<vmem>>
    %dma_wait3A_86 = arith.constant 0 : i32
    %dma_wait3A_87 = arith.constant 0 : i32
    %dma_wait3A_88 = tpu.memref_slice %arg2[%dma_wait3A_86, %dma_wait3A_87] : memref<10000x48xf32, #tpu.memory_space<hbm>> -> memref<10000x48xf32, #tpu.memory_space<hbm>>
    tpu.wait_indirect_dma semaphore(%arg7 : memref<!tpu.dma_semaphore, #tpu.memory_space<semaphore_mem>>) src(%dma_wait3A_88 : memref<10000x48xf32, #tpu.memory_space<hbm>>) dst(%dma_wait3A_83 : memref<128x48xf32, #tpu.memory_space<vmem>>)
    %dma_wait3A_89 = arith.constant 128 : i32
    %dma_wait3A_90 = arith.constant 0 : i32
    %dma_wait3A_91 = tpu.memref_slice %arg6[%dma_wait3A_89, %dma_wait3A_90] : memref<1280x48xf32, #tpu.memory_space<vmem>> -> memref<128x48xf32, #tpu.memory_space<vmem>>
    %dma_wait3A_92 = arith.constant 128 : i32
    %dma_wait3A_93 = tpu.memref_slice %arg5[%dma_wait3A_92] : memref<1280xi32, #tpu.memory_space<vmem>> -> memref<128xi32, #tpu.memory_space<vmem>>
    %dma_wait3A_94 = arith.constant 0 : i32
    %dma_wait3A_95 = arith.constant 0 : i32
    %dma_wait3A_96 = tpu.memref_slice %arg2[%dma_wait3A_94, %dma_wait3A_95] : memref<10000x48xf32, #tpu.memory_space<hbm>> -> memref<10000x48xf32, #tpu.memory_space<hbm>>
    tpu.wait_indirect_dma semaphore(%arg7 : memref<!tpu.dma_semaphore, #tpu.memory_space<semaphore_mem>>) src(%dma_wait3A_96 : memref<10000x48xf32, #tpu.memory_space<hbm>>) dst(%dma_wait3A_91 : memref<128x48xf32, #tpu.memory_space<vmem>>)
    %dma_wait3A_97 = arith.constant 256 : i32
    %dma_wait3A_98 = arith.constant 0 : i32
    %dma_wait3A_99 = tpu.memref_slice %arg6[%dma_wait3A_97, %dma_wait3A_98] : memref<1280x48xf32, #tpu.memory_space<vmem>> -> memref<128x48xf32, #tpu.memory_space<vmem>>
    %dma_wait3A_100 = arith.constant 256 : i32
    %dma_wait3A_101 = tpu.memref_slice %arg5[%dma_wait3A_100] : memref<1280xi32, #tpu.memory_space<vmem>> -> memref<128xi32, #tpu.memory_space<vmem>>
    %dma_wait3A_102 = arith.constant 0 : i32
    %dma_wait3A_103 = arith.constant 0 : i32
    %dma_wait3A_104 = tpu.memref_slice %arg2[%dma_wait3A_102, %dma_wait3A_103] : memref<10000x48xf32, #tpu.memory_space<hbm>> -> memref<10000x48xf32, #tpu.memory_space<hbm>>
    tpu.wait_indirect_dma semaphore(%arg7 : memref<!tpu.dma_semaphore, #tpu.memory_space<semaphore_mem>>) src(%dma_wait3A_104 : memref<10000x48xf32, #tpu.memory_space<hbm>>) dst(%dma_wait3A_99 : memref<128x48xf32, #tpu.memory_space<vmem>>)
    %dma_wait3A_105 = arith.constant 384 : i32
    %dma_wait3A_106 = arith.constant 0 : i32
    %dma_wait3A_107 = tpu.memref_slice %arg6[%dma_wait3A_105, %dma_wait3A_106] : memref<1280x48xf32, #tpu.memory_space<vmem>> -> memref<128x48xf32, #tpu.memory_space<vmem>>
    %dma_wait3A_108 = arith.constant 384 : i32
    %dma_wait3A_109 = tpu.memref_slice %arg5[%dma_wait3A_108] : memref<1280xi32, #tpu.memory_space<vmem>> -> memref<128xi32, #tpu.memory_space<vmem>>
    %dma_wait3A_110 = arith.constant 0 : i32
    %dma_wait3A_111 = arith.constant 0 : i32
    %dma_wait3A_112 = tpu.memref_slice %arg2[%dma_wait3A_110, %dma_wait3A_111] : memref<10000x48xf32, #tpu.memory_space<hbm>> -> memref<10000x48xf32, #tpu.memory_space<hbm>>
    tpu.wait_indirect_dma semaphore(%arg7 : memref<!tpu.dma_semaphore, #tpu.memory_space<semaphore_mem>>) src(%dma_wait3A_112 : memref<10000x48xf32, #tpu.memory_space<hbm>>) dst(%dma_wait3A_107 : memref<128x48xf32, #tpu.memory_space<vmem>>)
    %dma_wait3A_113 = arith.constant 512 : i32
    %dma_wait3A_114 = arith.constant 0 : i32
    %dma_wait3A_115 = tpu.memref_slice %arg6[%dma_wait3A_113, %dma_wait3A_114] : memref<1280x48xf32, #tpu.memory_space<vmem>> -> memref<128x48xf32, #tpu.memory_space<vmem>>
    %dma_wait3A_116 = arith.constant 512 : i32
    %dma_wait3A_117 = tpu.memref_slice %arg5[%dma_wait3A_116] : memref<1280xi32, #tpu.memory_space<vmem>> -> memref<128xi32, #tpu.memory_space<vmem>>
    %dma_wait3A_118 = arith.constant 0 : i32
    %dma_wait3A_119 = arith.constant 0 : i32
    %dma_wait3A_120 = tpu.memref_slice %arg2[%dma_wait3A_118, %dma_wait3A_119] : memref<10000x48xf32, #tpu.memory_space<hbm>> -> memref<10000x48xf32, #tpu.memory_space<hbm>>
    tpu.wait_indirect_dma semaphore(%arg7 : memref<!tpu.dma_semaphore, #tpu.memory_space<semaphore_mem>>) src(%dma_wait3A_120 : memref<10000x48xf32, #tpu.memory_space<hbm>>) dst(%dma_wait3A_115 : memref<128x48xf32, #tpu.memory_space<vmem>>)
    %dma_wait3A_121 = arith.constant 640 : i32
    %dma_wait3A_122 = arith.constant 0 : i32
    %dma_wait3A_123 = tpu.memref_slice %arg6[%dma_wait3A_121, %dma_wait3A_122] : memref<1280x48xf32, #tpu.memory_space<vmem>> -> memref<128x48xf32, #tpu.memory_space<vmem>>
    %dma_wait3A_124 = arith.constant 640 : i32
    %dma_wait3A_125 = tpu.memref_slice %arg5[%dma_wait3A_124] : memref<1280xi32, #tpu.memory_space<vmem>> -> memref<128xi32, #tpu.memory_space<vmem>>
    %dma_wait3A_126 = arith.constant 0 : i32
    %dma_wait3A_127 = arith.constant 0 : i32
    %dma_wait3A_128 = tpu.memref_slice %arg2[%dma_wait3A_126, %dma_wait3A_127] : memref<10000x48xf32, #tpu.memory_space<hbm>> -> memref<10000x48xf32, #tpu.memory_space<hbm>>
    tpu.wait_indirect_dma semaphore(%arg7 : memref<!tpu.dma_semaphore, #tpu.memory_space<semaphore_mem>>) src(%dma_wait3A_128 : memref<10000x48xf32, #tpu.memory_space<hbm>>) dst(%dma_wait3A_123 : memref<128x48xf32, #tpu.memory_space<vmem>>)
    %dma_wait3A_129 = arith.constant 768 : i32
    %dma_wait3A_130 = arith.constant 0 : i32
    %dma_wait3A_131 = tpu.memref_slice %arg6[%dma_wait3A_129, %dma_wait3A_130] : memref<1280x48xf32, #tpu.memory_space<vmem>> -> memref<128x48xf32, #tpu.memory_space<vmem>>
    %dma_wait3A_132 = arith.constant 768 : i32
    %dma_wait3A_133 = tpu.memref_slice %arg5[%dma_wait3A_132] : memref<1280xi32, #tpu.memory_space<vmem>> -> memref<128xi32, #tpu.memory_space<vmem>>
    %dma_wait3A_134 = arith.constant 0 : i32
    %dma_wait3A_135 = arith.constant 0 : i32
    %dma_wait3A_136 = tpu.memref_slice %arg2[%dma_wait3A_134, %dma_wait3A_135] : memref<10000x48xf32, #tpu.memory_space<hbm>> -> memref<10000x48xf32, #tpu.memory_space<hbm>>
    tpu.wait_indirect_dma semaphore(%arg7 : memref<!tpu.dma_semaphore, #tpu.memory_space<semaphore_mem>>) src(%dma_wait3A_136 : memref<10000x48xf32, #tpu.memory_space<hbm>>) dst(%dma_wait3A_131 : memref<128x48xf32, #tpu.memory_space<vmem>>)
    %dma_wait3A_137 = arith.constant 896 : i32
    %dma_wait3A_138 = arith.constant 0 : i32
    %dma_wait3A_139 = tpu.memref_slice %arg6[%dma_wait3A_137, %dma_wait3A_138] : memref<1280x48xf32, #tpu.memory_space<vmem>> -> memref<128x48xf32, #tpu.memory_space<vmem>>
    %dma_wait3A_140 = arith.constant 896 : i32
    %dma_wait3A_141 = tpu.memref_slice %arg5[%dma_wait3A_140] : memref<1280xi32, #tpu.memory_space<vmem>> -> memref<128xi32, #tpu.memory_space<vmem>>
    %dma_wait3A_142 = arith.constant 0 : i32
    %dma_wait3A_143 = arith.constant 0 : i32
    %dma_wait3A_144 = tpu.memref_slice %arg2[%dma_wait3A_142, %dma_wait3A_143] : memref<10000x48xf32, #tpu.memory_space<hbm>> -> memref<10000x48xf32, #tpu.memory_space<hbm>>
    tpu.wait_indirect_dma semaphore(%arg7 : memref<!tpu.dma_semaphore, #tpu.memory_space<semaphore_mem>>) src(%dma_wait3A_144 : memref<10000x48xf32, #tpu.memory_space<hbm>>) dst(%dma_wait3A_139 : memref<128x48xf32, #tpu.memory_space<vmem>>)
    %dma_wait3A_145 = arith.constant 1024 : i32
    %dma_wait3A_146 = arith.constant 0 : i32
    %dma_wait3A_147 = tpu.memref_slice %arg6[%dma_wait3A_145, %dma_wait3A_146] : memref<1280x48xf32, #tpu.memory_space<vmem>> -> memref<128x48xf32, #tpu.memory_space<vmem>>
    %dma_wait3A_148 = arith.constant 1024 : i32
    %dma_wait3A_149 = tpu.memref_slice %arg5[%dma_wait3A_148] : memref<1280xi32, #tpu.memory_space<vmem>> -> memref<128xi32, #tpu.memory_space<vmem>>
    %dma_wait3A_150 = arith.constant 0 : i32
    %dma_wait3A_151 = arith.constant 0 : i32
    %dma_wait3A_152 = tpu.memref_slice %arg2[%dma_wait3A_150, %dma_wait3A_151] : memref<10000x48xf32, #tpu.memory_space<hbm>> -> memref<10000x48xf32, #tpu.memory_space<hbm>>
    tpu.wait_indirect_dma semaphore(%arg7 : memref<!tpu.dma_semaphore, #tpu.memory_space<semaphore_mem>>) src(%dma_wait3A_152 : memref<10000x48xf32, #tpu.memory_space<hbm>>) dst(%dma_wait3A_147 : memref<128x48xf32, #tpu.memory_space<vmem>>)
    %dma_wait3A_153 = arith.constant 1152 : i32
    %dma_wait3A_154 = arith.constant 0 : i32
    %dma_wait3A_155 = tpu.memref_slice %arg6[%dma_wait3A_153, %dma_wait3A_154] : memref<1280x48xf32, #tpu.memory_space<vmem>> -> memref<128x48xf32, #tpu.memory_space<vmem>>
    %dma_wait3A_156 = arith.constant 1152 : i32
    %dma_wait3A_157 = tpu.memref_slice %arg5[%dma_wait3A_156] : memref<1280xi32, #tpu.memory_space<vmem>> -> memref<128xi32, #tpu.memory_space<vmem>>
    %dma_wait3A_158 = arith.constant 0 : i32
    %dma_wait3A_159 = arith.constant 0 : i32
    %dma_wait3A_160 = tpu.memref_slice %arg2[%dma_wait3A_158, %dma_wait3A_159] : memref<10000x48xf32, #tpu.memory_space<hbm>> -> memref<10000x48xf32, #tpu.memory_space<hbm>>
    tpu.wait_indirect_dma semaphore(%arg7 : memref<!tpu.dma_semaphore, #tpu.memory_space<semaphore_mem>>) src(%dma_wait3A_160 : memref<10000x48xf32, #tpu.memory_space<hbm>>) dst(%dma_wait3A_155 : memref<128x48xf32, #tpu.memory_space<vmem>>)
    "tpu.region"() ({
      %run_scoped3A = tpu.sem_alloc : memref<!tpu.dma_semaphore, #tpu.memory_space<semaphore_mem>>
      %dma_start3A_161 = arith.constant 0 : i32
      %dma_start3A_162 = tpu.memref_slice %arg4[%mul3A_2, %dma_start3A_161] : memref<40960x48xf32, #tpu.memory_space<hbm>> -> memref<1280x48xf32, #tpu.memory_space<hbm>>
      %dma_start3A_163 = arith.constant 0 : i32
      %dma_start3A_164 = tpu.memref_slice %arg4[%mul3A_2, %dma_start3A_163] : memref<40960x48xf32, #tpu.memory_space<hbm>> -> memref<1280x48xf32, #tpu.memory_space<hbm>>
      tpu.enqueue_dma source(%arg6 : memref<1280x48xf32, #tpu.memory_space<vmem>>) target(%dma_start3A_164 : memref<1280x48xf32, #tpu.memory_space<hbm>>) target_semaphore(%run_scoped3A : memref<!tpu.dma_semaphore, #tpu.memory_space<semaphore_mem>>)
      %dma_wait3A_165 = arith.constant 0 : i32
      %dma_wait3A_166 = tpu.memref_slice %arg4[%mul3A_2, %dma_wait3A_165] : memref<40960x48xf32, #tpu.memory_space<hbm>> -> memref<1280x48xf32, #tpu.memory_space<hbm>>
      %dma_wait3A_167 = arith.constant 0 : i32
      %dma_wait3A_168 = tpu.memref_slice %arg4[%mul3A_2, %dma_wait3A_167] : memref<40960x48xf32, #tpu.memory_space<hbm>> -> memref<1280x48xf32, #tpu.memory_space<hbm>>
      tpu.wait_dma2 semaphore(%run_scoped3A : memref<!tpu.dma_semaphore, #tpu.memory_space<semaphore_mem>>) src(%arg6 : memref<1280x48xf32, #tpu.memory_space<vmem>>) dst(%dma_wait3A_168 : memref<1280x48xf32, #tpu.memory_space<hbm>>)
      tpu.yield
    }) : () -> ()
    return
  }
}

#map = affine_map<(d0, d1) -> (0, 0)>
#map1 = affine_map<(d0, d1) -> (0)>
module attributes {stable_mosaic.version = 14 : i64} {
  func.func @gather_kernel(%arg0: i32, %arg1: i32, %arg2: memref<2500x16xf32, #tpu.memory_space<hbm>>, %arg3: memref<1280xi32, #tpu.memory_space<hbm>>, %arg4: memref<1280x16xf32, #tpu.memory_space<hbm>>, %arg5: memref<40xi32, #tpu.memory_space<vmem>>, %arg6: memref<40x16xf32, #tpu.memory_space<vmem>>, %arg7: memref<!tpu.dma_semaphore, #tpu.memory_space<semaphore_mem>>) attributes {dimension_semantics = [#tpu.dimension_semantics<core_parallel>, #tpu.dimension_semantics<subcore_parallel>], iteration_bounds = array<i64: 2, 16>, scalar_prefetch = 0 : i64, scratch_operands = 3 : i64, tpu.core_type = #tpu.core_type<sc_vector_subcore>, window_params = [{transform_indices = #map}, {transform_indices = #map1}, {transform_indices = #map}]} {
    %mul3A = arith.constant 2 : i32
    %mul3A_0 = arith.muli %arg1, %mul3A : i32
    %add3A = arith.addi %mul3A_0, %arg0 : i32
    %mul3A_1 = arith.constant 40 : i32
    %mul3A_2 = arith.muli %add3A, %mul3A_1 : i32
    "tpu.region"() ({
      %run_scoped3A = tpu.sem_alloc : memref<!tpu.dma_semaphore, #tpu.memory_space<semaphore_mem>>
      %dma_start3A_17 = tpu.memref_slice %arg3[%mul3A_2] : memref<1280xi32, #tpu.memory_space<hbm>> -> memref<40xi32, #tpu.memory_space<hbm>>
      %dma_start3A_18 = tpu.memref_slice %arg3[%mul3A_2] : memref<1280xi32, #tpu.memory_space<hbm>> -> memref<40xi32, #tpu.memory_space<hbm>>
      tpu.enqueue_dma source(%dma_start3A_18 : memref<40xi32, #tpu.memory_space<hbm>>) target(%arg5 : memref<40xi32, #tpu.memory_space<vmem>>) target_semaphore(%run_scoped3A : memref<!tpu.dma_semaphore, #tpu.memory_space<semaphore_mem>>)
      %dma_wait3A_19 = tpu.memref_slice %arg3[%mul3A_2] : memref<1280xi32, #tpu.memory_space<hbm>> -> memref<40xi32, #tpu.memory_space<hbm>>
      %dma_wait3A_20 = tpu.memref_slice %arg3[%mul3A_2] : memref<1280xi32, #tpu.memory_space<hbm>> -> memref<40xi32, #tpu.memory_space<hbm>>
      tpu.wait_dma2 semaphore(%run_scoped3A : memref<!tpu.dma_semaphore, #tpu.memory_space<semaphore_mem>>) src(%dma_wait3A_20 : memref<40xi32, #tpu.memory_space<hbm>>) dst(%arg5 : memref<40xi32, #tpu.memory_space<vmem>>)
      tpu.yield
    }) : () -> ()
    %dma_start3A = arith.constant 0 : i32
    %dma_start3A_3 = arith.constant 0 : i32
    %dma_start3A_4 = tpu.memref_slice %arg6[%dma_start3A, %dma_start3A_3] : memref<40x16xf32, #tpu.memory_space<vmem>> -> memref<40x16xf32, #tpu.memory_space<vmem>>
    %dma_start3A_5 = arith.constant 0 : i32
    %dma_start3A_6 = tpu.memref_slice %arg5[%dma_start3A_5] : memref<40xi32, #tpu.memory_space<vmem>> -> memref<40xi32, #tpu.memory_space<vmem>>
    %dma_start3A_7 = arith.constant 0 : i32
    %dma_start3A_8 = arith.constant 0 : i32
    %dma_start3A_9 = tpu.memref_slice %arg2[%dma_start3A_7, %dma_start3A_8] : memref<2500x16xf32, #tpu.memory_space<hbm>> -> memref<2500x16xf32, #tpu.memory_space<hbm>>
    tpu.enqueue_indirect_dma source(%dma_start3A_9 : memref<2500x16xf32, #tpu.memory_space<hbm>>) target(%dma_start3A_4 : memref<40x16xf32, #tpu.memory_space<vmem>>) offsets(%dma_start3A_6 : memref<40xi32, #tpu.memory_space<vmem>>) semaphore(%arg7 : memref<!tpu.dma_semaphore, #tpu.memory_space<semaphore_mem>>)
    %dma_wait3A = arith.constant 0 : i32
    %dma_wait3A_10 = arith.constant 0 : i32
    %dma_wait3A_11 = tpu.memref_slice %arg6[%dma_wait3A, %dma_wait3A_10] : memref<40x16xf32, #tpu.memory_space<vmem>> -> memref<40x16xf32, #tpu.memory_space<vmem>>
    %dma_wait3A_12 = arith.constant 0 : i32
    %dma_wait3A_13 = tpu.memref_slice %arg5[%dma_wait3A_12] : memref<40xi32, #tpu.memory_space<vmem>> -> memref<40xi32, #tpu.memory_space<vmem>>
    %dma_wait3A_14 = arith.constant 0 : i32
    %dma_wait3A_15 = arith.constant 0 : i32
    %dma_wait3A_16 = tpu.memref_slice %arg2[%dma_wait3A_14, %dma_wait3A_15] : memref<2500x16xf32, #tpu.memory_space<hbm>> -> memref<2500x16xf32, #tpu.memory_space<hbm>>
    tpu.wait_indirect_dma semaphore(%arg7 : memref<!tpu.dma_semaphore, #tpu.memory_space<semaphore_mem>>) src(%dma_wait3A_16 : memref<2500x16xf32, #tpu.memory_space<hbm>>) dst(%dma_wait3A_11 : memref<40x16xf32, #tpu.memory_space<vmem>>)
    "tpu.region"() ({
      %run_scoped3A = tpu.sem_alloc : memref<!tpu.dma_semaphore, #tpu.memory_space<semaphore_mem>>
      %dma_start3A_17 = arith.constant 0 : i32
      %dma_start3A_18 = tpu.memref_slice %arg4[%mul3A_2, %dma_start3A_17] : memref<1280x16xf32, #tpu.memory_space<hbm>> -> memref<40x16xf32, #tpu.memory_space<hbm>>
      %dma_start3A_19 = arith.constant 0 : i32
      %dma_start3A_20 = tpu.memref_slice %arg4[%mul3A_2, %dma_start3A_19] : memref<1280x16xf32, #tpu.memory_space<hbm>> -> memref<40x16xf32, #tpu.memory_space<hbm>>
      tpu.enqueue_dma source(%arg6 : memref<40x16xf32, #tpu.memory_space<vmem>>) target(%dma_start3A_20 : memref<40x16xf32, #tpu.memory_space<hbm>>) target_semaphore(%run_scoped3A : memref<!tpu.dma_semaphore, #tpu.memory_space<semaphore_mem>>)
      %dma_wait3A_21 = arith.constant 0 : i32
      %dma_wait3A_22 = tpu.memref_slice %arg4[%mul3A_2, %dma_wait3A_21] : memref<1280x16xf32, #tpu.memory_space<hbm>> -> memref<40x16xf32, #tpu.memory_space<hbm>>
      %dma_wait3A_23 = arith.constant 0 : i32
      %dma_wait3A_24 = tpu.memref_slice %arg4[%mul3A_2, %dma_wait3A_23] : memref<1280x16xf32, #tpu.memory_space<hbm>> -> memref<40x16xf32, #tpu.memory_space<hbm>>
      tpu.wait_dma2 semaphore(%run_scoped3A : memref<!tpu.dma_semaphore, #tpu.memory_space<semaphore_mem>>) src(%arg6 : memref<40x16xf32, #tpu.memory_space<vmem>>) dst(%dma_wait3A_24 : memref<40x16xf32, #tpu.memory_space<hbm>>)
      tpu.yield
    }) : () -> ()
    return
  }
}

#map = affine_map<(d0, d1) -> (0, 0)>
#map1 = affine_map<(d0, d1) -> (0)>
module attributes {stable_mosaic.version = 14 : i64} {
  func.func @gather_kernel(%arg0: i32, %arg1: i32, %arg2: memref<2500x80xf32, #tpu.memory_space<hbm>>, %arg3: memref<20480xi32, #tpu.memory_space<hbm>>, %arg4: memref<20480x80xf32, #tpu.memory_space<hbm>>, %arg5: memref<640xi32, #tpu.memory_space<vmem>>, %arg6: memref<640x80xf32, #tpu.memory_space<vmem>>, %arg7: memref<!tpu.dma_semaphore, #tpu.memory_space<semaphore_mem>>) attributes {dimension_semantics = [#tpu.dimension_semantics<core_parallel>, #tpu.dimension_semantics<subcore_parallel>], iteration_bounds = array<i64: 2, 16>, scalar_prefetch = 0 : i64, scratch_operands = 3 : i64, tpu.core_type = #tpu.core_type<sc_vector_subcore>, window_params = [{transform_indices = #map}, {transform_indices = #map1}, {transform_indices = #map}]} {
    %mul3A = arith.constant 2 : i32
    %mul3A_0 = arith.muli %arg1, %mul3A : i32
    %add3A = arith.addi %mul3A_0, %arg0 : i32
    %mul3A_1 = arith.constant 640 : i32
    %mul3A_2 = arith.muli %add3A, %mul3A_1 : i32
    "tpu.region"() ({
      %run_scoped3A = tpu.sem_alloc : memref<!tpu.dma_semaphore, #tpu.memory_space<semaphore_mem>>
      %dma_start3A_81 = tpu.memref_slice %arg3[%mul3A_2] : memref<20480xi32, #tpu.memory_space<hbm>> -> memref<640xi32, #tpu.memory_space<hbm>>
      %dma_start3A_82 = tpu.memref_slice %arg3[%mul3A_2] : memref<20480xi32, #tpu.memory_space<hbm>> -> memref<640xi32, #tpu.memory_space<hbm>>
      tpu.enqueue_dma source(%dma_start3A_82 : memref<640xi32, #tpu.memory_space<hbm>>) target(%arg5 : memref<640xi32, #tpu.memory_space<vmem>>) target_semaphore(%run_scoped3A : memref<!tpu.dma_semaphore, #tpu.memory_space<semaphore_mem>>)
      %dma_wait3A_83 = tpu.memref_slice %arg3[%mul3A_2] : memref<20480xi32, #tpu.memory_space<hbm>> -> memref<640xi32, #tpu.memory_space<hbm>>
      %dma_wait3A_84 = tpu.memref_slice %arg3[%mul3A_2] : memref<20480xi32, #tpu.memory_space<hbm>> -> memref<640xi32, #tpu.memory_space<hbm>>
      tpu.wait_dma2 semaphore(%run_scoped3A : memref<!tpu.dma_semaphore, #tpu.memory_space<semaphore_mem>>) src(%dma_wait3A_84 : memref<640xi32, #tpu.memory_space<hbm>>) dst(%arg5 : memref<640xi32, #tpu.memory_space<vmem>>)
      tpu.yield
    }) : () -> ()
    %dma_start3A = arith.constant 0 : i32
    %dma_start3A_3 = arith.constant 0 : i32
    %dma_start3A_4 = tpu.memref_slice %arg6[%dma_start3A, %dma_start3A_3] : memref<640x80xf32, #tpu.memory_space<vmem>> -> memref<128x80xf32, #tpu.memory_space<vmem>>
    %dma_start3A_5 = arith.constant 0 : i32
    %dma_start3A_6 = tpu.memref_slice %arg5[%dma_start3A_5] : memref<640xi32, #tpu.memory_space<vmem>> -> memref<128xi32, #tpu.memory_space<vmem>>
    %dma_start3A_7 = arith.constant 0 : i32
    %dma_start3A_8 = arith.constant 0 : i32
    %dma_start3A_9 = tpu.memref_slice %arg2[%dma_start3A_7, %dma_start3A_8] : memref<2500x80xf32, #tpu.memory_space<hbm>> -> memref<2500x80xf32, #tpu.memory_space<hbm>>
    tpu.enqueue_indirect_dma source(%dma_start3A_9 : memref<2500x80xf32, #tpu.memory_space<hbm>>) target(%dma_start3A_4 : memref<128x80xf32, #tpu.memory_space<vmem>>) offsets(%dma_start3A_6 : memref<128xi32, #tpu.memory_space<vmem>>) semaphore(%arg7 : memref<!tpu.dma_semaphore, #tpu.memory_space<semaphore_mem>>)
    %dma_start3A_10 = arith.constant 128 : i32
    %dma_start3A_11 = arith.constant 0 : i32
    %dma_start3A_12 = tpu.memref_slice %arg6[%dma_start3A_10, %dma_start3A_11] : memref<640x80xf32, #tpu.memory_space<vmem>> -> memref<128x80xf32, #tpu.memory_space<vmem>>
    %dma_start3A_13 = arith.constant 128 : i32
    %dma_start3A_14 = tpu.memref_slice %arg5[%dma_start3A_13] : memref<640xi32, #tpu.memory_space<vmem>> -> memref<128xi32, #tpu.memory_space<vmem>>
    %dma_start3A_15 = arith.constant 0 : i32
    %dma_start3A_16 = arith.constant 0 : i32
    %dma_start3A_17 = tpu.memref_slice %arg2[%dma_start3A_15, %dma_start3A_16] : memref<2500x80xf32, #tpu.memory_space<hbm>> -> memref<2500x80xf32, #tpu.memory_space<hbm>>
    tpu.enqueue_indirect_dma source(%dma_start3A_17 : memref<2500x80xf32, #tpu.memory_space<hbm>>) target(%dma_start3A_12 : memref<128x80xf32, #tpu.memory_space<vmem>>) offsets(%dma_start3A_14 : memref<128xi32, #tpu.memory_space<vmem>>) semaphore(%arg7 : memref<!tpu.dma_semaphore, #tpu.memory_space<semaphore_mem>>)
    %dma_start3A_18 = arith.constant 256 : i32
    %dma_start3A_19 = arith.constant 0 : i32
    %dma_start3A_20 = tpu.memref_slice %arg6[%dma_start3A_18, %dma_start3A_19] : memref<640x80xf32, #tpu.memory_space<vmem>> -> memref<128x80xf32, #tpu.memory_space<vmem>>
    %dma_start3A_21 = arith.constant 256 : i32
    %dma_start3A_22 = tpu.memref_slice %arg5[%dma_start3A_21] : memref<640xi32, #tpu.memory_space<vmem>> -> memref<128xi32, #tpu.memory_space<vmem>>
    %dma_start3A_23 = arith.constant 0 : i32
    %dma_start3A_24 = arith.constant 0 : i32
    %dma_start3A_25 = tpu.memref_slice %arg2[%dma_start3A_23, %dma_start3A_24] : memref<2500x80xf32, #tpu.memory_space<hbm>> -> memref<2500x80xf32, #tpu.memory_space<hbm>>
    tpu.enqueue_indirect_dma source(%dma_start3A_25 : memref<2500x80xf32, #tpu.memory_space<hbm>>) target(%dma_start3A_20 : memref<128x80xf32, #tpu.memory_space<vmem>>) offsets(%dma_start3A_22 : memref<128xi32, #tpu.memory_space<vmem>>) semaphore(%arg7 : memref<!tpu.dma_semaphore, #tpu.memory_space<semaphore_mem>>)
    %dma_start3A_26 = arith.constant 384 : i32
    %dma_start3A_27 = arith.constant 0 : i32
    %dma_start3A_28 = tpu.memref_slice %arg6[%dma_start3A_26, %dma_start3A_27] : memref<640x80xf32, #tpu.memory_space<vmem>> -> memref<128x80xf32, #tpu.memory_space<vmem>>
    %dma_start3A_29 = arith.constant 384 : i32
    %dma_start3A_30 = tpu.memref_slice %arg5[%dma_start3A_29] : memref<640xi32, #tpu.memory_space<vmem>> -> memref<128xi32, #tpu.memory_space<vmem>>
    %dma_start3A_31 = arith.constant 0 : i32
    %dma_start3A_32 = arith.constant 0 : i32
    %dma_start3A_33 = tpu.memref_slice %arg2[%dma_start3A_31, %dma_start3A_32] : memref<2500x80xf32, #tpu.memory_space<hbm>> -> memref<2500x80xf32, #tpu.memory_space<hbm>>
    tpu.enqueue_indirect_dma source(%dma_start3A_33 : memref<2500x80xf32, #tpu.memory_space<hbm>>) target(%dma_start3A_28 : memref<128x80xf32, #tpu.memory_space<vmem>>) offsets(%dma_start3A_30 : memref<128xi32, #tpu.memory_space<vmem>>) semaphore(%arg7 : memref<!tpu.dma_semaphore, #tpu.memory_space<semaphore_mem>>)
    %dma_start3A_34 = arith.constant 512 : i32
    %dma_start3A_35 = arith.constant 0 : i32
    %dma_start3A_36 = tpu.memref_slice %arg6[%dma_start3A_34, %dma_start3A_35] : memref<640x80xf32, #tpu.memory_space<vmem>> -> memref<128x80xf32, #tpu.memory_space<vmem>>
    %dma_start3A_37 = arith.constant 512 : i32
    %dma_start3A_38 = tpu.memref_slice %arg5[%dma_start3A_37] : memref<640xi32, #tpu.memory_space<vmem>> -> memref<128xi32, #tpu.memory_space<vmem>>
    %dma_start3A_39 = arith.constant 0 : i32
    %dma_start3A_40 = arith.constant 0 : i32
    %dma_start3A_41 = tpu.memref_slice %arg2[%dma_start3A_39, %dma_start3A_40] : memref<2500x80xf32, #tpu.memory_space<hbm>> -> memref<2500x80xf32, #tpu.memory_space<hbm>>
    tpu.enqueue_indirect_dma source(%dma_start3A_41 : memref<2500x80xf32, #tpu.memory_space<hbm>>) target(%dma_start3A_36 : memref<128x80xf32, #tpu.memory_space<vmem>>) offsets(%dma_start3A_38 : memref<128xi32, #tpu.memory_space<vmem>>) semaphore(%arg7 : memref<!tpu.dma_semaphore, #tpu.memory_space<semaphore_mem>>)
    %dma_wait3A = arith.constant 0 : i32
    %dma_wait3A_42 = arith.constant 0 : i32
    %dma_wait3A_43 = tpu.memref_slice %arg6[%dma_wait3A, %dma_wait3A_42] : memref<640x80xf32, #tpu.memory_space<vmem>> -> memref<128x80xf32, #tpu.memory_space<vmem>>
    %dma_wait3A_44 = arith.constant 0 : i32
    %dma_wait3A_45 = tpu.memref_slice %arg5[%dma_wait3A_44] : memref<640xi32, #tpu.memory_space<vmem>> -> memref<128xi32, #tpu.memory_space<vmem>>
    %dma_wait3A_46 = arith.constant 0 : i32
    %dma_wait3A_47 = arith.constant 0 : i32
    %dma_wait3A_48 = tpu.memref_slice %arg2[%dma_wait3A_46, %dma_wait3A_47] : memref<2500x80xf32, #tpu.memory_space<hbm>> -> memref<2500x80xf32, #tpu.memory_space<hbm>>
    tpu.wait_indirect_dma semaphore(%arg7 : memref<!tpu.dma_semaphore, #tpu.memory_space<semaphore_mem>>) src(%dma_wait3A_48 : memref<2500x80xf32, #tpu.memory_space<hbm>>) dst(%dma_wait3A_43 : memref<128x80xf32, #tpu.memory_space<vmem>>)
    %dma_wait3A_49 = arith.constant 128 : i32
    %dma_wait3A_50 = arith.constant 0 : i32
    %dma_wait3A_51 = tpu.memref_slice %arg6[%dma_wait3A_49, %dma_wait3A_50] : memref<640x80xf32, #tpu.memory_space<vmem>> -> memref<128x80xf32, #tpu.memory_space<vmem>>
    %dma_wait3A_52 = arith.constant 128 : i32
    %dma_wait3A_53 = tpu.memref_slice %arg5[%dma_wait3A_52] : memref<640xi32, #tpu.memory_space<vmem>> -> memref<128xi32, #tpu.memory_space<vmem>>
    %dma_wait3A_54 = arith.constant 0 : i32
    %dma_wait3A_55 = arith.constant 0 : i32
    %dma_wait3A_56 = tpu.memref_slice %arg2[%dma_wait3A_54, %dma_wait3A_55] : memref<2500x80xf32, #tpu.memory_space<hbm>> -> memref<2500x80xf32, #tpu.memory_space<hbm>>
    tpu.wait_indirect_dma semaphore(%arg7 : memref<!tpu.dma_semaphore, #tpu.memory_space<semaphore_mem>>) src(%dma_wait3A_56 : memref<2500x80xf32, #tpu.memory_space<hbm>>) dst(%dma_wait3A_51 : memref<128x80xf32, #tpu.memory_space<vmem>>)
    %dma_wait3A_57 = arith.constant 256 : i32
    %dma_wait3A_58 = arith.constant 0 : i32
    %dma_wait3A_59 = tpu.memref_slice %arg6[%dma_wait3A_57, %dma_wait3A_58] : memref<640x80xf32, #tpu.memory_space<vmem>> -> memref<128x80xf32, #tpu.memory_space<vmem>>
    %dma_wait3A_60 = arith.constant 256 : i32
    %dma_wait3A_61 = tpu.memref_slice %arg5[%dma_wait3A_60] : memref<640xi32, #tpu.memory_space<vmem>> -> memref<128xi32, #tpu.memory_space<vmem>>
    %dma_wait3A_62 = arith.constant 0 : i32
    %dma_wait3A_63 = arith.constant 0 : i32
    %dma_wait3A_64 = tpu.memref_slice %arg2[%dma_wait3A_62, %dma_wait3A_63] : memref<2500x80xf32, #tpu.memory_space<hbm>> -> memref<2500x80xf32, #tpu.memory_space<hbm>>
    tpu.wait_indirect_dma semaphore(%arg7 : memref<!tpu.dma_semaphore, #tpu.memory_space<semaphore_mem>>) src(%dma_wait3A_64 : memref<2500x80xf32, #tpu.memory_space<hbm>>) dst(%dma_wait3A_59 : memref<128x80xf32, #tpu.memory_space<vmem>>)
    %dma_wait3A_65 = arith.constant 384 : i32
    %dma_wait3A_66 = arith.constant 0 : i32
    %dma_wait3A_67 = tpu.memref_slice %arg6[%dma_wait3A_65, %dma_wait3A_66] : memref<640x80xf32, #tpu.memory_space<vmem>> -> memref<128x80xf32, #tpu.memory_space<vmem>>
    %dma_wait3A_68 = arith.constant 384 : i32
    %dma_wait3A_69 = tpu.memref_slice %arg5[%dma_wait3A_68] : memref<640xi32, #tpu.memory_space<vmem>> -> memref<128xi32, #tpu.memory_space<vmem>>
    %dma_wait3A_70 = arith.constant 0 : i32
    %dma_wait3A_71 = arith.constant 0 : i32
    %dma_wait3A_72 = tpu.memref_slice %arg2[%dma_wait3A_70, %dma_wait3A_71] : memref<2500x80xf32, #tpu.memory_space<hbm>> -> memref<2500x80xf32, #tpu.memory_space<hbm>>
    tpu.wait_indirect_dma semaphore(%arg7 : memref<!tpu.dma_semaphore, #tpu.memory_space<semaphore_mem>>) src(%dma_wait3A_72 : memref<2500x80xf32, #tpu.memory_space<hbm>>) dst(%dma_wait3A_67 : memref<128x80xf32, #tpu.memory_space<vmem>>)
    %dma_wait3A_73 = arith.constant 512 : i32
    %dma_wait3A_74 = arith.constant 0 : i32
    %dma_wait3A_75 = tpu.memref_slice %arg6[%dma_wait3A_73, %dma_wait3A_74] : memref<640x80xf32, #tpu.memory_space<vmem>> -> memref<128x80xf32, #tpu.memory_space<vmem>>
    %dma_wait3A_76 = arith.constant 512 : i32
    %dma_wait3A_77 = tpu.memref_slice %arg5[%dma_wait3A_76] : memref<640xi32, #tpu.memory_space<vmem>> -> memref<128xi32, #tpu.memory_space<vmem>>
    %dma_wait3A_78 = arith.constant 0 : i32
    %dma_wait3A_79 = arith.constant 0 : i32
    %dma_wait3A_80 = tpu.memref_slice %arg2[%dma_wait3A_78, %dma_wait3A_79] : memref<2500x80xf32, #tpu.memory_space<hbm>> -> memref<2500x80xf32, #tpu.memory_space<hbm>>
    tpu.wait_indirect_dma semaphore(%arg7 : memref<!tpu.dma_semaphore, #tpu.memory_space<semaphore_mem>>) src(%dma_wait3A_80 : memref<2500x80xf32, #tpu.memory_space<hbm>>) dst(%dma_wait3A_75 : memref<128x80xf32, #tpu.memory_space<vmem>>)
    "tpu.region"() ({
      %run_scoped3A = tpu.sem_alloc : memref<!tpu.dma_semaphore, #tpu.memory_space<semaphore_mem>>
      %dma_start3A_81 = arith.constant 0 : i32
      %dma_start3A_82 = tpu.memref_slice %arg4[%mul3A_2, %dma_start3A_81] : memref<20480x80xf32, #tpu.memory_space<hbm>> -> memref<640x80xf32, #tpu.memory_space<hbm>>
      %dma_start3A_83 = arith.constant 0 : i32
      %dma_start3A_84 = tpu.memref_slice %arg4[%mul3A_2, %dma_start3A_83] : memref<20480x80xf32, #tpu.memory_space<hbm>> -> memref<640x80xf32, #tpu.memory_space<hbm>>
      tpu.enqueue_dma source(%arg6 : memref<640x80xf32, #tpu.memory_space<vmem>>) target(%dma_start3A_84 : memref<640x80xf32, #tpu.memory_space<hbm>>) target_semaphore(%run_scoped3A : memref<!tpu.dma_semaphore, #tpu.memory_space<semaphore_mem>>)
      %dma_wait3A_85 = arith.constant 0 : i32
      %dma_wait3A_86 = tpu.memref_slice %arg4[%mul3A_2, %dma_wait3A_85] : memref<20480x80xf32, #tpu.memory_space<hbm>> -> memref<640x80xf32, #tpu.memory_space<hbm>>
      %dma_wait3A_87 = arith.constant 0 : i32
      %dma_wait3A_88 = tpu.memref_slice %arg4[%mul3A_2, %dma_wait3A_87] : memref<20480x80xf32, #tpu.memory_space<hbm>> -> memref<640x80xf32, #tpu.memory_space<hbm>>
      tpu.wait_dma2 semaphore(%run_scoped3A : memref<!tpu.dma_semaphore, #tpu.memory_space<semaphore_mem>>) src(%arg6 : memref<640x80xf32, #tpu.memory_space<vmem>>) dst(%dma_wait3A_88 : memref<640x80xf32, #tpu.memory_space<hbm>>)
      tpu.yield
    }) : () -> ()
    return
  }
}

module attributes {stable_mosaic.version = 14 : i64} {
  func.func @_mlp_body(%arg0: memref<10000x128xf32, #tpu.memory_space<vmem>>, %arg1: memref<128x32xf32, #tpu.memory_space<vmem>>, %arg2: memref<1x32xf32, #tpu.memory_space<vmem>>, %arg3: memref<10000x32xf32, #tpu.memory_space<vmem>>) attributes {dimension_semantics = [], scalar_prefetch = 0 : i64, scratch_operands = 0 : i64, tpu.core_type = #tpu.core_type<tc>} {
    %get3A = arith.constant 0 : index
    %get3A_0 = arith.constant 0 : index
    %get3A_1 = vector.load %arg0[%get3A, %get3A_0] : memref<10000x128xf32, #tpu.memory_space<vmem>>, vector<10000x128xf32>
    %get3A_2 = arith.constant 0 : index
    %get3A_3 = arith.constant 0 : index
    %get3A_4 = vector.load %arg1[%get3A_2, %get3A_3] : memref<128x32xf32, #tpu.memory_space<vmem>>, vector<128x32xf32>
    %dot_general3A = arith.constant dense<0.000000e+00> : vector<10000x32xf32>
    %dot_general3A_5 = tpu.matmul %get3A_1, %get3A_4, %dot_general3A {dimension_numbers = #tpu.dot_dimension_numbers<[1], [0], [0], [1], [0, 0, 1, 1], [], []>, transpose_lhs_hint = false} : vector<10000x128xf32>, vector<128x32xf32>, vector<10000x32xf32> -> vector<10000x32xf32>
    %get3A_6 = arith.constant 0 : index
    %get3A_7 = arith.constant 0 : index
    %get3A_8 = vector.load %arg2[%get3A_6, %get3A_7] : memref<1x32xf32, #tpu.memory_space<vmem>>, vector<1x32xf32>
    %add3A = vector.broadcast %get3A_8 : vector<1x32xf32> to vector<10000x32xf32>
    %add3A_9 = arith.addf %dot_general3A_5, %add3A : vector<10000x32xf32>
    %max3A = arith.constant 0.000000e+00 : f32
    %max3A_10 = vector.broadcast %max3A : f32 to vector<10000x32xf32>
    %max3A_11 = arith.maximumf %add3A_9, %max3A_10 : vector<10000x32xf32>
    %swap3A = arith.constant 0 : index
    %swap3A_12 = arith.constant 0 : index
    %swap3A_13 = vector.load %arg3[%swap3A, %swap3A_12] : memref<10000x32xf32, #tpu.memory_space<vmem>>, vector<10000x32xf32>
    tpu.vector_store %arg3[%swap3A, %swap3A_12], %max3A_11 {strides = array<i32>} : memref<10000x32xf32, #tpu.memory_space<vmem>>, vector<10000x32xf32>,
    return
  }
}

module attributes {stable_mosaic.version = 14 : i64} {
  func.func @_knn_body(%arg0: i32, %arg1: memref<256x8xf32, #tpu.memory_space<vmem>>, %arg2: memref<8x10240xf32, #tpu.memory_space<vmem>>, %arg3: memref<256x16xi32, #tpu.memory_space<vmem>>) attributes {dimension_semantics = [#tpu.dimension_semantics<arbitrary>], iteration_bounds = array<i64: 10>, scalar_prefetch = 0 : i64, scratch_operands = 0 : i64, tpu.core_type = #tpu.core_type<tc>, window_params = [{transform_indices = @transform_0, window_bounds = array<i64: 256, 8>}, {pipeline_mode = #tpu.pipeline_mode<synchronous>, transform_indices = @transform_1, window_bounds = array<i64: 8, 10240>}, {transform_indices = @transform_2, window_bounds = array<i64: 256, 16>}]} {
    %get3A = arith.constant 0 : index
    %get3A_0 = arith.constant 0 : index
    %get3A_1 = vector.load %arg1[%get3A, %get3A_0] : memref<256x8xf32, #tpu.memory_space<vmem>>, vector<256x8xf32>
    %get3A_2 = arith.constant 0 : index
    %get3A_3 = arith.constant 0 : index
    %get3A_4 = vector.load %arg2[%get3A_2, %get3A_3] : memref<8x10240xf32, #tpu.memory_space<vmem>>, vector<8x10240xf32>
    %dot_general3A = arith.constant dense<0.000000e+00> : vector<256x10240xf32>
    %dot_general3A_5 = tpu.matmul %get3A_1, %get3A_4, %dot_general3A {dimension_numbers = #tpu.dot_dimension_numbers<[1], [0], [0], [1], [0, 0, 1, 1], [], []>, transpose_lhs_hint = false} : vector<256x8xf32>, vector<8x10240xf32>, vector<256x10240xf32> -> vector<256x10240xf32>
    %bitcast_convert_type3A = tpu.bitcast %dot_general3A_5 : vector<256x10240xf32> -> vector<256x10240xi32>
    %slice3A = vector.extract_strided_slice %bitcast_convert_type3A {offsets = [0, 0], sizes = [256, 160], strides = [1, 1]} : vector<256x10240xi32> to vector<256x160xi32>
    %and3A = arith.constant -64 : i32
    %and3A_6 = vector.broadcast %and3A : i32 to vector<256x160xi32>
    %and3A_7 = arith.andi %slice3A, %and3A_6 : vector<256x160xi32>
    %or3A = arith.constant 0 : i32
    %or3A_8 = vector.broadcast %or3A : i32 to vector<256x160xi32>
    %or3A_9 = arith.ori %and3A_7, %or3A_8 : vector<256x160xi32>
    %broadcast_in_dim3A = arith.constant 2147483647 : i32
    %broadcast_in_dim3A_10 = vector.broadcast %broadcast_in_dim3A : i32 to vector<256x160xi32>
    %slice3A_11 = vector.extract_strided_slice %bitcast_convert_type3A {offsets = [0, 160], sizes = [256, 160], strides = [1, 1]} : vector<256x10240xi32> to vector<256x160xi32>
    %and3A_12 = arith.constant -64 : i32
    %and3A_13 = vector.broadcast %and3A_12 : i32 to vector<256x160xi32>
    %and3A_14 = arith.andi %slice3A_11, %and3A_13 : vector<256x160xi32>
    %or3A_15 = arith.constant 1 : i32
    %or3A_16 = vector.broadcast %or3A_15 : i32 to vector<256x160xi32>
    %or3A_17 = arith.ori %and3A_14, %or3A_16 : vector<256x160xi32>
    %max3A = arith.maxsi %or3A_9, %or3A_17 : vector<256x160xi32>
    %min3A = arith.minsi %or3A_9, %or3A_17 : vector<256x160xi32>
    %max3A_18 = arith.maxsi %broadcast_in_dim3A_10, %max3A : vector<256x160xi32>
    %min3A_19 = arith.minsi %broadcast_in_dim3A_10, %max3A : vector<256x160xi32>
    %max3A_20 = arith.maxsi %broadcast_in_dim3A_10, %max3A_18 : vector<256x160xi32>
    %min3A_21 = arith.minsi %broadcast_in_dim3A_10, %max3A_18 : vector<256x160xi32>
    %min3A_22 = arith.minsi %broadcast_in_dim3A_10, %max3A_20 : vector<256x160xi32>
    %slice3A_23 = vector.extract_strided_slice %bitcast_convert_type3A {offsets = [0, 320], sizes = [256, 160], strides = [1, 1]} : vector<256x10240xi32> to vector<256x160xi32>
    %and3A_24 = arith.constant -64 : i32
    %and3A_25 = vector.broadcast %and3A_24 : i32 to vector<256x160xi32>
    %and3A_26 = arith.andi %slice3A_23, %and3A_25 : vector<256x160xi32>
    %or3A_27 = arith.constant 2 : i32
    %or3A_28 = vector.broadcast %or3A_27 : i32 to vector<256x160xi32>
    %or3A_29 = arith.ori %and3A_26, %or3A_28 : vector<256x160xi32>
    %max3A_30 = arith.maxsi %min3A, %or3A_29 : vector<256x160xi32>
    %min3A_31 = arith.minsi %min3A, %or3A_29 : vector<256x160xi32>
    %max3A_32 = arith.maxsi %min3A_19, %max3A_30 : vector<256x160xi32>
    %min3A_33 = arith.minsi %min3A_19, %max3A_30 : vector<256x160xi32>
    %max3A_34 = arith.maxsi %min3A_21, %max3A_32 : vector<256x160xi32>
    %min3A_35 = arith.minsi %min3A_21, %max3A_32 : vector<256x160xi32>
    %min3A_36 = arith.minsi %min3A_22, %max3A_34 : vector<256x160xi32>
    %slice3A_37 = vector.extract_strided_slice %bitcast_convert_type3A {offsets = [0, 480], sizes = [256, 160], strides = [1, 1]} : vector<256x10240xi32> to vector<256x160xi32>
    %and3A_38 = arith.constant -64 : i32
    %and3A_39 = vector.broadcast %and3A_38 : i32 to vector<256x160xi32>
    %and3A_40 = arith.andi %slice3A_37, %and3A_39 : vector<256x160xi32>
    %or3A_41 = arith.constant 3 : i32
    %or3A_42 = vector.broadcast %or3A_41 : i32 to vector<256x160xi32>
    %or3A_43 = arith.ori %and3A_40, %or3A_42 : vector<256x160xi32>
    %max3A_44 = arith.maxsi %min3A_31, %or3A_43 : vector<256x160xi32>
    %min3A_45 = arith.minsi %min3A_31, %or3A_43 : vector<256x160xi32>
    %max3A_46 = arith.maxsi %min3A_33, %max3A_44 : vector<256x160xi32>
    %min3A_47 = arith.minsi %min3A_33, %max3A_44 : vector<256x160xi32>
    %max3A_48 = arith.maxsi %min3A_35, %max3A_46 : vector<256x160xi32>
    %min3A_49 = arith.minsi %min3A_35, %max3A_46 : vector<256x160xi32>
    %min3A_50 = arith.minsi %min3A_36, %max3A_48 : vector<256x160xi32>
    %slice3A_51 = vector.extract_strided_slice %bitcast_convert_type3A {offsets = [0, 640], sizes = [256, 160], strides = [1, 1]} : vector<256x10240xi32> to vector<256x160xi32>
    %and3A_52 = arith.constant -64 : i32
    %and3A_53 = vector.broadcast %and3A_52 : i32 to vector<256x160xi32>
    %and3A_54 = arith.andi %slice3A_51, %and3A_53 : vector<256x160xi32>
    %or3A_55 = arith.constant 4 : i32
    %or3A_56 = vector.broadcast %or3A_55 : i32 to vector<256x160xi32>
    %or3A_57 = arith.ori %and3A_54, %or3A_56 : vector<256x160xi32>
    %max3A_58 = arith.maxsi %min3A_45, %or3A_57 : vector<256x160xi32>
    %min3A_59 = arith.minsi %min3A_45, %or3A_57 : vector<256x160xi32>
    %max3A_60 = arith.maxsi %min3A_47, %max3A_58 : vector<256x160xi32>
    %min3A_61 = arith.minsi %min3A_47, %max3A_58 : vector<256x160xi32>
    %max3A_62 = arith.maxsi %min3A_49, %max3A_60 : vector<256x160xi32>
    %min3A_63 = arith.minsi %min3A_49, %max3A_60 : vector<256x160xi32>
    %min3A_64 = arith.minsi %min3A_50, %max3A_62 : vector<256x160xi32>
    %slice3A_65 = vector.extract_strided_slice %bitcast_convert_type3A {offsets = [0, 800], sizes = [256, 160], strides = [1, 1]} : vector<256x10240xi32> to vector<256x160xi32>
    %and3A_66 = arith.constant -64 : i32
    %and3A_67 = vector.broadcast %and3A_66 : i32 to vector<256x160xi32>
    %and3A_68 = arith.andi %slice3A_65, %and3A_67 : vector<256x160xi32>
    %or3A_69 = arith.constant 5 : i32
    %or3A_70 = vector.broadcast %or3A_69 : i32 to vector<256x160xi32>
    %or3A_71 = arith.ori %and3A_68, %or3A_70 : vector<256x160xi32>
    %max3A_72 = arith.maxsi %min3A_59, %or3A_71 : vector<256x160xi32>
    %min3A_73 = arith.minsi %min3A_59, %or3A_71 : vector<256x160xi32>
    %max3A_74 = arith.maxsi %min3A_61, %max3A_72 : vector<256x160xi32>
    %min3A_75 = arith.minsi %min3A_61, %max3A_72 : vector<256x160xi32>
    %max3A_76 = arith.maxsi %min3A_63, %max3A_74 : vector<256x160xi32>
    %min3A_77 = arith.minsi %min3A_63, %max3A_74 : vector<256x160xi32>
    %min3A_78 = arith.minsi %min3A_64, %max3A_76 : vector<256x160xi32>
    %slice3A_79 = vector.extract_strided_slice %bitcast_convert_type3A {offsets = [0, 960], sizes = [256, 160], strides = [1, 1]} : vector<256x10240xi32> to vector<256x160xi32>
    %and3A_80 = arith.constant -64 : i32
    %and3A_81 = vector.broadcast %and3A_80 : i32 to vector<256x160xi32>
    %and3A_82 = arith.andi %slice3A_79, %and3A_81 : vector<256x160xi32>
    %or3A_83 = arith.constant 6 : i32
    %or3A_84 = vector.broadcast %or3A_83 : i32 to vector<256x160xi32>
    %or3A_85 = arith.ori %and3A_82, %or3A_84 : vector<256x160xi32>
    %max3A_86 = arith.maxsi %min3A_73, %or3A_85 : vector<256x160xi32>
    %min3A_87 = arith.minsi %min3A_73, %or3A_85 : vector<256x160xi32>
    %max3A_88 = arith.maxsi %min3A_75, %max3A_86 : vector<256x160xi32>
    %min3A_89 = arith.minsi %min3A_75, %max3A_86 : vector<256x160xi32>
    %max3A_90 = arith.maxsi %min3A_77, %max3A_88 : vector<256x160xi32>
    %min3A_91 = arith.minsi %min3A_77, %max3A_88 : vector<256x160xi32>
    %min3A_92 = arith.minsi %min3A_78, %max3A_90 : vector<256x160xi32>
    %slice3A_93 = vector.extract_strided_slice %bitcast_convert_type3A {offsets = [0, 1120], sizes = [256, 160], strides = [1, 1]} : vector<256x10240xi32> to vector<256x160xi32>
    %and3A_94 = arith.constant -64 : i32
    %and3A_95 = vector.broadcast %and3A_94 : i32 to vector<256x160xi32>
    %and3A_96 = arith.andi %slice3A_93, %and3A_95 : vector<256x160xi32>
    %or3A_97 = arith.constant 7 : i32
    %or3A_98 = vector.broadcast %or3A_97 : i32 to vector<256x160xi32>
    %or3A_99 = arith.ori %and3A_96, %or3A_98 : vector<256x160xi32>
    %max3A_100 = arith.maxsi %min3A_87, %or3A_99 : vector<256x160xi32>
    %min3A_101 = arith.minsi %min3A_87, %or3A_99 : vector<256x160xi32>
    %max3A_102 = arith.maxsi %min3A_89, %max3A_100 : vector<256x160xi32>
    %min3A_103 = arith.minsi %min3A_89, %max3A_100 : vector<256x160xi32>
    %max3A_104 = arith.maxsi %min3A_91, %max3A_102 : vector<256x160xi32>
    %min3A_105 = arith.minsi %min3A_91, %max3A_102 : vector<256x160xi32>
    %min3A_106 = arith.minsi %min3A_92, %max3A_104 : vector<256x160xi32>
    %slice3A_107 = vector.extract_strided_slice %bitcast_convert_type3A {offsets = [0, 1280], sizes = [256, 160], strides = [1, 1]} : vector<256x10240xi32> to vector<256x160xi32>
    %and3A_108 = arith.constant -64 : i32
    %and3A_109 = vector.broadcast %and3A_108 : i32 to vector<256x160xi32>
    %and3A_110 = arith.andi %slice3A_107, %and3A_109 : vector<256x160xi32>
    %or3A_111 = arith.constant 8 : i32
    %or3A_112 = vector.broadcast %or3A_111 : i32 to vector<256x160xi32>
    %or3A_113 = arith.ori %and3A_110, %or3A_112 : vector<256x160xi32>
    %max3A_114 = arith.maxsi %min3A_101, %or3A_113 : vector<256x160xi32>
    %min3A_115 = arith.minsi %min3A_101, %or3A_113 : vector<256x160xi32>
    %max3A_116 = arith.maxsi %min3A_103, %max3A_114 : vector<256x160xi32>
    %min3A_117 = arith.minsi %min3A_103, %max3A_114 : vector<256x160xi32>
    %max3A_118 = arith.maxsi %min3A_105, %max3A_116 : vector<256x160xi32>
    %min3A_119 = arith.minsi %min3A_105, %max3A_116 : vector<256x160xi32>
    %min3A_120 = arith.minsi %min3A_106, %max3A_118 : vector<256x160xi32>
    %slice3A_121 = vector.extract_strided_slice %bitcast_convert_type3A {offsets = [0, 1440], sizes = [256, 160], strides = [1, 1]} : vector<256x10240xi32> to vector<256x160xi32>
    %and3A_122 = arith.constant -64 : i32
    %and3A_123 = vector.broadcast %and3A_122 : i32 to vector<256x160xi32>
    %and3A_124 = arith.andi %slice3A_121, %and3A_123 : vector<256x160xi32>
    %or3A_125 = arith.constant 9 : i32
    %or3A_126 = vector.broadcast %or3A_125 : i32 to vector<256x160xi32>
    %or3A_127 = arith.ori %and3A_124, %or3A_126 : vector<256x160xi32>
    %max3A_128 = arith.maxsi %min3A_115, %or3A_127 : vector<256x160xi32>
    %min3A_129 = arith.minsi %min3A_115, %or3A_127 : vector<256x160xi32>
    %max3A_130 = arith.maxsi %min3A_117, %max3A_128 : vector<256x160xi32>
    %min3A_131 = arith.minsi %min3A_117, %max3A_128 : vector<256x160xi32>
    %max3A_132 = arith.maxsi %min3A_119, %max3A_130 : vector<256x160xi32>
    %min3A_133 = arith.minsi %min3A_119, %max3A_130 : vector<256x160xi32>
    %min3A_134 = arith.minsi %min3A_120, %max3A_132 : vector<256x160xi32>
    %slice3A_135 = vector.extract_strided_slice %bitcast_convert_type3A {offsets = [0, 1600], sizes = [256, 160], strides = [1, 1]} : vector<256x10240xi32> to vector<256x160xi32>
    %and3A_136 = arith.constant -64 : i32
    %and3A_137 = vector.broadcast %and3A_136 : i32 to vector<256x160xi32>
    %and3A_138 = arith.andi %slice3A_135, %and3A_137 : vector<256x160xi32>
    %or3A_139 = arith.constant 10 : i32
    %or3A_140 = vector.broadcast %or3A_139 : i32 to vector<256x160xi32>
    %or3A_141 = arith.ori %and3A_138, %or3A_140 : vector<256x160xi32>
    %max3A_142 = arith.maxsi %min3A_129, %or3A_141 : vector<256x160xi32>
    %min3A_143 = arith.minsi %min3A_129, %or3A_141 : vector<256x160xi32>
    %max3A_144 = arith.maxsi %min3A_131, %max3A_142 : vector<256x160xi32>
    %min3A_145 = arith.minsi %min3A_131, %max3A_142 : vector<256x160xi32>
    %max3A_146 = arith.maxsi %min3A_133, %max3A_144 : vector<256x160xi32>
    %min3A_147 = arith.minsi %min3A_133, %max3A_144 : vector<256x160xi32>
    %min3A_148 = arith.minsi %min3A_134, %max3A_146 : vector<256x160xi32>
    %slice3A_149 = vector.extract_strided_slice %bitcast_convert_type3A {offsets = [0, 1760], sizes = [256, 160], strides = [1, 1]} : vector<256x10240xi32> to vector<256x160xi32>
    %and3A_150 = arith.constant -64 : i32
    %and3A_151 = vector.broadcast %and3A_150 : i32 to vector<256x160xi32>
    %and3A_152 = arith.andi %slice3A_149, %and3A_151 : vector<256x160xi32>
    %or3A_153 = arith.constant 11 : i32
    %or3A_154 = vector.broadcast %or3A_153 : i32 to vector<256x160xi32>
    %or3A_155 = arith.ori %and3A_152, %or3A_154 : vector<256x160xi32>
    %max3A_156 = arith.maxsi %min3A_143, %or3A_155 : vector<256x160xi32>
    %min3A_157 = arith.minsi %min3A_143, %or3A_155 : vector<256x160xi32>
    %max3A_158 = arith.maxsi %min3A_145, %max3A_156 : vector<256x160xi32>
    %min3A_159 = arith.minsi %min3A_145, %max3A_156 : vector<256x160xi32>
    %max3A_160 = arith.maxsi %min3A_147, %max3A_158 : vector<256x160xi32>
    %min3A_161 = arith.minsi %min3A_147, %max3A_158 : vector<256x160xi32>
    %min3A_162 = arith.minsi %min3A_148, %max3A_160 : vector<256x160xi32>
    %slice3A_163 = vector.extract_strided_slice %bitcast_convert_type3A {offsets = [0, 1920], sizes = [256, 160], strides = [1, 1]} : vector<256x10240xi32> to vector<256x160xi32>
    %and3A_164 = arith.constant -64 : i32
    %and3A_165 = vector.broadcast %and3A_164 : i32 to vector<256x160xi32>
    %and3A_166 = arith.andi %slice3A_163, %and3A_165 : vector<256x160xi32>
    %or3A_167 = arith.constant 12 : i32
    %or3A_168 = vector.broadcast %or3A_167 : i32 to vector<256x160xi32>
    %or3A_169 = arith.ori %and3A_166, %or3A_168 : vector<256x160xi32>
    %max3A_170 = arith.maxsi %min3A_157, %or3A_169 : vector<256x160xi32>
    %min3A_171 = arith.minsi %min3A_157, %or3A_169 : vector<256x160xi32>
    %max3A_172 = arith.maxsi %min3A_159, %max3A_170 : vector<256x160xi32>
    %min3A_173 = arith.minsi %min3A_159, %max3A_170 : vector<256x160xi32>
    %max3A_174 = arith.maxsi %min3A_161, %max3A_172 : vector<256x160xi32>
    %min3A_175 = arith.minsi %min3A_161, %max3A_172 : vector<256x160xi32>
    %min3A_176 = arith.minsi %min3A_162, %max3A_174 : vector<256x160xi32>
    %slice3A_177 = vector.extract_strided_slice %bitcast_convert_type3A {offsets = [0, 2080], sizes = [256, 160], strides = [1, 1]} : vector<256x10240xi32> to vector<256x160xi32>
    %and3A_178 = arith.constant -64 : i32
    %and3A_179 = vector.broadcast %and3A_178 : i32 to vector<256x160xi32>
    %and3A_180 = arith.andi %slice3A_177, %and3A_179 : vector<256x160xi32>
    %or3A_181 = arith.constant 13 : i32
    %or3A_182 = vector.broadcast %or3A_181 : i32 to vector<256x160xi32>
    %or3A_183 = arith.ori %and3A_180, %or3A_182 : vector<256x160xi32>
    %max3A_184 = arith.maxsi %min3A_171, %or3A_183 : vector<256x160xi32>
    %min3A_185 = arith.minsi %min3A_171, %or3A_183 : vector<256x160xi32>
    %max3A_186 = arith.maxsi %min3A_173, %max3A_184 : vector<256x160xi32>
    %min3A_187 = arith.minsi %min3A_173, %max3A_184 : vector<256x160xi32>
    %max3A_188 = arith.maxsi %min3A_175, %max3A_186 : vector<256x160xi32>
    %min3A_189 = arith.minsi %min3A_175, %max3A_186 : vector<256x160xi32>
    %min3A_190 = arith.minsi %min3A_176, %max3A_188 : vector<256x160xi32>
    %slice3A_191 = vector.extract_strided_slice %bitcast_convert_type3A {offsets = [0, 2240], sizes = [256, 160], strides = [1, 1]} : vector<256x10240xi32> to vector<256x160xi32>
    %and3A_192 = arith.constant -64 : i32
    %and3A_193 = vector.broadcast %and3A_192 : i32 to vector<256x160xi32>
    %and3A_194 = arith.andi %slice3A_191, %and3A_193 : vector<256x160xi32>
    %or3A_195 = arith.constant 14 : i32
    %or3A_196 = vector.broadcast %or3A_195 : i32 to vector<256x160xi32>
    %or3A_197 = arith.ori %and3A_194, %or3A_196 : vector<256x160xi32>
    %max3A_198 = arith.maxsi %min3A_185, %or3A_197 : vector<256x160xi32>
    %min3A_199 = arith.minsi %min3A_185, %or3A_197 : vector<256x160xi32>
    %max3A_200 = arith.maxsi %min3A_187, %max3A_198 : vector<256x160xi32>
    %min3A_201 = arith.minsi %min3A_187, %max3A_198 : vector<256x160xi32>
    %max3A_202 = arith.maxsi %min3A_189, %max3A_200 : vector<256x160xi32>
    %min3A_203 = arith.minsi %min3A_189, %max3A_200 : vector<256x160xi32>
    %min3A_204 = arith.minsi %min3A_190, %max3A_202 : vector<256x160xi32>
    %slice3A_205 = vector.extract_strided_slice %bitcast_convert_type3A {offsets = [0, 2400], sizes = [256, 160], strides = [1, 1]} : vector<256x10240xi32> to vector<256x160xi32>
    %and3A_206 = arith.constant -64 : i32
    %and3A_207 = vector.broadcast %and3A_206 : i32 to vector<256x160xi32>
    %and3A_208 = arith.andi %slice3A_205, %and3A_207 : vector<256x160xi32>
    %or3A_209 = arith.constant 15 : i32
    %or3A_210 = vector.broadcast %or3A_209 : i32 to vector<256x160xi32>
    %or3A_211 = arith.ori %and3A_208, %or3A_210 : vector<256x160xi32>
    %max3A_212 = arith.maxsi %min3A_199, %or3A_211 : vector<256x160xi32>
    %min3A_213 = arith.minsi %min3A_199, %or3A_211 : vector<256x160xi32>
    %max3A_214 = arith.maxsi %min3A_201, %max3A_212 : vector<256x160xi32>
    %min3A_215 = arith.minsi %min3A_201, %max3A_212 : vector<256x160xi32>
    %max3A_216 = arith.maxsi %min3A_203, %max3A_214 : vector<256x160xi32>
    %min3A_217 = arith.minsi %min3A_203, %max3A_214 : vector<256x160xi32>
    %min3A_218 = arith.minsi %min3A_204, %max3A_216 : vector<256x160xi32>
    %slice3A_219 = vector.extract_strided_slice %bitcast_convert_type3A {offsets = [0, 2560], sizes = [256, 160], strides = [1, 1]} : vector<256x10240xi32> to vector<256x160xi32>
    %and3A_220 = arith.constant -64 : i32
    %and3A_221 = vector.broadcast %and3A_220 : i32 to vector<256x160xi32>
    %and3A_222 = arith.andi %slice3A_219, %and3A_221 : vector<256x160xi32>
    %or3A_223 = arith.constant 16 : i32
    %or3A_224 = vector.broadcast %or3A_223 : i32 to vector<256x160xi32>
    %or3A_225 = arith.ori %and3A_222, %or3A_224 : vector<256x160xi32>
    %max3A_226 = arith.maxsi %min3A_213, %or3A_225 : vector<256x160xi32>
    %min3A_227 = arith.minsi %min3A_213, %or3A_225 : vector<256x160xi32>
    %max3A_228 = arith.maxsi %min3A_215, %max3A_226 : vector<256x160xi32>
    %min3A_229 = arith.minsi %min3A_215, %max3A_226 : vector<256x160xi32>
    %max3A_230 = arith.maxsi %min3A_217, %max3A_228 : vector<256x160xi32>
    %min3A_231 = arith.minsi %min3A_217, %max3A_228 : vector<256x160xi32>
    %min3A_232 = arith.minsi %min3A_218, %max3A_230 : vector<256x160xi32>
    %slice3A_233 = vector.extract_strided_slice %bitcast_convert_type3A {offsets = [0, 2720], sizes = [256, 160], strides = [1, 1]} : vector<256x10240xi32> to vector<256x160xi32>
    %and3A_234 = arith.constant -64 : i32
    %and3A_235 = vector.broadcast %and3A_234 : i32 to vector<256x160xi32>
    %and3A_236 = arith.andi %slice3A_233, %and3A_235 : vector<256x160xi32>
    %or3A_237 = arith.constant 17 : i32
    %or3A_238 = vector.broadcast %or3A_237 : i32 to vector<256x160xi32>
    %or3A_239 = arith.ori %and3A_236, %or3A_238 : vector<256x160xi32>
    %max3A_240 = arith.maxsi %min3A_227, %or3A_239 : vector<256x160xi32>
    %min3A_241 = arith.minsi %min3A_227, %or3A_239 : vector<256x160xi32>
    %max3A_242 = arith.maxsi %min3A_229, %max3A_240 : vector<256x160xi32>
    %min3A_243 = arith.minsi %min3A_229, %max3A_240 : vector<256x160xi32>
    %max3A_244 = arith.maxsi %min3A_231, %max3A_242 : vector<256x160xi32>
    %min3A_245 = arith.minsi %min3A_231, %max3A_242 : vector<256x160xi32>
    %min3A_246 = arith.minsi %min3A_232, %max3A_244 : vector<256x160xi32>
    %slice3A_247 = vector.extract_strided_slice %bitcast_convert_type3A {offsets = [0, 2880], sizes = [256, 160], strides = [1, 1]} : vector<256x10240xi32> to vector<256x160xi32>
    %and3A_248 = arith.constant -64 : i32
    %and3A_249 = vector.broadcast %and3A_248 : i32 to vector<256x160xi32>
    %and3A_250 = arith.andi %slice3A_247, %and3A_249 : vector<256x160xi32>
    %or3A_251 = arith.constant 18 : i32
    %or3A_252 = vector.broadcast %or3A_251 : i32 to vector<256x160xi32>
    %or3A_253 = arith.ori %and3A_250, %or3A_252 : vector<256x160xi32>
    %max3A_254 = arith.maxsi %min3A_241, %or3A_253 : vector<256x160xi32>
    %min3A_255 = arith.minsi %min3A_241, %or3A_253 : vector<256x160xi32>
    %max3A_256 = arith.maxsi %min3A_243, %max3A_254 : vector<256x160xi32>
    %min3A_257 = arith.minsi %min3A_243, %max3A_254 : vector<256x160xi32>
    %max3A_258 = arith.maxsi %min3A_245, %max3A_256 : vector<256x160xi32>
    %min3A_259 = arith.minsi %min3A_245, %max3A_256 : vector<256x160xi32>
    %min3A_260 = arith.minsi %min3A_246, %max3A_258 : vector<256x160xi32>
    %slice3A_261 = vector.extract_strided_slice %bitcast_convert_type3A {offsets = [0, 3040], sizes = [256, 160], strides = [1, 1]} : vector<256x10240xi32> to vector<256x160xi32>
    %and3A_262 = arith.constant -64 : i32
    %and3A_263 = vector.broadcast %and3A_262 : i32 to vector<256x160xi32>
    %and3A_264 = arith.andi %slice3A_261, %and3A_263 : vector<256x160xi32>
    %or3A_265 = arith.constant 19 : i32
    %or3A_266 = vector.broadcast %or3A_265 : i32 to vector<256x160xi32>
    %or3A_267 = arith.ori %and3A_264, %or3A_266 : vector<256x160xi32>
    %max3A_268 = arith.maxsi %min3A_255, %or3A_267 : vector<256x160xi32>
    %min3A_269 = arith.minsi %min3A_255, %or3A_267 : vector<256x160xi32>
    %max3A_270 = arith.maxsi %min3A_257, %max3A_268 : vector<256x160xi32>
    %min3A_271 = arith.minsi %min3A_257, %max3A_268 : vector<256x160xi32>
    %max3A_272 = arith.maxsi %min3A_259, %max3A_270 : vector<256x160xi32>
    %min3A_273 = arith.minsi %min3A_259, %max3A_270 : vector<256x160xi32>
    %min3A_274 = arith.minsi %min3A_260, %max3A_272 : vector<256x160xi32>
    %slice3A_275 = vector.extract_strided_slice %bitcast_convert_type3A {offsets = [0, 3200], sizes = [256, 160], strides = [1, 1]} : vector<256x10240xi32> to vector<256x160xi32>
    %and3A_276 = arith.constant -64 : i32
    %and3A_277 = vector.broadcast %and3A_276 : i32 to vector<256x160xi32>
    %and3A_278 = arith.andi %slice3A_275, %and3A_277 : vector<256x160xi32>
    %or3A_279 = arith.constant 20 : i32
    %or3A_280 = vector.broadcast %or3A_279 : i32 to vector<256x160xi32>
    %or3A_281 = arith.ori %and3A_278, %or3A_280 : vector<256x160xi32>
    %max3A_282 = arith.maxsi %min3A_269, %or3A_281 : vector<256x160xi32>
    %min3A_283 = arith.minsi %min3A_269, %or3A_281 : vector<256x160xi32>
    %max3A_284 = arith.maxsi %min3A_271, %max3A_282 : vector<256x160xi32>
    %min3A_285 = arith.minsi %min3A_271, %max3A_282 : vector<256x160xi32>
    %max3A_286 = arith.maxsi %min3A_273, %max3A_284 : vector<256x160xi32>
    %min3A_287 = arith.minsi %min3A_273, %max3A_284 : vector<256x160xi32>
    %min3A_288 = arith.minsi %min3A_274, %max3A_286 : vector<256x160xi32>
    %slice3A_289 = vector.extract_strided_slice %bitcast_convert_type3A {offsets = [0, 3360], sizes = [256, 160], strides = [1, 1]} : vector<256x10240xi32> to vector<256x160xi32>
    %and3A_290 = arith.constant -64 : i32
    %and3A_291 = vector.broadcast %and3A_290 : i32 to vector<256x160xi32>
    %and3A_292 = arith.andi %slice3A_289, %and3A_291 : vector<256x160xi32>
    %or3A_293 = arith.constant 21 : i32
    %or3A_294 = vector.broadcast %or3A_293 : i32 to vector<256x160xi32>
    %or3A_295 = arith.ori %and3A_292, %or3A_294 : vector<256x160xi32>
    %max3A_296 = arith.maxsi %min3A_283, %or3A_295 : vector<256x160xi32>
    %min3A_297 = arith.minsi %min3A_283, %or3A_295 : vector<256x160xi32>
    %max3A_298 = arith.maxsi %min3A_285, %max3A_296 : vector<256x160xi32>
    %min3A_299 = arith.minsi %min3A_285, %max3A_296 : vector<256x160xi32>
    %max3A_300 = arith.maxsi %min3A_287, %max3A_298 : vector<256x160xi32>
    %min3A_301 = arith.minsi %min3A_287, %max3A_298 : vector<256x160xi32>
    %min3A_302 = arith.minsi %min3A_288, %max3A_300 : vector<256x160xi32>
    %slice3A_303 = vector.extract_strided_slice %bitcast_convert_type3A {offsets = [0, 3520], sizes = [256, 160], strides = [1, 1]} : vector<256x10240xi32> to vector<256x160xi32>
    %and3A_304 = arith.constant -64 : i32
    %and3A_305 = vector.broadcast %and3A_304 : i32 to vector<256x160xi32>
    %and3A_306 = arith.andi %slice3A_303, %and3A_305 : vector<256x160xi32>
    %or3A_307 = arith.constant 22 : i32
    %or3A_308 = vector.broadcast %or3A_307 : i32 to vector<256x160xi32>
    %or3A_309 = arith.ori %and3A_306, %or3A_308 : vector<256x160xi32>
    %max3A_310 = arith.maxsi %min3A_297, %or3A_309 : vector<256x160xi32>
    %min3A_311 = arith.minsi %min3A_297, %or3A_309 : vector<256x160xi32>
    %max3A_312 = arith.maxsi %min3A_299, %max3A_310 : vector<256x160xi32>
    %min3A_313 = arith.minsi %min3A_299, %max3A_310 : vector<256x160xi32>
    %max3A_314 = arith.maxsi %min3A_301, %max3A_312 : vector<256x160xi32>
    %min3A_315 = arith.minsi %min3A_301, %max3A_312 : vector<256x160xi32>
    %min3A_316 = arith.minsi %min3A_302, %max3A_314 : vector<256x160xi32>
    %slice3A_317 = vector.extract_strided_slice %bitcast_convert_type3A {offsets = [0, 3680], sizes = [256, 160], strides = [1, 1]} : vector<256x10240xi32> to vector<256x160xi32>
    %and3A_318 = arith.constant -64 : i32
    %and3A_319 = vector.broadcast %and3A_318 : i32 to vector<256x160xi32>
    %and3A_320 = arith.andi %slice3A_317, %and3A_319 : vector<256x160xi32>
    %or3A_321 = arith.constant 23 : i32
    %or3A_322 = vector.broadcast %or3A_321 : i32 to vector<256x160xi32>
    %or3A_323 = arith.ori %and3A_320, %or3A_322 : vector<256x160xi32>
    %max3A_324 = arith.maxsi %min3A_311, %or3A_323 : vector<256x160xi32>
    %min3A_325 = arith.minsi %min3A_311, %or3A_323 : vector<256x160xi32>
    %max3A_326 = arith.maxsi %min3A_313, %max3A_324 : vector<256x160xi32>
    %min3A_327 = arith.minsi %min3A_313, %max3A_324 : vector<256x160xi32>
    %max3A_328 = arith.maxsi %min3A_315, %max3A_326 : vector<256x160xi32>
    %min3A_329 = arith.minsi %min3A_315, %max3A_326 : vector<256x160xi32>
    %min3A_330 = arith.minsi %min3A_316, %max3A_328 : vector<256x160xi32>
    %slice3A_331 = vector.extract_strided_slice %bitcast_convert_type3A {offsets = [0, 3840], sizes = [256, 160], strides = [1, 1]} : vector<256x10240xi32> to vector<256x160xi32>
    %and3A_332 = arith.constant -64 : i32
    %and3A_333 = vector.broadcast %and3A_332 : i32 to vector<256x160xi32>
    %and3A_334 = arith.andi %slice3A_331, %and3A_333 : vector<256x160xi32>
    %or3A_335 = arith.constant 24 : i32
    %or3A_336 = vector.broadcast %or3A_335 : i32 to vector<256x160xi32>
    %or3A_337 = arith.ori %and3A_334, %or3A_336 : vector<256x160xi32>
    %max3A_338 = arith.maxsi %min3A_325, %or3A_337 : vector<256x160xi32>
    %min3A_339 = arith.minsi %min3A_325, %or3A_337 : vector<256x160xi32>
    %max3A_340 = arith.maxsi %min3A_327, %max3A_338 : vector<256x160xi32>
    %min3A_341 = arith.minsi %min3A_327, %max3A_338 : vector<256x160xi32>
    %max3A_342 = arith.maxsi %min3A_329, %max3A_340 : vector<256x160xi32>
    %min3A_343 = arith.minsi %min3A_329, %max3A_340 : vector<256x160xi32>
    %min3A_344 = arith.minsi %min3A_330, %max3A_342 : vector<256x160xi32>
    %slice3A_345 = vector.extract_strided_slice %bitcast_convert_type3A {offsets = [0, 4000], sizes = [256, 160], strides = [1, 1]} : vector<256x10240xi32> to vector<256x160xi32>
    %and3A_346 = arith.constant -64 : i32
    %and3A_347 = vector.broadcast %and3A_346 : i32 to vector<256x160xi32>
    %and3A_348 = arith.andi %slice3A_345, %and3A_347 : vector<256x160xi32>
    %or3A_349 = arith.constant 25 : i32
    %or3A_350 = vector.broadcast %or3A_349 : i32 to vector<256x160xi32>
    %or3A_351 = arith.ori %and3A_348, %or3A_350 : vector<256x160xi32>
    %max3A_352 = arith.maxsi %min3A_339, %or3A_351 : vector<256x160xi32>
    %min3A_353 = arith.minsi %min3A_339, %or3A_351 : vector<256x160xi32>
    %max3A_354 = arith.maxsi %min3A_341, %max3A_352 : vector<256x160xi32>
    %min3A_355 = arith.minsi %min3A_341, %max3A_352 : vector<256x160xi32>
    %max3A_356 = arith.maxsi %min3A_343, %max3A_354 : vector<256x160xi32>
    %min3A_357 = arith.minsi %min3A_343, %max3A_354 : vector<256x160xi32>
    %min3A_358 = arith.minsi %min3A_344, %max3A_356 : vector<256x160xi32>
    %slice3A_359 = vector.extract_strided_slice %bitcast_convert_type3A {offsets = [0, 4160], sizes = [256, 160], strides = [1, 1]} : vector<256x10240xi32> to vector<256x160xi32>
    %and3A_360 = arith.constant -64 : i32
    %and3A_361 = vector.broadcast %and3A_360 : i32 to vector<256x160xi32>
    %and3A_362 = arith.andi %slice3A_359, %and3A_361 : vector<256x160xi32>
    %or3A_363 = arith.constant 26 : i32
    %or3A_364 = vector.broadcast %or3A_363 : i32 to vector<256x160xi32>
    %or3A_365 = arith.ori %and3A_362, %or3A_364 : vector<256x160xi32>
    %max3A_366 = arith.maxsi %min3A_353, %or3A_365 : vector<256x160xi32>
    %min3A_367 = arith.minsi %min3A_353, %or3A_365 : vector<256x160xi32>
    %max3A_368 = arith.maxsi %min3A_355, %max3A_366 : vector<256x160xi32>
    %min3A_369 = arith.minsi %min3A_355, %max3A_366 : vector<256x160xi32>
    %max3A_370 = arith.maxsi %min3A_357, %max3A_368 : vector<256x160xi32>
    %min3A_371 = arith.minsi %min3A_357, %max3A_368 : vector<256x160xi32>
    %min3A_372 = arith.minsi %min3A_358, %max3A_370 : vector<256x160xi32>
    %slice3A_373 = vector.extract_strided_slice %bitcast_convert_type3A {offsets = [0, 4320], sizes = [256, 160], strides = [1, 1]} : vector<256x10240xi32> to vector<256x160xi32>
    %and3A_374 = arith.constant -64 : i32
    %and3A_375 = vector.broadcast %and3A_374 : i32 to vector<256x160xi32>
    %and3A_376 = arith.andi %slice3A_373, %and3A_375 : vector<256x160xi32>
    %or3A_377 = arith.constant 27 : i32
    %or3A_378 = vector.broadcast %or3A_377 : i32 to vector<256x160xi32>
    %or3A_379 = arith.ori %and3A_376, %or3A_378 : vector<256x160xi32>
    %max3A_380 = arith.maxsi %min3A_367, %or3A_379 : vector<256x160xi32>
    %min3A_381 = arith.minsi %min3A_367, %or3A_379 : vector<256x160xi32>
    %max3A_382 = arith.maxsi %min3A_369, %max3A_380 : vector<256x160xi32>
    %min3A_383 = arith.minsi %min3A_369, %max3A_380 : vector<256x160xi32>
    %max3A_384 = arith.maxsi %min3A_371, %max3A_382 : vector<256x160xi32>
    %min3A_385 = arith.minsi %min3A_371, %max3A_382 : vector<256x160xi32>
    %min3A_386 = arith.minsi %min3A_372, %max3A_384 : vector<256x160xi32>
    %slice3A_387 = vector.extract_strided_slice %bitcast_convert_type3A {offsets = [0, 4480], sizes = [256, 160], strides = [1, 1]} : vector<256x10240xi32> to vector<256x160xi32>
    %and3A_388 = arith.constant -64 : i32
    %and3A_389 = vector.broadcast %and3A_388 : i32 to vector<256x160xi32>
    %and3A_390 = arith.andi %slice3A_387, %and3A_389 : vector<256x160xi32>
    %or3A_391 = arith.constant 28 : i32
    %or3A_392 = vector.broadcast %or3A_391 : i32 to vector<256x160xi32>
    %or3A_393 = arith.ori %and3A_390, %or3A_392 : vector<256x160xi32>
    %max3A_394 = arith.maxsi %min3A_381, %or3A_393 : vector<256x160xi32>
    %min3A_395 = arith.minsi %min3A_381, %or3A_393 : vector<256x160xi32>
    %max3A_396 = arith.maxsi %min3A_383, %max3A_394 : vector<256x160xi32>
    %min3A_397 = arith.minsi %min3A_383, %max3A_394 : vector<256x160xi32>
    %max3A_398 = arith.maxsi %min3A_385, %max3A_396 : vector<256x160xi32>
    %min3A_399 = arith.minsi %min3A_385, %max3A_396 : vector<256x160xi32>
    %min3A_400 = arith.minsi %min3A_386, %max3A_398 : vector<256x160xi32>
    %slice3A_401 = vector.extract_strided_slice %bitcast_convert_type3A {offsets = [0, 4640], sizes = [256, 160], strides = [1, 1]} : vector<256x10240xi32> to vector<256x160xi32>
    %and3A_402 = arith.constant -64 : i32
    %and3A_403 = vector.broadcast %and3A_402 : i32 to vector<256x160xi32>
    %and3A_404 = arith.andi %slice3A_401, %and3A_403 : vector<256x160xi32>
    %or3A_405 = arith.constant 29 : i32
    %or3A_406 = vector.broadcast %or3A_405 : i32 to vector<256x160xi32>
    %or3A_407 = arith.ori %and3A_404, %or3A_406 : vector<256x160xi32>
    %max3A_408 = arith.maxsi %min3A_395, %or3A_407 : vector<256x160xi32>
    %min3A_409 = arith.minsi %min3A_395, %or3A_407 : vector<256x160xi32>
    %max3A_410 = arith.maxsi %min3A_397, %max3A_408 : vector<256x160xi32>
    %min3A_411 = arith.minsi %min3A_397, %max3A_408 : vector<256x160xi32>
    %max3A_412 = arith.maxsi %min3A_399, %max3A_410 : vector<256x160xi32>
    %min3A_413 = arith.minsi %min3A_399, %max3A_410 : vector<256x160xi32>
    %min3A_414 = arith.minsi %min3A_400, %max3A_412 : vector<256x160xi32>
    %slice3A_415 = vector.extract_strided_slice %bitcast_convert_type3A {offsets = [0, 4800], sizes = [256, 160], strides = [1, 1]} : vector<256x10240xi32> to vector<256x160xi32>
    %and3A_416 = arith.constant -64 : i32
    %and3A_417 = vector.broadcast %and3A_416 : i32 to vector<256x160xi32>
    %and3A_418 = arith.andi %slice3A_415, %and3A_417 : vector<256x160xi32>
    %or3A_419 = arith.constant 30 : i32
    %or3A_420 = vector.broadcast %or3A_419 : i32 to vector<256x160xi32>
    %or3A_421 = arith.ori %and3A_418, %or3A_420 : vector<256x160xi32>
    %max3A_422 = arith.maxsi %min3A_409, %or3A_421 : vector<256x160xi32>
    %min3A_423 = arith.minsi %min3A_409, %or3A_421 : vector<256x160xi32>
    %max3A_424 = arith.maxsi %min3A_411, %max3A_422 : vector<256x160xi32>
    %min3A_425 = arith.minsi %min3A_411, %max3A_422 : vector<256x160xi32>
    %max3A_426 = arith.maxsi %min3A_413, %max3A_424 : vector<256x160xi32>
    %min3A_427 = arith.minsi %min3A_413, %max3A_424 : vector<256x160xi32>
    %min3A_428 = arith.minsi %min3A_414, %max3A_426 : vector<256x160xi32>
    %slice3A_429 = vector.extract_strided_slice %bitcast_convert_type3A {offsets = [0, 4960], sizes = [256, 160], strides = [1, 1]} : vector<256x10240xi32> to vector<256x160xi32>
    %and3A_430 = arith.constant -64 : i32
    %and3A_431 = vector.broadcast %and3A_430 : i32 to vector<256x160xi32>
    %and3A_432 = arith.andi %slice3A_429, %and3A_431 : vector<256x160xi32>
    %or3A_433 = arith.constant 31 : i32
    %or3A_434 = vector.broadcast %or3A_433 : i32 to vector<256x160xi32>
    %or3A_435 = arith.ori %and3A_432, %or3A_434 : vector<256x160xi32>
    %max3A_436 = arith.maxsi %min3A_423, %or3A_435 : vector<256x160xi32>
    %min3A_437 = arith.minsi %min3A_423, %or3A_435 : vector<256x160xi32>
    %max3A_438 = arith.maxsi %min3A_425, %max3A_436 : vector<256x160xi32>
    %min3A_439 = arith.minsi %min3A_425, %max3A_436 : vector<256x160xi32>
    %max3A_440 = arith.maxsi %min3A_427, %max3A_438 : vector<256x160xi32>
    %min3A_441 = arith.minsi %min3A_427, %max3A_438 : vector<256x160xi32>
    %min3A_442 = arith.minsi %min3A_428, %max3A_440 : vector<256x160xi32>
    %slice3A_443 = vector.extract_strided_slice %bitcast_convert_type3A {offsets = [0, 5120], sizes = [256, 160], strides = [1, 1]} : vector<256x10240xi32> to vector<256x160xi32>
    %and3A_444 = arith.constant -64 : i32
    %and3A_445 = vector.broadcast %and3A_444 : i32 to vector<256x160xi32>
    %and3A_446 = arith.andi %slice3A_443, %and3A_445 : vector<256x160xi32>
    %or3A_447 = arith.constant 32 : i32
    %or3A_448 = vector.broadcast %or3A_447 : i32 to vector<256x160xi32>
    %or3A_449 = arith.ori %and3A_446, %or3A_448 : vector<256x160xi32>
    %max3A_450 = arith.maxsi %min3A_437, %or3A_449 : vector<256x160xi32>
    %min3A_451 = arith.minsi %min3A_437, %or3A_449 : vector<256x160xi32>
    %max3A_452 = arith.maxsi %min3A_439, %max3A_450 : vector<256x160xi32>
    %min3A_453 = arith.minsi %min3A_439, %max3A_450 : vector<256x160xi32>
    %max3A_454 = arith.maxsi %min3A_441, %max3A_452 : vector<256x160xi32>
    %min3A_455 = arith.minsi %min3A_441, %max3A_452 : vector<256x160xi32>
    %min3A_456 = arith.minsi %min3A_442, %max3A_454 : vector<256x160xi32>
    %slice3A_457 = vector.extract_strided_slice %bitcast_convert_type3A {offsets = [0, 5280], sizes = [256, 160], strides = [1, 1]} : vector<256x10240xi32> to vector<256x160xi32>
    %and3A_458 = arith.constant -64 : i32
    %and3A_459 = vector.broadcast %and3A_458 : i32 to vector<256x160xi32>
    %and3A_460 = arith.andi %slice3A_457, %and3A_459 : vector<256x160xi32>
    %or3A_461 = arith.constant 33 : i32
    %or3A_462 = vector.broadcast %or3A_461 : i32 to vector<256x160xi32>
    %or3A_463 = arith.ori %and3A_460, %or3A_462 : vector<256x160xi32>
    %max3A_464 = arith.maxsi %min3A_451, %or3A_463 : vector<256x160xi32>
    %min3A_465 = arith.minsi %min3A_451, %or3A_463 : vector<256x160xi32>
    %max3A_466 = arith.maxsi %min3A_453, %max3A_464 : vector<256x160xi32>
    %min3A_467 = arith.minsi %min3A_453, %max3A_464 : vector<256x160xi32>
    %max3A_468 = arith.maxsi %min3A_455, %max3A_466 : vector<256x160xi32>
    %min3A_469 = arith.minsi %min3A_455, %max3A_466 : vector<256x160xi32>
    %min3A_470 = arith.minsi %min3A_456, %max3A_468 : vector<256x160xi32>
    %slice3A_471 = vector.extract_strided_slice %bitcast_convert_type3A {offsets = [0, 5440], sizes = [256, 160], strides = [1, 1]} : vector<256x10240xi32> to vector<256x160xi32>
    %and3A_472 = arith.constant -64 : i32
    %and3A_473 = vector.broadcast %and3A_472 : i32 to vector<256x160xi32>
    %and3A_474 = arith.andi %slice3A_471, %and3A_473 : vector<256x160xi32>
    %or3A_475 = arith.constant 34 : i32
    %or3A_476 = vector.broadcast %or3A_475 : i32 to vector<256x160xi32>
    %or3A_477 = arith.ori %and3A_474, %or3A_476 : vector<256x160xi32>
    %max3A_478 = arith.maxsi %min3A_465, %or3A_477 : vector<256x160xi32>
    %min3A_479 = arith.minsi %min3A_465, %or3A_477 : vector<256x160xi32>
    %max3A_480 = arith.maxsi %min3A_467, %max3A_478 : vector<256x160xi32>
    %min3A_481 = arith.minsi %min3A_467, %max3A_478 : vector<256x160xi32>
    %max3A_482 = arith.maxsi %min3A_469, %max3A_480 : vector<256x160xi32>
    %min3A_483 = arith.minsi %min3A_469, %max3A_480 : vector<256x160xi32>
    %min3A_484 = arith.minsi %min3A_470, %max3A_482 : vector<256x160xi32>
    %slice3A_485 = vector.extract_strided_slice %bitcast_convert_type3A {offsets = [0, 5600], sizes = [256, 160], strides = [1, 1]} : vector<256x10240xi32> to vector<256x160xi32>
    %and3A_486 = arith.constant -64 : i32
    %and3A_487 = vector.broadcast %and3A_486 : i32 to vector<256x160xi32>
    %and3A_488 = arith.andi %slice3A_485, %and3A_487 : vector<256x160xi32>
    %or3A_489 = arith.constant 35 : i32
    %or3A_490 = vector.broadcast %or3A_489 : i32 to vector<256x160xi32>
    %or3A_491 = arith.ori %and3A_488, %or3A_490 : vector<256x160xi32>
    %max3A_492 = arith.maxsi %min3A_479, %or3A_491 : vector<256x160xi32>
    %min3A_493 = arith.minsi %min3A_479, %or3A_491 : vector<256x160xi32>
    %max3A_494 = arith.maxsi %min3A_481, %max3A_492 : vector<256x160xi32>
    %min3A_495 = arith.minsi %min3A_481, %max3A_492 : vector<256x160xi32>
    %max3A_496 = arith.maxsi %min3A_483, %max3A_494 : vector<256x160xi32>
    %min3A_497 = arith.minsi %min3A_483, %max3A_494 : vector<256x160xi32>
    %min3A_498 = arith.minsi %min3A_484, %max3A_496 : vector<256x160xi32>
    %slice3A_499 = vector.extract_strided_slice %bitcast_convert_type3A {offsets = [0, 5760], sizes = [256, 160], strides = [1, 1]} : vector<256x10240xi32> to vector<256x160xi32>
    %and3A_500 = arith.constant -64 : i32
    %and3A_501 = vector.broadcast %and3A_500 : i32 to vector<256x160xi32>
    %and3A_502 = arith.andi %slice3A_499, %and3A_501 : vector<256x160xi32>
    %or3A_503 = arith.constant 36 : i32
    %or3A_504 = vector.broadcast %or3A_503 : i32 to vector<256x160xi32>
    %or3A_505 = arith.ori %and3A_502, %or3A_504 : vector<256x160xi32>
    %max3A_506 = arith.maxsi %min3A_493, %or3A_505 : vector<256x160xi32>
    %min3A_507 = arith.minsi %min3A_493, %or3A_505 : vector<256x160xi32>
    %max3A_508 = arith.maxsi %min3A_495, %max3A_506 : vector<256x160xi32>
    %min3A_509 = arith.minsi %min3A_495, %max3A_506 : vector<256x160xi32>
    %max3A_510 = arith.maxsi %min3A_497, %max3A_508 : vector<256x160xi32>
    %min3A_511 = arith.minsi %min3A_497, %max3A_508 : vector<256x160xi32>
    %min3A_512 = arith.minsi %min3A_498, %max3A_510 : vector<256x160xi32>
    %slice3A_513 = vector.extract_strided_slice %bitcast_convert_type3A {offsets = [0, 5920], sizes = [256, 160], strides = [1, 1]} : vector<256x10240xi32> to vector<256x160xi32>
    %and3A_514 = arith.constant -64 : i32
    %and3A_515 = vector.broadcast %and3A_514 : i32 to vector<256x160xi32>
    %and3A_516 = arith.andi %slice3A_513, %and3A_515 : vector<256x160xi32>
    %or3A_517 = arith.constant 37 : i32
    %or3A_518 = vector.broadcast %or3A_517 : i32 to vector<256x160xi32>
    %or3A_519 = arith.ori %and3A_516, %or3A_518 : vector<256x160xi32>
    %max3A_520 = arith.maxsi %min3A_507, %or3A_519 : vector<256x160xi32>
    %min3A_521 = arith.minsi %min3A_507, %or3A_519 : vector<256x160xi32>
    %max3A_522 = arith.maxsi %min3A_509, %max3A_520 : vector<256x160xi32>
    %min3A_523 = arith.minsi %min3A_509, %max3A_520 : vector<256x160xi32>
    %max3A_524 = arith.maxsi %min3A_511, %max3A_522 : vector<256x160xi32>
    %min3A_525 = arith.minsi %min3A_511, %max3A_522 : vector<256x160xi32>
    %min3A_526 = arith.minsi %min3A_512, %max3A_524 : vector<256x160xi32>
    %slice3A_527 = vector.extract_strided_slice %bitcast_convert_type3A {offsets = [0, 6080], sizes = [256, 160], strides = [1, 1]} : vector<256x10240xi32> to vector<256x160xi32>
    %and3A_528 = arith.constant -64 : i32
    %and3A_529 = vector.broadcast %and3A_528 : i32 to vector<256x160xi32>
    %and3A_530 = arith.andi %slice3A_527, %and3A_529 : vector<256x160xi32>
    %or3A_531 = arith.constant 38 : i32
    %or3A_532 = vector.broadcast %or3A_531 : i32 to vector<256x160xi32>
    %or3A_533 = arith.ori %and3A_530, %or3A_532 : vector<256x160xi32>
    %max3A_534 = arith.maxsi %min3A_521, %or3A_533 : vector<256x160xi32>
    %min3A_535 = arith.minsi %min3A_521, %or3A_533 : vector<256x160xi32>
    %max3A_536 = arith.maxsi %min3A_523, %max3A_534 : vector<256x160xi32>
    %min3A_537 = arith.minsi %min3A_523, %max3A_534 : vector<256x160xi32>
    %max3A_538 = arith.maxsi %min3A_525, %max3A_536 : vector<256x160xi32>
    %min3A_539 = arith.minsi %min3A_525, %max3A_536 : vector<256x160xi32>
    %min3A_540 = arith.minsi %min3A_526, %max3A_538 : vector<256x160xi32>
    %slice3A_541 = vector.extract_strided_slice %bitcast_convert_type3A {offsets = [0, 6240], sizes = [256, 160], strides = [1, 1]} : vector<256x10240xi32> to vector<256x160xi32>
    %and3A_542 = arith.constant -64 : i32
    %and3A_543 = vector.broadcast %and3A_542 : i32 to vector<256x160xi32>
    %and3A_544 = arith.andi %slice3A_541, %and3A_543 : vector<256x160xi32>
    %or3A_545 = arith.constant 39 : i32
    %or3A_546 = vector.broadcast %or3A_545 : i32 to vector<256x160xi32>
    %or3A_547 = arith.ori %and3A_544, %or3A_546 : vector<256x160xi32>
    %max3A_548 = arith.maxsi %min3A_535, %or3A_547 : vector<256x160xi32>
    %min3A_549 = arith.minsi %min3A_535, %or3A_547 : vector<256x160xi32>
    %max3A_550 = arith.maxsi %min3A_537, %max3A_548 : vector<256x160xi32>
    %min3A_551 = arith.minsi %min3A_537, %max3A_548 : vector<256x160xi32>
    %max3A_552 = arith.maxsi %min3A_539, %max3A_550 : vector<256x160xi32>
    %min3A_553 = arith.minsi %min3A_539, %max3A_550 : vector<256x160xi32>
    %min3A_554 = arith.minsi %min3A_540, %max3A_552 : vector<256x160xi32>
    %slice3A_555 = vector.extract_strided_slice %bitcast_convert_type3A {offsets = [0, 6400], sizes = [256, 160], strides = [1, 1]} : vector<256x10240xi32> to vector<256x160xi32>
    %and3A_556 = arith.constant -64 : i32
    %and3A_557 = vector.broadcast %and3A_556 : i32 to vector<256x160xi32>
    %and3A_558 = arith.andi %slice3A_555, %and3A_557 : vector<256x160xi32>
    %or3A_559 = arith.constant 40 : i32
    %or3A_560 = vector.broadcast %or3A_559 : i32 to vector<256x160xi32>
    %or3A_561 = arith.ori %and3A_558, %or3A_560 : vector<256x160xi32>
    %max3A_562 = arith.maxsi %min3A_549, %or3A_561 : vector<256x160xi32>
    %min3A_563 = arith.minsi %min3A_549, %or3A_561 : vector<256x160xi32>
    %max3A_564 = arith.maxsi %min3A_551, %max3A_562 : vector<256x160xi32>
    %min3A_565 = arith.minsi %min3A_551, %max3A_562 : vector<256x160xi32>
    %max3A_566 = arith.maxsi %min3A_553, %max3A_564 : vector<256x160xi32>
    %min3A_567 = arith.minsi %min3A_553, %max3A_564 : vector<256x160xi32>
    %min3A_568 = arith.minsi %min3A_554, %max3A_566 : vector<256x160xi32>
    %slice3A_569 = vector.extract_strided_slice %bitcast_convert_type3A {offsets = [0, 6560], sizes = [256, 160], strides = [1, 1]} : vector<256x10240xi32> to vector<256x160xi32>
    %and3A_570 = arith.constant -64 : i32
    %and3A_571 = vector.broadcast %and3A_570 : i32 to vector<256x160xi32>
    %and3A_572 = arith.andi %slice3A_569, %and3A_571 : vector<256x160xi32>
    %or3A_573 = arith.constant 41 : i32
    %or3A_574 = vector.broadcast %or3A_573 : i32 to vector<256x160xi32>
    %or3A_575 = arith.ori %and3A_572, %or3A_574 : vector<256x160xi32>
    %max3A_576 = arith.maxsi %min3A_563, %or3A_575 : vector<256x160xi32>
    %min3A_577 = arith.minsi %min3A_563, %or3A_575 : vector<256x160xi32>
    %max3A_578 = arith.maxsi %min3A_565, %max3A_576 : vector<256x160xi32>
    %min3A_579 = arith.minsi %min3A_565, %max3A_576 : vector<256x160xi32>
    %max3A_580 = arith.maxsi %min3A_567, %max3A_578 : vector<256x160xi32>
    %min3A_581 = arith.minsi %min3A_567, %max3A_578 : vector<256x160xi32>
    %min3A_582 = arith.minsi %min3A_568, %max3A_580 : vector<256x160xi32>
    %slice3A_583 = vector.extract_strided_slice %bitcast_convert_type3A {offsets = [0, 6720], sizes = [256, 160], strides = [1, 1]} : vector<256x10240xi32> to vector<256x160xi32>
    %and3A_584 = arith.constant -64 : i32
    %and3A_585 = vector.broadcast %and3A_584 : i32 to vector<256x160xi32>
    %and3A_586 = arith.andi %slice3A_583, %and3A_585 : vector<256x160xi32>
    %or3A_587 = arith.constant 42 : i32
    %or3A_588 = vector.broadcast %or3A_587 : i32 to vector<256x160xi32>
    %or3A_589 = arith.ori %and3A_586, %or3A_588 : vector<256x160xi32>
    %max3A_590 = arith.maxsi %min3A_577, %or3A_589 : vector<256x160xi32>
    %min3A_591 = arith.minsi %min3A_577, %or3A_589 : vector<256x160xi32>
    %max3A_592 = arith.maxsi %min3A_579, %max3A_590 : vector<256x160xi32>
    %min3A_593 = arith.minsi %min3A_579, %max3A_590 : vector<256x160xi32>
    %max3A_594 = arith.maxsi %min3A_581, %max3A_592 : vector<256x160xi32>
    %min3A_595 = arith.minsi %min3A_581, %max3A_592 : vector<256x160xi32>
    %min3A_596 = arith.minsi %min3A_582, %max3A_594 : vector<256x160xi32>
    %slice3A_597 = vector.extract_strided_slice %bitcast_convert_type3A {offsets = [0, 6880], sizes = [256, 160], strides = [1, 1]} : vector<256x10240xi32> to vector<256x160xi32>
    %and3A_598 = arith.constant -64 : i32
    %and3A_599 = vector.broadcast %and3A_598 : i32 to vector<256x160xi32>
    %and3A_600 = arith.andi %slice3A_597, %and3A_599 : vector<256x160xi32>
    %or3A_601 = arith.constant 43 : i32
    %or3A_602 = vector.broadcast %or3A_601 : i32 to vector<256x160xi32>
    %or3A_603 = arith.ori %and3A_600, %or3A_602 : vector<256x160xi32>
    %max3A_604 = arith.maxsi %min3A_591, %or3A_603 : vector<256x160xi32>
    %min3A_605 = arith.minsi %min3A_591, %or3A_603 : vector<256x160xi32>
    %max3A_606 = arith.maxsi %min3A_593, %max3A_604 : vector<256x160xi32>
    %min3A_607 = arith.minsi %min3A_593, %max3A_604 : vector<256x160xi32>
    %max3A_608 = arith.maxsi %min3A_595, %max3A_606 : vector<256x160xi32>
    %min3A_609 = arith.minsi %min3A_595, %max3A_606 : vector<256x160xi32>
    %min3A_610 = arith.minsi %min3A_596, %max3A_608 : vector<256x160xi32>
    %slice3A_611 = vector.extract_strided_slice %bitcast_convert_type3A {offsets = [0, 7040], sizes = [256, 160], strides = [1, 1]} : vector<256x10240xi32> to vector<256x160xi32>
    %and3A_612 = arith.constant -64 : i32
    %and3A_613 = vector.broadcast %and3A_612 : i32 to vector<256x160xi32>
    %and3A_614 = arith.andi %slice3A_611, %and3A_613 : vector<256x160xi32>
    %or3A_615 = arith.constant 44 : i32
    %or3A_616 = vector.broadcast %or3A_615 : i32 to vector<256x160xi32>
    %or3A_617 = arith.ori %and3A_614, %or3A_616 : vector<256x160xi32>
    %max3A_618 = arith.maxsi %min3A_605, %or3A_617 : vector<256x160xi32>
    %min3A_619 = arith.minsi %min3A_605, %or3A_617 : vector<256x160xi32>
    %max3A_620 = arith.maxsi %min3A_607, %max3A_618 : vector<256x160xi32>
    %min3A_621 = arith.minsi %min3A_607, %max3A_618 : vector<256x160xi32>
    %max3A_622 = arith.maxsi %min3A_609, %max3A_620 : vector<256x160xi32>
    %min3A_623 = arith.minsi %min3A_609, %max3A_620 : vector<256x160xi32>
    %min3A_624 = arith.minsi %min3A_610, %max3A_622 : vector<256x160xi32>
    %slice3A_625 = vector.extract_strided_slice %bitcast_convert_type3A {offsets = [0, 7200], sizes = [256, 160], strides = [1, 1]} : vector<256x10240xi32> to vector<256x160xi32>
    %and3A_626 = arith.constant -64 : i32
    %and3A_627 = vector.broadcast %and3A_626 : i32 to vector<256x160xi32>
    %and3A_628 = arith.andi %slice3A_625, %and3A_627 : vector<256x160xi32>
    %or3A_629 = arith.constant 45 : i32
    %or3A_630 = vector.broadcast %or3A_629 : i32 to vector<256x160xi32>
    %or3A_631 = arith.ori %and3A_628, %or3A_630 : vector<256x160xi32>
    %max3A_632 = arith.maxsi %min3A_619, %or3A_631 : vector<256x160xi32>
    %min3A_633 = arith.minsi %min3A_619, %or3A_631 : vector<256x160xi32>
    %max3A_634 = arith.maxsi %min3A_621, %max3A_632 : vector<256x160xi32>
    %min3A_635 = arith.minsi %min3A_621, %max3A_632 : vector<256x160xi32>
    %max3A_636 = arith.maxsi %min3A_623, %max3A_634 : vector<256x160xi32>
    %min3A_637 = arith.minsi %min3A_623, %max3A_634 : vector<256x160xi32>
    %min3A_638 = arith.minsi %min3A_624, %max3A_636 : vector<256x160xi32>
    %slice3A_639 = vector.extract_strided_slice %bitcast_convert_type3A {offsets = [0, 7360], sizes = [256, 160], strides = [1, 1]} : vector<256x10240xi32> to vector<256x160xi32>
    %and3A_640 = arith.constant -64 : i32
    %and3A_641 = vector.broadcast %and3A_640 : i32 to vector<256x160xi32>
    %and3A_642 = arith.andi %slice3A_639, %and3A_641 : vector<256x160xi32>
    %or3A_643 = arith.constant 46 : i32
    %or3A_644 = vector.broadcast %or3A_643 : i32 to vector<256x160xi32>
    %or3A_645 = arith.ori %and3A_642, %or3A_644 : vector<256x160xi32>
    %max3A_646 = arith.maxsi %min3A_633, %or3A_645 : vector<256x160xi32>
    %min3A_647 = arith.minsi %min3A_633, %or3A_645 : vector<256x160xi32>
    %max3A_648 = arith.maxsi %min3A_635, %max3A_646 : vector<256x160xi32>
    %min3A_649 = arith.minsi %min3A_635, %max3A_646 : vector<256x160xi32>
    %max3A_650 = arith.maxsi %min3A_637, %max3A_648 : vector<256x160xi32>
    %min3A_651 = arith.minsi %min3A_637, %max3A_648 : vector<256x160xi32>
    %min3A_652 = arith.minsi %min3A_638, %max3A_650 : vector<256x160xi32>
    %slice3A_653 = vector.extract_strided_slice %bitcast_convert_type3A {offsets = [0, 7520], sizes = [256, 160], strides = [1, 1]} : vector<256x10240xi32> to vector<256x160xi32>
    %and3A_654 = arith.constant -64 : i32
    %and3A_655 = vector.broadcast %and3A_654 : i32 to vector<256x160xi32>
    %and3A_656 = arith.andi %slice3A_653, %and3A_655 : vector<256x160xi32>
    %or3A_657 = arith.constant 47 : i32
    %or3A_658 = vector.broadcast %or3A_657 : i32 to vector<256x160xi32>
    %or3A_659 = arith.ori %and3A_656, %or3A_658 : vector<256x160xi32>
    %max3A_660 = arith.maxsi %min3A_647, %or3A_659 : vector<256x160xi32>
    %min3A_661 = arith.minsi %min3A_647, %or3A_659 : vector<256x160xi32>
    %max3A_662 = arith.maxsi %min3A_649, %max3A_660 : vector<256x160xi32>
    %min3A_663 = arith.minsi %min3A_649, %max3A_660 : vector<256x160xi32>
    %max3A_664 = arith.maxsi %min3A_651, %max3A_662 : vector<256x160xi32>
    %min3A_665 = arith.minsi %min3A_651, %max3A_662 : vector<256x160xi32>
    %min3A_666 = arith.minsi %min3A_652, %max3A_664 : vector<256x160xi32>
    %slice3A_667 = vector.extract_strided_slice %bitcast_convert_type3A {offsets = [0, 7680], sizes = [256, 160], strides = [1, 1]} : vector<256x10240xi32> to vector<256x160xi32>
    %and3A_668 = arith.constant -64 : i32
    %and3A_669 = vector.broadcast %and3A_668 : i32 to vector<256x160xi32>
    %and3A_670 = arith.andi %slice3A_667, %and3A_669 : vector<256x160xi32>
    %or3A_671 = arith.constant 48 : i32
    %or3A_672 = vector.broadcast %or3A_671 : i32 to vector<256x160xi32>
    %or3A_673 = arith.ori %and3A_670, %or3A_672 : vector<256x160xi32>
    %max3A_674 = arith.maxsi %min3A_661, %or3A_673 : vector<256x160xi32>
    %min3A_675 = arith.minsi %min3A_661, %or3A_673 : vector<256x160xi32>
    %max3A_676 = arith.maxsi %min3A_663, %max3A_674 : vector<256x160xi32>
    %min3A_677 = arith.minsi %min3A_663, %max3A_674 : vector<256x160xi32>
    %max3A_678 = arith.maxsi %min3A_665, %max3A_676 : vector<256x160xi32>
    %min3A_679 = arith.minsi %min3A_665, %max3A_676 : vector<256x160xi32>
    %min3A_680 = arith.minsi %min3A_666, %max3A_678 : vector<256x160xi32>
    %slice3A_681 = vector.extract_strided_slice %bitcast_convert_type3A {offsets = [0, 7840], sizes = [256, 160], strides = [1, 1]} : vector<256x10240xi32> to vector<256x160xi32>
    %and3A_682 = arith.constant -64 : i32
    %and3A_683 = vector.broadcast %and3A_682 : i32 to vector<256x160xi32>
    %and3A_684 = arith.andi %slice3A_681, %and3A_683 : vector<256x160xi32>
    %or3A_685 = arith.constant 49 : i32
    %or3A_686 = vector.broadcast %or3A_685 : i32 to vector<256x160xi32>
    %or3A_687 = arith.ori %and3A_684, %or3A_686 : vector<256x160xi32>
    %max3A_688 = arith.maxsi %min3A_675, %or3A_687 : vector<256x160xi32>
    %min3A_689 = arith.minsi %min3A_675, %or3A_687 : vector<256x160xi32>
    %max3A_690 = arith.maxsi %min3A_677, %max3A_688 : vector<256x160xi32>
    %min3A_691 = arith.minsi %min3A_677, %max3A_688 : vector<256x160xi32>
    %max3A_692 = arith.maxsi %min3A_679, %max3A_690 : vector<256x160xi32>
    %min3A_693 = arith.minsi %min3A_679, %max3A_690 : vector<256x160xi32>
    %min3A_694 = arith.minsi %min3A_680, %max3A_692 : vector<256x160xi32>
    %slice3A_695 = vector.extract_strided_slice %bitcast_convert_type3A {offsets = [0, 8000], sizes = [256, 160], strides = [1, 1]} : vector<256x10240xi32> to vector<256x160xi32>
    %and3A_696 = arith.constant -64 : i32
    %and3A_697 = vector.broadcast %and3A_696 : i32 to vector<256x160xi32>
    %and3A_698 = arith.andi %slice3A_695, %and3A_697 : vector<256x160xi32>
    %or3A_699 = arith.constant 50 : i32
    %or3A_700 = vector.broadcast %or3A_699 : i32 to vector<256x160xi32>
    %or3A_701 = arith.ori %and3A_698, %or3A_700 : vector<256x160xi32>
    %max3A_702 = arith.maxsi %min3A_689, %or3A_701 : vector<256x160xi32>
    %min3A_703 = arith.minsi %min3A_689, %or3A_701 : vector<256x160xi32>
    %max3A_704 = arith.maxsi %min3A_691, %max3A_702 : vector<256x160xi32>
    %min3A_705 = arith.minsi %min3A_691, %max3A_702 : vector<256x160xi32>
    %max3A_706 = arith.maxsi %min3A_693, %max3A_704 : vector<256x160xi32>
    %min3A_707 = arith.minsi %min3A_693, %max3A_704 : vector<256x160xi32>
    %min3A_708 = arith.minsi %min3A_694, %max3A_706 : vector<256x160xi32>
    %slice3A_709 = vector.extract_strided_slice %bitcast_convert_type3A {offsets = [0, 8160], sizes = [256, 160], strides = [1, 1]} : vector<256x10240xi32> to vector<256x160xi32>
    %and3A_710 = arith.constant -64 : i32
    %and3A_711 = vector.broadcast %and3A_710 : i32 to vector<256x160xi32>
    %and3A_712 = arith.andi %slice3A_709, %and3A_711 : vector<256x160xi32>
    %or3A_713 = arith.constant 51 : i32
    %or3A_714 = vector.broadcast %or3A_713 : i32 to vector<256x160xi32>
    %or3A_715 = arith.ori %and3A_712, %or3A_714 : vector<256x160xi32>
    %max3A_716 = arith.maxsi %min3A_703, %or3A_715 : vector<256x160xi32>
    %min3A_717 = arith.minsi %min3A_703, %or3A_715 : vector<256x160xi32>
    %max3A_718 = arith.maxsi %min3A_705, %max3A_716 : vector<256x160xi32>
    %min3A_719 = arith.minsi %min3A_705, %max3A_716 : vector<256x160xi32>
    %max3A_720 = arith.maxsi %min3A_707, %max3A_718 : vector<256x160xi32>
    %min3A_721 = arith.minsi %min3A_707, %max3A_718 : vector<256x160xi32>
    %min3A_722 = arith.minsi %min3A_708, %max3A_720 : vector<256x160xi32>
    %slice3A_723 = vector.extract_strided_slice %bitcast_convert_type3A {offsets = [0, 8320], sizes = [256, 160], strides = [1, 1]} : vector<256x10240xi32> to vector<256x160xi32>
    %and3A_724 = arith.constant -64 : i32
    %and3A_725 = vector.broadcast %and3A_724 : i32 to vector<256x160xi32>
    %and3A_726 = arith.andi %slice3A_723, %and3A_725 : vector<256x160xi32>
    %or3A_727 = arith.constant 52 : i32
    %or3A_728 = vector.broadcast %or3A_727 : i32 to vector<256x160xi32>
    %or3A_729 = arith.ori %and3A_726, %or3A_728 : vector<256x160xi32>
    %max3A_730 = arith.maxsi %min3A_717, %or3A_729 : vector<256x160xi32>
    %min3A_731 = arith.minsi %min3A_717, %or3A_729 : vector<256x160xi32>
    %max3A_732 = arith.maxsi %min3A_719, %max3A_730 : vector<256x160xi32>
    %min3A_733 = arith.minsi %min3A_719, %max3A_730 : vector<256x160xi32>
    %max3A_734 = arith.maxsi %min3A_721, %max3A_732 : vector<256x160xi32>
    %min3A_735 = arith.minsi %min3A_721, %max3A_732 : vector<256x160xi32>
    %min3A_736 = arith.minsi %min3A_722, %max3A_734 : vector<256x160xi32>
    %slice3A_737 = vector.extract_strided_slice %bitcast_convert_type3A {offsets = [0, 8480], sizes = [256, 160], strides = [1, 1]} : vector<256x10240xi32> to vector<256x160xi32>
    %and3A_738 = arith.constant -64 : i32
    %and3A_739 = vector.broadcast %and3A_738 : i32 to vector<256x160xi32>
    %and3A_740 = arith.andi %slice3A_737, %and3A_739 : vector<256x160xi32>
    %or3A_741 = arith.constant 53 : i32
    %or3A_742 = vector.broadcast %or3A_741 : i32 to vector<256x160xi32>
    %or3A_743 = arith.ori %and3A_740, %or3A_742 : vector<256x160xi32>
    %max3A_744 = arith.maxsi %min3A_731, %or3A_743 : vector<256x160xi32>
    %min3A_745 = arith.minsi %min3A_731, %or3A_743 : vector<256x160xi32>
    %max3A_746 = arith.maxsi %min3A_733, %max3A_744 : vector<256x160xi32>
    %min3A_747 = arith.minsi %min3A_733, %max3A_744 : vector<256x160xi32>
    %max3A_748 = arith.maxsi %min3A_735, %max3A_746 : vector<256x160xi32>
    %min3A_749 = arith.minsi %min3A_735, %max3A_746 : vector<256x160xi32>
    %min3A_750 = arith.minsi %min3A_736, %max3A_748 : vector<256x160xi32>
    %slice3A_751 = vector.extract_strided_slice %bitcast_convert_type3A {offsets = [0, 8640], sizes = [256, 160], strides = [1, 1]} : vector<256x10240xi32> to vector<256x160xi32>
    %and3A_752 = arith.constant -64 : i32
    %and3A_753 = vector.broadcast %and3A_752 : i32 to vector<256x160xi32>
    %and3A_754 = arith.andi %slice3A_751, %and3A_753 : vector<256x160xi32>
    %or3A_755 = arith.constant 54 : i32
    %or3A_756 = vector.broadcast %or3A_755 : i32 to vector<256x160xi32>
    %or3A_757 = arith.ori %and3A_754, %or3A_756 : vector<256x160xi32>
    %max3A_758 = arith.maxsi %min3A_745, %or3A_757 : vector<256x160xi32>
    %min3A_759 = arith.minsi %min3A_745, %or3A_757 : vector<256x160xi32>
    %max3A_760 = arith.maxsi %min3A_747, %max3A_758 : vector<256x160xi32>
    %min3A_761 = arith.minsi %min3A_747, %max3A_758 : vector<256x160xi32>
    %max3A_762 = arith.maxsi %min3A_749, %max3A_760 : vector<256x160xi32>
    %min3A_763 = arith.minsi %min3A_749, %max3A_760 : vector<256x160xi32>
    %min3A_764 = arith.minsi %min3A_750, %max3A_762 : vector<256x160xi32>
    %slice3A_765 = vector.extract_strided_slice %bitcast_convert_type3A {offsets = [0, 8800], sizes = [256, 160], strides = [1, 1]} : vector<256x10240xi32> to vector<256x160xi32>
    %and3A_766 = arith.constant -64 : i32
    %and3A_767 = vector.broadcast %and3A_766 : i32 to vector<256x160xi32>
    %and3A_768 = arith.andi %slice3A_765, %and3A_767 : vector<256x160xi32>
    %or3A_769 = arith.constant 55 : i32
    %or3A_770 = vector.broadcast %or3A_769 : i32 to vector<256x160xi32>
    %or3A_771 = arith.ori %and3A_768, %or3A_770 : vector<256x160xi32>
    %max3A_772 = arith.maxsi %min3A_759, %or3A_771 : vector<256x160xi32>
    %min3A_773 = arith.minsi %min3A_759, %or3A_771 : vector<256x160xi32>
    %max3A_774 = arith.maxsi %min3A_761, %max3A_772 : vector<256x160xi32>
    %min3A_775 = arith.minsi %min3A_761, %max3A_772 : vector<256x160xi32>
    %max3A_776 = arith.maxsi %min3A_763, %max3A_774 : vector<256x160xi32>
    %min3A_777 = arith.minsi %min3A_763, %max3A_774 : vector<256x160xi32>
    %min3A_778 = arith.minsi %min3A_764, %max3A_776 : vector<256x160xi32>
    %slice3A_779 = vector.extract_strided_slice %bitcast_convert_type3A {offsets = [0, 8960], sizes = [256, 160], strides = [1, 1]} : vector<256x10240xi32> to vector<256x160xi32>
    %and3A_780 = arith.constant -64 : i32
    %and3A_781 = vector.broadcast %and3A_780 : i32 to vector<256x160xi32>
    %and3A_782 = arith.andi %slice3A_779, %and3A_781 : vector<256x160xi32>
    %or3A_783 = arith.constant 56 : i32
    %or3A_784 = vector.broadcast %or3A_783 : i32 to vector<256x160xi32>
    %or3A_785 = arith.ori %and3A_782, %or3A_784 : vector<256x160xi32>
    %max3A_786 = arith.maxsi %min3A_773, %or3A_785 : vector<256x160xi32>
    %min3A_787 = arith.minsi %min3A_773, %or3A_785 : vector<256x160xi32>
    %max3A_788 = arith.maxsi %min3A_775, %max3A_786 : vector<256x160xi32>
    %min3A_789 = arith.minsi %min3A_775, %max3A_786 : vector<256x160xi32>
    %max3A_790 = arith.maxsi %min3A_777, %max3A_788 : vector<256x160xi32>
    %min3A_791 = arith.minsi %min3A_777, %max3A_788 : vector<256x160xi32>
    %min3A_792 = arith.minsi %min3A_778, %max3A_790 : vector<256x160xi32>
    %slice3A_793 = vector.extract_strided_slice %bitcast_convert_type3A {offsets = [0, 9120], sizes = [256, 160], strides = [1, 1]} : vector<256x10240xi32> to vector<256x160xi32>
    %and3A_794 = arith.constant -64 : i32
    %and3A_795 = vector.broadcast %and3A_794 : i32 to vector<256x160xi32>
    %and3A_796 = arith.andi %slice3A_793, %and3A_795 : vector<256x160xi32>
    %or3A_797 = arith.constant 57 : i32
    %or3A_798 = vector.broadcast %or3A_797 : i32 to vector<256x160xi32>
    %or3A_799 = arith.ori %and3A_796, %or3A_798 : vector<256x160xi32>
    %max3A_800 = arith.maxsi %min3A_787, %or3A_799 : vector<256x160xi32>
    %min3A_801 = arith.minsi %min3A_787, %or3A_799 : vector<256x160xi32>
    %max3A_802 = arith.maxsi %min3A_789, %max3A_800 : vector<256x160xi32>
    %min3A_803 = arith.minsi %min3A_789, %max3A_800 : vector<256x160xi32>
    %max3A_804 = arith.maxsi %min3A_791, %max3A_802 : vector<256x160xi32>
    %min3A_805 = arith.minsi %min3A_791, %max3A_802 : vector<256x160xi32>
    %min3A_806 = arith.minsi %min3A_792, %max3A_804 : vector<256x160xi32>
    %slice3A_807 = vector.extract_strided_slice %bitcast_convert_type3A {offsets = [0, 9280], sizes = [256, 160], strides = [1, 1]} : vector<256x10240xi32> to vector<256x160xi32>
    %and3A_808 = arith.constant -64 : i32
    %and3A_809 = vector.broadcast %and3A_808 : i32 to vector<256x160xi32>
    %and3A_810 = arith.andi %slice3A_807, %and3A_809 : vector<256x160xi32>
    %or3A_811 = arith.constant 58 : i32
    %or3A_812 = vector.broadcast %or3A_811 : i32 to vector<256x160xi32>
    %or3A_813 = arith.ori %and3A_810, %or3A_812 : vector<256x160xi32>
    %max3A_814 = arith.maxsi %min3A_801, %or3A_813 : vector<256x160xi32>
    %min3A_815 = arith.minsi %min3A_801, %or3A_813 : vector<256x160xi32>
    %max3A_816 = arith.maxsi %min3A_803, %max3A_814 : vector<256x160xi32>
    %min3A_817 = arith.minsi %min3A_803, %max3A_814 : vector<256x160xi32>
    %max3A_818 = arith.maxsi %min3A_805, %max3A_816 : vector<256x160xi32>
    %min3A_819 = arith.minsi %min3A_805, %max3A_816 : vector<256x160xi32>
    %min3A_820 = arith.minsi %min3A_806, %max3A_818 : vector<256x160xi32>
    %slice3A_821 = vector.extract_strided_slice %bitcast_convert_type3A {offsets = [0, 9440], sizes = [256, 160], strides = [1, 1]} : vector<256x10240xi32> to vector<256x160xi32>
    %and3A_822 = arith.constant -64 : i32
    %and3A_823 = vector.broadcast %and3A_822 : i32 to vector<256x160xi32>
    %and3A_824 = arith.andi %slice3A_821, %and3A_823 : vector<256x160xi32>
    %or3A_825 = arith.constant 59 : i32
    %or3A_826 = vector.broadcast %or3A_825 : i32 to vector<256x160xi32>
    %or3A_827 = arith.ori %and3A_824, %or3A_826 : vector<256x160xi32>
    %max3A_828 = arith.maxsi %min3A_815, %or3A_827 : vector<256x160xi32>
    %min3A_829 = arith.minsi %min3A_815, %or3A_827 : vector<256x160xi32>
    %max3A_830 = arith.maxsi %min3A_817, %max3A_828 : vector<256x160xi32>
    %min3A_831 = arith.minsi %min3A_817, %max3A_828 : vector<256x160xi32>
    %max3A_832 = arith.maxsi %min3A_819, %max3A_830 : vector<256x160xi32>
    %min3A_833 = arith.minsi %min3A_819, %max3A_830 : vector<256x160xi32>
    %min3A_834 = arith.minsi %min3A_820, %max3A_832 : vector<256x160xi32>
    %slice3A_835 = vector.extract_strided_slice %bitcast_convert_type3A {offsets = [0, 9600], sizes = [256, 160], strides = [1, 1]} : vector<256x10240xi32> to vector<256x160xi32>
    %and3A_836 = arith.constant -64 : i32
    %and3A_837 = vector.broadcast %and3A_836 : i32 to vector<256x160xi32>
    %and3A_838 = arith.andi %slice3A_835, %and3A_837 : vector<256x160xi32>
    %or3A_839 = arith.constant 60 : i32
    %or3A_840 = vector.broadcast %or3A_839 : i32 to vector<256x160xi32>
    %or3A_841 = arith.ori %and3A_838, %or3A_840 : vector<256x160xi32>
    %max3A_842 = arith.maxsi %min3A_829, %or3A_841 : vector<256x160xi32>
    %min3A_843 = arith.minsi %min3A_829, %or3A_841 : vector<256x160xi32>
    %max3A_844 = arith.maxsi %min3A_831, %max3A_842 : vector<256x160xi32>
    %min3A_845 = arith.minsi %min3A_831, %max3A_842 : vector<256x160xi32>
    %max3A_846 = arith.maxsi %min3A_833, %max3A_844 : vector<256x160xi32>
    %min3A_847 = arith.minsi %min3A_833, %max3A_844 : vector<256x160xi32>
    %min3A_848 = arith.minsi %min3A_834, %max3A_846 : vector<256x160xi32>
    %slice3A_849 = vector.extract_strided_slice %bitcast_convert_type3A {offsets = [0, 9760], sizes = [256, 160], strides = [1, 1]} : vector<256x10240xi32> to vector<256x160xi32>
    %and3A_850 = arith.constant -64 : i32
    %and3A_851 = vector.broadcast %and3A_850 : i32 to vector<256x160xi32>
    %and3A_852 = arith.andi %slice3A_849, %and3A_851 : vector<256x160xi32>
    %or3A_853 = arith.constant 61 : i32
    %or3A_854 = vector.broadcast %or3A_853 : i32 to vector<256x160xi32>
    %or3A_855 = arith.ori %and3A_852, %or3A_854 : vector<256x160xi32>
    %max3A_856 = arith.maxsi %min3A_843, %or3A_855 : vector<256x160xi32>
    %min3A_857 = arith.minsi %min3A_843, %or3A_855 : vector<256x160xi32>
    %max3A_858 = arith.maxsi %min3A_845, %max3A_856 : vector<256x160xi32>
    %min3A_859 = arith.minsi %min3A_845, %max3A_856 : vector<256x160xi32>
    %max3A_860 = arith.maxsi %min3A_847, %max3A_858 : vector<256x160xi32>
    %min3A_861 = arith.minsi %min3A_847, %max3A_858 : vector<256x160xi32>
    %min3A_862 = arith.minsi %min3A_848, %max3A_860 : vector<256x160xi32>
    %slice3A_863 = vector.extract_strided_slice %bitcast_convert_type3A {offsets = [0, 9920], sizes = [256, 160], strides = [1, 1]} : vector<256x10240xi32> to vector<256x160xi32>
    %and3A_864 = arith.constant -64 : i32
    %and3A_865 = vector.broadcast %and3A_864 : i32 to vector<256x160xi32>
    %and3A_866 = arith.andi %slice3A_863, %and3A_865 : vector<256x160xi32>
    %or3A_867 = arith.constant 62 : i32
    %or3A_868 = vector.broadcast %or3A_867 : i32 to vector<256x160xi32>
    %or3A_869 = arith.ori %and3A_866, %or3A_868 : vector<256x160xi32>
    %max3A_870 = arith.maxsi %min3A_857, %or3A_869 : vector<256x160xi32>
    %min3A_871 = arith.minsi %min3A_857, %or3A_869 : vector<256x160xi32>
    %max3A_872 = arith.maxsi %min3A_859, %max3A_870 : vector<256x160xi32>
    %min3A_873 = arith.minsi %min3A_859, %max3A_870 : vector<256x160xi32>
    %max3A_874 = arith.maxsi %min3A_861, %max3A_872 : vector<256x160xi32>
    %min3A_875 = arith.minsi %min3A_861, %max3A_872 : vector<256x160xi32>
    %min3A_876 = arith.minsi %min3A_862, %max3A_874 : vector<256x160xi32>
    %slice3A_877 = vector.extract_strided_slice %bitcast_convert_type3A {offsets = [0, 10080], sizes = [256, 160], strides = [1, 1]} : vector<256x10240xi32> to vector<256x160xi32>
    %and3A_878 = arith.constant -64 : i32
    %and3A_879 = vector.broadcast %and3A_878 : i32 to vector<256x160xi32>
    %and3A_880 = arith.andi %slice3A_877, %and3A_879 : vector<256x160xi32>
    %or3A_881 = arith.constant 63 : i32
    %or3A_882 = vector.broadcast %or3A_881 : i32 to vector<256x160xi32>
    %or3A_883 = arith.ori %and3A_880, %or3A_882 : vector<256x160xi32>
    %max3A_884 = arith.maxsi %min3A_871, %or3A_883 : vector<256x160xi32>
    %min3A_885 = arith.minsi %min3A_871, %or3A_883 : vector<256x160xi32>
    %max3A_886 = arith.maxsi %min3A_873, %max3A_884 : vector<256x160xi32>
    %min3A_887 = arith.minsi %min3A_873, %max3A_884 : vector<256x160xi32>
    %max3A_888 = arith.maxsi %min3A_875, %max3A_886 : vector<256x160xi32>
    %min3A_889 = arith.minsi %min3A_875, %max3A_886 : vector<256x160xi32>
    %min3A_890 = arith.minsi %min3A_876, %max3A_888 : vector<256x160xi32>
    %iota3A = tpu.iota {dimensions = array<i32: 1>} : vector<256x160xi32>
    %reduce_min3A = arith.constant dense<2147483647> : vector<256xi32>
    %reduce_min3A_891 = vector.multi_reduction <minsi>, %min3A_885, %reduce_min3A [1] : vector<256x160xi32> to vector<256xi32>
    %broadcast_in_dim3A_892 = vector.shape_cast %reduce_min3A_891 : vector<256xi32> to vector<256x1xi32>
    %le3A = vector.broadcast %broadcast_in_dim3A_892 : vector<256x1xi32> to vector<256x160xi32>
    %le3A_893 = arith.cmpi sle, %min3A_885, %le3A : vector<256x160xi32>
    %jit3A = arith.constant 160 : i32
    %broadcast_in_dim3A_894 = vector.broadcast %jit3A : i32 to vector<256x160xi32>
    %select_n3A = arith.select %le3A_893, %iota3A, %broadcast_in_dim3A_894 : vector<256x160xi1>, vector<256x160xi32>
    %reduce_min3A_895 = arith.constant dense<2147483647> : vector<256xi32>
    %reduce_min3A_896 = vector.multi_reduction <minsi>, %select_n3A, %reduce_min3A_895 [1] : vector<256x160xi32> to vector<256xi32>
    %broadcast_in_dim3A_897 = vector.shape_cast %reduce_min3A_896 : vector<256xi32> to vector<256x1xi32>
    %and3A_898 = arith.constant 63 : i32
    %and3A_899 = vector.broadcast %and3A_898 : i32 to vector<256x1xi32>
    %and3A_900 = arith.andi %broadcast_in_dim3A_892, %and3A_899 : vector<256x1xi32>
    %mul3A = arith.constant 160 : i32
    %mul3A_901 = vector.broadcast %mul3A : i32 to vector<256x1xi32>
    %mul3A_902 = arith.muli %and3A_900, %mul3A_901 : vector<256x1xi32>
    %add3A = arith.addi %mul3A_902, %broadcast_in_dim3A_897 : vector<256x1xi32>
    %swap3A = arith.constant 0 : index
    %swap3A_903 = arith.constant 0 : index
    %swap3A_904 = vector.load %arg3[%swap3A, %swap3A_903] : memref<256x16xi32, #tpu.memory_space<vmem>>, vector<256x1xi32>
    tpu.vector_store %arg3[%swap3A, %swap3A_903], %add3A {strides = array<i32>} : memref<256x16xi32, #tpu.memory_space<vmem>>, vector<256x1xi32>,
    %eq3A = vector.broadcast %broadcast_in_dim3A_897 : vector<256x1xi32> to vector<256x160xi32>
    %eq3A_905 = arith.cmpi eq, %iota3A, %eq3A : vector<256x160xi32>
    %select_n3A_906 = arith.select %eq3A_905, %min3A_887, %min3A_885 : vector<256x160xi1>, vector<256x160xi32>
    %select_n3A_907 = arith.select %eq3A_905, %min3A_889, %min3A_887 : vector<256x160xi1>, vector<256x160xi32>
    %select_n3A_908 = arith.select %eq3A_905, %min3A_890, %min3A_889 : vector<256x160xi1>, vector<256x160xi32>
    %jit3A_909 = arith.constant 2147483647 : i32
    %broadcast_in_dim3A_910 = vector.broadcast %jit3A_909 : i32 to vector<256x160xi32>
    %select_n3A_911 = arith.select %eq3A_905, %broadcast_in_dim3A_910, %min3A_890 : vector<256x160xi1>, vector<256x160xi32>
    %reduce_min3A_912 = arith.constant dense<2147483647> : vector<256xi32>
    %reduce_min3A_913 = vector.multi_reduction <minsi>, %select_n3A_906, %reduce_min3A_912 [1] : vector<256x160xi32> to vector<256xi32>
    %broadcast_in_dim3A_914 = vector.shape_cast %reduce_min3A_913 : vector<256xi32> to vector<256x1xi32>
    %le3A_915 = vector.broadcast %broadcast_in_dim3A_914 : vector<256x1xi32> to vector<256x160xi32>
    %le3A_916 = arith.cmpi sle, %select_n3A_906, %le3A_915 : vector<256x160xi32>
    %jit3A_917 = arith.constant 160 : i32
    %broadcast_in_dim3A_918 = vector.broadcast %jit3A_917 : i32 to vector<256x160xi32>
    %select_n3A_919 = arith.select %le3A_916, %iota3A, %broadcast_in_dim3A_918 : vector<256x160xi1>, vector<256x160xi32>
    %reduce_min3A_920 = arith.constant dense<2147483647> : vector<256xi32>
    %reduce_min3A_921 = vector.multi_reduction <minsi>, %select_n3A_919, %reduce_min3A_920 [1] : vector<256x160xi32> to vector<256xi32>
    %broadcast_in_dim3A_922 = vector.shape_cast %reduce_min3A_921 : vector<256xi32> to vector<256x1xi32>
    %and3A_923 = arith.constant 63 : i32
    %and3A_924 = vector.broadcast %and3A_923 : i32 to vector<256x1xi32>
    %and3A_925 = arith.andi %broadcast_in_dim3A_914, %and3A_924 : vector<256x1xi32>
    %mul3A_926 = arith.constant 160 : i32
    %mul3A_927 = vector.broadcast %mul3A_926 : i32 to vector<256x1xi32>
    %mul3A_928 = arith.muli %and3A_925, %mul3A_927 : vector<256x1xi32>
    %add3A_929 = arith.addi %mul3A_928, %broadcast_in_dim3A_922 : vector<256x1xi32>
    %swap3A_930 = arith.constant 0 : index
    %swap3A_931 = arith.constant 1 : index
    %swap3A_932 = vector.load %arg3[%swap3A_930, %swap3A_931] : memref<256x16xi32, #tpu.memory_space<vmem>>, vector<256x1xi32>
    tpu.vector_store %arg3[%swap3A_930, %swap3A_931], %add3A_929 {strides = array<i32>} : memref<256x16xi32, #tpu.memory_space<vmem>>, vector<256x1xi32>,
    %eq3A_933 = vector.broadcast %broadcast_in_dim3A_922 : vector<256x1xi32> to vector<256x160xi32>
    %eq3A_934 = arith.cmpi eq, %iota3A, %eq3A_933 : vector<256x160xi32>
    %select_n3A_935 = arith.select %eq3A_934, %select_n3A_907, %select_n3A_906 : vector<256x160xi1>, vector<256x160xi32>
    %select_n3A_936 = arith.select %eq3A_934, %select_n3A_908, %select_n3A_907 : vector<256x160xi1>, vector<256x160xi32>
    %select_n3A_937 = arith.select %eq3A_934, %select_n3A_911, %select_n3A_908 : vector<256x160xi1>, vector<256x160xi32>
    %jit3A_938 = arith.constant 2147483647 : i32
    %broadcast_in_dim3A_939 = vector.broadcast %jit3A_938 : i32 to vector<256x160xi32>
    %select_n3A_940 = arith.select %eq3A_934, %broadcast_in_dim3A_939, %select_n3A_911 : vector<256x160xi1>, vector<256x160xi32>
    %reduce_min3A_941 = arith.constant dense<2147483647> : vector<256xi32>
    %reduce_min3A_942 = vector.multi_reduction <minsi>, %select_n3A_935, %reduce_min3A_941 [1] : vector<256x160xi32> to vector<256xi32>
    %broadcast_in_dim3A_943 = vector.shape_cast %reduce_min3A_942 : vector<256xi32> to vector<256x1xi32>
    %le3A_944 = vector.broadcast %broadcast_in_dim3A_943 : vector<256x1xi32> to vector<256x160xi32>
    %le3A_945 = arith.cmpi sle, %select_n3A_935, %le3A_944 : vector<256x160xi32>
    %jit3A_946 = arith.constant 160 : i32
    %broadcast_in_dim3A_947 = vector.broadcast %jit3A_946 : i32 to vector<256x160xi32>
    %select_n3A_948 = arith.select %le3A_945, %iota3A, %broadcast_in_dim3A_947 : vector<256x160xi1>, vector<256x160xi32>
    %reduce_min3A_949 = arith.constant dense<2147483647> : vector<256xi32>
    %reduce_min3A_950 = vector.multi_reduction <minsi>, %select_n3A_948, %reduce_min3A_949 [1] : vector<256x160xi32> to vector<256xi32>
    %broadcast_in_dim3A_951 = vector.shape_cast %reduce_min3A_950 : vector<256xi32> to vector<256x1xi32>
    %and3A_952 = arith.constant 63 : i32
    %and3A_953 = vector.broadcast %and3A_952 : i32 to vector<256x1xi32>
    %and3A_954 = arith.andi %broadcast_in_dim3A_943, %and3A_953 : vector<256x1xi32>
    %mul3A_955 = arith.constant 160 : i32
    %mul3A_956 = vector.broadcast %mul3A_955 : i32 to vector<256x1xi32>
    %mul3A_957 = arith.muli %and3A_954, %mul3A_956 : vector<256x1xi32>
    %add3A_958 = arith.addi %mul3A_957, %broadcast_in_dim3A_951 : vector<256x1xi32>
    %swap3A_959 = arith.constant 0 : index
    %swap3A_960 = arith.constant 2 : index
    %swap3A_961 = vector.load %arg3[%swap3A_959, %swap3A_960] : memref<256x16xi32, #tpu.memory_space<vmem>>, vector<256x1xi32>
    tpu.vector_store %arg3[%swap3A_959, %swap3A_960], %add3A_958 {strides = array<i32>} : memref<256x16xi32, #tpu.memory_space<vmem>>, vector<256x1xi32>,
    %eq3A_962 = vector.broadcast %broadcast_in_dim3A_951 : vector<256x1xi32> to vector<256x160xi32>
    %eq3A_963 = arith.cmpi eq, %iota3A, %eq3A_962 : vector<256x160xi32>
    %select_n3A_964 = arith.select %eq3A_963, %select_n3A_936, %select_n3A_935 : vector<256x160xi1>, vector<256x160xi32>
    %select_n3A_965 = arith.select %eq3A_963, %select_n3A_937, %select_n3A_936 : vector<256x160xi1>, vector<256x160xi32>
    %select_n3A_966 = arith.select %eq3A_963, %select_n3A_940, %select_n3A_937 : vector<256x160xi1>, vector<256x160xi32>
    %jit3A_967 = arith.constant 2147483647 : i32
    %broadcast_in_dim3A_968 = vector.broadcast %jit3A_967 : i32 to vector<256x160xi32>
    %select_n3A_969 = arith.select %eq3A_963, %broadcast_in_dim3A_968, %select_n3A_940 : vector<256x160xi1>, vector<256x160xi32>
    %reduce_min3A_970 = arith.constant dense<2147483647> : vector<256xi32>
    %reduce_min3A_971 = vector.multi_reduction <minsi>, %select_n3A_964, %reduce_min3A_970 [1] : vector<256x160xi32> to vector<256xi32>
    %broadcast_in_dim3A_972 = vector.shape_cast %reduce_min3A_971 : vector<256xi32> to vector<256x1xi32>
    %le3A_973 = vector.broadcast %broadcast_in_dim3A_972 : vector<256x1xi32> to vector<256x160xi32>
    %le3A_974 = arith.cmpi sle, %select_n3A_964, %le3A_973 : vector<256x160xi32>
    %jit3A_975 = arith.constant 160 : i32
    %broadcast_in_dim3A_976 = vector.broadcast %jit3A_975 : i32 to vector<256x160xi32>
    %select_n3A_977 = arith.select %le3A_974, %iota3A, %broadcast_in_dim3A_976 : vector<256x160xi1>, vector<256x160xi32>
    %reduce_min3A_978 = arith.constant dense<2147483647> : vector<256xi32>
    %reduce_min3A_979 = vector.multi_reduction <minsi>, %select_n3A_977, %reduce_min3A_978 [1] : vector<256x160xi32> to vector<256xi32>
    %broadcast_in_dim3A_980 = vector.shape_cast %reduce_min3A_979 : vector<256xi32> to vector<256x1xi32>
    %and3A_981 = arith.constant 63 : i32
    %and3A_982 = vector.broadcast %and3A_981 : i32 to vector<256x1xi32>
    %and3A_983 = arith.andi %broadcast_in_dim3A_972, %and3A_982 : vector<256x1xi32>
    %mul3A_984 = arith.constant 160 : i32
    %mul3A_985 = vector.broadcast %mul3A_984 : i32 to vector<256x1xi32>
    %mul3A_986 = arith.muli %and3A_983, %mul3A_985 : vector<256x1xi32>
    %add3A_987 = arith.addi %mul3A_986, %broadcast_in_dim3A_980 : vector<256x1xi32>
    %swap3A_988 = arith.constant 0 : index
    %swap3A_989 = arith.constant 3 : index
    %swap3A_990 = vector.load %arg3[%swap3A_988, %swap3A_989] : memref<256x16xi32, #tpu.memory_space<vmem>>, vector<256x1xi32>
    tpu.vector_store %arg3[%swap3A_988, %swap3A_989], %add3A_987 {strides = array<i32>} : memref<256x16xi32, #tpu.memory_space<vmem>>, vector<256x1xi32>,
    %eq3A_991 = vector.broadcast %broadcast_in_dim3A_980 : vector<256x1xi32> to vector<256x160xi32>
    %eq3A_992 = arith.cmpi eq, %iota3A, %eq3A_991 : vector<256x160xi32>
    %select_n3A_993 = arith.select %eq3A_992, %select_n3A_965, %select_n3A_964 : vector<256x160xi1>, vector<256x160xi32>
    %select_n3A_994 = arith.select %eq3A_992, %select_n3A_966, %select_n3A_965 : vector<256x160xi1>, vector<256x160xi32>
    %select_n3A_995 = arith.select %eq3A_992, %select_n3A_969, %select_n3A_966 : vector<256x160xi1>, vector<256x160xi32>
    %jit3A_996 = arith.constant 2147483647 : i32
    %broadcast_in_dim3A_997 = vector.broadcast %jit3A_996 : i32 to vector<256x160xi32>
    %select_n3A_998 = arith.select %eq3A_992, %broadcast_in_dim3A_997, %select_n3A_969 : vector<256x160xi1>, vector<256x160xi32>
    %reduce_min3A_999 = arith.constant dense<2147483647> : vector<256xi32>
    %reduce_min3A_1000 = vector.multi_reduction <minsi>, %select_n3A_993, %reduce_min3A_999 [1] : vector<256x160xi32> to vector<256xi32>
    %broadcast_in_dim3A_1001 = vector.shape_cast %reduce_min3A_1000 : vector<256xi32> to vector<256x1xi32>
    %le3A_1002 = vector.broadcast %broadcast_in_dim3A_1001 : vector<256x1xi32> to vector<256x160xi32>
    %le3A_1003 = arith.cmpi sle, %select_n3A_993, %le3A_1002 : vector<256x160xi32>
    %jit3A_1004 = arith.constant 160 : i32
    %broadcast_in_dim3A_1005 = vector.broadcast %jit3A_1004 : i32 to vector<256x160xi32>
    %select_n3A_1006 = arith.select %le3A_1003, %iota3A, %broadcast_in_dim3A_1005 : vector<256x160xi1>, vector<256x160xi32>
    %reduce_min3A_1007 = arith.constant dense<2147483647> : vector<256xi32>
    %reduce_min3A_1008 = vector.multi_reduction <minsi>, %select_n3A_1006, %reduce_min3A_1007 [1] : vector<256x160xi32> to vector<256xi32>
    %broadcast_in_dim3A_1009 = vector.shape_cast %reduce_min3A_1008 : vector<256xi32> to vector<256x1xi32>
    %and3A_1010 = arith.constant 63 : i32
    %and3A_1011 = vector.broadcast %and3A_1010 : i32 to vector<256x1xi32>
    %and3A_1012 = arith.andi %broadcast_in_dim3A_1001, %and3A_1011 : vector<256x1xi32>
    %mul3A_1013 = arith.constant 160 : i32
    %mul3A_1014 = vector.broadcast %mul3A_1013 : i32 to vector<256x1xi32>
    %mul3A_1015 = arith.muli %and3A_1012, %mul3A_1014 : vector<256x1xi32>
    %add3A_1016 = arith.addi %mul3A_1015, %broadcast_in_dim3A_1009 : vector<256x1xi32>
    %swap3A_1017 = arith.constant 0 : index
    %swap3A_1018 = arith.constant 4 : index
    %swap3A_1019 = vector.load %arg3[%swap3A_1017, %swap3A_1018] : memref<256x16xi32, #tpu.memory_space<vmem>>, vector<256x1xi32>
    tpu.vector_store %arg3[%swap3A_1017, %swap3A_1018], %add3A_1016 {strides = array<i32>} : memref<256x16xi32, #tpu.memory_space<vmem>>, vector<256x1xi32>,
    %eq3A_1020 = vector.broadcast %broadcast_in_dim3A_1009 : vector<256x1xi32> to vector<256x160xi32>
    %eq3A_1021 = arith.cmpi eq, %iota3A, %eq3A_1020 : vector<256x160xi32>
    %select_n3A_1022 = arith.select %eq3A_1021, %select_n3A_994, %select_n3A_993 : vector<256x160xi1>, vector<256x160xi32>
    %select_n3A_1023 = arith.select %eq3A_1021, %select_n3A_995, %select_n3A_994 : vector<256x160xi1>, vector<256x160xi32>
    %select_n3A_1024 = arith.select %eq3A_1021, %select_n3A_998, %select_n3A_995 : vector<256x160xi1>, vector<256x160xi32>
    %jit3A_1025 = arith.constant 2147483647 : i32
    %broadcast_in_dim3A_1026 = vector.broadcast %jit3A_1025 : i32 to vector<256x160xi32>
    %select_n3A_1027 = arith.select %eq3A_1021, %broadcast_in_dim3A_1026, %select_n3A_998 : vector<256x160xi1>, vector<256x160xi32>
    %reduce_min3A_1028 = arith.constant dense<2147483647> : vector<256xi32>
    %reduce_min3A_1029 = vector.multi_reduction <minsi>, %select_n3A_1022, %reduce_min3A_1028 [1] : vector<256x160xi32> to vector<256xi32>
    %broadcast_in_dim3A_1030 = vector.shape_cast %reduce_min3A_1029 : vector<256xi32> to vector<256x1xi32>
    %le3A_1031 = vector.broadcast %broadcast_in_dim3A_1030 : vector<256x1xi32> to vector<256x160xi32>
    %le3A_1032 = arith.cmpi sle, %select_n3A_1022, %le3A_1031 : vector<256x160xi32>
    %jit3A_1033 = arith.constant 160 : i32
    %broadcast_in_dim3A_1034 = vector.broadcast %jit3A_1033 : i32 to vector<256x160xi32>
    %select_n3A_1035 = arith.select %le3A_1032, %iota3A, %broadcast_in_dim3A_1034 : vector<256x160xi1>, vector<256x160xi32>
    %reduce_min3A_1036 = arith.constant dense<2147483647> : vector<256xi32>
    %reduce_min3A_1037 = vector.multi_reduction <minsi>, %select_n3A_1035, %reduce_min3A_1036 [1] : vector<256x160xi32> to vector<256xi32>
    %broadcast_in_dim3A_1038 = vector.shape_cast %reduce_min3A_1037 : vector<256xi32> to vector<256x1xi32>
    %and3A_1039 = arith.constant 63 : i32
    %and3A_1040 = vector.broadcast %and3A_1039 : i32 to vector<256x1xi32>
    %and3A_1041 = arith.andi %broadcast_in_dim3A_1030, %and3A_1040 : vector<256x1xi32>
    %mul3A_1042 = arith.constant 160 : i32
    %mul3A_1043 = vector.broadcast %mul3A_1042 : i32 to vector<256x1xi32>
    %mul3A_1044 = arith.muli %and3A_1041, %mul3A_1043 : vector<256x1xi32>
    %add3A_1045 = arith.addi %mul3A_1044, %broadcast_in_dim3A_1038 : vector<256x1xi32>
    %swap3A_1046 = arith.constant 0 : index
    %swap3A_1047 = arith.constant 5 : index
    %swap3A_1048 = vector.load %arg3[%swap3A_1046, %swap3A_1047] : memref<256x16xi32, #tpu.memory_space<vmem>>, vector<256x1xi32>
    tpu.vector_store %arg3[%swap3A_1046, %swap3A_1047], %add3A_1045 {strides = array<i32>} : memref<256x16xi32, #tpu.memory_space<vmem>>, vector<256x1xi32>,
    %eq3A_1049 = vector.broadcast %broadcast_in_dim3A_1038 : vector<256x1xi32> to vector<256x160xi32>
    %eq3A_1050 = arith.cmpi eq, %iota3A, %eq3A_1049 : vector<256x160xi32>
    %select_n3A_1051 = arith.select %eq3A_1050, %select_n3A_1023, %select_n3A_1022 : vector<256x160xi1>, vector<256x160xi32>
    %select_n3A_1052 = arith.select %eq3A_1050, %select_n3A_1024, %select_n3A_1023 : vector<256x160xi1>, vector<256x160xi32>
    %select_n3A_1053 = arith.select %eq3A_1050, %select_n3A_1027, %select_n3A_1024 : vector<256x160xi1>, vector<256x160xi32>
    %jit3A_1054 = arith.constant 2147483647 : i32
    %broadcast_in_dim3A_1055 = vector.broadcast %jit3A_1054 : i32 to vector<256x160xi32>
    %select_n3A_1056 = arith.select %eq3A_1050, %broadcast_in_dim3A_1055, %select_n3A_1027 : vector<256x160xi1>, vector<256x160xi32>
    %reduce_min3A_1057 = arith.constant dense<2147483647> : vector<256xi32>
    %reduce_min3A_1058 = vector.multi_reduction <minsi>, %select_n3A_1051, %reduce_min3A_1057 [1] : vector<256x160xi32> to vector<256xi32>
    %broadcast_in_dim3A_1059 = vector.shape_cast %reduce_min3A_1058 : vector<256xi32> to vector<256x1xi32>
    %le3A_1060 = vector.broadcast %broadcast_in_dim3A_1059 : vector<256x1xi32> to vector<256x160xi32>
    %le3A_1061 = arith.cmpi sle, %select_n3A_1051, %le3A_1060 : vector<256x160xi32>
    %jit3A_1062 = arith.constant 160 : i32
    %broadcast_in_dim3A_1063 = vector.broadcast %jit3A_1062 : i32 to vector<256x160xi32>
    %select_n3A_1064 = arith.select %le3A_1061, %iota3A, %broadcast_in_dim3A_1063 : vector<256x160xi1>, vector<256x160xi32>
    %reduce_min3A_1065 = arith.constant dense<2147483647> : vector<256xi32>
    %reduce_min3A_1066 = vector.multi_reduction <minsi>, %select_n3A_1064, %reduce_min3A_1065 [1] : vector<256x160xi32> to vector<256xi32>
    %broadcast_in_dim3A_1067 = vector.shape_cast %reduce_min3A_1066 : vector<256xi32> to vector<256x1xi32>
    %and3A_1068 = arith.constant 63 : i32
    %and3A_1069 = vector.broadcast %and3A_1068 : i32 to vector<256x1xi32>
    %and3A_1070 = arith.andi %broadcast_in_dim3A_1059, %and3A_1069 : vector<256x1xi32>
    %mul3A_1071 = arith.constant 160 : i32
    %mul3A_1072 = vector.broadcast %mul3A_1071 : i32 to vector<256x1xi32>
    %mul3A_1073 = arith.muli %and3A_1070, %mul3A_1072 : vector<256x1xi32>
    %add3A_1074 = arith.addi %mul3A_1073, %broadcast_in_dim3A_1067 : vector<256x1xi32>
    %swap3A_1075 = arith.constant 0 : index
    %swap3A_1076 = arith.constant 6 : index
    %swap3A_1077 = vector.load %arg3[%swap3A_1075, %swap3A_1076] : memref<256x16xi32, #tpu.memory_space<vmem>>, vector<256x1xi32>
    tpu.vector_store %arg3[%swap3A_1075, %swap3A_1076], %add3A_1074 {strides = array<i32>} : memref<256x16xi32, #tpu.memory_space<vmem>>, vector<256x1xi32>,
    %eq3A_1078 = vector.broadcast %broadcast_in_dim3A_1067 : vector<256x1xi32> to vector<256x160xi32>
    %eq3A_1079 = arith.cmpi eq, %iota3A, %eq3A_1078 : vector<256x160xi32>
    %select_n3A_1080 = arith.select %eq3A_1079, %select_n3A_1052, %select_n3A_1051 : vector<256x160xi1>, vector<256x160xi32>
    %select_n3A_1081 = arith.select %eq3A_1079, %select_n3A_1053, %select_n3A_1052 : vector<256x160xi1>, vector<256x160xi32>
    %select_n3A_1082 = arith.select %eq3A_1079, %select_n3A_1056, %select_n3A_1053 : vector<256x160xi1>, vector<256x160xi32>
    %jit3A_1083 = arith.constant 2147483647 : i32
    %broadcast_in_dim3A_1084 = vector.broadcast %jit3A_1083 : i32 to vector<256x160xi32>
    %select_n3A_1085 = arith.select %eq3A_1079, %broadcast_in_dim3A_1084, %select_n3A_1056 : vector<256x160xi1>, vector<256x160xi32>
    %reduce_min3A_1086 = arith.constant dense<2147483647> : vector<256xi32>
    %reduce_min3A_1087 = vector.multi_reduction <minsi>, %select_n3A_1080, %reduce_min3A_1086 [1] : vector<256x160xi32> to vector<256xi32>
    %broadcast_in_dim3A_1088 = vector.shape_cast %reduce_min3A_1087 : vector<256xi32> to vector<256x1xi32>
    %le3A_1089 = vector.broadcast %broadcast_in_dim3A_1088 : vector<256x1xi32> to vector<256x160xi32>
    %le3A_1090 = arith.cmpi sle, %select_n3A_1080, %le3A_1089 : vector<256x160xi32>
    %jit3A_1091 = arith.constant 160 : i32
    %broadcast_in_dim3A_1092 = vector.broadcast %jit3A_1091 : i32 to vector<256x160xi32>
    %select_n3A_1093 = arith.select %le3A_1090, %iota3A, %broadcast_in_dim3A_1092 : vector<256x160xi1>, vector<256x160xi32>
    %reduce_min3A_1094 = arith.constant dense<2147483647> : vector<256xi32>
    %reduce_min3A_1095 = vector.multi_reduction <minsi>, %select_n3A_1093, %reduce_min3A_1094 [1] : vector<256x160xi32> to vector<256xi32>
    %broadcast_in_dim3A_1096 = vector.shape_cast %reduce_min3A_1095 : vector<256xi32> to vector<256x1xi32>
    %and3A_1097 = arith.constant 63 : i32
    %and3A_1098 = vector.broadcast %and3A_1097 : i32 to vector<256x1xi32>
    %and3A_1099 = arith.andi %broadcast_in_dim3A_1088, %and3A_1098 : vector<256x1xi32>
    %mul3A_1100 = arith.constant 160 : i32
    %mul3A_1101 = vector.broadcast %mul3A_1100 : i32 to vector<256x1xi32>
    %mul3A_1102 = arith.muli %and3A_1099, %mul3A_1101 : vector<256x1xi32>
    %add3A_1103 = arith.addi %mul3A_1102, %broadcast_in_dim3A_1096 : vector<256x1xi32>
    %swap3A_1104 = arith.constant 0 : index
    %swap3A_1105 = arith.constant 7 : index
    %swap3A_1106 = vector.load %arg3[%swap3A_1104, %swap3A_1105] : memref<256x16xi32, #tpu.memory_space<vmem>>, vector<256x1xi32>
    tpu.vector_store %arg3[%swap3A_1104, %swap3A_1105], %add3A_1103 {strides = array<i32>} : memref<256x16xi32, #tpu.memory_space<vmem>>, vector<256x1xi32>,
    %eq3A_1107 = vector.broadcast %broadcast_in_dim3A_1096 : vector<256x1xi32> to vector<256x160xi32>
    %eq3A_1108 = arith.cmpi eq, %iota3A, %eq3A_1107 : vector<256x160xi32>
    %select_n3A_1109 = arith.select %eq3A_1108, %select_n3A_1081, %select_n3A_1080 : vector<256x160xi1>, vector<256x160xi32>
    %select_n3A_1110 = arith.select %eq3A_1108, %select_n3A_1082, %select_n3A_1081 : vector<256x160xi1>, vector<256x160xi32>
    %select_n3A_1111 = arith.select %eq3A_1108, %select_n3A_1085, %select_n3A_1082 : vector<256x160xi1>, vector<256x160xi32>
    %jit3A_1112 = arith.constant 2147483647 : i32
    %broadcast_in_dim3A_1113 = vector.broadcast %jit3A_1112 : i32 to vector<256x160xi32>
    %select_n3A_1114 = arith.select %eq3A_1108, %broadcast_in_dim3A_1113, %select_n3A_1085 : vector<256x160xi1>, vector<256x160xi32>
    %reduce_min3A_1115 = arith.constant dense<2147483647> : vector<256xi32>
    %reduce_min3A_1116 = vector.multi_reduction <minsi>, %select_n3A_1109, %reduce_min3A_1115 [1] : vector<256x160xi32> to vector<256xi32>
    %broadcast_in_dim3A_1117 = vector.shape_cast %reduce_min3A_1116 : vector<256xi32> to vector<256x1xi32>
    %le3A_1118 = vector.broadcast %broadcast_in_dim3A_1117 : vector<256x1xi32> to vector<256x160xi32>
    %le3A_1119 = arith.cmpi sle, %select_n3A_1109, %le3A_1118 : vector<256x160xi32>
    %jit3A_1120 = arith.constant 160 : i32
    %broadcast_in_dim3A_1121 = vector.broadcast %jit3A_1120 : i32 to vector<256x160xi32>
    %select_n3A_1122 = arith.select %le3A_1119, %iota3A, %broadcast_in_dim3A_1121 : vector<256x160xi1>, vector<256x160xi32>
    %reduce_min3A_1123 = arith.constant dense<2147483647> : vector<256xi32>
    %reduce_min3A_1124 = vector.multi_reduction <minsi>, %select_n3A_1122, %reduce_min3A_1123 [1] : vector<256x160xi32> to vector<256xi32>
    %broadcast_in_dim3A_1125 = vector.shape_cast %reduce_min3A_1124 : vector<256xi32> to vector<256x1xi32>
    %and3A_1126 = arith.constant 63 : i32
    %and3A_1127 = vector.broadcast %and3A_1126 : i32 to vector<256x1xi32>
    %and3A_1128 = arith.andi %broadcast_in_dim3A_1117, %and3A_1127 : vector<256x1xi32>
    %mul3A_1129 = arith.constant 160 : i32
    %mul3A_1130 = vector.broadcast %mul3A_1129 : i32 to vector<256x1xi32>
    %mul3A_1131 = arith.muli %and3A_1128, %mul3A_1130 : vector<256x1xi32>
    %add3A_1132 = arith.addi %mul3A_1131, %broadcast_in_dim3A_1125 : vector<256x1xi32>
    %swap3A_1133 = arith.constant 0 : index
    %swap3A_1134 = arith.constant 8 : index
    %swap3A_1135 = vector.load %arg3[%swap3A_1133, %swap3A_1134] : memref<256x16xi32, #tpu.memory_space<vmem>>, vector<256x1xi32>
    tpu.vector_store %arg3[%swap3A_1133, %swap3A_1134], %add3A_1132 {strides = array<i32>} : memref<256x16xi32, #tpu.memory_space<vmem>>, vector<256x1xi32>,
    %eq3A_1136 = vector.broadcast %broadcast_in_dim3A_1125 : vector<256x1xi32> to vector<256x160xi32>
    %eq3A_1137 = arith.cmpi eq, %iota3A, %eq3A_1136 : vector<256x160xi32>
    %select_n3A_1138 = arith.select %eq3A_1137, %select_n3A_1110, %select_n3A_1109 : vector<256x160xi1>, vector<256x160xi32>
    %select_n3A_1139 = arith.select %eq3A_1137, %select_n3A_1111, %select_n3A_1110 : vector<256x160xi1>, vector<256x160xi32>
    %select_n3A_1140 = arith.select %eq3A_1137, %select_n3A_1114, %select_n3A_1111 : vector<256x160xi1>, vector<256x160xi32>
    %jit3A_1141 = arith.constant 2147483647 : i32
    %broadcast_in_dim3A_1142 = vector.broadcast %jit3A_1141 : i32 to vector<256x160xi32>
    %select_n3A_1143 = arith.select %eq3A_1137, %broadcast_in_dim3A_1142, %select_n3A_1114 : vector<256x160xi1>, vector<256x160xi32>
    %reduce_min3A_1144 = arith.constant dense<2147483647> : vector<256xi32>
    %reduce_min3A_1145 = vector.multi_reduction <minsi>, %select_n3A_1138, %reduce_min3A_1144 [1] : vector<256x160xi32> to vector<256xi32>
    %broadcast_in_dim3A_1146 = vector.shape_cast %reduce_min3A_1145 : vector<256xi32> to vector<256x1xi32>
    %le3A_1147 = vector.broadcast %broadcast_in_dim3A_1146 : vector<256x1xi32> to vector<256x160xi32>
    %le3A_1148 = arith.cmpi sle, %select_n3A_1138, %le3A_1147 : vector<256x160xi32>
    %jit3A_1149 = arith.constant 160 : i32
    %broadcast_in_dim3A_1150 = vector.broadcast %jit3A_1149 : i32 to vector<256x160xi32>
    %select_n3A_1151 = arith.select %le3A_1148, %iota3A, %broadcast_in_dim3A_1150 : vector<256x160xi1>, vector<256x160xi32>
    %reduce_min3A_1152 = arith.constant dense<2147483647> : vector<256xi32>
    %reduce_min3A_1153 = vector.multi_reduction <minsi>, %select_n3A_1151, %reduce_min3A_1152 [1] : vector<256x160xi32> to vector<256xi32>
    %broadcast_in_dim3A_1154 = vector.shape_cast %reduce_min3A_1153 : vector<256xi32> to vector<256x1xi32>
    %and3A_1155 = arith.constant 63 : i32
    %and3A_1156 = vector.broadcast %and3A_1155 : i32 to vector<256x1xi32>
    %and3A_1157 = arith.andi %broadcast_in_dim3A_1146, %and3A_1156 : vector<256x1xi32>
    %mul3A_1158 = arith.constant 160 : i32
    %mul3A_1159 = vector.broadcast %mul3A_1158 : i32 to vector<256x1xi32>
    %mul3A_1160 = arith.muli %and3A_1157, %mul3A_1159 : vector<256x1xi32>
    %add3A_1161 = arith.addi %mul3A_1160, %broadcast_in_dim3A_1154 : vector<256x1xi32>
    %swap3A_1162 = arith.constant 0 : index
    %swap3A_1163 = arith.constant 9 : index
    %swap3A_1164 = vector.load %arg3[%swap3A_1162, %swap3A_1163] : memref<256x16xi32, #tpu.memory_space<vmem>>, vector<256x1xi32>
    tpu.vector_store %arg3[%swap3A_1162, %swap3A_1163], %add3A_1161 {strides = array<i32>} : memref<256x16xi32, #tpu.memory_space<vmem>>, vector<256x1xi32>,
    %eq3A_1165 = vector.broadcast %broadcast_in_dim3A_1154 : vector<256x1xi32> to vector<256x160xi32>
    %eq3A_1166 = arith.cmpi eq, %iota3A, %eq3A_1165 : vector<256x160xi32>
    %select_n3A_1167 = arith.select %eq3A_1166, %select_n3A_1139, %select_n3A_1138 : vector<256x160xi1>, vector<256x160xi32>
    %select_n3A_1168 = arith.select %eq3A_1166, %select_n3A_1140, %select_n3A_1139 : vector<256x160xi1>, vector<256x160xi32>
    %select_n3A_1169 = arith.select %eq3A_1166, %select_n3A_1143, %select_n3A_1140 : vector<256x160xi1>, vector<256x160xi32>
    %jit3A_1170 = arith.constant 2147483647 : i32
    %broadcast_in_dim3A_1171 = vector.broadcast %jit3A_1170 : i32 to vector<256x160xi32>
    %select_n3A_1172 = arith.select %eq3A_1166, %broadcast_in_dim3A_1171, %select_n3A_1143 : vector<256x160xi1>, vector<256x160xi32>
    %reduce_min3A_1173 = arith.constant dense<2147483647> : vector<256xi32>
    %reduce_min3A_1174 = vector.multi_reduction <minsi>, %select_n3A_1167, %reduce_min3A_1173 [1] : vector<256x160xi32> to vector<256xi32>
    %broadcast_in_dim3A_1175 = vector.shape_cast %reduce_min3A_1174 : vector<256xi32> to vector<256x1xi32>
    %le3A_1176 = vector.broadcast %broadcast_in_dim3A_1175 : vector<256x1xi32> to vector<256x160xi32>
    %le3A_1177 = arith.cmpi sle, %select_n3A_1167, %le3A_1176 : vector<256x160xi32>
    %jit3A_1178 = arith.constant 160 : i32
    %broadcast_in_dim3A_1179 = vector.broadcast %jit3A_1178 : i32 to vector<256x160xi32>
    %select_n3A_1180 = arith.select %le3A_1177, %iota3A, %broadcast_in_dim3A_1179 : vector<256x160xi1>, vector<256x160xi32>
    %reduce_min3A_1181 = arith.constant dense<2147483647> : vector<256xi32>
    %reduce_min3A_1182 = vector.multi_reduction <minsi>, %select_n3A_1180, %reduce_min3A_1181 [1] : vector<256x160xi32> to vector<256xi32>
    %broadcast_in_dim3A_1183 = vector.shape_cast %reduce_min3A_1182 : vector<256xi32> to vector<256x1xi32>
    %and3A_1184 = arith.constant 63 : i32
    %and3A_1185 = vector.broadcast %and3A_1184 : i32 to vector<256x1xi32>
    %and3A_1186 = arith.andi %broadcast_in_dim3A_1175, %and3A_1185 : vector<256x1xi32>
    %mul3A_1187 = arith.constant 160 : i32
    %mul3A_1188 = vector.broadcast %mul3A_1187 : i32 to vector<256x1xi32>
    %mul3A_1189 = arith.muli %and3A_1186, %mul3A_1188 : vector<256x1xi32>
    %add3A_1190 = arith.addi %mul3A_1189, %broadcast_in_dim3A_1183 : vector<256x1xi32>
    %swap3A_1191 = arith.constant 0 : index
    %swap3A_1192 = arith.constant 10 : index
    %swap3A_1193 = vector.load %arg3[%swap3A_1191, %swap3A_1192] : memref<256x16xi32, #tpu.memory_space<vmem>>, vector<256x1xi32>
    tpu.vector_store %arg3[%swap3A_1191, %swap3A_1192], %add3A_1190 {strides = array<i32>} : memref<256x16xi32, #tpu.memory_space<vmem>>, vector<256x1xi32>,
    %eq3A_1194 = vector.broadcast %broadcast_in_dim3A_1183 : vector<256x1xi32> to vector<256x160xi32>
    %eq3A_1195 = arith.cmpi eq, %iota3A, %eq3A_1194 : vector<256x160xi32>
    %select_n3A_1196 = arith.select %eq3A_1195, %select_n3A_1168, %select_n3A_1167 : vector<256x160xi1>, vector<256x160xi32>
    %select_n3A_1197 = arith.select %eq3A_1195, %select_n3A_1169, %select_n3A_1168 : vector<256x160xi1>, vector<256x160xi32>
    %select_n3A_1198 = arith.select %eq3A_1195, %select_n3A_1172, %select_n3A_1169 : vector<256x160xi1>, vector<256x160xi32>
    %jit3A_1199 = arith.constant 2147483647 : i32
    %broadcast_in_dim3A_1200 = vector.broadcast %jit3A_1199 : i32 to vector<256x160xi32>
    %select_n3A_1201 = arith.select %eq3A_1195, %broadcast_in_dim3A_1200, %select_n3A_1172 : vector<256x160xi1>, vector<256x160xi32>
    %reduce_min3A_1202 = arith.constant dense<2147483647> : vector<256xi32>
    %reduce_min3A_1203 = vector.multi_reduction <minsi>, %select_n3A_1196, %reduce_min3A_1202 [1] : vector<256x160xi32> to vector<256xi32>
    %broadcast_in_dim3A_1204 = vector.shape_cast %reduce_min3A_1203 : vector<256xi32> to vector<256x1xi32>
    %le3A_1205 = vector.broadcast %broadcast_in_dim3A_1204 : vector<256x1xi32> to vector<256x160xi32>
    %le3A_1206 = arith.cmpi sle, %select_n3A_1196, %le3A_1205 : vector<256x160xi32>
    %jit3A_1207 = arith.constant 160 : i32
    %broadcast_in_dim3A_1208 = vector.broadcast %jit3A_1207 : i32 to vector<256x160xi32>
    %select_n3A_1209 = arith.select %le3A_1206, %iota3A, %broadcast_in_dim3A_1208 : vector<256x160xi1>, vector<256x160xi32>
    %reduce_min3A_1210 = arith.constant dense<2147483647> : vector<256xi32>
    %reduce_min3A_1211 = vector.multi_reduction <minsi>, %select_n3A_1209, %reduce_min3A_1210 [1] : vector<256x160xi32> to vector<256xi32>
    %broadcast_in_dim3A_1212 = vector.shape_cast %reduce_min3A_1211 : vector<256xi32> to vector<256x1xi32>
    %and3A_1213 = arith.constant 63 : i32
    %and3A_1214 = vector.broadcast %and3A_1213 : i32 to vector<256x1xi32>
    %and3A_1215 = arith.andi %broadcast_in_dim3A_1204, %and3A_1214 : vector<256x1xi32>
    %mul3A_1216 = arith.constant 160 : i32
    %mul3A_1217 = vector.broadcast %mul3A_1216 : i32 to vector<256x1xi32>
    %mul3A_1218 = arith.muli %and3A_1215, %mul3A_1217 : vector<256x1xi32>
    %add3A_1219 = arith.addi %mul3A_1218, %broadcast_in_dim3A_1212 : vector<256x1xi32>
    %swap3A_1220 = arith.constant 0 : index
    %swap3A_1221 = arith.constant 11 : index
    %swap3A_1222 = vector.load %arg3[%swap3A_1220, %swap3A_1221] : memref<256x16xi32, #tpu.memory_space<vmem>>, vector<256x1xi32>
    tpu.vector_store %arg3[%swap3A_1220, %swap3A_1221], %add3A_1219 {strides = array<i32>} : memref<256x16xi32, #tpu.memory_space<vmem>>, vector<256x1xi32>,
    %eq3A_1223 = vector.broadcast %broadcast_in_dim3A_1212 : vector<256x1xi32> to vector<256x160xi32>
    %eq3A_1224 = arith.cmpi eq, %iota3A, %eq3A_1223 : vector<256x160xi32>
    %select_n3A_1225 = arith.select %eq3A_1224, %select_n3A_1197, %select_n3A_1196 : vector<256x160xi1>, vector<256x160xi32>
    %select_n3A_1226 = arith.select %eq3A_1224, %select_n3A_1198, %select_n3A_1197 : vector<256x160xi1>, vector<256x160xi32>
    %select_n3A_1227 = arith.select %eq3A_1224, %select_n3A_1201, %select_n3A_1198 : vector<256x160xi1>, vector<256x160xi32>
    %jit3A_1228 = arith.constant 2147483647 : i32
    %broadcast_in_dim3A_1229 = vector.broadcast %jit3A_1228 : i32 to vector<256x160xi32>
    %select_n3A_1230 = arith.select %eq3A_1224, %broadcast_in_dim3A_1229, %select_n3A_1201 : vector<256x160xi1>, vector<256x160xi32>
    %reduce_min3A_1231 = arith.constant dense<2147483647> : vector<256xi32>
    %reduce_min3A_1232 = vector.multi_reduction <minsi>, %select_n3A_1225, %reduce_min3A_1231 [1] : vector<256x160xi32> to vector<256xi32>
    %broadcast_in_dim3A_1233 = vector.shape_cast %reduce_min3A_1232 : vector<256xi32> to vector<256x1xi32>
    %le3A_1234 = vector.broadcast %broadcast_in_dim3A_1233 : vector<256x1xi32> to vector<256x160xi32>
    %le3A_1235 = arith.cmpi sle, %select_n3A_1225, %le3A_1234 : vector<256x160xi32>
    %jit3A_1236 = arith.constant 160 : i32
    %broadcast_in_dim3A_1237 = vector.broadcast %jit3A_1236 : i32 to vector<256x160xi32>
    %select_n3A_1238 = arith.select %le3A_1235, %iota3A, %broadcast_in_dim3A_1237 : vector<256x160xi1>, vector<256x160xi32>
    %reduce_min3A_1239 = arith.constant dense<2147483647> : vector<256xi32>
    %reduce_min3A_1240 = vector.multi_reduction <minsi>, %select_n3A_1238, %reduce_min3A_1239 [1] : vector<256x160xi32> to vector<256xi32>
    %broadcast_in_dim3A_1241 = vector.shape_cast %reduce_min3A_1240 : vector<256xi32> to vector<256x1xi32>
    %and3A_1242 = arith.constant 63 : i32
    %and3A_1243 = vector.broadcast %and3A_1242 : i32 to vector<256x1xi32>
    %and3A_1244 = arith.andi %broadcast_in_dim3A_1233, %and3A_1243 : vector<256x1xi32>
    %mul3A_1245 = arith.constant 160 : i32
    %mul3A_1246 = vector.broadcast %mul3A_1245 : i32 to vector<256x1xi32>
    %mul3A_1247 = arith.muli %and3A_1244, %mul3A_1246 : vector<256x1xi32>
    %add3A_1248 = arith.addi %mul3A_1247, %broadcast_in_dim3A_1241 : vector<256x1xi32>
    %swap3A_1249 = arith.constant 0 : index
    %swap3A_1250 = arith.constant 12 : index
    %swap3A_1251 = vector.load %arg3[%swap3A_1249, %swap3A_1250] : memref<256x16xi32, #tpu.memory_space<vmem>>, vector<256x1xi32>
    tpu.vector_store %arg3[%swap3A_1249, %swap3A_1250], %add3A_1248 {strides = array<i32>} : memref<256x16xi32, #tpu.memory_space<vmem>>, vector<256x1xi32>,
    %eq3A_1252 = vector.broadcast %broadcast_in_dim3A_1241 : vector<256x1xi32> to vector<256x160xi32>
    %eq3A_1253 = arith.cmpi eq, %iota3A, %eq3A_1252 : vector<256x160xi32>
    %select_n3A_1254 = arith.select %eq3A_1253, %select_n3A_1226, %select_n3A_1225 : vector<256x160xi1>, vector<256x160xi32>
    %select_n3A_1255 = arith.select %eq3A_1253, %select_n3A_1227, %select_n3A_1226 : vector<256x160xi1>, vector<256x160xi32>
    %select_n3A_1256 = arith.select %eq3A_1253, %select_n3A_1230, %select_n3A_1227 : vector<256x160xi1>, vector<256x160xi32>
    %reduce_min3A_1257 = arith.constant dense<2147483647> : vector<256xi32>
    %reduce_min3A_1258 = vector.multi_reduction <minsi>, %select_n3A_1254, %reduce_min3A_1257 [1] : vector<256x160xi32> to vector<256xi32>
    %broadcast_in_dim3A_1259 = vector.shape_cast %reduce_min3A_1258 : vector<256xi32> to vector<256x1xi32>
    %le3A_1260 = vector.broadcast %broadcast_in_dim3A_1259 : vector<256x1xi32> to vector<256x160xi32>
    %le3A_1261 = arith.cmpi sle, %select_n3A_1254, %le3A_1260 : vector<256x160xi32>
    %jit3A_1262 = arith.constant 160 : i32
    %broadcast_in_dim3A_1263 = vector.broadcast %jit3A_1262 : i32 to vector<256x160xi32>
    %select_n3A_1264 = arith.select %le3A_1261, %iota3A, %broadcast_in_dim3A_1263 : vector<256x160xi1>, vector<256x160xi32>
    %reduce_min3A_1265 = arith.constant dense<2147483647> : vector<256xi32>
    %reduce_min3A_1266 = vector.multi_reduction <minsi>, %select_n3A_1264, %reduce_min3A_1265 [1] : vector<256x160xi32> to vector<256xi32>
    %broadcast_in_dim3A_1267 = vector.shape_cast %reduce_min3A_1266 : vector<256xi32> to vector<256x1xi32>
    %and3A_1268 = arith.constant 63 : i32
    %and3A_1269 = vector.broadcast %and3A_1268 : i32 to vector<256x1xi32>
    %and3A_1270 = arith.andi %broadcast_in_dim3A_1259, %and3A_1269 : vector<256x1xi32>
    %mul3A_1271 = arith.constant 160 : i32
    %mul3A_1272 = vector.broadcast %mul3A_1271 : i32 to vector<256x1xi32>
    %mul3A_1273 = arith.muli %and3A_1270, %mul3A_1272 : vector<256x1xi32>
    %add3A_1274 = arith.addi %mul3A_1273, %broadcast_in_dim3A_1267 : vector<256x1xi32>
    %swap3A_1275 = arith.constant 0 : index
    %swap3A_1276 = arith.constant 13 : index
    %swap3A_1277 = vector.load %arg3[%swap3A_1275, %swap3A_1276] : memref<256x16xi32, #tpu.memory_space<vmem>>, vector<256x1xi32>
    tpu.vector_store %arg3[%swap3A_1275, %swap3A_1276], %add3A_1274 {strides = array<i32>} : memref<256x16xi32, #tpu.memory_space<vmem>>, vector<256x1xi32>,
    %eq3A_1278 = vector.broadcast %broadcast_in_dim3A_1267 : vector<256x1xi32> to vector<256x160xi32>
    %eq3A_1279 = arith.cmpi eq, %iota3A, %eq3A_1278 : vector<256x160xi32>
    %select_n3A_1280 = arith.select %eq3A_1279, %select_n3A_1255, %select_n3A_1254 : vector<256x160xi1>, vector<256x160xi32>
    %select_n3A_1281 = arith.select %eq3A_1279, %select_n3A_1256, %select_n3A_1255 : vector<256x160xi1>, vector<256x160xi32>
    %reduce_min3A_1282 = arith.constant dense<2147483647> : vector<256xi32>
    %reduce_min3A_1283 = vector.multi_reduction <minsi>, %select_n3A_1280, %reduce_min3A_1282 [1] : vector<256x160xi32> to vector<256xi32>
    %broadcast_in_dim3A_1284 = vector.shape_cast %reduce_min3A_1283 : vector<256xi32> to vector<256x1xi32>
    %le3A_1285 = vector.broadcast %broadcast_in_dim3A_1284 : vector<256x1xi32> to vector<256x160xi32>
    %le3A_1286 = arith.cmpi sle, %select_n3A_1280, %le3A_1285 : vector<256x160xi32>
    %jit3A_1287 = arith.constant 160 : i32
    %broadcast_in_dim3A_1288 = vector.broadcast %jit3A_1287 : i32 to vector<256x160xi32>
    %select_n3A_1289 = arith.select %le3A_1286, %iota3A, %broadcast_in_dim3A_1288 : vector<256x160xi1>, vector<256x160xi32>
    %reduce_min3A_1290 = arith.constant dense<2147483647> : vector<256xi32>
    %reduce_min3A_1291 = vector.multi_reduction <minsi>, %select_n3A_1289, %reduce_min3A_1290 [1] : vector<256x160xi32> to vector<256xi32>
    %broadcast_in_dim3A_1292 = vector.shape_cast %reduce_min3A_1291 : vector<256xi32> to vector<256x1xi32>
    %and3A_1293 = arith.constant 63 : i32
    %and3A_1294 = vector.broadcast %and3A_1293 : i32 to vector<256x1xi32>
    %and3A_1295 = arith.andi %broadcast_in_dim3A_1284, %and3A_1294 : vector<256x1xi32>
    %mul3A_1296 = arith.constant 160 : i32
    %mul3A_1297 = vector.broadcast %mul3A_1296 : i32 to vector<256x1xi32>
    %mul3A_1298 = arith.muli %and3A_1295, %mul3A_1297 : vector<256x1xi32>
    %add3A_1299 = arith.addi %mul3A_1298, %broadcast_in_dim3A_1292 : vector<256x1xi32>
    %swap3A_1300 = arith.constant 0 : index
    %swap3A_1301 = arith.constant 14 : index
    %swap3A_1302 = vector.load %arg3[%swap3A_1300, %swap3A_1301] : memref<256x16xi32, #tpu.memory_space<vmem>>, vector<256x1xi32>
    tpu.vector_store %arg3[%swap3A_1300, %swap3A_1301], %add3A_1299 {strides = array<i32>} : memref<256x16xi32, #tpu.memory_space<vmem>>, vector<256x1xi32>,
    %eq3A_1303 = vector.broadcast %broadcast_in_dim3A_1292 : vector<256x1xi32> to vector<256x160xi32>
    %eq3A_1304 = arith.cmpi eq, %iota3A, %eq3A_1303 : vector<256x160xi32>
    %select_n3A_1305 = arith.select %eq3A_1304, %select_n3A_1281, %select_n3A_1280 : vector<256x160xi1>, vector<256x160xi32>
    %reduce_min3A_1306 = arith.constant dense<2147483647> : vector<256xi32>
    %reduce_min3A_1307 = vector.multi_reduction <minsi>, %select_n3A_1305, %reduce_min3A_1306 [1] : vector<256x160xi32> to vector<256xi32>
    %broadcast_in_dim3A_1308 = vector.shape_cast %reduce_min3A_1307 : vector<256xi32> to vector<256x1xi32>
    %le3A_1309 = vector.broadcast %broadcast_in_dim3A_1308 : vector<256x1xi32> to vector<256x160xi32>
    %le3A_1310 = arith.cmpi sle, %select_n3A_1305, %le3A_1309 : vector<256x160xi32>
    %jit3A_1311 = arith.constant 160 : i32
    %broadcast_in_dim3A_1312 = vector.broadcast %jit3A_1311 : i32 to vector<256x160xi32>
    %select_n3A_1313 = arith.select %le3A_1310, %iota3A, %broadcast_in_dim3A_1312 : vector<256x160xi1>, vector<256x160xi32>
    %reduce_min3A_1314 = arith.constant dense<2147483647> : vector<256xi32>
    %reduce_min3A_1315 = vector.multi_reduction <minsi>, %select_n3A_1313, %reduce_min3A_1314 [1] : vector<256x160xi32> to vector<256xi32>
    %broadcast_in_dim3A_1316 = vector.shape_cast %reduce_min3A_1315 : vector<256xi32> to vector<256x1xi32>
    %and3A_1317 = arith.constant 63 : i32
    %and3A_1318 = vector.broadcast %and3A_1317 : i32 to vector<256x1xi32>
    %and3A_1319 = arith.andi %broadcast_in_dim3A_1308, %and3A_1318 : vector<256x1xi32>
    %mul3A_1320 = arith.constant 160 : i32
    %mul3A_1321 = vector.broadcast %mul3A_1320 : i32 to vector<256x1xi32>
    %mul3A_1322 = arith.muli %and3A_1319, %mul3A_1321 : vector<256x1xi32>
    %add3A_1323 = arith.addi %mul3A_1322, %broadcast_in_dim3A_1316 : vector<256x1xi32>
    %swap3A_1324 = arith.constant 0 : index
    %swap3A_1325 = arith.constant 15 : index
    %swap3A_1326 = vector.load %arg3[%swap3A_1324, %swap3A_1325] : memref<256x16xi32, #tpu.memory_space<vmem>>, vector<256x1xi32>
    tpu.vector_store %arg3[%swap3A_1324, %swap3A_1325], %add3A_1323 {strides = array<i32>} : memref<256x16xi32, #tpu.memory_space<vmem>>, vector<256x1xi32>,
    return
  }
  func.func @transform_0(%arg0: i32) -> (i32, i32) {
    %c0_i32 = arith.constant 0 : i32
    %c0_i32_0 = arith.constant 0 : i32
    return %arg0, %c0_i32 : i32, i32
  }
  func.func @transform_1(%arg0: i32) -> (i32, i32) {
    %c0_i32 = arith.constant 0 : i32
    %c0_i32_0 = arith.constant 0 : i32
    %c0_i32_1 = arith.constant 0 : i32
    return %c0_i32, %c0_i32_0 : i32, i32
  }
  func.func @transform_2(%arg0: i32) -> (i32, i32) {
    %c0_i32 = arith.constant 0 : i32
    %c0_i32_0 = arith.constant 0 : i32
    return %arg0, %c0_i32 : i32, i32
  }
}

module attributes {stable_mosaic.version = 14 : i64} {
  func.func @_knn_body(%arg0: i32, %arg1: memref<1280x8xf32, #tpu.memory_space<vmem>>, %arg2: memref<8x2560xf32, #tpu.memory_space<vmem>>, %arg3: memref<1280x16xi32, #tpu.memory_space<vmem>>) attributes {dimension_semantics = [#tpu.dimension_semantics<arbitrary>], iteration_bounds = array<i64: 1>, scalar_prefetch = 0 : i64, scratch_operands = 0 : i64, tpu.core_type = #tpu.core_type<tc>, window_params = [{transform_indices = @transform_0, window_bounds = array<i64: 1280, 8>}, {pipeline_mode = #tpu.pipeline_mode<synchronous>, transform_indices = @transform_1, window_bounds = array<i64: 8, 2560>}, {transform_indices = @transform_2, window_bounds = array<i64: 1280, 16>}]} {
    %get3A = arith.constant 0 : index
    %get3A_0 = arith.constant 0 : index
    %get3A_1 = vector.load %arg1[%get3A, %get3A_0] : memref<1280x8xf32, #tpu.memory_space<vmem>>, vector<1280x8xf32>
    %get3A_2 = arith.constant 0 : index
    %get3A_3 = arith.constant 0 : index
    %get3A_4 = vector.load %arg2[%get3A_2, %get3A_3] : memref<8x2560xf32, #tpu.memory_space<vmem>>, vector<8x2560xf32>
    %dot_general3A = arith.constant dense<0.000000e+00> : vector<1280x2560xf32>
    %dot_general3A_5 = tpu.matmul %get3A_1, %get3A_4, %dot_general3A {dimension_numbers = #tpu.dot_dimension_numbers<[1], [0], [0], [1], [0, 0, 1, 1], [], []>, transpose_lhs_hint = false} : vector<1280x8xf32>, vector<8x2560xf32>, vector<1280x2560xf32> -> vector<1280x2560xf32>
    %bitcast_convert_type3A = tpu.bitcast %dot_general3A_5 : vector<1280x2560xf32> -> vector<1280x2560xi32>
    %slice3A = vector.extract_strided_slice %bitcast_convert_type3A {offsets = [0, 0], sizes = [1280, 128], strides = [1, 1]} : vector<1280x2560xi32> to vector<1280x128xi32>
    %and3A = arith.constant -32 : i32
    %and3A_6 = vector.broadcast %and3A : i32 to vector<1280x128xi32>
    %and3A_7 = arith.andi %slice3A, %and3A_6 : vector<1280x128xi32>
    %or3A = arith.constant 0 : i32
    %or3A_8 = vector.broadcast %or3A : i32 to vector<1280x128xi32>
    %or3A_9 = arith.ori %and3A_7, %or3A_8 : vector<1280x128xi32>
    %broadcast_in_dim3A = arith.constant 2147483647 : i32
    %broadcast_in_dim3A_10 = vector.broadcast %broadcast_in_dim3A : i32 to vector<1280x128xi32>
    %slice3A_11 = vector.extract_strided_slice %bitcast_convert_type3A {offsets = [0, 128], sizes = [1280, 128], strides = [1, 1]} : vector<1280x2560xi32> to vector<1280x128xi32>
    %and3A_12 = arith.constant -32 : i32
    %and3A_13 = vector.broadcast %and3A_12 : i32 to vector<1280x128xi32>
    %and3A_14 = arith.andi %slice3A_11, %and3A_13 : vector<1280x128xi32>
    %or3A_15 = arith.constant 1 : i32
    %or3A_16 = vector.broadcast %or3A_15 : i32 to vector<1280x128xi32>
    %or3A_17 = arith.ori %and3A_14, %or3A_16 : vector<1280x128xi32>
    %max3A = arith.maxsi %or3A_9, %or3A_17 : vector<1280x128xi32>
    %min3A = arith.minsi %or3A_9, %or3A_17 : vector<1280x128xi32>
    %max3A_18 = arith.maxsi %broadcast_in_dim3A_10, %max3A : vector<1280x128xi32>
    %min3A_19 = arith.minsi %broadcast_in_dim3A_10, %max3A : vector<1280x128xi32>
    %max3A_20 = arith.maxsi %broadcast_in_dim3A_10, %max3A_18 : vector<1280x128xi32>
    %min3A_21 = arith.minsi %broadcast_in_dim3A_10, %max3A_18 : vector<1280x128xi32>
    %min3A_22 = arith.minsi %broadcast_in_dim3A_10, %max3A_20 : vector<1280x128xi32>
    %slice3A_23 = vector.extract_strided_slice %bitcast_convert_type3A {offsets = [0, 256], sizes = [1280, 128], strides = [1, 1]} : vector<1280x2560xi32> to vector<1280x128xi32>
    %and3A_24 = arith.constant -32 : i32
    %and3A_25 = vector.broadcast %and3A_24 : i32 to vector<1280x128xi32>
    %and3A_26 = arith.andi %slice3A_23, %and3A_25 : vector<1280x128xi32>
    %or3A_27 = arith.constant 2 : i32
    %or3A_28 = vector.broadcast %or3A_27 : i32 to vector<1280x128xi32>
    %or3A_29 = arith.ori %and3A_26, %or3A_28 : vector<1280x128xi32>
    %max3A_30 = arith.maxsi %min3A, %or3A_29 : vector<1280x128xi32>
    %min3A_31 = arith.minsi %min3A, %or3A_29 : vector<1280x128xi32>
    %max3A_32 = arith.maxsi %min3A_19, %max3A_30 : vector<1280x128xi32>
    %min3A_33 = arith.minsi %min3A_19, %max3A_30 : vector<1280x128xi32>
    %max3A_34 = arith.maxsi %min3A_21, %max3A_32 : vector<1280x128xi32>
    %min3A_35 = arith.minsi %min3A_21, %max3A_32 : vector<1280x128xi32>
    %min3A_36 = arith.minsi %min3A_22, %max3A_34 : vector<1280x128xi32>
    %slice3A_37 = vector.extract_strided_slice %bitcast_convert_type3A {offsets = [0, 384], sizes = [1280, 128], strides = [1, 1]} : vector<1280x2560xi32> to vector<1280x128xi32>
    %and3A_38 = arith.constant -32 : i32
    %and3A_39 = vector.broadcast %and3A_38 : i32 to vector<1280x128xi32>
    %and3A_40 = arith.andi %slice3A_37, %and3A_39 : vector<1280x128xi32>
    %or3A_41 = arith.constant 3 : i32
    %or3A_42 = vector.broadcast %or3A_41 : i32 to vector<1280x128xi32>
    %or3A_43 = arith.ori %and3A_40, %or3A_42 : vector<1280x128xi32>
    %max3A_44 = arith.maxsi %min3A_31, %or3A_43 : vector<1280x128xi32>
    %min3A_45 = arith.minsi %min3A_31, %or3A_43 : vector<1280x128xi32>
    %max3A_46 = arith.maxsi %min3A_33, %max3A_44 : vector<1280x128xi32>
    %min3A_47 = arith.minsi %min3A_33, %max3A_44 : vector<1280x128xi32>
    %max3A_48 = arith.maxsi %min3A_35, %max3A_46 : vector<1280x128xi32>
    %min3A_49 = arith.minsi %min3A_35, %max3A_46 : vector<1280x128xi32>
    %min3A_50 = arith.minsi %min3A_36, %max3A_48 : vector<1280x128xi32>
    %slice3A_51 = vector.extract_strided_slice %bitcast_convert_type3A {offsets = [0, 512], sizes = [1280, 128], strides = [1, 1]} : vector<1280x2560xi32> to vector<1280x128xi32>
    %and3A_52 = arith.constant -32 : i32
    %and3A_53 = vector.broadcast %and3A_52 : i32 to vector<1280x128xi32>
    %and3A_54 = arith.andi %slice3A_51, %and3A_53 : vector<1280x128xi32>
    %or3A_55 = arith.constant 4 : i32
    %or3A_56 = vector.broadcast %or3A_55 : i32 to vector<1280x128xi32>
    %or3A_57 = arith.ori %and3A_54, %or3A_56 : vector<1280x128xi32>
    %max3A_58 = arith.maxsi %min3A_45, %or3A_57 : vector<1280x128xi32>
    %min3A_59 = arith.minsi %min3A_45, %or3A_57 : vector<1280x128xi32>
    %max3A_60 = arith.maxsi %min3A_47, %max3A_58 : vector<1280x128xi32>
    %min3A_61 = arith.minsi %min3A_47, %max3A_58 : vector<1280x128xi32>
    %max3A_62 = arith.maxsi %min3A_49, %max3A_60 : vector<1280x128xi32>
    %min3A_63 = arith.minsi %min3A_49, %max3A_60 : vector<1280x128xi32>
    %min3A_64 = arith.minsi %min3A_50, %max3A_62 : vector<1280x128xi32>
    %slice3A_65 = vector.extract_strided_slice %bitcast_convert_type3A {offsets = [0, 640], sizes = [1280, 128], strides = [1, 1]} : vector<1280x2560xi32> to vector<1280x128xi32>
    %and3A_66 = arith.constant -32 : i32
    %and3A_67 = vector.broadcast %and3A_66 : i32 to vector<1280x128xi32>
    %and3A_68 = arith.andi %slice3A_65, %and3A_67 : vector<1280x128xi32>
    %or3A_69 = arith.constant 5 : i32
    %or3A_70 = vector.broadcast %or3A_69 : i32 to vector<1280x128xi32>
    %or3A_71 = arith.ori %and3A_68, %or3A_70 : vector<1280x128xi32>
    %max3A_72 = arith.maxsi %min3A_59, %or3A_71 : vector<1280x128xi32>
    %min3A_73 = arith.minsi %min3A_59, %or3A_71 : vector<1280x128xi32>
    %max3A_74 = arith.maxsi %min3A_61, %max3A_72 : vector<1280x128xi32>
    %min3A_75 = arith.minsi %min3A_61, %max3A_72 : vector<1280x128xi32>
    %max3A_76 = arith.maxsi %min3A_63, %max3A_74 : vector<1280x128xi32>
    %min3A_77 = arith.minsi %min3A_63, %max3A_74 : vector<1280x128xi32>
    %min3A_78 = arith.minsi %min3A_64, %max3A_76 : vector<1280x128xi32>
    %slice3A_79 = vector.extract_strided_slice %bitcast_convert_type3A {offsets = [0, 768], sizes = [1280, 128], strides = [1, 1]} : vector<1280x2560xi32> to vector<1280x128xi32>
    %and3A_80 = arith.constant -32 : i32
    %and3A_81 = vector.broadcast %and3A_80 : i32 to vector<1280x128xi32>
    %and3A_82 = arith.andi %slice3A_79, %and3A_81 : vector<1280x128xi32>
    %or3A_83 = arith.constant 6 : i32
    %or3A_84 = vector.broadcast %or3A_83 : i32 to vector<1280x128xi32>
    %or3A_85 = arith.ori %and3A_82, %or3A_84 : vector<1280x128xi32>
    %max3A_86 = arith.maxsi %min3A_73, %or3A_85 : vector<1280x128xi32>
    %min3A_87 = arith.minsi %min3A_73, %or3A_85 : vector<1280x128xi32>
    %max3A_88 = arith.maxsi %min3A_75, %max3A_86 : vector<1280x128xi32>
    %min3A_89 = arith.minsi %min3A_75, %max3A_86 : vector<1280x128xi32>
    %max3A_90 = arith.maxsi %min3A_77, %max3A_88 : vector<1280x128xi32>
    %min3A_91 = arith.minsi %min3A_77, %max3A_88 : vector<1280x128xi32>
    %min3A_92 = arith.minsi %min3A_78, %max3A_90 : vector<1280x128xi32>
    %slice3A_93 = vector.extract_strided_slice %bitcast_convert_type3A {offsets = [0, 896], sizes = [1280, 128], strides = [1, 1]} : vector<1280x2560xi32> to vector<1280x128xi32>
    %and3A_94 = arith.constant -32 : i32
    %and3A_95 = vector.broadcast %and3A_94 : i32 to vector<1280x128xi32>
    %and3A_96 = arith.andi %slice3A_93, %and3A_95 : vector<1280x128xi32>
    %or3A_97 = arith.constant 7 : i32
    %or3A_98 = vector.broadcast %or3A_97 : i32 to vector<1280x128xi32>
    %or3A_99 = arith.ori %and3A_96, %or3A_98 : vector<1280x128xi32>
    %max3A_100 = arith.maxsi %min3A_87, %or3A_99 : vector<1280x128xi32>
    %min3A_101 = arith.minsi %min3A_87, %or3A_99 : vector<1280x128xi32>
    %max3A_102 = arith.maxsi %min3A_89, %max3A_100 : vector<1280x128xi32>
    %min3A_103 = arith.minsi %min3A_89, %max3A_100 : vector<1280x128xi32>
    %max3A_104 = arith.maxsi %min3A_91, %max3A_102 : vector<1280x128xi32>
    %min3A_105 = arith.minsi %min3A_91, %max3A_102 : vector<1280x128xi32>
    %min3A_106 = arith.minsi %min3A_92, %max3A_104 : vector<1280x128xi32>
    %slice3A_107 = vector.extract_strided_slice %bitcast_convert_type3A {offsets = [0, 1024], sizes = [1280, 128], strides = [1, 1]} : vector<1280x2560xi32> to vector<1280x128xi32>
    %and3A_108 = arith.constant -32 : i32
    %and3A_109 = vector.broadcast %and3A_108 : i32 to vector<1280x128xi32>
    %and3A_110 = arith.andi %slice3A_107, %and3A_109 : vector<1280x128xi32>
    %or3A_111 = arith.constant 8 : i32
    %or3A_112 = vector.broadcast %or3A_111 : i32 to vector<1280x128xi32>
    %or3A_113 = arith.ori %and3A_110, %or3A_112 : vector<1280x128xi32>
    %max3A_114 = arith.maxsi %min3A_101, %or3A_113 : vector<1280x128xi32>
    %min3A_115 = arith.minsi %min3A_101, %or3A_113 : vector<1280x128xi32>
    %max3A_116 = arith.maxsi %min3A_103, %max3A_114 : vector<1280x128xi32>
    %min3A_117 = arith.minsi %min3A_103, %max3A_114 : vector<1280x128xi32>
    %max3A_118 = arith.maxsi %min3A_105, %max3A_116 : vector<1280x128xi32>
    %min3A_119 = arith.minsi %min3A_105, %max3A_116 : vector<1280x128xi32>
    %min3A_120 = arith.minsi %min3A_106, %max3A_118 : vector<1280x128xi32>
    %slice3A_121 = vector.extract_strided_slice %bitcast_convert_type3A {offsets = [0, 1152], sizes = [1280, 128], strides = [1, 1]} : vector<1280x2560xi32> to vector<1280x128xi32>
    %and3A_122 = arith.constant -32 : i32
    %and3A_123 = vector.broadcast %and3A_122 : i32 to vector<1280x128xi32>
    %and3A_124 = arith.andi %slice3A_121, %and3A_123 : vector<1280x128xi32>
    %or3A_125 = arith.constant 9 : i32
    %or3A_126 = vector.broadcast %or3A_125 : i32 to vector<1280x128xi32>
    %or3A_127 = arith.ori %and3A_124, %or3A_126 : vector<1280x128xi32>
    %max3A_128 = arith.maxsi %min3A_115, %or3A_127 : vector<1280x128xi32>
    %min3A_129 = arith.minsi %min3A_115, %or3A_127 : vector<1280x128xi32>
    %max3A_130 = arith.maxsi %min3A_117, %max3A_128 : vector<1280x128xi32>
    %min3A_131 = arith.minsi %min3A_117, %max3A_128 : vector<1280x128xi32>
    %max3A_132 = arith.maxsi %min3A_119, %max3A_130 : vector<1280x128xi32>
    %min3A_133 = arith.minsi %min3A_119, %max3A_130 : vector<1280x128xi32>
    %min3A_134 = arith.minsi %min3A_120, %max3A_132 : vector<1280x128xi32>
    %slice3A_135 = vector.extract_strided_slice %bitcast_convert_type3A {offsets = [0, 1280], sizes = [1280, 128], strides = [1, 1]} : vector<1280x2560xi32> to vector<1280x128xi32>
    %and3A_136 = arith.constant -32 : i32
    %and3A_137 = vector.broadcast %and3A_136 : i32 to vector<1280x128xi32>
    %and3A_138 = arith.andi %slice3A_135, %and3A_137 : vector<1280x128xi32>
    %or3A_139 = arith.constant 10 : i32
    %or3A_140 = vector.broadcast %or3A_139 : i32 to vector<1280x128xi32>
    %or3A_141 = arith.ori %and3A_138, %or3A_140 : vector<1280x128xi32>
    %max3A_142 = arith.maxsi %min3A_129, %or3A_141 : vector<1280x128xi32>
    %min3A_143 = arith.minsi %min3A_129, %or3A_141 : vector<1280x128xi32>
    %max3A_144 = arith.maxsi %min3A_131, %max3A_142 : vector<1280x128xi32>
    %min3A_145 = arith.minsi %min3A_131, %max3A_142 : vector<1280x128xi32>
    %max3A_146 = arith.maxsi %min3A_133, %max3A_144 : vector<1280x128xi32>
    %min3A_147 = arith.minsi %min3A_133, %max3A_144 : vector<1280x128xi32>
    %min3A_148 = arith.minsi %min3A_134, %max3A_146 : vector<1280x128xi32>
    %slice3A_149 = vector.extract_strided_slice %bitcast_convert_type3A {offsets = [0, 1408], sizes = [1280, 128], strides = [1, 1]} : vector<1280x2560xi32> to vector<1280x128xi32>
    %and3A_150 = arith.constant -32 : i32
    %and3A_151 = vector.broadcast %and3A_150 : i32 to vector<1280x128xi32>
    %and3A_152 = arith.andi %slice3A_149, %and3A_151 : vector<1280x128xi32>
    %or3A_153 = arith.constant 11 : i32
    %or3A_154 = vector.broadcast %or3A_153 : i32 to vector<1280x128xi32>
    %or3A_155 = arith.ori %and3A_152, %or3A_154 : vector<1280x128xi32>
    %max3A_156 = arith.maxsi %min3A_143, %or3A_155 : vector<1280x128xi32>
    %min3A_157 = arith.minsi %min3A_143, %or3A_155 : vector<1280x128xi32>
    %max3A_158 = arith.maxsi %min3A_145, %max3A_156 : vector<1280x128xi32>
    %min3A_159 = arith.minsi %min3A_145, %max3A_156 : vector<1280x128xi32>
    %max3A_160 = arith.maxsi %min3A_147, %max3A_158 : vector<1280x128xi32>
    %min3A_161 = arith.minsi %min3A_147, %max3A_158 : vector<1280x128xi32>
    %min3A_162 = arith.minsi %min3A_148, %max3A_160 : vector<1280x128xi32>
    %slice3A_163 = vector.extract_strided_slice %bitcast_convert_type3A {offsets = [0, 1536], sizes = [1280, 128], strides = [1, 1]} : vector<1280x2560xi32> to vector<1280x128xi32>
    %and3A_164 = arith.constant -32 : i32
    %and3A_165 = vector.broadcast %and3A_164 : i32 to vector<1280x128xi32>
    %and3A_166 = arith.andi %slice3A_163, %and3A_165 : vector<1280x128xi32>
    %or3A_167 = arith.constant 12 : i32
    %or3A_168 = vector.broadcast %or3A_167 : i32 to vector<1280x128xi32>
    %or3A_169 = arith.ori %and3A_166, %or3A_168 : vector<1280x128xi32>
    %max3A_170 = arith.maxsi %min3A_157, %or3A_169 : vector<1280x128xi32>
    %min3A_171 = arith.minsi %min3A_157, %or3A_169 : vector<1280x128xi32>
    %max3A_172 = arith.maxsi %min3A_159, %max3A_170 : vector<1280x128xi32>
    %min3A_173 = arith.minsi %min3A_159, %max3A_170 : vector<1280x128xi32>
    %max3A_174 = arith.maxsi %min3A_161, %max3A_172 : vector<1280x128xi32>
    %min3A_175 = arith.minsi %min3A_161, %max3A_172 : vector<1280x128xi32>
    %min3A_176 = arith.minsi %min3A_162, %max3A_174 : vector<1280x128xi32>
    %slice3A_177 = vector.extract_strided_slice %bitcast_convert_type3A {offsets = [0, 1664], sizes = [1280, 128], strides = [1, 1]} : vector<1280x2560xi32> to vector<1280x128xi32>
    %and3A_178 = arith.constant -32 : i32
    %and3A_179 = vector.broadcast %and3A_178 : i32 to vector<1280x128xi32>
    %and3A_180 = arith.andi %slice3A_177, %and3A_179 : vector<1280x128xi32>
    %or3A_181 = arith.constant 13 : i32
    %or3A_182 = vector.broadcast %or3A_181 : i32 to vector<1280x128xi32>
    %or3A_183 = arith.ori %and3A_180, %or3A_182 : vector<1280x128xi32>
    %max3A_184 = arith.maxsi %min3A_171, %or3A_183 : vector<1280x128xi32>
    %min3A_185 = arith.minsi %min3A_171, %or3A_183 : vector<1280x128xi32>
    %max3A_186 = arith.maxsi %min3A_173, %max3A_184 : vector<1280x128xi32>
    %min3A_187 = arith.minsi %min3A_173, %max3A_184 : vector<1280x128xi32>
    %max3A_188 = arith.maxsi %min3A_175, %max3A_186 : vector<1280x128xi32>
    %min3A_189 = arith.minsi %min3A_175, %max3A_186 : vector<1280x128xi32>
    %min3A_190 = arith.minsi %min3A_176, %max3A_188 : vector<1280x128xi32>
    %slice3A_191 = vector.extract_strided_slice %bitcast_convert_type3A {offsets = [0, 1792], sizes = [1280, 128], strides = [1, 1]} : vector<1280x2560xi32> to vector<1280x128xi32>
    %and3A_192 = arith.constant -32 : i32
    %and3A_193 = vector.broadcast %and3A_192 : i32 to vector<1280x128xi32>
    %and3A_194 = arith.andi %slice3A_191, %and3A_193 : vector<1280x128xi32>
    %or3A_195 = arith.constant 14 : i32
    %or3A_196 = vector.broadcast %or3A_195 : i32 to vector<1280x128xi32>
    %or3A_197 = arith.ori %and3A_194, %or3A_196 : vector<1280x128xi32>
    %max3A_198 = arith.maxsi %min3A_185, %or3A_197 : vector<1280x128xi32>
    %min3A_199 = arith.minsi %min3A_185, %or3A_197 : vector<1280x128xi32>
    %max3A_200 = arith.maxsi %min3A_187, %max3A_198 : vector<1280x128xi32>
    %min3A_201 = arith.minsi %min3A_187, %max3A_198 : vector<1280x128xi32>
    %max3A_202 = arith.maxsi %min3A_189, %max3A_200 : vector<1280x128xi32>
    %min3A_203 = arith.minsi %min3A_189, %max3A_200 : vector<1280x128xi32>
    %min3A_204 = arith.minsi %min3A_190, %max3A_202 : vector<1280x128xi32>
    %slice3A_205 = vector.extract_strided_slice %bitcast_convert_type3A {offsets = [0, 1920], sizes = [1280, 128], strides = [1, 1]} : vector<1280x2560xi32> to vector<1280x128xi32>
    %and3A_206 = arith.constant -32 : i32
    %and3A_207 = vector.broadcast %and3A_206 : i32 to vector<1280x128xi32>
    %and3A_208 = arith.andi %slice3A_205, %and3A_207 : vector<1280x128xi32>
    %or3A_209 = arith.constant 15 : i32
    %or3A_210 = vector.broadcast %or3A_209 : i32 to vector<1280x128xi32>
    %or3A_211 = arith.ori %and3A_208, %or3A_210 : vector<1280x128xi32>
    %max3A_212 = arith.maxsi %min3A_199, %or3A_211 : vector<1280x128xi32>
    %min3A_213 = arith.minsi %min3A_199, %or3A_211 : vector<1280x128xi32>
    %max3A_214 = arith.maxsi %min3A_201, %max3A_212 : vector<1280x128xi32>
    %min3A_215 = arith.minsi %min3A_201, %max3A_212 : vector<1280x128xi32>
    %max3A_216 = arith.maxsi %min3A_203, %max3A_214 : vector<1280x128xi32>
    %min3A_217 = arith.minsi %min3A_203, %max3A_214 : vector<1280x128xi32>
    %min3A_218 = arith.minsi %min3A_204, %max3A_216 : vector<1280x128xi32>
    %slice3A_219 = vector.extract_strided_slice %bitcast_convert_type3A {offsets = [0, 2048], sizes = [1280, 128], strides = [1, 1]} : vector<1280x2560xi32> to vector<1280x128xi32>
    %and3A_220 = arith.constant -32 : i32
    %and3A_221 = vector.broadcast %and3A_220 : i32 to vector<1280x128xi32>
    %and3A_222 = arith.andi %slice3A_219, %and3A_221 : vector<1280x128xi32>
    %or3A_223 = arith.constant 16 : i32
    %or3A_224 = vector.broadcast %or3A_223 : i32 to vector<1280x128xi32>
    %or3A_225 = arith.ori %and3A_222, %or3A_224 : vector<1280x128xi32>
    %max3A_226 = arith.maxsi %min3A_213, %or3A_225 : vector<1280x128xi32>
    %min3A_227 = arith.minsi %min3A_213, %or3A_225 : vector<1280x128xi32>
    %max3A_228 = arith.maxsi %min3A_215, %max3A_226 : vector<1280x128xi32>
    %min3A_229 = arith.minsi %min3A_215, %max3A_226 : vector<1280x128xi32>
    %max3A_230 = arith.maxsi %min3A_217, %max3A_228 : vector<1280x128xi32>
    %min3A_231 = arith.minsi %min3A_217, %max3A_228 : vector<1280x128xi32>
    %min3A_232 = arith.minsi %min3A_218, %max3A_230 : vector<1280x128xi32>
    %slice3A_233 = vector.extract_strided_slice %bitcast_convert_type3A {offsets = [0, 2176], sizes = [1280, 128], strides = [1, 1]} : vector<1280x2560xi32> to vector<1280x128xi32>
    %and3A_234 = arith.constant -32 : i32
    %and3A_235 = vector.broadcast %and3A_234 : i32 to vector<1280x128xi32>
    %and3A_236 = arith.andi %slice3A_233, %and3A_235 : vector<1280x128xi32>
    %or3A_237 = arith.constant 17 : i32
    %or3A_238 = vector.broadcast %or3A_237 : i32 to vector<1280x128xi32>
    %or3A_239 = arith.ori %and3A_236, %or3A_238 : vector<1280x128xi32>
    %max3A_240 = arith.maxsi %min3A_227, %or3A_239 : vector<1280x128xi32>
    %min3A_241 = arith.minsi %min3A_227, %or3A_239 : vector<1280x128xi32>
    %max3A_242 = arith.maxsi %min3A_229, %max3A_240 : vector<1280x128xi32>
    %min3A_243 = arith.minsi %min3A_229, %max3A_240 : vector<1280x128xi32>
    %max3A_244 = arith.maxsi %min3A_231, %max3A_242 : vector<1280x128xi32>
    %min3A_245 = arith.minsi %min3A_231, %max3A_242 : vector<1280x128xi32>
    %min3A_246 = arith.minsi %min3A_232, %max3A_244 : vector<1280x128xi32>
    %slice3A_247 = vector.extract_strided_slice %bitcast_convert_type3A {offsets = [0, 2304], sizes = [1280, 128], strides = [1, 1]} : vector<1280x2560xi32> to vector<1280x128xi32>
    %and3A_248 = arith.constant -32 : i32
    %and3A_249 = vector.broadcast %and3A_248 : i32 to vector<1280x128xi32>
    %and3A_250 = arith.andi %slice3A_247, %and3A_249 : vector<1280x128xi32>
    %or3A_251 = arith.constant 18 : i32
    %or3A_252 = vector.broadcast %or3A_251 : i32 to vector<1280x128xi32>
    %or3A_253 = arith.ori %and3A_250, %or3A_252 : vector<1280x128xi32>
    %max3A_254 = arith.maxsi %min3A_241, %or3A_253 : vector<1280x128xi32>
    %min3A_255 = arith.minsi %min3A_241, %or3A_253 : vector<1280x128xi32>
    %max3A_256 = arith.maxsi %min3A_243, %max3A_254 : vector<1280x128xi32>
    %min3A_257 = arith.minsi %min3A_243, %max3A_254 : vector<1280x128xi32>
    %max3A_258 = arith.maxsi %min3A_245, %max3A_256 : vector<1280x128xi32>
    %min3A_259 = arith.minsi %min3A_245, %max3A_256 : vector<1280x128xi32>
    %min3A_260 = arith.minsi %min3A_246, %max3A_258 : vector<1280x128xi32>
    %slice3A_261 = vector.extract_strided_slice %bitcast_convert_type3A {offsets = [0, 2432], sizes = [1280, 128], strides = [1, 1]} : vector<1280x2560xi32> to vector<1280x128xi32>
    %and3A_262 = arith.constant -32 : i32
    %and3A_263 = vector.broadcast %and3A_262 : i32 to vector<1280x128xi32>
    %and3A_264 = arith.andi %slice3A_261, %and3A_263 : vector<1280x128xi32>
    %or3A_265 = arith.constant 19 : i32
    %or3A_266 = vector.broadcast %or3A_265 : i32 to vector<1280x128xi32>
    %or3A_267 = arith.ori %and3A_264, %or3A_266 : vector<1280x128xi32>
    %max3A_268 = arith.maxsi %min3A_255, %or3A_267 : vector<1280x128xi32>
    %min3A_269 = arith.minsi %min3A_255, %or3A_267 : vector<1280x128xi32>
    %max3A_270 = arith.maxsi %min3A_257, %max3A_268 : vector<1280x128xi32>
    %min3A_271 = arith.minsi %min3A_257, %max3A_268 : vector<1280x128xi32>
    %max3A_272 = arith.maxsi %min3A_259, %max3A_270 : vector<1280x128xi32>
    %min3A_273 = arith.minsi %min3A_259, %max3A_270 : vector<1280x128xi32>
    %min3A_274 = arith.minsi %min3A_260, %max3A_272 : vector<1280x128xi32>
    %iota3A = tpu.iota {dimensions = array<i32: 1>} : vector<1280x128xi32>
    %reduce_min3A = arith.constant dense<2147483647> : vector<1280xi32>
    %reduce_min3A_275 = vector.multi_reduction <minsi>, %min3A_269, %reduce_min3A [1] : vector<1280x128xi32> to vector<1280xi32>
    %broadcast_in_dim3A_276 = vector.shape_cast %reduce_min3A_275 : vector<1280xi32> to vector<1280x1xi32>
    %le3A = vector.broadcast %broadcast_in_dim3A_276 : vector<1280x1xi32> to vector<1280x128xi32>
    %le3A_277 = arith.cmpi sle, %min3A_269, %le3A : vector<1280x128xi32>
    %jit3A = arith.constant 128 : i32
    %broadcast_in_dim3A_278 = vector.broadcast %jit3A : i32 to vector<1280x128xi32>
    %select_n3A = arith.select %le3A_277, %iota3A, %broadcast_in_dim3A_278 : vector<1280x128xi1>, vector<1280x128xi32>
    %reduce_min3A_279 = arith.constant dense<2147483647> : vector<1280xi32>
    %reduce_min3A_280 = vector.multi_reduction <minsi>, %select_n3A, %reduce_min3A_279 [1] : vector<1280x128xi32> to vector<1280xi32>
    %broadcast_in_dim3A_281 = vector.shape_cast %reduce_min3A_280 : vector<1280xi32> to vector<1280x1xi32>
    %and3A_282 = arith.constant 31 : i32
    %and3A_283 = vector.broadcast %and3A_282 : i32 to vector<1280x1xi32>
    %and3A_284 = arith.andi %broadcast_in_dim3A_276, %and3A_283 : vector<1280x1xi32>
    %mul3A = arith.constant 128 : i32
    %mul3A_285 = vector.broadcast %mul3A : i32 to vector<1280x1xi32>
    %mul3A_286 = arith.muli %and3A_284, %mul3A_285 : vector<1280x1xi32>
    %add3A = arith.addi %mul3A_286, %broadcast_in_dim3A_281 : vector<1280x1xi32>
    %swap3A = arith.constant 0 : index
    %swap3A_287 = arith.constant 0 : index
    %swap3A_288 = vector.load %arg3[%swap3A, %swap3A_287] : memref<1280x16xi32, #tpu.memory_space<vmem>>, vector<1280x1xi32>
    tpu.vector_store %arg3[%swap3A, %swap3A_287], %add3A {strides = array<i32>} : memref<1280x16xi32, #tpu.memory_space<vmem>>, vector<1280x1xi32>,
    %eq3A = vector.broadcast %broadcast_in_dim3A_281 : vector<1280x1xi32> to vector<1280x128xi32>
    %eq3A_289 = arith.cmpi eq, %iota3A, %eq3A : vector<1280x128xi32>
    %select_n3A_290 = arith.select %eq3A_289, %min3A_271, %min3A_269 : vector<1280x128xi1>, vector<1280x128xi32>
    %select_n3A_291 = arith.select %eq3A_289, %min3A_273, %min3A_271 : vector<1280x128xi1>, vector<1280x128xi32>
    %select_n3A_292 = arith.select %eq3A_289, %min3A_274, %min3A_273 : vector<1280x128xi1>, vector<1280x128xi32>
    %jit3A_293 = arith.constant 2147483647 : i32
    %broadcast_in_dim3A_294 = vector.broadcast %jit3A_293 : i32 to vector<1280x128xi32>
    %select_n3A_295 = arith.select %eq3A_289, %broadcast_in_dim3A_294, %min3A_274 : vector<1280x128xi1>, vector<1280x128xi32>
    %reduce_min3A_296 = arith.constant dense<2147483647> : vector<1280xi32>
    %reduce_min3A_297 = vector.multi_reduction <minsi>, %select_n3A_290, %reduce_min3A_296 [1] : vector<1280x128xi32> to vector<1280xi32>
    %broadcast_in_dim3A_298 = vector.shape_cast %reduce_min3A_297 : vector<1280xi32> to vector<1280x1xi32>
    %le3A_299 = vector.broadcast %broadcast_in_dim3A_298 : vector<1280x1xi32> to vector<1280x128xi32>
    %le3A_300 = arith.cmpi sle, %select_n3A_290, %le3A_299 : vector<1280x128xi32>
    %jit3A_301 = arith.constant 128 : i32
    %broadcast_in_dim3A_302 = vector.broadcast %jit3A_301 : i32 to vector<1280x128xi32>
    %select_n3A_303 = arith.select %le3A_300, %iota3A, %broadcast_in_dim3A_302 : vector<1280x128xi1>, vector<1280x128xi32>
    %reduce_min3A_304 = arith.constant dense<2147483647> : vector<1280xi32>
    %reduce_min3A_305 = vector.multi_reduction <minsi>, %select_n3A_303, %reduce_min3A_304 [1] : vector<1280x128xi32> to vector<1280xi32>
    %broadcast_in_dim3A_306 = vector.shape_cast %reduce_min3A_305 : vector<1280xi32> to vector<1280x1xi32>
    %and3A_307 = arith.constant 31 : i32
    %and3A_308 = vector.broadcast %and3A_307 : i32 to vector<1280x1xi32>
    %and3A_309 = arith.andi %broadcast_in_dim3A_298, %and3A_308 : vector<1280x1xi32>
    %mul3A_310 = arith.constant 128 : i32
    %mul3A_311 = vector.broadcast %mul3A_310 : i32 to vector<1280x1xi32>
    %mul3A_312 = arith.muli %and3A_309, %mul3A_311 : vector<1280x1xi32>
    %add3A_313 = arith.addi %mul3A_312, %broadcast_in_dim3A_306 : vector<1280x1xi32>
    %swap3A_314 = arith.constant 0 : index
    %swap3A_315 = arith.constant 1 : index
    %swap3A_316 = vector.load %arg3[%swap3A_314, %swap3A_315] : memref<1280x16xi32, #tpu.memory_space<vmem>>, vector<1280x1xi32>
    tpu.vector_store %arg3[%swap3A_314, %swap3A_315], %add3A_313 {strides = array<i32>} : memref<1280x16xi32, #tpu.memory_space<vmem>>, vector<1280x1xi32>,
    %eq3A_317 = vector.broadcast %broadcast_in_dim3A_306 : vector<1280x1xi32> to vector<1280x128xi32>
    %eq3A_318 = arith.cmpi eq, %iota3A, %eq3A_317 : vector<1280x128xi32>
    %select_n3A_319 = arith.select %eq3A_318, %select_n3A_291, %select_n3A_290 : vector<1280x128xi1>, vector<1280x128xi32>
    %select_n3A_320 = arith.select %eq3A_318, %select_n3A_292, %select_n3A_291 : vector<1280x128xi1>, vector<1280x128xi32>
    %select_n3A_321 = arith.select %eq3A_318, %select_n3A_295, %select_n3A_292 : vector<1280x128xi1>, vector<1280x128xi32>
    %jit3A_322 = arith.constant 2147483647 : i32
    %broadcast_in_dim3A_323 = vector.broadcast %jit3A_322 : i32 to vector<1280x128xi32>
    %select_n3A_324 = arith.select %eq3A_318, %broadcast_in_dim3A_323, %select_n3A_295 : vector<1280x128xi1>, vector<1280x128xi32>
    %reduce_min3A_325 = arith.constant dense<2147483647> : vector<1280xi32>
    %reduce_min3A_326 = vector.multi_reduction <minsi>, %select_n3A_319, %reduce_min3A_325 [1] : vector<1280x128xi32> to vector<1280xi32>
    %broadcast_in_dim3A_327 = vector.shape_cast %reduce_min3A_326 : vector<1280xi32> to vector<1280x1xi32>
    %le3A_328 = vector.broadcast %broadcast_in_dim3A_327 : vector<1280x1xi32> to vector<1280x128xi32>
    %le3A_329 = arith.cmpi sle, %select_n3A_319, %le3A_328 : vector<1280x128xi32>
    %jit3A_330 = arith.constant 128 : i32
    %broadcast_in_dim3A_331 = vector.broadcast %jit3A_330 : i32 to vector<1280x128xi32>
    %select_n3A_332 = arith.select %le3A_329, %iota3A, %broadcast_in_dim3A_331 : vector<1280x128xi1>, vector<1280x128xi32>
    %reduce_min3A_333 = arith.constant dense<2147483647> : vector<1280xi32>
    %reduce_min3A_334 = vector.multi_reduction <minsi>, %select_n3A_332, %reduce_min3A_333 [1] : vector<1280x128xi32> to vector<1280xi32>
    %broadcast_in_dim3A_335 = vector.shape_cast %reduce_min3A_334 : vector<1280xi32> to vector<1280x1xi32>
    %and3A_336 = arith.constant 31 : i32
    %and3A_337 = vector.broadcast %and3A_336 : i32 to vector<1280x1xi32>
    %and3A_338 = arith.andi %broadcast_in_dim3A_327, %and3A_337 : vector<1280x1xi32>
    %mul3A_339 = arith.constant 128 : i32
    %mul3A_340 = vector.broadcast %mul3A_339 : i32 to vector<1280x1xi32>
    %mul3A_341 = arith.muli %and3A_338, %mul3A_340 : vector<1280x1xi32>
    %add3A_342 = arith.addi %mul3A_341, %broadcast_in_dim3A_335 : vector<1280x1xi32>
    %swap3A_343 = arith.constant 0 : index
    %swap3A_344 = arith.constant 2 : index
    %swap3A_345 = vector.load %arg3[%swap3A_343, %swap3A_344] : memref<1280x16xi32, #tpu.memory_space<vmem>>, vector<1280x1xi32>
    tpu.vector_store %arg3[%swap3A_343, %swap3A_344], %add3A_342 {strides = array<i32>} : memref<1280x16xi32, #tpu.memory_space<vmem>>, vector<1280x1xi32>,
    %eq3A_346 = vector.broadcast %broadcast_in_dim3A_335 : vector<1280x1xi32> to vector<1280x128xi32>
    %eq3A_347 = arith.cmpi eq, %iota3A, %eq3A_346 : vector<1280x128xi32>
    %select_n3A_348 = arith.select %eq3A_347, %select_n3A_320, %select_n3A_319 : vector<1280x128xi1>, vector<1280x128xi32>
    %select_n3A_349 = arith.select %eq3A_347, %select_n3A_321, %select_n3A_320 : vector<1280x128xi1>, vector<1280x128xi32>
    %select_n3A_350 = arith.select %eq3A_347, %select_n3A_324, %select_n3A_321 : vector<1280x128xi1>, vector<1280x128xi32>
    %jit3A_351 = arith.constant 2147483647 : i32
    %broadcast_in_dim3A_352 = vector.broadcast %jit3A_351 : i32 to vector<1280x128xi32>
    %select_n3A_353 = arith.select %eq3A_347, %broadcast_in_dim3A_352, %select_n3A_324 : vector<1280x128xi1>, vector<1280x128xi32>
    %reduce_min3A_354 = arith.constant dense<2147483647> : vector<1280xi32>
    %reduce_min3A_355 = vector.multi_reduction <minsi>, %select_n3A_348, %reduce_min3A_354 [1] : vector<1280x128xi32> to vector<1280xi32>
    %broadcast_in_dim3A_356 = vector.shape_cast %reduce_min3A_355 : vector<1280xi32> to vector<1280x1xi32>
    %le3A_357 = vector.broadcast %broadcast_in_dim3A_356 : vector<1280x1xi32> to vector<1280x128xi32>
    %le3A_358 = arith.cmpi sle, %select_n3A_348, %le3A_357 : vector<1280x128xi32>
    %jit3A_359 = arith.constant 128 : i32
    %broadcast_in_dim3A_360 = vector.broadcast %jit3A_359 : i32 to vector<1280x128xi32>
    %select_n3A_361 = arith.select %le3A_358, %iota3A, %broadcast_in_dim3A_360 : vector<1280x128xi1>, vector<1280x128xi32>
    %reduce_min3A_362 = arith.constant dense<2147483647> : vector<1280xi32>
    %reduce_min3A_363 = vector.multi_reduction <minsi>, %select_n3A_361, %reduce_min3A_362 [1] : vector<1280x128xi32> to vector<1280xi32>
    %broadcast_in_dim3A_364 = vector.shape_cast %reduce_min3A_363 : vector<1280xi32> to vector<1280x1xi32>
    %and3A_365 = arith.constant 31 : i32
    %and3A_366 = vector.broadcast %and3A_365 : i32 to vector<1280x1xi32>
    %and3A_367 = arith.andi %broadcast_in_dim3A_356, %and3A_366 : vector<1280x1xi32>
    %mul3A_368 = arith.constant 128 : i32
    %mul3A_369 = vector.broadcast %mul3A_368 : i32 to vector<1280x1xi32>
    %mul3A_370 = arith.muli %and3A_367, %mul3A_369 : vector<1280x1xi32>
    %add3A_371 = arith.addi %mul3A_370, %broadcast_in_dim3A_364 : vector<1280x1xi32>
    %swap3A_372 = arith.constant 0 : index
    %swap3A_373 = arith.constant 3 : index
    %swap3A_374 = vector.load %arg3[%swap3A_372, %swap3A_373] : memref<1280x16xi32, #tpu.memory_space<vmem>>, vector<1280x1xi32>
    tpu.vector_store %arg3[%swap3A_372, %swap3A_373], %add3A_371 {strides = array<i32>} : memref<1280x16xi32, #tpu.memory_space<vmem>>, vector<1280x1xi32>,
    %eq3A_375 = vector.broadcast %broadcast_in_dim3A_364 : vector<1280x1xi32> to vector<1280x128xi32>
    %eq3A_376 = arith.cmpi eq, %iota3A, %eq3A_375 : vector<1280x128xi32>
    %select_n3A_377 = arith.select %eq3A_376, %select_n3A_349, %select_n3A_348 : vector<1280x128xi1>, vector<1280x128xi32>
    %select_n3A_378 = arith.select %eq3A_376, %select_n3A_350, %select_n3A_349 : vector<1280x128xi1>, vector<1280x128xi32>
    %select_n3A_379 = arith.select %eq3A_376, %select_n3A_353, %select_n3A_350 : vector<1280x128xi1>, vector<1280x128xi32>
    %jit3A_380 = arith.constant 2147483647 : i32
    %broadcast_in_dim3A_381 = vector.broadcast %jit3A_380 : i32 to vector<1280x128xi32>
    %select_n3A_382 = arith.select %eq3A_376, %broadcast_in_dim3A_381, %select_n3A_353 : vector<1280x128xi1>, vector<1280x128xi32>
    %reduce_min3A_383 = arith.constant dense<2147483647> : vector<1280xi32>
    %reduce_min3A_384 = vector.multi_reduction <minsi>, %select_n3A_377, %reduce_min3A_383 [1] : vector<1280x128xi32> to vector<1280xi32>
    %broadcast_in_dim3A_385 = vector.shape_cast %reduce_min3A_384 : vector<1280xi32> to vector<1280x1xi32>
    %le3A_386 = vector.broadcast %broadcast_in_dim3A_385 : vector<1280x1xi32> to vector<1280x128xi32>
    %le3A_387 = arith.cmpi sle, %select_n3A_377, %le3A_386 : vector<1280x128xi32>
    %jit3A_388 = arith.constant 128 : i32
    %broadcast_in_dim3A_389 = vector.broadcast %jit3A_388 : i32 to vector<1280x128xi32>
    %select_n3A_390 = arith.select %le3A_387, %iota3A, %broadcast_in_dim3A_389 : vector<1280x128xi1>, vector<1280x128xi32>
    %reduce_min3A_391 = arith.constant dense<2147483647> : vector<1280xi32>
    %reduce_min3A_392 = vector.multi_reduction <minsi>, %select_n3A_390, %reduce_min3A_391 [1] : vector<1280x128xi32> to vector<1280xi32>
    %broadcast_in_dim3A_393 = vector.shape_cast %reduce_min3A_392 : vector<1280xi32> to vector<1280x1xi32>
    %and3A_394 = arith.constant 31 : i32
    %and3A_395 = vector.broadcast %and3A_394 : i32 to vector<1280x1xi32>
    %and3A_396 = arith.andi %broadcast_in_dim3A_385, %and3A_395 : vector<1280x1xi32>
    %mul3A_397 = arith.constant 128 : i32
    %mul3A_398 = vector.broadcast %mul3A_397 : i32 to vector<1280x1xi32>
    %mul3A_399 = arith.muli %and3A_396, %mul3A_398 : vector<1280x1xi32>
    %add3A_400 = arith.addi %mul3A_399, %broadcast_in_dim3A_393 : vector<1280x1xi32>
    %swap3A_401 = arith.constant 0 : index
    %swap3A_402 = arith.constant 4 : index
    %swap3A_403 = vector.load %arg3[%swap3A_401, %swap3A_402] : memref<1280x16xi32, #tpu.memory_space<vmem>>, vector<1280x1xi32>
    tpu.vector_store %arg3[%swap3A_401, %swap3A_402], %add3A_400 {strides = array<i32>} : memref<1280x16xi32, #tpu.memory_space<vmem>>, vector<1280x1xi32>,
    %eq3A_404 = vector.broadcast %broadcast_in_dim3A_393 : vector<1280x1xi32> to vector<1280x128xi32>
    %eq3A_405 = arith.cmpi eq, %iota3A, %eq3A_404 : vector<1280x128xi32>
    %select_n3A_406 = arith.select %eq3A_405, %select_n3A_378, %select_n3A_377 : vector<1280x128xi1>, vector<1280x128xi32>
    %select_n3A_407 = arith.select %eq3A_405, %select_n3A_379, %select_n3A_378 : vector<1280x128xi1>, vector<1280x128xi32>
    %select_n3A_408 = arith.select %eq3A_405, %select_n3A_382, %select_n3A_379 : vector<1280x128xi1>, vector<1280x128xi32>
    %jit3A_409 = arith.constant 2147483647 : i32
    %broadcast_in_dim3A_410 = vector.broadcast %jit3A_409 : i32 to vector<1280x128xi32>
    %select_n3A_411 = arith.select %eq3A_405, %broadcast_in_dim3A_410, %select_n3A_382 : vector<1280x128xi1>, vector<1280x128xi32>
    %reduce_min3A_412 = arith.constant dense<2147483647> : vector<1280xi32>
    %reduce_min3A_413 = vector.multi_reduction <minsi>, %select_n3A_406, %reduce_min3A_412 [1] : vector<1280x128xi32> to vector<1280xi32>
    %broadcast_in_dim3A_414 = vector.shape_cast %reduce_min3A_413 : vector<1280xi32> to vector<1280x1xi32>
    %le3A_415 = vector.broadcast %broadcast_in_dim3A_414 : vector<1280x1xi32> to vector<1280x128xi32>
    %le3A_416 = arith.cmpi sle, %select_n3A_406, %le3A_415 : vector<1280x128xi32>
    %jit3A_417 = arith.constant 128 : i32
    %broadcast_in_dim3A_418 = vector.broadcast %jit3A_417 : i32 to vector<1280x128xi32>
    %select_n3A_419 = arith.select %le3A_416, %iota3A, %broadcast_in_dim3A_418 : vector<1280x128xi1>, vector<1280x128xi32>
    %reduce_min3A_420 = arith.constant dense<2147483647> : vector<1280xi32>
    %reduce_min3A_421 = vector.multi_reduction <minsi>, %select_n3A_419, %reduce_min3A_420 [1] : vector<1280x128xi32> to vector<1280xi32>
    %broadcast_in_dim3A_422 = vector.shape_cast %reduce_min3A_421 : vector<1280xi32> to vector<1280x1xi32>
    %and3A_423 = arith.constant 31 : i32
    %and3A_424 = vector.broadcast %and3A_423 : i32 to vector<1280x1xi32>
    %and3A_425 = arith.andi %broadcast_in_dim3A_414, %and3A_424 : vector<1280x1xi32>
    %mul3A_426 = arith.constant 128 : i32
    %mul3A_427 = vector.broadcast %mul3A_426 : i32 to vector<1280x1xi32>
    %mul3A_428 = arith.muli %and3A_425, %mul3A_427 : vector<1280x1xi32>
    %add3A_429 = arith.addi %mul3A_428, %broadcast_in_dim3A_422 : vector<1280x1xi32>
    %swap3A_430 = arith.constant 0 : index
    %swap3A_431 = arith.constant 5 : index
    %swap3A_432 = vector.load %arg3[%swap3A_430, %swap3A_431] : memref<1280x16xi32, #tpu.memory_space<vmem>>, vector<1280x1xi32>
    tpu.vector_store %arg3[%swap3A_430, %swap3A_431], %add3A_429 {strides = array<i32>} : memref<1280x16xi32, #tpu.memory_space<vmem>>, vector<1280x1xi32>,
    %eq3A_433 = vector.broadcast %broadcast_in_dim3A_422 : vector<1280x1xi32> to vector<1280x128xi32>
    %eq3A_434 = arith.cmpi eq, %iota3A, %eq3A_433 : vector<1280x128xi32>
    %select_n3A_435 = arith.select %eq3A_434, %select_n3A_407, %select_n3A_406 : vector<1280x128xi1>, vector<1280x128xi32>
    %select_n3A_436 = arith.select %eq3A_434, %select_n3A_408, %select_n3A_407 : vector<1280x128xi1>, vector<1280x128xi32>
    %select_n3A_437 = arith.select %eq3A_434, %select_n3A_411, %select_n3A_408 : vector<1280x128xi1>, vector<1280x128xi32>
    %jit3A_438 = arith.constant 2147483647 : i32
    %broadcast_in_dim3A_439 = vector.broadcast %jit3A_438 : i32 to vector<1280x128xi32>
    %select_n3A_440 = arith.select %eq3A_434, %broadcast_in_dim3A_439, %select_n3A_411 : vector<1280x128xi1>, vector<1280x128xi32>
    %reduce_min3A_441 = arith.constant dense<2147483647> : vector<1280xi32>
    %reduce_min3A_442 = vector.multi_reduction <minsi>, %select_n3A_435, %reduce_min3A_441 [1] : vector<1280x128xi32> to vector<1280xi32>
    %broadcast_in_dim3A_443 = vector.shape_cast %reduce_min3A_442 : vector<1280xi32> to vector<1280x1xi32>
    %le3A_444 = vector.broadcast %broadcast_in_dim3A_443 : vector<1280x1xi32> to vector<1280x128xi32>
    %le3A_445 = arith.cmpi sle, %select_n3A_435, %le3A_444 : vector<1280x128xi32>
    %jit3A_446 = arith.constant 128 : i32
    %broadcast_in_dim3A_447 = vector.broadcast %jit3A_446 : i32 to vector<1280x128xi32>
    %select_n3A_448 = arith.select %le3A_445, %iota3A, %broadcast_in_dim3A_447 : vector<1280x128xi1>, vector<1280x128xi32>
    %reduce_min3A_449 = arith.constant dense<2147483647> : vector<1280xi32>
    %reduce_min3A_450 = vector.multi_reduction <minsi>, %select_n3A_448, %reduce_min3A_449 [1] : vector<1280x128xi32> to vector<1280xi32>
    %broadcast_in_dim3A_451 = vector.shape_cast %reduce_min3A_450 : vector<1280xi32> to vector<1280x1xi32>
    %and3A_452 = arith.constant 31 : i32
    %and3A_453 = vector.broadcast %and3A_452 : i32 to vector<1280x1xi32>
    %and3A_454 = arith.andi %broadcast_in_dim3A_443, %and3A_453 : vector<1280x1xi32>
    %mul3A_455 = arith.constant 128 : i32
    %mul3A_456 = vector.broadcast %mul3A_455 : i32 to vector<1280x1xi32>
    %mul3A_457 = arith.muli %and3A_454, %mul3A_456 : vector<1280x1xi32>
    %add3A_458 = arith.addi %mul3A_457, %broadcast_in_dim3A_451 : vector<1280x1xi32>
    %swap3A_459 = arith.constant 0 : index
    %swap3A_460 = arith.constant 6 : index
    %swap3A_461 = vector.load %arg3[%swap3A_459, %swap3A_460] : memref<1280x16xi32, #tpu.memory_space<vmem>>, vector<1280x1xi32>
    tpu.vector_store %arg3[%swap3A_459, %swap3A_460], %add3A_458 {strides = array<i32>} : memref<1280x16xi32, #tpu.memory_space<vmem>>, vector<1280x1xi32>,
    %eq3A_462 = vector.broadcast %broadcast_in_dim3A_451 : vector<1280x1xi32> to vector<1280x128xi32>
    %eq3A_463 = arith.cmpi eq, %iota3A, %eq3A_462 : vector<1280x128xi32>
    %select_n3A_464 = arith.select %eq3A_463, %select_n3A_436, %select_n3A_435 : vector<1280x128xi1>, vector<1280x128xi32>
    %select_n3A_465 = arith.select %eq3A_463, %select_n3A_437, %select_n3A_436 : vector<1280x128xi1>, vector<1280x128xi32>
    %select_n3A_466 = arith.select %eq3A_463, %select_n3A_440, %select_n3A_437 : vector<1280x128xi1>, vector<1280x128xi32>
    %jit3A_467 = arith.constant 2147483647 : i32
    %broadcast_in_dim3A_468 = vector.broadcast %jit3A_467 : i32 to vector<1280x128xi32>
    %select_n3A_469 = arith.select %eq3A_463, %broadcast_in_dim3A_468, %select_n3A_440 : vector<1280x128xi1>, vector<1280x128xi32>
    %reduce_min3A_470 = arith.constant dense<2147483647> : vector<1280xi32>
    %reduce_min3A_471 = vector.multi_reduction <minsi>, %select_n3A_464, %reduce_min3A_470 [1] : vector<1280x128xi32> to vector<1280xi32>
    %broadcast_in_dim3A_472 = vector.shape_cast %reduce_min3A_471 : vector<1280xi32> to vector<1280x1xi32>
    %le3A_473 = vector.broadcast %broadcast_in_dim3A_472 : vector<1280x1xi32> to vector<1280x128xi32>
    %le3A_474 = arith.cmpi sle, %select_n3A_464, %le3A_473 : vector<1280x128xi32>
    %jit3A_475 = arith.constant 128 : i32
    %broadcast_in_dim3A_476 = vector.broadcast %jit3A_475 : i32 to vector<1280x128xi32>
    %select_n3A_477 = arith.select %le3A_474, %iota3A, %broadcast_in_dim3A_476 : vector<1280x128xi1>, vector<1280x128xi32>
    %reduce_min3A_478 = arith.constant dense<2147483647> : vector<1280xi32>
    %reduce_min3A_479 = vector.multi_reduction <minsi>, %select_n3A_477, %reduce_min3A_478 [1] : vector<1280x128xi32> to vector<1280xi32>
    %broadcast_in_dim3A_480 = vector.shape_cast %reduce_min3A_479 : vector<1280xi32> to vector<1280x1xi32>
    %and3A_481 = arith.constant 31 : i32
    %and3A_482 = vector.broadcast %and3A_481 : i32 to vector<1280x1xi32>
    %and3A_483 = arith.andi %broadcast_in_dim3A_472, %and3A_482 : vector<1280x1xi32>
    %mul3A_484 = arith.constant 128 : i32
    %mul3A_485 = vector.broadcast %mul3A_484 : i32 to vector<1280x1xi32>
    %mul3A_486 = arith.muli %and3A_483, %mul3A_485 : vector<1280x1xi32>
    %add3A_487 = arith.addi %mul3A_486, %broadcast_in_dim3A_480 : vector<1280x1xi32>
    %swap3A_488 = arith.constant 0 : index
    %swap3A_489 = arith.constant 7 : index
    %swap3A_490 = vector.load %arg3[%swap3A_488, %swap3A_489] : memref<1280x16xi32, #tpu.memory_space<vmem>>, vector<1280x1xi32>
    tpu.vector_store %arg3[%swap3A_488, %swap3A_489], %add3A_487 {strides = array<i32>} : memref<1280x16xi32, #tpu.memory_space<vmem>>, vector<1280x1xi32>,
    %eq3A_491 = vector.broadcast %broadcast_in_dim3A_480 : vector<1280x1xi32> to vector<1280x128xi32>
    %eq3A_492 = arith.cmpi eq, %iota3A, %eq3A_491 : vector<1280x128xi32>
    %select_n3A_493 = arith.select %eq3A_492, %select_n3A_465, %select_n3A_464 : vector<1280x128xi1>, vector<1280x128xi32>
    %select_n3A_494 = arith.select %eq3A_492, %select_n3A_466, %select_n3A_465 : vector<1280x128xi1>, vector<1280x128xi32>
    %select_n3A_495 = arith.select %eq3A_492, %select_n3A_469, %select_n3A_466 : vector<1280x128xi1>, vector<1280x128xi32>
    %jit3A_496 = arith.constant 2147483647 : i32
    %broadcast_in_dim3A_497 = vector.broadcast %jit3A_496 : i32 to vector<1280x128xi32>
    %select_n3A_498 = arith.select %eq3A_492, %broadcast_in_dim3A_497, %select_n3A_469 : vector<1280x128xi1>, vector<1280x128xi32>
    %reduce_min3A_499 = arith.constant dense<2147483647> : vector<1280xi32>
    %reduce_min3A_500 = vector.multi_reduction <minsi>, %select_n3A_493, %reduce_min3A_499 [1] : vector<1280x128xi32> to vector<1280xi32>
    %broadcast_in_dim3A_501 = vector.shape_cast %reduce_min3A_500 : vector<1280xi32> to vector<1280x1xi32>
    %le3A_502 = vector.broadcast %broadcast_in_dim3A_501 : vector<1280x1xi32> to vector<1280x128xi32>
    %le3A_503 = arith.cmpi sle, %select_n3A_493, %le3A_502 : vector<1280x128xi32>
    %jit3A_504 = arith.constant 128 : i32
    %broadcast_in_dim3A_505 = vector.broadcast %jit3A_504 : i32 to vector<1280x128xi32>
    %select_n3A_506 = arith.select %le3A_503, %iota3A, %broadcast_in_dim3A_505 : vector<1280x128xi1>, vector<1280x128xi32>
    %reduce_min3A_507 = arith.constant dense<2147483647> : vector<1280xi32>
    %reduce_min3A_508 = vector.multi_reduction <minsi>, %select_n3A_506, %reduce_min3A_507 [1] : vector<1280x128xi32> to vector<1280xi32>
    %broadcast_in_dim3A_509 = vector.shape_cast %reduce_min3A_508 : vector<1280xi32> to vector<1280x1xi32>
    %and3A_510 = arith.constant 31 : i32
    %and3A_511 = vector.broadcast %and3A_510 : i32 to vector<1280x1xi32>
    %and3A_512 = arith.andi %broadcast_in_dim3A_501, %and3A_511 : vector<1280x1xi32>
    %mul3A_513 = arith.constant 128 : i32
    %mul3A_514 = vector.broadcast %mul3A_513 : i32 to vector<1280x1xi32>
    %mul3A_515 = arith.muli %and3A_512, %mul3A_514 : vector<1280x1xi32>
    %add3A_516 = arith.addi %mul3A_515, %broadcast_in_dim3A_509 : vector<1280x1xi32>
    %swap3A_517 = arith.constant 0 : index
    %swap3A_518 = arith.constant 8 : index
    %swap3A_519 = vector.load %arg3[%swap3A_517, %swap3A_518] : memref<1280x16xi32, #tpu.memory_space<vmem>>, vector<1280x1xi32>
    tpu.vector_store %arg3[%swap3A_517, %swap3A_518], %add3A_516 {strides = array<i32>} : memref<1280x16xi32, #tpu.memory_space<vmem>>, vector<1280x1xi32>,
    %eq3A_520 = vector.broadcast %broadcast_in_dim3A_509 : vector<1280x1xi32> to vector<1280x128xi32>
    %eq3A_521 = arith.cmpi eq, %iota3A, %eq3A_520 : vector<1280x128xi32>
    %select_n3A_522 = arith.select %eq3A_521, %select_n3A_494, %select_n3A_493 : vector<1280x128xi1>, vector<1280x128xi32>
    %select_n3A_523 = arith.select %eq3A_521, %select_n3A_495, %select_n3A_494 : vector<1280x128xi1>, vector<1280x128xi32>
    %select_n3A_524 = arith.select %eq3A_521, %select_n3A_498, %select_n3A_495 : vector<1280x128xi1>, vector<1280x128xi32>
    %jit3A_525 = arith.constant 2147483647 : i32
    %broadcast_in_dim3A_526 = vector.broadcast %jit3A_525 : i32 to vector<1280x128xi32>
    %select_n3A_527 = arith.select %eq3A_521, %broadcast_in_dim3A_526, %select_n3A_498 : vector<1280x128xi1>, vector<1280x128xi32>
    %reduce_min3A_528 = arith.constant dense<2147483647> : vector<1280xi32>
    %reduce_min3A_529 = vector.multi_reduction <minsi>, %select_n3A_522, %reduce_min3A_528 [1] : vector<1280x128xi32> to vector<1280xi32>
    %broadcast_in_dim3A_530 = vector.shape_cast %reduce_min3A_529 : vector<1280xi32> to vector<1280x1xi32>
    %le3A_531 = vector.broadcast %broadcast_in_dim3A_530 : vector<1280x1xi32> to vector<1280x128xi32>
    %le3A_532 = arith.cmpi sle, %select_n3A_522, %le3A_531 : vector<1280x128xi32>
    %jit3A_533 = arith.constant 128 : i32
    %broadcast_in_dim3A_534 = vector.broadcast %jit3A_533 : i32 to vector<1280x128xi32>
    %select_n3A_535 = arith.select %le3A_532, %iota3A, %broadcast_in_dim3A_534 : vector<1280x128xi1>, vector<1280x128xi32>
    %reduce_min3A_536 = arith.constant dense<2147483647> : vector<1280xi32>
    %reduce_min3A_537 = vector.multi_reduction <minsi>, %select_n3A_535, %reduce_min3A_536 [1] : vector<1280x128xi32> to vector<1280xi32>
    %broadcast_in_dim3A_538 = vector.shape_cast %reduce_min3A_537 : vector<1280xi32> to vector<1280x1xi32>
    %and3A_539 = arith.constant 31 : i32
    %and3A_540 = vector.broadcast %and3A_539 : i32 to vector<1280x1xi32>
    %and3A_541 = arith.andi %broadcast_in_dim3A_530, %and3A_540 : vector<1280x1xi32>
    %mul3A_542 = arith.constant 128 : i32
    %mul3A_543 = vector.broadcast %mul3A_542 : i32 to vector<1280x1xi32>
    %mul3A_544 = arith.muli %and3A_541, %mul3A_543 : vector<1280x1xi32>
    %add3A_545 = arith.addi %mul3A_544, %broadcast_in_dim3A_538 : vector<1280x1xi32>
    %swap3A_546 = arith.constant 0 : index
    %swap3A_547 = arith.constant 9 : index
    %swap3A_548 = vector.load %arg3[%swap3A_546, %swap3A_547] : memref<1280x16xi32, #tpu.memory_space<vmem>>, vector<1280x1xi32>
    tpu.vector_store %arg3[%swap3A_546, %swap3A_547], %add3A_545 {strides = array<i32>} : memref<1280x16xi32, #tpu.memory_space<vmem>>, vector<1280x1xi32>,
    %eq3A_549 = vector.broadcast %broadcast_in_dim3A_538 : vector<1280x1xi32> to vector<1280x128xi32>
    %eq3A_550 = arith.cmpi eq, %iota3A, %eq3A_549 : vector<1280x128xi32>
    %select_n3A_551 = arith.select %eq3A_550, %select_n3A_523, %select_n3A_522 : vector<1280x128xi1>, vector<1280x128xi32>
    %select_n3A_552 = arith.select %eq3A_550, %select_n3A_524, %select_n3A_523 : vector<1280x128xi1>, vector<1280x128xi32>
    %select_n3A_553 = arith.select %eq3A_550, %select_n3A_527, %select_n3A_524 : vector<1280x128xi1>, vector<1280x128xi32>
    %jit3A_554 = arith.constant 2147483647 : i32
    %broadcast_in_dim3A_555 = vector.broadcast %jit3A_554 : i32 to vector<1280x128xi32>
    %select_n3A_556 = arith.select %eq3A_550, %broadcast_in_dim3A_555, %select_n3A_527 : vector<1280x128xi1>, vector<1280x128xi32>
    %reduce_min3A_557 = arith.constant dense<2147483647> : vector<1280xi32>
    %reduce_min3A_558 = vector.multi_reduction <minsi>, %select_n3A_551, %reduce_min3A_557 [1] : vector<1280x128xi32> to vector<1280xi32>
    %broadcast_in_dim3A_559 = vector.shape_cast %reduce_min3A_558 : vector<1280xi32> to vector<1280x1xi32>
    %le3A_560 = vector.broadcast %broadcast_in_dim3A_559 : vector<1280x1xi32> to vector<1280x128xi32>
    %le3A_561 = arith.cmpi sle, %select_n3A_551, %le3A_560 : vector<1280x128xi32>
    %jit3A_562 = arith.constant 128 : i32
    %broadcast_in_dim3A_563 = vector.broadcast %jit3A_562 : i32 to vector<1280x128xi32>
    %select_n3A_564 = arith.select %le3A_561, %iota3A, %broadcast_in_dim3A_563 : vector<1280x128xi1>, vector<1280x128xi32>
    %reduce_min3A_565 = arith.constant dense<2147483647> : vector<1280xi32>
    %reduce_min3A_566 = vector.multi_reduction <minsi>, %select_n3A_564, %reduce_min3A_565 [1] : vector<1280x128xi32> to vector<1280xi32>
    %broadcast_in_dim3A_567 = vector.shape_cast %reduce_min3A_566 : vector<1280xi32> to vector<1280x1xi32>
    %and3A_568 = arith.constant 31 : i32
    %and3A_569 = vector.broadcast %and3A_568 : i32 to vector<1280x1xi32>
    %and3A_570 = arith.andi %broadcast_in_dim3A_559, %and3A_569 : vector<1280x1xi32>
    %mul3A_571 = arith.constant 128 : i32
    %mul3A_572 = vector.broadcast %mul3A_571 : i32 to vector<1280x1xi32>
    %mul3A_573 = arith.muli %and3A_570, %mul3A_572 : vector<1280x1xi32>
    %add3A_574 = arith.addi %mul3A_573, %broadcast_in_dim3A_567 : vector<1280x1xi32>
    %swap3A_575 = arith.constant 0 : index
    %swap3A_576 = arith.constant 10 : index
    %swap3A_577 = vector.load %arg3[%swap3A_575, %swap3A_576] : memref<1280x16xi32, #tpu.memory_space<vmem>>, vector<1280x1xi32>
    tpu.vector_store %arg3[%swap3A_575, %swap3A_576], %add3A_574 {strides = array<i32>} : memref<1280x16xi32, #tpu.memory_space<vmem>>, vector<1280x1xi32>,
    %eq3A_578 = vector.broadcast %broadcast_in_dim3A_567 : vector<1280x1xi32> to vector<1280x128xi32>
    %eq3A_579 = arith.cmpi eq, %iota3A, %eq3A_578 : vector<1280x128xi32>
    %select_n3A_580 = arith.select %eq3A_579, %select_n3A_552, %select_n3A_551 : vector<1280x128xi1>, vector<1280x128xi32>
    %select_n3A_581 = arith.select %eq3A_579, %select_n3A_553, %select_n3A_552 : vector<1280x128xi1>, vector<1280x128xi32>
    %select_n3A_582 = arith.select %eq3A_579, %select_n3A_556, %select_n3A_553 : vector<1280x128xi1>, vector<1280x128xi32>
    %jit3A_583 = arith.constant 2147483647 : i32
    %broadcast_in_dim3A_584 = vector.broadcast %jit3A_583 : i32 to vector<1280x128xi32>
    %select_n3A_585 = arith.select %eq3A_579, %broadcast_in_dim3A_584, %select_n3A_556 : vector<1280x128xi1>, vector<1280x128xi32>
    %reduce_min3A_586 = arith.constant dense<2147483647> : vector<1280xi32>
    %reduce_min3A_587 = vector.multi_reduction <minsi>, %select_n3A_580, %reduce_min3A_586 [1] : vector<1280x128xi32> to vector<1280xi32>
    %broadcast_in_dim3A_588 = vector.shape_cast %reduce_min3A_587 : vector<1280xi32> to vector<1280x1xi32>
    %le3A_589 = vector.broadcast %broadcast_in_dim3A_588 : vector<1280x1xi32> to vector<1280x128xi32>
    %le3A_590 = arith.cmpi sle, %select_n3A_580, %le3A_589 : vector<1280x128xi32>
    %jit3A_591 = arith.constant 128 : i32
    %broadcast_in_dim3A_592 = vector.broadcast %jit3A_591 : i32 to vector<1280x128xi32>
    %select_n3A_593 = arith.select %le3A_590, %iota3A, %broadcast_in_dim3A_592 : vector<1280x128xi1>, vector<1280x128xi32>
    %reduce_min3A_594 = arith.constant dense<2147483647> : vector<1280xi32>
    %reduce_min3A_595 = vector.multi_reduction <minsi>, %select_n3A_593, %reduce_min3A_594 [1] : vector<1280x128xi32> to vector<1280xi32>
    %broadcast_in_dim3A_596 = vector.shape_cast %reduce_min3A_595 : vector<1280xi32> to vector<1280x1xi32>
    %and3A_597 = arith.constant 31 : i32
    %and3A_598 = vector.broadcast %and3A_597 : i32 to vector<1280x1xi32>
    %and3A_599 = arith.andi %broadcast_in_dim3A_588, %and3A_598 : vector<1280x1xi32>
    %mul3A_600 = arith.constant 128 : i32
    %mul3A_601 = vector.broadcast %mul3A_600 : i32 to vector<1280x1xi32>
    %mul3A_602 = arith.muli %and3A_599, %mul3A_601 : vector<1280x1xi32>
    %add3A_603 = arith.addi %mul3A_602, %broadcast_in_dim3A_596 : vector<1280x1xi32>
    %swap3A_604 = arith.constant 0 : index
    %swap3A_605 = arith.constant 11 : index
    %swap3A_606 = vector.load %arg3[%swap3A_604, %swap3A_605] : memref<1280x16xi32, #tpu.memory_space<vmem>>, vector<1280x1xi32>
    tpu.vector_store %arg3[%swap3A_604, %swap3A_605], %add3A_603 {strides = array<i32>} : memref<1280x16xi32, #tpu.memory_space<vmem>>, vector<1280x1xi32>,
    %eq3A_607 = vector.broadcast %broadcast_in_dim3A_596 : vector<1280x1xi32> to vector<1280x128xi32>
    %eq3A_608 = arith.cmpi eq, %iota3A, %eq3A_607 : vector<1280x128xi32>
    %select_n3A_609 = arith.select %eq3A_608, %select_n3A_581, %select_n3A_580 : vector<1280x128xi1>, vector<1280x128xi32>
    %select_n3A_610 = arith.select %eq3A_608, %select_n3A_582, %select_n3A_581 : vector<1280x128xi1>, vector<1280x128xi32>
    %select_n3A_611 = arith.select %eq3A_608, %select_n3A_585, %select_n3A_582 : vector<1280x128xi1>, vector<1280x128xi32>
    %jit3A_612 = arith.constant 2147483647 : i32
    %broadcast_in_dim3A_613 = vector.broadcast %jit3A_612 : i32 to vector<1280x128xi32>
    %select_n3A_614 = arith.select %eq3A_608, %broadcast_in_dim3A_613, %select_n3A_585 : vector<1280x128xi1>, vector<1280x128xi32>
    %reduce_min3A_615 = arith.constant dense<2147483647> : vector<1280xi32>
    %reduce_min3A_616 = vector.multi_reduction <minsi>, %select_n3A_609, %reduce_min3A_615 [1] : vector<1280x128xi32> to vector<1280xi32>
    %broadcast_in_dim3A_617 = vector.shape_cast %reduce_min3A_616 : vector<1280xi32> to vector<1280x1xi32>
    %le3A_618 = vector.broadcast %broadcast_in_dim3A_617 : vector<1280x1xi32> to vector<1280x128xi32>
    %le3A_619 = arith.cmpi sle, %select_n3A_609, %le3A_618 : vector<1280x128xi32>
    %jit3A_620 = arith.constant 128 : i32
    %broadcast_in_dim3A_621 = vector.broadcast %jit3A_620 : i32 to vector<1280x128xi32>
    %select_n3A_622 = arith.select %le3A_619, %iota3A, %broadcast_in_dim3A_621 : vector<1280x128xi1>, vector<1280x128xi32>
    %reduce_min3A_623 = arith.constant dense<2147483647> : vector<1280xi32>
    %reduce_min3A_624 = vector.multi_reduction <minsi>, %select_n3A_622, %reduce_min3A_623 [1] : vector<1280x128xi32> to vector<1280xi32>
    %broadcast_in_dim3A_625 = vector.shape_cast %reduce_min3A_624 : vector<1280xi32> to vector<1280x1xi32>
    %and3A_626 = arith.constant 31 : i32
    %and3A_627 = vector.broadcast %and3A_626 : i32 to vector<1280x1xi32>
    %and3A_628 = arith.andi %broadcast_in_dim3A_617, %and3A_627 : vector<1280x1xi32>
    %mul3A_629 = arith.constant 128 : i32
    %mul3A_630 = vector.broadcast %mul3A_629 : i32 to vector<1280x1xi32>
    %mul3A_631 = arith.muli %and3A_628, %mul3A_630 : vector<1280x1xi32>
    %add3A_632 = arith.addi %mul3A_631, %broadcast_in_dim3A_625 : vector<1280x1xi32>
    %swap3A_633 = arith.constant 0 : index
    %swap3A_634 = arith.constant 12 : index
    %swap3A_635 = vector.load %arg3[%swap3A_633, %swap3A_634] : memref<1280x16xi32, #tpu.memory_space<vmem>>, vector<1280x1xi32>
    tpu.vector_store %arg3[%swap3A_633, %swap3A_634], %add3A_632 {strides = array<i32>} : memref<1280x16xi32, #tpu.memory_space<vmem>>, vector<1280x1xi32>,
    %eq3A_636 = vector.broadcast %broadcast_in_dim3A_625 : vector<1280x1xi32> to vector<1280x128xi32>
    %eq3A_637 = arith.cmpi eq, %iota3A, %eq3A_636 : vector<1280x128xi32>
    %select_n3A_638 = arith.select %eq3A_637, %select_n3A_610, %select_n3A_609 : vector<1280x128xi1>, vector<1280x128xi32>
    %select_n3A_639 = arith.select %eq3A_637, %select_n3A_611, %select_n3A_610 : vector<1280x128xi1>, vector<1280x128xi32>
    %select_n3A_640 = arith.select %eq3A_637, %select_n3A_614, %select_n3A_611 : vector<1280x128xi1>, vector<1280x128xi32>
    %reduce_min3A_641 = arith.constant dense<2147483647> : vector<1280xi32>
    %reduce_min3A_642 = vector.multi_reduction <minsi>, %select_n3A_638, %reduce_min3A_641 [1] : vector<1280x128xi32> to vector<1280xi32>
    %broadcast_in_dim3A_643 = vector.shape_cast %reduce_min3A_642 : vector<1280xi32> to vector<1280x1xi32>
    %le3A_644 = vector.broadcast %broadcast_in_dim3A_643 : vector<1280x1xi32> to vector<1280x128xi32>
    %le3A_645 = arith.cmpi sle, %select_n3A_638, %le3A_644 : vector<1280x128xi32>
    %jit3A_646 = arith.constant 128 : i32
    %broadcast_in_dim3A_647 = vector.broadcast %jit3A_646 : i32 to vector<1280x128xi32>
    %select_n3A_648 = arith.select %le3A_645, %iota3A, %broadcast_in_dim3A_647 : vector<1280x128xi1>, vector<1280x128xi32>
    %reduce_min3A_649 = arith.constant dense<2147483647> : vector<1280xi32>
    %reduce_min3A_650 = vector.multi_reduction <minsi>, %select_n3A_648, %reduce_min3A_649 [1] : vector<1280x128xi32> to vector<1280xi32>
    %broadcast_in_dim3A_651 = vector.shape_cast %reduce_min3A_650 : vector<1280xi32> to vector<1280x1xi32>
    %and3A_652 = arith.constant 31 : i32
    %and3A_653 = vector.broadcast %and3A_652 : i32 to vector<1280x1xi32>
    %and3A_654 = arith.andi %broadcast_in_dim3A_643, %and3A_653 : vector<1280x1xi32>
    %mul3A_655 = arith.constant 128 : i32
    %mul3A_656 = vector.broadcast %mul3A_655 : i32 to vector<1280x1xi32>
    %mul3A_657 = arith.muli %and3A_654, %mul3A_656 : vector<1280x1xi32>
    %add3A_658 = arith.addi %mul3A_657, %broadcast_in_dim3A_651 : vector<1280x1xi32>
    %swap3A_659 = arith.constant 0 : index
    %swap3A_660 = arith.constant 13 : index
    %swap3A_661 = vector.load %arg3[%swap3A_659, %swap3A_660] : memref<1280x16xi32, #tpu.memory_space<vmem>>, vector<1280x1xi32>
    tpu.vector_store %arg3[%swap3A_659, %swap3A_660], %add3A_658 {strides = array<i32>} : memref<1280x16xi32, #tpu.memory_space<vmem>>, vector<1280x1xi32>,
    %eq3A_662 = vector.broadcast %broadcast_in_dim3A_651 : vector<1280x1xi32> to vector<1280x128xi32>
    %eq3A_663 = arith.cmpi eq, %iota3A, %eq3A_662 : vector<1280x128xi32>
    %select_n3A_664 = arith.select %eq3A_663, %select_n3A_639, %select_n3A_638 : vector<1280x128xi1>, vector<1280x128xi32>
    %select_n3A_665 = arith.select %eq3A_663, %select_n3A_640, %select_n3A_639 : vector<1280x128xi1>, vector<1280x128xi32>
    %reduce_min3A_666 = arith.constant dense<2147483647> : vector<1280xi32>
    %reduce_min3A_667 = vector.multi_reduction <minsi>, %select_n3A_664, %reduce_min3A_666 [1] : vector<1280x128xi32> to vector<1280xi32>
    %broadcast_in_dim3A_668 = vector.shape_cast %reduce_min3A_667 : vector<1280xi32> to vector<1280x1xi32>
    %le3A_669 = vector.broadcast %broadcast_in_dim3A_668 : vector<1280x1xi32> to vector<1280x128xi32>
    %le3A_670 = arith.cmpi sle, %select_n3A_664, %le3A_669 : vector<1280x128xi32>
    %jit3A_671 = arith.constant 128 : i32
    %broadcast_in_dim3A_672 = vector.broadcast %jit3A_671 : i32 to vector<1280x128xi32>
    %select_n3A_673 = arith.select %le3A_670, %iota3A, %broadcast_in_dim3A_672 : vector<1280x128xi1>, vector<1280x128xi32>
    %reduce_min3A_674 = arith.constant dense<2147483647> : vector<1280xi32>
    %reduce_min3A_675 = vector.multi_reduction <minsi>, %select_n3A_673, %reduce_min3A_674 [1] : vector<1280x128xi32> to vector<1280xi32>
    %broadcast_in_dim3A_676 = vector.shape_cast %reduce_min3A_675 : vector<1280xi32> to vector<1280x1xi32>
    %and3A_677 = arith.constant 31 : i32
    %and3A_678 = vector.broadcast %and3A_677 : i32 to vector<1280x1xi32>
    %and3A_679 = arith.andi %broadcast_in_dim3A_668, %and3A_678 : vector<1280x1xi32>
    %mul3A_680 = arith.constant 128 : i32
    %mul3A_681 = vector.broadcast %mul3A_680 : i32 to vector<1280x1xi32>
    %mul3A_682 = arith.muli %and3A_679, %mul3A_681 : vector<1280x1xi32>
    %add3A_683 = arith.addi %mul3A_682, %broadcast_in_dim3A_676 : vector<1280x1xi32>
    %swap3A_684 = arith.constant 0 : index
    %swap3A_685 = arith.constant 14 : index
    %swap3A_686 = vector.load %arg3[%swap3A_684, %swap3A_685] : memref<1280x16xi32, #tpu.memory_space<vmem>>, vector<1280x1xi32>
    tpu.vector_store %arg3[%swap3A_684, %swap3A_685], %add3A_683 {strides = array<i32>} : memref<1280x16xi32, #tpu.memory_space<vmem>>, vector<1280x1xi32>,
    %eq3A_687 = vector.broadcast %broadcast_in_dim3A_676 : vector<1280x1xi32> to vector<1280x128xi32>
    %eq3A_688 = arith.cmpi eq, %iota3A, %eq3A_687 : vector<1280x128xi32>
    %select_n3A_689 = arith.select %eq3A_688, %select_n3A_665, %select_n3A_664 : vector<1280x128xi1>, vector<1280x128xi32>
    %reduce_min3A_690 = arith.constant dense<2147483647> : vector<1280xi32>
    %reduce_min3A_691 = vector.multi_reduction <minsi>, %select_n3A_689, %reduce_min3A_690 [1] : vector<1280x128xi32> to vector<1280xi32>
    %broadcast_in_dim3A_692 = vector.shape_cast %reduce_min3A_691 : vector<1280xi32> to vector<1280x1xi32>
    %le3A_693 = vector.broadcast %broadcast_in_dim3A_692 : vector<1280x1xi32> to vector<1280x128xi32>
    %le3A_694 = arith.cmpi sle, %select_n3A_689, %le3A_693 : vector<1280x128xi32>
    %jit3A_695 = arith.constant 128 : i32
    %broadcast_in_dim3A_696 = vector.broadcast %jit3A_695 : i32 to vector<1280x128xi32>
    %select_n3A_697 = arith.select %le3A_694, %iota3A, %broadcast_in_dim3A_696 : vector<1280x128xi1>, vector<1280x128xi32>
    %reduce_min3A_698 = arith.constant dense<2147483647> : vector<1280xi32>
    %reduce_min3A_699 = vector.multi_reduction <minsi>, %select_n3A_697, %reduce_min3A_698 [1] : vector<1280x128xi32> to vector<1280xi32>
    %broadcast_in_dim3A_700 = vector.shape_cast %reduce_min3A_699 : vector<1280xi32> to vector<1280x1xi32>
    %and3A_701 = arith.constant 31 : i32
    %and3A_702 = vector.broadcast %and3A_701 : i32 to vector<1280x1xi32>
    %and3A_703 = arith.andi %broadcast_in_dim3A_692, %and3A_702 : vector<1280x1xi32>
    %mul3A_704 = arith.constant 128 : i32
    %mul3A_705 = vector.broadcast %mul3A_704 : i32 to vector<1280x1xi32>
    %mul3A_706 = arith.muli %and3A_703, %mul3A_705 : vector<1280x1xi32>
    %add3A_707 = arith.addi %mul3A_706, %broadcast_in_dim3A_700 : vector<1280x1xi32>
    %swap3A_708 = arith.constant 0 : index
    %swap3A_709 = arith.constant 15 : index
    %swap3A_710 = vector.load %arg3[%swap3A_708, %swap3A_709] : memref<1280x16xi32, #tpu.memory_space<vmem>>, vector<1280x1xi32>
    tpu.vector_store %arg3[%swap3A_708, %swap3A_709], %add3A_707 {strides = array<i32>} : memref<1280x16xi32, #tpu.memory_space<vmem>>, vector<1280x1xi32>,
    return
  }
  func.func @transform_0(%arg0: i32) -> (i32, i32) {
    %c0_i32 = arith.constant 0 : i32
    %c0_i32_0 = arith.constant 0 : i32
    return %arg0, %c0_i32 : i32, i32
  }
  func.func @transform_1(%arg0: i32) -> (i32, i32) {
    %c0_i32 = arith.constant 0 : i32
    %c0_i32_0 = arith.constant 0 : i32
    %c0_i32_1 = arith.constant 0 : i32
    return %c0_i32, %c0_i32_0 : i32, i32
  }
  func.func @transform_2(%arg0: i32) -> (i32, i32) {
    %c0_i32 = arith.constant 0 : i32
    %c0_i32_0 = arith.constant 0 : i32
    return %arg0, %c0_i32 : i32, i32
  }
}

module attributes {stable_mosaic.version = 14 : i64} {
  func.func @_conv_body(%arg0: i32, %arg1: memref<16x32xf32, #tpu.memory_space<vmem>>, %arg2: memref<16x32xf32, #tpu.memory_space<vmem>>, %arg3: memref<1x32xf32, #tpu.memory_space<vmem>>, %arg4: memref<1x32xf32, #tpu.memory_space<vmem>>, %arg5: memref<32x64xf32, #tpu.memory_space<vmem>>, %arg6: memref<32x64xf32, #tpu.memory_space<vmem>>, %arg7: memref<1x64xf32, #tpu.memory_space<vmem>>, %arg8: memref<32x64xf32, #tpu.memory_space<vmem>>, %arg9: memref<32x64xf32, #tpu.memory_space<vmem>>, %arg10: memref<1x64xf32, #tpu.memory_space<vmem>>, %arg11: memref<2048x48xf32, #tpu.memory_space<vmem>>, %arg12: memref<128x16xf32, #tpu.memory_space<vmem>>, %arg13: memref<128x64xf32, #tpu.memory_space<vmem>>) attributes {dimension_semantics = [#tpu.dimension_semantics<arbitrary>], iteration_bounds = array<i64: 20>, scalar_prefetch = 0 : i64, scratch_operands = 0 : i64, tpu.core_type = #tpu.core_type<tc>, window_params = [{pipeline_mode = #tpu.pipeline_mode<synchronous>, transform_indices = @transform_0, window_bounds = array<i64: 16, 32>}, {pipeline_mode = #tpu.pipeline_mode<synchronous>, transform_indices = @transform_1, window_bounds = array<i64: 16, 32>}, {pipeline_mode = #tpu.pipeline_mode<synchronous>, transform_indices = @transform_2, window_bounds = array<i64: 1, 32>}, {pipeline_mode = #tpu.pipeline_mode<synchronous>, transform_indices = @transform_3, window_bounds = array<i64: 1, 32>}, {pipeline_mode = #tpu.pipeline_mode<synchronous>, transform_indices = @transform_4, window_bounds = array<i64: 32, 64>}, {pipeline_mode = #tpu.pipeline_mode<synchronous>, transform_indices = @transform_5, window_bounds = array<i64: 32, 64>}, {pipeline_mode = #tpu.pipeline_mode<synchronous>, transform_indices = @transform_6, window_bounds = array<i64: 1, 64>}, {pipeline_mode = #tpu.pipeline_mode<synchronous>, transform_indices = @transform_7, window_bounds = array<i64: 32, 64>}, {pipeline_mode = #tpu.pipeline_mode<synchronous>, transform_indices = @transform_8, window_bounds = array<i64: 32, 64>}, {pipeline_mode = #tpu.pipeline_mode<synchronous>, transform_indices = @transform_9, window_bounds = array<i64: 1, 64>}, {transform_indices = @transform_10, window_bounds = array<i64: 2048, 48>}, {transform_indices = @transform_11, window_bounds = array<i64: 128, 16>}, {transform_indices = @transform_12, window_bounds = array<i64: 128, 64>}]} {
    %get3A = arith.constant 0 : index
    %get3A_0 = arith.constant 0 : index
    %get3A_1 = vector.load %arg11[%get3A, %get3A_0] : memref<2048x48xf32, #tpu.memory_space<vmem>>, vector<2048x32xf32>
    %get3A_2 = arith.constant 0 : index
    %get3A_3 = arith.constant 32 : index
    %get3A_4 = vector.load %arg11[%get3A_2, %get3A_3] : memref<2048x48xf32, #tpu.memory_space<vmem>>, vector<2048x16xf32>
    %iota3A = tpu.iota {dimensions = array<i32: 0>} : vector<2048x128xi32>
    %jit3A = arith.constant 16 : i32
    %div3A = vector.broadcast %jit3A : i32 to vector<2048x128xi32>
    %div3A_5 = arith.divsi %iota3A, %div3A : vector<2048x128xi32>
    %sign3A = arith.constant 0 : i32
    %sign3A_6 = vector.broadcast %sign3A : i32 to vector<2048x128xi32>
    %sign3A_7 = arith.cmpi sgt, %iota3A, %sign3A_6 : vector<2048x128xi32>
    %sign3A_8 = arith.extui %sign3A_7 : vector<2048x128xi1> to vector<2048x128xi32>
    %sign3A_9 = arith.constant 0 : i32
    %sign3A_10 = vector.broadcast %sign3A_9 : i32 to vector<2048x128xi32>
    %sign3A_11 = arith.cmpi slt, %iota3A, %sign3A_10 : vector<2048x128xi32>
    %sign3A_12 = arith.extui %sign3A_11 : vector<2048x128xi1> to vector<2048x128xi32>
    %sign3A_13 = arith.subi %sign3A_8, %sign3A_12 : vector<2048x128xi32>
    %sign3A_14 = arith.constant 0 : i32
    %sign3A_15 = arith.cmpi sgt, %jit3A, %sign3A_14 : i32
    %sign3A_16 = arith.extui %sign3A_15 : i1 to i32
    %sign3A_17 = arith.constant 0 : i32
    %sign3A_18 = arith.cmpi slt, %jit3A, %sign3A_17 : i32
    %sign3A_19 = arith.extui %sign3A_18 : i1 to i32
    %sign3A_20 = arith.subi %sign3A_16, %sign3A_19 : i32
    %ne3A = vector.broadcast %sign3A_20 : i32 to vector<2048x128xi32>
    %ne3A_21 = arith.cmpi ne, %sign3A_13, %ne3A : vector<2048x128xi32>
    %rem3A = vector.broadcast %jit3A : i32 to vector<2048x128xi32>
    %rem3A_22 = arith.remsi %iota3A, %rem3A : vector<2048x128xi32>
    %ne3A_23 = arith.constant 0 : i32
    %ne3A_24 = vector.broadcast %ne3A_23 : i32 to vector<2048x128xi32>
    %ne3A_25 = arith.cmpi ne, %rem3A_22, %ne3A_24 : vector<2048x128xi32>
    %and3A = arith.andi %ne3A_21, %ne3A_25 : vector<2048x128xi1>
    %sub3A = arith.constant 1 : i32
    %sub3A_26 = vector.broadcast %sub3A : i32 to vector<2048x128xi32>
    %sub3A_27 = arith.subi %div3A_5, %sub3A_26 : vector<2048x128xi32>
    %select_n3A = arith.select %and3A, %sub3A_27, %div3A_5 : vector<2048x128xi1>, vector<2048x128xi32>
    %iota3A_28 = tpu.iota {dimensions = array<i32: 1>} : vector<2048x128xi32>
    %eq3A = arith.cmpi eq, %select_n3A, %iota3A_28 : vector<2048x128xi32>
    %convert_element_type3A = arith.extui %eq3A : vector<2048x128xi1> to vector<2048x128xi32>
    %convert_element_type3A_29 = arith.sitofp %convert_element_type3A : vector<2048x128xi32> to vector<2048x128xf32>
    %get3A_30 = arith.constant 0 : index
    %get3A_31 = arith.constant 0 : index
    %get3A_32 = vector.load %arg12[%get3A_30, %get3A_31] : memref<128x16xf32, #tpu.memory_space<vmem>>, vector<128x16xf32>
    %dot_general3A = arith.constant dense<0.000000e+00> : vector<2048x16xf32>
    %dot_general3A_33 = tpu.matmul %convert_element_type3A_29, %get3A_32, %dot_general3A {dimension_numbers = #tpu.dot_dimension_numbers<[1], [0], [0], [1], [0, 0, 1, 1], [], []>, transpose_lhs_hint = false} : vector<2048x128xf32>, vector<128x16xf32>, vector<2048x16xf32> -> vector<2048x16xf32>
    %sub3A_34 = arith.subf %dot_general3A_33, %get3A_4 : vector<2048x16xf32>
    %mul3A = arith.mulf %sub3A_34, %sub3A_34 : vector<2048x16xf32>
    %reduce_sum3A = arith.constant dense<0.000000e+00> : vector<2048xf32>
    %reduce_sum3A_35 = vector.multi_reduction <add>, %mul3A, %reduce_sum3A [1] : vector<2048x16xf32> to vector<2048xf32>
    %broadcast_in_dim3A = vector.shape_cast %reduce_sum3A_35 : vector<2048xf32> to vector<2048x1xf32>
    %sqrt3A = math.sqrt %broadcast_in_dim3A : vector<2048x1xf32>
    %get3A_36 = arith.constant 0 : index
    %get3A_37 = arith.constant 0 : index
    %get3A_38 = vector.load %arg1[%get3A_36, %get3A_37] : memref<16x32xf32, #tpu.memory_space<vmem>>, vector<16x32xf32>
    %dot_general3A_39 = arith.constant dense<0.000000e+00> : vector<128x32xf32>
    %dot_general3A_40 = tpu.matmul %get3A_32, %get3A_38, %dot_general3A_39 {dimension_numbers = #tpu.dot_dimension_numbers<[1], [0], [0], [1], [0, 0, 1, 1], [], []>, transpose_lhs_hint = false} : vector<128x16xf32>, vector<16x32xf32>, vector<128x32xf32> -> vector<128x32xf32>
    %dot_general3A_41 = arith.constant dense<0.000000e+00> : vector<2048x32xf32>
    %dot_general3A_42 = tpu.matmul %convert_element_type3A_29, %dot_general3A_40, %dot_general3A_41 {dimension_numbers = #tpu.dot_dimension_numbers<[1], [0], [0], [1], [0, 0, 1, 1], [], []>, transpose_lhs_hint = false} : vector<2048x128xf32>, vector<128x32xf32>, vector<2048x32xf32> -> vector<2048x32xf32>
    %get3A_43 = arith.constant 0 : index
    %get3A_44 = arith.constant 0 : index
    %get3A_45 = vector.load %arg2[%get3A_43, %get3A_44] : memref<16x32xf32, #tpu.memory_space<vmem>>, vector<16x32xf32>
    %dot_general3A_46 = arith.constant dense<0.000000e+00> : vector<2048x32xf32>
    %dot_general3A_47 = tpu.matmul %get3A_4, %get3A_45, %dot_general3A_46 {dimension_numbers = #tpu.dot_dimension_numbers<[1], [0], [0], [1], [0, 0, 1, 1], [], []>, transpose_lhs_hint = false} : vector<2048x16xf32>, vector<16x32xf32>, vector<2048x32xf32> -> vector<2048x32xf32>
    %add3A = arith.addf %dot_general3A_42, %dot_general3A_47 : vector<2048x32xf32>
    %get3A_48 = arith.constant 0 : index
    %get3A_49 = arith.constant 0 : index
    %get3A_50 = vector.load %arg3[%get3A_48, %get3A_49] : memref<1x32xf32, #tpu.memory_space<vmem>>, vector<1x32xf32>
    %mul3A_51 = vector.broadcast %sqrt3A : vector<2048x1xf32> to vector<2048x32xf32>
    %mul3A_52 = vector.broadcast %get3A_50 : vector<1x32xf32> to vector<2048x32xf32>
    %mul3A_53 = arith.mulf %mul3A_51, %mul3A_52 : vector<2048x32xf32>
    %add3A_54 = arith.addf %add3A, %mul3A_53 : vector<2048x32xf32>
    %get3A_55 = arith.constant 0 : index
    %get3A_56 = arith.constant 0 : index
    %get3A_57 = vector.load %arg4[%get3A_55, %get3A_56] : memref<1x32xf32, #tpu.memory_space<vmem>>, vector<1x32xf32>
    %add3A_58 = vector.broadcast %get3A_57 : vector<1x32xf32> to vector<2048x32xf32>
    %add3A_59 = arith.addf %add3A_54, %add3A_58 : vector<2048x32xf32>
    %max3A = arith.constant 0.000000e+00 : f32
    %max3A_60 = vector.broadcast %max3A : f32 to vector<2048x32xf32>
    %max3A_61 = arith.maximumf %add3A_59, %max3A_60 : vector<2048x32xf32>
    %get3A_62 = arith.constant 0 : index
    %get3A_63 = arith.constant 0 : index
    %get3A_64 = vector.load %arg5[%get3A_62, %get3A_63] : memref<32x64xf32, #tpu.memory_space<vmem>>, vector<32x64xf32>
    %dot_general3A_65 = arith.constant dense<0.000000e+00> : vector<2048x64xf32>
    %dot_general3A_66 = tpu.matmul %get3A_1, %get3A_64, %dot_general3A_65 {dimension_numbers = #tpu.dot_dimension_numbers<[1], [0], [0], [1], [0, 0, 1, 1], [], []>, transpose_lhs_hint = false} : vector<2048x32xf32>, vector<32x64xf32>, vector<2048x64xf32> -> vector<2048x64xf32>
    %get3A_67 = arith.constant 0 : index
    %get3A_68 = arith.constant 0 : index
    %get3A_69 = vector.load %arg6[%get3A_67, %get3A_68] : memref<32x64xf32, #tpu.memory_space<vmem>>, vector<32x64xf32>
    %dot_general3A_70 = arith.constant dense<0.000000e+00> : vector<2048x64xf32>
    %dot_general3A_71 = tpu.matmul %max3A_61, %get3A_69, %dot_general3A_70 {dimension_numbers = #tpu.dot_dimension_numbers<[1], [0], [0], [1], [0, 0, 1, 1], [], []>, transpose_lhs_hint = false} : vector<2048x32xf32>, vector<32x64xf32>, vector<2048x64xf32> -> vector<2048x64xf32>
    %add3A_72 = arith.addf %dot_general3A_66, %dot_general3A_71 : vector<2048x64xf32>
    %get3A_73 = arith.constant 0 : index
    %get3A_74 = arith.constant 0 : index
    %get3A_75 = vector.load %arg7[%get3A_73, %get3A_74] : memref<1x64xf32, #tpu.memory_space<vmem>>, vector<1x64xf32>
    %add3A_76 = vector.broadcast %get3A_75 : vector<1x64xf32> to vector<2048x64xf32>
    %add3A_77 = arith.addf %add3A_72, %add3A_76 : vector<2048x64xf32>
    %max3A_78 = arith.constant 0.000000e+00 : f32
    %max3A_79 = vector.broadcast %max3A_78 : f32 to vector<2048x64xf32>
    %max3A_80 = arith.maximumf %add3A_77, %max3A_79 : vector<2048x64xf32>
    %reduce_max3A = arith.constant dense<0xFF800000> : vector<2048xf32>
    %reduce_max3A_81 = vector.multi_reduction <maximumf>, %max3A_80, %reduce_max3A [1] : vector<2048x64xf32> to vector<2048xf32>
    %broadcast_in_dim3A_82 = vector.shape_cast %reduce_max3A_81 : vector<2048xf32> to vector<2048x1xf32>
    %sub3A_83 = vector.broadcast %broadcast_in_dim3A_82 : vector<2048x1xf32> to vector<2048x64xf32>
    %sub3A_84 = arith.subf %max3A_80, %sub3A_83 : vector<2048x64xf32>
    %exp3A = math.exp %sub3A_84 : vector<2048x64xf32>
    %reduce_sum3A_85 = arith.constant dense<0.000000e+00> : vector<2048xf32>
    %reduce_sum3A_86 = vector.multi_reduction <add>, %exp3A, %reduce_sum3A_85 [1] : vector<2048x64xf32> to vector<2048xf32>
    %broadcast_in_dim3A_87 = vector.shape_cast %reduce_sum3A_86 : vector<2048xf32> to vector<2048x1xf32>
    %div3A_88 = vector.broadcast %broadcast_in_dim3A_87 : vector<2048x1xf32> to vector<2048x64xf32>
    %div3A_89 = arith.divf %exp3A, %div3A_88 : vector<2048x64xf32>
    %slice3A = vector.extract_strided_slice %div3A_89 {offsets = [0, 0], sizes = [2048, 32], strides = [1, 1]} : vector<2048x64xf32> to vector<2048x32xf32>
    %mul3A_90 = arith.mulf %slice3A, %get3A_1 : vector<2048x32xf32>
    %slice3A_91 = vector.extract_strided_slice %div3A_89 {offsets = [0, 32], sizes = [2048, 32], strides = [1, 1]} : vector<2048x64xf32> to vector<2048x32xf32>
    %mul3A_92 = arith.mulf %slice3A_91, %max3A_61 : vector<2048x32xf32>
    %iota3A_93 = tpu.iota {dimensions = array<i32: 0>} : vector<128x2048xi32>
    %iota3A_94 = tpu.iota {dimensions = array<i32: 1>} : vector<128x2048xi32>
    %jit3A_95 = arith.constant 16 : i32
    %div3A_96 = vector.broadcast %jit3A_95 : i32 to vector<128x2048xi32>
    %div3A_97 = arith.divsi %iota3A_94, %div3A_96 : vector<128x2048xi32>
    %sign3A_98 = arith.constant 0 : i32
    %sign3A_99 = vector.broadcast %sign3A_98 : i32 to vector<128x2048xi32>
    %sign3A_100 = arith.cmpi sgt, %iota3A_94, %sign3A_99 : vector<128x2048xi32>
    %sign3A_101 = arith.extui %sign3A_100 : vector<128x2048xi1> to vector<128x2048xi32>
    %sign3A_102 = arith.constant 0 : i32
    %sign3A_103 = vector.broadcast %sign3A_102 : i32 to vector<128x2048xi32>
    %sign3A_104 = arith.cmpi slt, %iota3A_94, %sign3A_103 : vector<128x2048xi32>
    %sign3A_105 = arith.extui %sign3A_104 : vector<128x2048xi1> to vector<128x2048xi32>
    %sign3A_106 = arith.subi %sign3A_101, %sign3A_105 : vector<128x2048xi32>
    %sign3A_107 = arith.constant 0 : i32
    %sign3A_108 = arith.cmpi sgt, %jit3A_95, %sign3A_107 : i32
    %sign3A_109 = arith.extui %sign3A_108 : i1 to i32
    %sign3A_110 = arith.constant 0 : i32
    %sign3A_111 = arith.cmpi slt, %jit3A_95, %sign3A_110 : i32
    %sign3A_112 = arith.extui %sign3A_111 : i1 to i32
    %sign3A_113 = arith.subi %sign3A_109, %sign3A_112 : i32
    %ne3A_114 = vector.broadcast %sign3A_113 : i32 to vector<128x2048xi32>
    %ne3A_115 = arith.cmpi ne, %sign3A_106, %ne3A_114 : vector<128x2048xi32>
    %rem3A_116 = vector.broadcast %jit3A_95 : i32 to vector<128x2048xi32>
    %rem3A_117 = arith.remsi %iota3A_94, %rem3A_116 : vector<128x2048xi32>
    %ne3A_118 = arith.constant 0 : i32
    %ne3A_119 = vector.broadcast %ne3A_118 : i32 to vector<128x2048xi32>
    %ne3A_120 = arith.cmpi ne, %rem3A_117, %ne3A_119 : vector<128x2048xi32>
    %and3A_121 = arith.andi %ne3A_115, %ne3A_120 : vector<128x2048xi1>
    %sub3A_122 = arith.constant 1 : i32
    %sub3A_123 = vector.broadcast %sub3A_122 : i32 to vector<128x2048xi32>
    %sub3A_124 = arith.subi %div3A_97, %sub3A_123 : vector<128x2048xi32>
    %select_n3A_125 = arith.select %and3A_121, %sub3A_124, %div3A_97 : vector<128x2048xi1>, vector<128x2048xi32>
    %eq3A_126 = arith.cmpi eq, %iota3A_93, %select_n3A_125 : vector<128x2048xi32>
    %convert_element_type3A_127 = arith.extui %eq3A_126 : vector<128x2048xi1> to vector<128x2048xi32>
    %convert_element_type3A_128 = arith.sitofp %convert_element_type3A_127 : vector<128x2048xi32> to vector<128x2048xf32>
    %dot_general3A_129 = arith.constant dense<0.000000e+00> : vector<128x32xf32>
    %dot_general3A_130 = tpu.matmul %convert_element_type3A_128, %mul3A_90, %dot_general3A_129 {dimension_numbers = #tpu.dot_dimension_numbers<[1], [0], [0], [1], [0, 0, 1, 1], [], []>, transpose_lhs_hint = false} : vector<128x2048xf32>, vector<2048x32xf32>, vector<128x32xf32> -> vector<128x32xf32>
    %dot_general3A_131 = arith.constant dense<0.000000e+00> : vector<128x32xf32>
    %dot_general3A_132 = tpu.matmul %convert_element_type3A_128, %mul3A_92, %dot_general3A_131 {dimension_numbers = #tpu.dot_dimension_numbers<[1], [0], [0], [1], [0, 0, 1, 1], [], []>, transpose_lhs_hint = false} : vector<128x2048xf32>, vector<2048x32xf32>, vector<128x32xf32> -> vector<128x32xf32>
    %get3A_133 = arith.constant 0 : index
    %get3A_134 = arith.constant 0 : index
    %get3A_135 = vector.load %arg8[%get3A_133, %get3A_134] : memref<32x64xf32, #tpu.memory_space<vmem>>, vector<32x64xf32>
    %dot_general3A_136 = arith.constant dense<0.000000e+00> : vector<128x64xf32>
    %dot_general3A_137 = tpu.matmul %dot_general3A_130, %get3A_135, %dot_general3A_136 {dimension_numbers = #tpu.dot_dimension_numbers<[1], [0], [0], [1], [0, 0, 1, 1], [], []>, transpose_lhs_hint = false} : vector<128x32xf32>, vector<32x64xf32>, vector<128x64xf32> -> vector<128x64xf32>
    %get3A_138 = arith.constant 0 : index
    %get3A_139 = arith.constant 0 : index
    %get3A_140 = vector.load %arg9[%get3A_138, %get3A_139] : memref<32x64xf32, #tpu.memory_space<vmem>>, vector<32x64xf32>
    %dot_general3A_141 = arith.constant dense<0.000000e+00> : vector<128x64xf32>
    %dot_general3A_142 = tpu.matmul %dot_general3A_132, %get3A_140, %dot_general3A_141 {dimension_numbers = #tpu.dot_dimension_numbers<[1], [0], [0], [1], [0, 0, 1, 1], [], []>, transpose_lhs_hint = false} : vector<128x32xf32>, vector<32x64xf32>, vector<128x64xf32> -> vector<128x64xf32>
    %add3A_143 = arith.addf %dot_general3A_137, %dot_general3A_142 : vector<128x64xf32>
    %get3A_144 = arith.constant 0 : index
    %get3A_145 = arith.constant 0 : index
    %get3A_146 = vector.load %arg10[%get3A_144, %get3A_145] : memref<1x64xf32, #tpu.memory_space<vmem>>, vector<1x64xf32>
    %add3A_147 = vector.broadcast %get3A_146 : vector<1x64xf32> to vector<128x64xf32>
    %add3A_148 = arith.addf %add3A_143, %add3A_147 : vector<128x64xf32>
    %max3A_149 = arith.constant 0.000000e+00 : f32
    %max3A_150 = vector.broadcast %max3A_149 : f32 to vector<128x64xf32>
    %max3A_151 = arith.maximumf %add3A_148, %max3A_150 : vector<128x64xf32>
    %swap3A = arith.constant 0 : index
    %swap3A_152 = arith.constant 0 : index
    %swap3A_153 = vector.load %arg13[%swap3A, %swap3A_152] : memref<128x64xf32, #tpu.memory_space<vmem>>, vector<128x64xf32>
    tpu.vector_store %arg13[%swap3A, %swap3A_152], %max3A_151 {strides = array<i32>} : memref<128x64xf32, #tpu.memory_space<vmem>>, vector<128x64xf32>,
    return
  }
  func.func @transform_0(%arg0: i32) -> (i32, i32) {
    %c0_i32 = arith.constant 0 : i32
    %c0_i32_0 = arith.constant 0 : i32
    %c0_i32_1 = arith.constant 0 : i32
    return %c0_i32, %c0_i32_0 : i32, i32
  }
  func.func @transform_1(%arg0: i32) -> (i32, i32) {
    %c0_i32 = arith.constant 0 : i32
    %c0_i32_0 = arith.constant 0 : i32
    %c0_i32_1 = arith.constant 0 : i32
    return %c0_i32, %c0_i32_0 : i32, i32
  }
  func.func @transform_2(%arg0: i32) -> (i32, i32) {
    %c0_i32 = arith.constant 0 : i32
    %c0_i32_0 = arith.constant 0 : i32
    %c0_i32_1 = arith.constant 0 : i32
    return %c0_i32, %c0_i32_0 : i32, i32
  }
  func.func @transform_3(%arg0: i32) -> (i32, i32) {
    %c0_i32 = arith.constant 0 : i32
    %c0_i32_0 = arith.constant 0 : i32
    %c0_i32_1 = arith.constant 0 : i32
    return %c0_i32, %c0_i32_0 : i32, i32
  }
  func.func @transform_4(%arg0: i32) -> (i32, i32) {
    %c0_i32 = arith.constant 0 : i32
    %c0_i32_0 = arith.constant 0 : i32
    %c0_i32_1 = arith.constant 0 : i32
    return %c0_i32, %c0_i32_0 : i32, i32
  }
  func.func @transform_5(%arg0: i32) -> (i32, i32) {
    %c0_i32 = arith.constant 0 : i32
    %c0_i32_0 = arith.constant 0 : i32
    %c0_i32_1 = arith.constant 0 : i32
    return %c0_i32, %c0_i32_0 : i32, i32
  }
  func.func @transform_6(%arg0: i32) -> (i32, i32) {
    %c0_i32 = arith.constant 0 : i32
    %c0_i32_0 = arith.constant 0 : i32
    %c0_i32_1 = arith.constant 0 : i32
    return %c0_i32, %c0_i32_0 : i32, i32
  }
  func.func @transform_7(%arg0: i32) -> (i32, i32) {
    %c0_i32 = arith.constant 0 : i32
    %c0_i32_0 = arith.constant 0 : i32
    %c0_i32_1 = arith.constant 0 : i32
    return %c0_i32, %c0_i32_0 : i32, i32
  }
  func.func @transform_8(%arg0: i32) -> (i32, i32) {
    %c0_i32 = arith.constant 0 : i32
    %c0_i32_0 = arith.constant 0 : i32
    %c0_i32_1 = arith.constant 0 : i32
    return %c0_i32, %c0_i32_0 : i32, i32
  }
  func.func @transform_9(%arg0: i32) -> (i32, i32) {
    %c0_i32 = arith.constant 0 : i32
    %c0_i32_0 = arith.constant 0 : i32
    %c0_i32_1 = arith.constant 0 : i32
    return %c0_i32, %c0_i32_0 : i32, i32
  }
  func.func @transform_10(%arg0: i32) -> (i32, i32) {
    %c0_i32 = arith.constant 0 : i32
    %c0_i32_0 = arith.constant 0 : i32
    return %arg0, %c0_i32 : i32, i32
  }
  func.func @transform_11(%arg0: i32) -> (i32, i32) {
    %c0_i32 = arith.constant 0 : i32
    %c0_i32_0 = arith.constant 0 : i32
    return %arg0, %c0_i32 : i32, i32
  }
  func.func @transform_12(%arg0: i32) -> (i32, i32) {
    %c0_i32 = arith.constant 0 : i32
    %c0_i32_0 = arith.constant 0 : i32
    return %arg0, %c0_i32 : i32, i32
  }
}

module attributes {stable_mosaic.version = 14 : i64} {
  func.func @_conv_body(%arg0: i32, %arg1: memref<16x64xf32, #tpu.memory_space<vmem>>, %arg2: memref<16x64xf32, #tpu.memory_space<vmem>>, %arg3: memref<1x64xf32, #tpu.memory_space<vmem>>, %arg4: memref<1x64xf32, #tpu.memory_space<vmem>>, %arg5: memref<64x128xf32, #tpu.memory_space<vmem>>, %arg6: memref<64x128xf32, #tpu.memory_space<vmem>>, %arg7: memref<1x128xf32, #tpu.memory_space<vmem>>, %arg8: memref<64x128xf32, #tpu.memory_space<vmem>>, %arg9: memref<64x128xf32, #tpu.memory_space<vmem>>, %arg10: memref<1x128xf32, #tpu.memory_space<vmem>>, %arg11: memref<2048x80xf32, #tpu.memory_space<vmem>>, %arg12: memref<128x16xf32, #tpu.memory_space<vmem>>, %arg13: memref<128x128xf32, #tpu.memory_space<vmem>>) attributes {dimension_semantics = [#tpu.dimension_semantics<arbitrary>], iteration_bounds = array<i64: 10>, scalar_prefetch = 0 : i64, scratch_operands = 0 : i64, tpu.core_type = #tpu.core_type<tc>, window_params = [{pipeline_mode = #tpu.pipeline_mode<synchronous>, transform_indices = @transform_0, window_bounds = array<i64: 16, 64>}, {pipeline_mode = #tpu.pipeline_mode<synchronous>, transform_indices = @transform_1, window_bounds = array<i64: 16, 64>}, {pipeline_mode = #tpu.pipeline_mode<synchronous>, transform_indices = @transform_2, window_bounds = array<i64: 1, 64>}, {pipeline_mode = #tpu.pipeline_mode<synchronous>, transform_indices = @transform_3, window_bounds = array<i64: 1, 64>}, {pipeline_mode = #tpu.pipeline_mode<synchronous>, transform_indices = @transform_4, window_bounds = array<i64: 64, 128>}, {pipeline_mode = #tpu.pipeline_mode<synchronous>, transform_indices = @transform_5, window_bounds = array<i64: 64, 128>}, {pipeline_mode = #tpu.pipeline_mode<synchronous>, transform_indices = @transform_6, window_bounds = array<i64: 1, 128>}, {pipeline_mode = #tpu.pipeline_mode<synchronous>, transform_indices = @transform_7, window_bounds = array<i64: 64, 128>}, {pipeline_mode = #tpu.pipeline_mode<synchronous>, transform_indices = @transform_8, window_bounds = array<i64: 64, 128>}, {pipeline_mode = #tpu.pipeline_mode<synchronous>, transform_indices = @transform_9, window_bounds = array<i64: 1, 128>}, {transform_indices = @transform_10, window_bounds = array<i64: 2048, 80>}, {transform_indices = @transform_11, window_bounds = array<i64: 128, 16>}, {transform_indices = @transform_12, window_bounds = array<i64: 128, 128>}]} {
    %get3A = arith.constant 0 : index
    %get3A_0 = arith.constant 0 : index
    %get3A_1 = vector.load %arg11[%get3A, %get3A_0] : memref<2048x80xf32, #tpu.memory_space<vmem>>, vector<2048x64xf32>
    %get3A_2 = arith.constant 0 : index
    %get3A_3 = arith.constant 64 : index
    %get3A_4 = vector.load %arg11[%get3A_2, %get3A_3] : memref<2048x80xf32, #tpu.memory_space<vmem>>, vector<2048x16xf32>
    %iota3A = tpu.iota {dimensions = array<i32: 0>} : vector<2048x128xi32>
    %jit3A = arith.constant 16 : i32
    %div3A = vector.broadcast %jit3A : i32 to vector<2048x128xi32>
    %div3A_5 = arith.divsi %iota3A, %div3A : vector<2048x128xi32>
    %sign3A = arith.constant 0 : i32
    %sign3A_6 = vector.broadcast %sign3A : i32 to vector<2048x128xi32>
    %sign3A_7 = arith.cmpi sgt, %iota3A, %sign3A_6 : vector<2048x128xi32>
    %sign3A_8 = arith.extui %sign3A_7 : vector<2048x128xi1> to vector<2048x128xi32>
    %sign3A_9 = arith.constant 0 : i32
    %sign3A_10 = vector.broadcast %sign3A_9 : i32 to vector<2048x128xi32>
    %sign3A_11 = arith.cmpi slt, %iota3A, %sign3A_10 : vector<2048x128xi32>
    %sign3A_12 = arith.extui %sign3A_11 : vector<2048x128xi1> to vector<2048x128xi32>
    %sign3A_13 = arith.subi %sign3A_8, %sign3A_12 : vector<2048x128xi32>
    %sign3A_14 = arith.constant 0 : i32
    %sign3A_15 = arith.cmpi sgt, %jit3A, %sign3A_14 : i32
    %sign3A_16 = arith.extui %sign3A_15 : i1 to i32
    %sign3A_17 = arith.constant 0 : i32
    %sign3A_18 = arith.cmpi slt, %jit3A, %sign3A_17 : i32
    %sign3A_19 = arith.extui %sign3A_18 : i1 to i32
    %sign3A_20 = arith.subi %sign3A_16, %sign3A_19 : i32
    %ne3A = vector.broadcast %sign3A_20 : i32 to vector<2048x128xi32>
    %ne3A_21 = arith.cmpi ne, %sign3A_13, %ne3A : vector<2048x128xi32>
    %rem3A = vector.broadcast %jit3A : i32 to vector<2048x128xi32>
    %rem3A_22 = arith.remsi %iota3A, %rem3A : vector<2048x128xi32>
    %ne3A_23 = arith.constant 0 : i32
    %ne3A_24 = vector.broadcast %ne3A_23 : i32 to vector<2048x128xi32>
    %ne3A_25 = arith.cmpi ne, %rem3A_22, %ne3A_24 : vector<2048x128xi32>
    %and3A = arith.andi %ne3A_21, %ne3A_25 : vector<2048x128xi1>
    %sub3A = arith.constant 1 : i32
    %sub3A_26 = vector.broadcast %sub3A : i32 to vector<2048x128xi32>
    %sub3A_27 = arith.subi %div3A_5, %sub3A_26 : vector<2048x128xi32>
    %select_n3A = arith.select %and3A, %sub3A_27, %div3A_5 : vector<2048x128xi1>, vector<2048x128xi32>
    %iota3A_28 = tpu.iota {dimensions = array<i32: 1>} : vector<2048x128xi32>
    %eq3A = arith.cmpi eq, %select_n3A, %iota3A_28 : vector<2048x128xi32>
    %convert_element_type3A = arith.extui %eq3A : vector<2048x128xi1> to vector<2048x128xi32>
    %convert_element_type3A_29 = arith.sitofp %convert_element_type3A : vector<2048x128xi32> to vector<2048x128xf32>
    %get3A_30 = arith.constant 0 : index
    %get3A_31 = arith.constant 0 : index
    %get3A_32 = vector.load %arg12[%get3A_30, %get3A_31] : memref<128x16xf32, #tpu.memory_space<vmem>>, vector<128x16xf32>
    %dot_general3A = arith.constant dense<0.000000e+00> : vector<2048x16xf32>
    %dot_general3A_33 = tpu.matmul %convert_element_type3A_29, %get3A_32, %dot_general3A {dimension_numbers = #tpu.dot_dimension_numbers<[1], [0], [0], [1], [0, 0, 1, 1], [], []>, transpose_lhs_hint = false} : vector<2048x128xf32>, vector<128x16xf32>, vector<2048x16xf32> -> vector<2048x16xf32>
    %sub3A_34 = arith.subf %dot_general3A_33, %get3A_4 : vector<2048x16xf32>
    %mul3A = arith.mulf %sub3A_34, %sub3A_34 : vector<2048x16xf32>
    %reduce_sum3A = arith.constant dense<0.000000e+00> : vector<2048xf32>
    %reduce_sum3A_35 = vector.multi_reduction <add>, %mul3A, %reduce_sum3A [1] : vector<2048x16xf32> to vector<2048xf32>
    %broadcast_in_dim3A = vector.shape_cast %reduce_sum3A_35 : vector<2048xf32> to vector<2048x1xf32>
    %sqrt3A = math.sqrt %broadcast_in_dim3A : vector<2048x1xf32>
    %get3A_36 = arith.constant 0 : index
    %get3A_37 = arith.constant 0 : index
    %get3A_38 = vector.load %arg1[%get3A_36, %get3A_37] : memref<16x64xf32, #tpu.memory_space<vmem>>, vector<16x64xf32>
    %dot_general3A_39 = arith.constant dense<0.000000e+00> : vector<128x64xf32>
    %dot_general3A_40 = tpu.matmul %get3A_32, %get3A_38, %dot_general3A_39 {dimension_numbers = #tpu.dot_dimension_numbers<[1], [0], [0], [1], [0, 0, 1, 1], [], []>, transpose_lhs_hint = false} : vector<128x16xf32>, vector<16x64xf32>, vector<128x64xf32> -> vector<128x64xf32>
    %dot_general3A_41 = arith.constant dense<0.000000e+00> : vector<2048x64xf32>
    %dot_general3A_42 = tpu.matmul %convert_element_type3A_29, %dot_general3A_40, %dot_general3A_41 {dimension_numbers = #tpu.dot_dimension_numbers<[1], [0], [0], [1], [0, 0, 1, 1], [], []>, transpose_lhs_hint = false} : vector<2048x128xf32>, vector<128x64xf32>, vector<2048x64xf32> -> vector<2048x64xf32>
    %get3A_43 = arith.constant 0 : index
    %get3A_44 = arith.constant 0 : index
    %get3A_45 = vector.load %arg2[%get3A_43, %get3A_44] : memref<16x64xf32, #tpu.memory_space<vmem>>, vector<16x64xf32>
    %dot_general3A_46 = arith.constant dense<0.000000e+00> : vector<2048x64xf32>
    %dot_general3A_47 = tpu.matmul %get3A_4, %get3A_45, %dot_general3A_46 {dimension_numbers = #tpu.dot_dimension_numbers<[1], [0], [0], [1], [0, 0, 1, 1], [], []>, transpose_lhs_hint = false} : vector<2048x16xf32>, vector<16x64xf32>, vector<2048x64xf32> -> vector<2048x64xf32>
    %add3A = arith.addf %dot_general3A_42, %dot_general3A_47 : vector<2048x64xf32>
    %get3A_48 = arith.constant 0 : index
    %get3A_49 = arith.constant 0 : index
    %get3A_50 = vector.load %arg3[%get3A_48, %get3A_49] : memref<1x64xf32, #tpu.memory_space<vmem>>, vector<1x64xf32>
    %mul3A_51 = vector.broadcast %sqrt3A : vector<2048x1xf32> to vector<2048x64xf32>
    %mul3A_52 = vector.broadcast %get3A_50 : vector<1x64xf32> to vector<2048x64xf32>
    %mul3A_53 = arith.mulf %mul3A_51, %mul3A_52 : vector<2048x64xf32>
    %add3A_54 = arith.addf %add3A, %mul3A_53 : vector<2048x64xf32>
    %get3A_55 = arith.constant 0 : index
    %get3A_56 = arith.constant 0 : index
    %get3A_57 = vector.load %arg4[%get3A_55, %get3A_56] : memref<1x64xf32, #tpu.memory_space<vmem>>, vector<1x64xf32>
    %add3A_58 = vector.broadcast %get3A_57 : vector<1x64xf32> to vector<2048x64xf32>
    %add3A_59 = arith.addf %add3A_54, %add3A_58 : vector<2048x64xf32>
    %max3A = arith.constant 0.000000e+00 : f32
    %max3A_60 = vector.broadcast %max3A : f32 to vector<2048x64xf32>
    %max3A_61 = arith.maximumf %add3A_59, %max3A_60 : vector<2048x64xf32>
    %get3A_62 = arith.constant 0 : index
    %get3A_63 = arith.constant 0 : index
    %get3A_64 = vector.load %arg5[%get3A_62, %get3A_63] : memref<64x128xf32, #tpu.memory_space<vmem>>, vector<64x128xf32>
    %dot_general3A_65 = arith.constant dense<0.000000e+00> : vector<2048x128xf32>
    %dot_general3A_66 = tpu.matmul %get3A_1, %get3A_64, %dot_general3A_65 {dimension_numbers = #tpu.dot_dimension_numbers<[1], [0], [0], [1], [0, 0, 1, 1], [], []>, transpose_lhs_hint = false} : vector<2048x64xf32>, vector<64x128xf32>, vector<2048x128xf32> -> vector<2048x128xf32>
    %get3A_67 = arith.constant 0 : index
    %get3A_68 = arith.constant 0 : index
    %get3A_69 = vector.load %arg6[%get3A_67, %get3A_68] : memref<64x128xf32, #tpu.memory_space<vmem>>, vector<64x128xf32>
    %dot_general3A_70 = arith.constant dense<0.000000e+00> : vector<2048x128xf32>
    %dot_general3A_71 = tpu.matmul %max3A_61, %get3A_69, %dot_general3A_70 {dimension_numbers = #tpu.dot_dimension_numbers<[1], [0], [0], [1], [0, 0, 1, 1], [], []>, transpose_lhs_hint = false} : vector<2048x64xf32>, vector<64x128xf32>, vector<2048x128xf32> -> vector<2048x128xf32>
    %add3A_72 = arith.addf %dot_general3A_66, %dot_general3A_71 : vector<2048x128xf32>
    %get3A_73 = arith.constant 0 : index
    %get3A_74 = arith.constant 0 : index
    %get3A_75 = vector.load %arg7[%get3A_73, %get3A_74] : memref<1x128xf32, #tpu.memory_space<vmem>>, vector<1x128xf32>
    %add3A_76 = vector.broadcast %get3A_75 : vector<1x128xf32> to vector<2048x128xf32>
    %add3A_77 = arith.addf %add3A_72, %add3A_76 : vector<2048x128xf32>
    %max3A_78 = arith.constant 0.000000e+00 : f32
    %max3A_79 = vector.broadcast %max3A_78 : f32 to vector<2048x128xf32>
    %max3A_80 = arith.maximumf %add3A_77, %max3A_79 : vector<2048x128xf32>
    %reduce_max3A = arith.constant dense<0xFF800000> : vector<2048xf32>
    %reduce_max3A_81 = vector.multi_reduction <maximumf>, %max3A_80, %reduce_max3A [1] : vector<2048x128xf32> to vector<2048xf32>
    %broadcast_in_dim3A_82 = vector.shape_cast %reduce_max3A_81 : vector<2048xf32> to vector<2048x1xf32>
    %sub3A_83 = vector.broadcast %broadcast_in_dim3A_82 : vector<2048x1xf32> to vector<2048x128xf32>
    %sub3A_84 = arith.subf %max3A_80, %sub3A_83 : vector<2048x128xf32>
    %exp3A = math.exp %sub3A_84 : vector<2048x128xf32>
    %reduce_sum3A_85 = arith.constant dense<0.000000e+00> : vector<2048xf32>
    %reduce_sum3A_86 = vector.multi_reduction <add>, %exp3A, %reduce_sum3A_85 [1] : vector<2048x128xf32> to vector<2048xf32>
    %broadcast_in_dim3A_87 = vector.shape_cast %reduce_sum3A_86 : vector<2048xf32> to vector<2048x1xf32>
    %div3A_88 = vector.broadcast %broadcast_in_dim3A_87 : vector<2048x1xf32> to vector<2048x128xf32>
    %div3A_89 = arith.divf %exp3A, %div3A_88 : vector<2048x128xf32>
    %slice3A = vector.extract_strided_slice %div3A_89 {offsets = [0, 0], sizes = [2048, 64], strides = [1, 1]} : vector<2048x128xf32> to vector<2048x64xf32>
    %mul3A_90 = arith.mulf %slice3A, %get3A_1 : vector<2048x64xf32>
    %slice3A_91 = vector.extract_strided_slice %div3A_89 {offsets = [0, 64], sizes = [2048, 64], strides = [1, 1]} : vector<2048x128xf32> to vector<2048x64xf32>
    %mul3A_92 = arith.mulf %slice3A_91, %max3A_61 : vector<2048x64xf32>
    %iota3A_93 = tpu.iota {dimensions = array<i32: 0>} : vector<128x2048xi32>
    %iota3A_94 = tpu.iota {dimensions = array<i32: 1>} : vector<128x2048xi32>
    %jit3A_95 = arith.constant 16 : i32
    %div3A_96 = vector.broadcast %jit3A_95 : i32 to vector<128x2048xi32>
    %div3A_97 = arith.divsi %iota3A_94, %div3A_96 : vector<128x2048xi32>
    %sign3A_98 = arith.constant 0 : i32
    %sign3A_99 = vector.broadcast %sign3A_98 : i32 to vector<128x2048xi32>
    %sign3A_100 = arith.cmpi sgt, %iota3A_94, %sign3A_99 : vector<128x2048xi32>
    %sign3A_101 = arith.extui %sign3A_100 : vector<128x2048xi1> to vector<128x2048xi32>
    %sign3A_102 = arith.constant 0 : i32
    %sign3A_103 = vector.broadcast %sign3A_102 : i32 to vector<128x2048xi32>
    %sign3A_104 = arith.cmpi slt, %iota3A_94, %sign3A_103 : vector<128x2048xi32>
    %sign3A_105 = arith.extui %sign3A_104 : vector<128x2048xi1> to vector<128x2048xi32>
    %sign3A_106 = arith.subi %sign3A_101, %sign3A_105 : vector<128x2048xi32>
    %sign3A_107 = arith.constant 0 : i32
    %sign3A_108 = arith.cmpi sgt, %jit3A_95, %sign3A_107 : i32
    %sign3A_109 = arith.extui %sign3A_108 : i1 to i32
    %sign3A_110 = arith.constant 0 : i32
    %sign3A_111 = arith.cmpi slt, %jit3A_95, %sign3A_110 : i32
    %sign3A_112 = arith.extui %sign3A_111 : i1 to i32
    %sign3A_113 = arith.subi %sign3A_109, %sign3A_112 : i32
    %ne3A_114 = vector.broadcast %sign3A_113 : i32 to vector<128x2048xi32>
    %ne3A_115 = arith.cmpi ne, %sign3A_106, %ne3A_114 : vector<128x2048xi32>
    %rem3A_116 = vector.broadcast %jit3A_95 : i32 to vector<128x2048xi32>
    %rem3A_117 = arith.remsi %iota3A_94, %rem3A_116 : vector<128x2048xi32>
    %ne3A_118 = arith.constant 0 : i32
    %ne3A_119 = vector.broadcast %ne3A_118 : i32 to vector<128x2048xi32>
    %ne3A_120 = arith.cmpi ne, %rem3A_117, %ne3A_119 : vector<128x2048xi32>
    %and3A_121 = arith.andi %ne3A_115, %ne3A_120 : vector<128x2048xi1>
    %sub3A_122 = arith.constant 1 : i32
    %sub3A_123 = vector.broadcast %sub3A_122 : i32 to vector<128x2048xi32>
    %sub3A_124 = arith.subi %div3A_97, %sub3A_123 : vector<128x2048xi32>
    %select_n3A_125 = arith.select %and3A_121, %sub3A_124, %div3A_97 : vector<128x2048xi1>, vector<128x2048xi32>
    %eq3A_126 = arith.cmpi eq, %iota3A_93, %select_n3A_125 : vector<128x2048xi32>
    %convert_element_type3A_127 = arith.extui %eq3A_126 : vector<128x2048xi1> to vector<128x2048xi32>
    %convert_element_type3A_128 = arith.sitofp %convert_element_type3A_127 : vector<128x2048xi32> to vector<128x2048xf32>
    %dot_general3A_129 = arith.constant dense<0.000000e+00> : vector<128x64xf32>
    %dot_general3A_130 = tpu.matmul %convert_element_type3A_128, %mul3A_90, %dot_general3A_129 {dimension_numbers = #tpu.dot_dimension_numbers<[1], [0], [0], [1], [0, 0, 1, 1], [], []>, transpose_lhs_hint = false} : vector<128x2048xf32>, vector<2048x64xf32>, vector<128x64xf32> -> vector<128x64xf32>
    %dot_general3A_131 = arith.constant dense<0.000000e+00> : vector<128x64xf32>
    %dot_general3A_132 = tpu.matmul %convert_element_type3A_128, %mul3A_92, %dot_general3A_131 {dimension_numbers = #tpu.dot_dimension_numbers<[1], [0], [0], [1], [0, 0, 1, 1], [], []>, transpose_lhs_hint = false} : vector<128x2048xf32>, vector<2048x64xf32>, vector<128x64xf32> -> vector<128x64xf32>
    %get3A_133 = arith.constant 0 : index
    %get3A_134 = arith.constant 0 : index
    %get3A_135 = vector.load %arg8[%get3A_133, %get3A_134] : memref<64x128xf32, #tpu.memory_space<vmem>>, vector<64x128xf32>
    %dot_general3A_136 = arith.constant dense<0.000000e+00> : vector<128x128xf32>
    %dot_general3A_137 = tpu.matmul %dot_general3A_130, %get3A_135, %dot_general3A_136 {dimension_numbers = #tpu.dot_dimension_numbers<[1], [0], [0], [1], [0, 0, 1, 1], [], []>, transpose_lhs_hint = false} : vector<128x64xf32>, vector<64x128xf32>, vector<128x128xf32> -> vector<128x128xf32>
    %get3A_138 = arith.constant 0 : index
    %get3A_139 = arith.constant 0 : index
    %get3A_140 = vector.load %arg9[%get3A_138, %get3A_139] : memref<64x128xf32, #tpu.memory_space<vmem>>, vector<64x128xf32>
    %dot_general3A_141 = arith.constant dense<0.000000e+00> : vector<128x128xf32>
    %dot_general3A_142 = tpu.matmul %dot_general3A_132, %get3A_140, %dot_general3A_141 {dimension_numbers = #tpu.dot_dimension_numbers<[1], [0], [0], [1], [0, 0, 1, 1], [], []>, transpose_lhs_hint = false} : vector<128x64xf32>, vector<64x128xf32>, vector<128x128xf32> -> vector<128x128xf32>
    %add3A_143 = arith.addf %dot_general3A_137, %dot_general3A_142 : vector<128x128xf32>
    %get3A_144 = arith.constant 0 : index
    %get3A_145 = arith.constant 0 : index
    %get3A_146 = vector.load %arg10[%get3A_144, %get3A_145] : memref<1x128xf32, #tpu.memory_space<vmem>>, vector<1x128xf32>
    %add3A_147 = vector.broadcast %get3A_146 : vector<1x128xf32> to vector<128x128xf32>
    %add3A_148 = arith.addf %add3A_143, %add3A_147 : vector<128x128xf32>
    %max3A_149 = arith.constant 0.000000e+00 : f32
    %max3A_150 = vector.broadcast %max3A_149 : f32 to vector<128x128xf32>
    %max3A_151 = arith.maximumf %add3A_148, %max3A_150 : vector<128x128xf32>
    %swap3A = arith.constant 0 : index
    %swap3A_152 = arith.constant 0 : index
    %swap3A_153 = vector.load %arg13[%swap3A, %swap3A_152] : memref<128x128xf32, #tpu.memory_space<vmem>>, vector<128x128xf32>
    tpu.vector_store %arg13[%swap3A, %swap3A_152], %max3A_151 {strides = array<i32>} : memref<128x128xf32, #tpu.memory_space<vmem>>, vector<128x128xf32>,
    return
  }
  func.func @transform_0(%arg0: i32) -> (i32, i32) {
    %c0_i32 = arith.constant 0 : i32
    %c0_i32_0 = arith.constant 0 : i32
    %c0_i32_1 = arith.constant 0 : i32
    return %c0_i32, %c0_i32_0 : i32, i32
  }
  func.func @transform_1(%arg0: i32) -> (i32, i32) {
    %c0_i32 = arith.constant 0 : i32
    %c0_i32_0 = arith.constant 0 : i32
    %c0_i32_1 = arith.constant 0 : i32
    return %c0_i32, %c0_i32_0 : i32, i32
  }
  func.func @transform_2(%arg0: i32) -> (i32, i32) {
    %c0_i32 = arith.constant 0 : i32
    %c0_i32_0 = arith.constant 0 : i32
    %c0_i32_1 = arith.constant 0 : i32
    return %c0_i32, %c0_i32_0 : i32, i32
  }
  func.func @transform_3(%arg0: i32) -> (i32, i32) {
    %c0_i32 = arith.constant 0 : i32
    %c0_i32_0 = arith.constant 0 : i32
    %c0_i32_1 = arith.constant 0 : i32
    return %c0_i32, %c0_i32_0 : i32, i32
  }
  func.func @transform_4(%arg0: i32) -> (i32, i32) {
    %c0_i32 = arith.constant 0 : i32
    %c0_i32_0 = arith.constant 0 : i32
    %c0_i32_1 = arith.constant 0 : i32
    return %c0_i32, %c0_i32_0 : i32, i32
  }
  func.func @transform_5(%arg0: i32) -> (i32, i32) {
    %c0_i32 = arith.constant 0 : i32
    %c0_i32_0 = arith.constant 0 : i32
    %c0_i32_1 = arith.constant 0 : i32
    return %c0_i32, %c0_i32_0 : i32, i32
  }
  func.func @transform_6(%arg0: i32) -> (i32, i32) {
    %c0_i32 = arith.constant 0 : i32
    %c0_i32_0 = arith.constant 0 : i32
    %c0_i32_1 = arith.constant 0 : i32
    return %c0_i32, %c0_i32_0 : i32, i32
  }
  func.func @transform_7(%arg0: i32) -> (i32, i32) {
    %c0_i32 = arith.constant 0 : i32
    %c0_i32_0 = arith.constant 0 : i32
    %c0_i32_1 = arith.constant 0 : i32
    return %c0_i32, %c0_i32_0 : i32, i32
  }
  func.func @transform_8(%arg0: i32) -> (i32, i32) {
    %c0_i32 = arith.constant 0 : i32
    %c0_i32_0 = arith.constant 0 : i32
    %c0_i32_1 = arith.constant 0 : i32
    return %c0_i32, %c0_i32_0 : i32, i32
  }
  func.func @transform_9(%arg0: i32) -> (i32, i32) {
    %c0_i32 = arith.constant 0 : i32
    %c0_i32_0 = arith.constant 0 : i32
    %c0_i32_1 = arith.constant 0 : i32
    return %c0_i32, %c0_i32_0 : i32, i32
  }
  func.func @transform_10(%arg0: i32) -> (i32, i32) {
    %c0_i32 = arith.constant 0 : i32
    %c0_i32_0 = arith.constant 0 : i32
    return %arg0, %c0_i32 : i32, i32
  }
  func.func @transform_11(%arg0: i32) -> (i32, i32) {
    %c0_i32 = arith.constant 0 : i32
    %c0_i32_0 = arith.constant 0 : i32
    return %arg0, %c0_i32 : i32, i32
  }
  func.func @transform_12(%arg0: i32) -> (i32, i32) {
    %c0_i32 = arith.constant 0 : i32
    %c0_i32_0 = arith.constant 0 : i32
    return %arg0, %c0_i32 : i32, i32
  }
}

module attributes {stable_mosaic.version = 14 : i64} {
  func.func @_final_body(%arg0: memref<1280x128xf32, #tpu.memory_space<vmem>>, %arg1: memref<1280x144xf32, #tpu.memory_space<vmem>>, %arg2: memref<128x128xf32, #tpu.memory_space<vmem>>, %arg3: memref<1x128xf32, #tpu.memory_space<vmem>>, %arg4: memref<128x128xf32, #tpu.memory_space<vmem>>, %arg5: memref<1x128xf32, #tpu.memory_space<vmem>>, %arg6: memref<1280x128xf32, #tpu.memory_space<vmem>>) attributes {dimension_semantics = [], scalar_prefetch = 0 : i64, scratch_operands = 0 : i64, tpu.core_type = #tpu.core_type<tc>} {
    %get3A = arith.constant 0 : index
    %get3A_0 = arith.constant 0 : index
    %get3A_1 = vector.load %arg0[%get3A, %get3A_0] : memref<1280x128xf32, #tpu.memory_space<vmem>>, vector<1280x128xf32>
    %get3A_2 = arith.constant 0 : index
    %get3A_3 = arith.constant 0 : index
    %get3A_4 = vector.load %arg2[%get3A_2, %get3A_3] : memref<128x128xf32, #tpu.memory_space<vmem>>, vector<128x128xf32>
    %dot_general3A = arith.constant dense<0.000000e+00> : vector<1280x128xf32>
    %dot_general3A_5 = tpu.matmul %get3A_1, %get3A_4, %dot_general3A {dimension_numbers = #tpu.dot_dimension_numbers<[1], [0], [0], [1], [0, 0, 1, 1], [], []>, transpose_lhs_hint = false} : vector<1280x128xf32>, vector<128x128xf32>, vector<1280x128xf32> -> vector<1280x128xf32>
    %get3A_6 = arith.constant 0 : index
    %get3A_7 = arith.constant 0 : index
    %get3A_8 = vector.load %arg3[%get3A_6, %get3A_7] : memref<1x128xf32, #tpu.memory_space<vmem>>, vector<1x128xf32>
    %add3A = vector.broadcast %get3A_8 : vector<1x128xf32> to vector<1280x128xf32>
    %add3A_9 = arith.addf %dot_general3A_5, %add3A : vector<1280x128xf32>
    %max3A = arith.constant 0.000000e+00 : f32
    %max3A_10 = vector.broadcast %max3A : f32 to vector<1280x128xf32>
    %max3A_11 = arith.maximumf %add3A_9, %max3A_10 : vector<1280x128xf32>
    %get3A_12 = arith.constant 0 : index
    %get3A_13 = arith.constant 0 : index
    %get3A_14 = vector.load %arg1[%get3A_12, %get3A_13] : memref<1280x144xf32, #tpu.memory_space<vmem>>, vector<1280x128xf32>
    %get3A_15 = arith.constant 0 : index
    %get3A_16 = arith.constant 0 : index
    %get3A_17 = vector.load %arg4[%get3A_15, %get3A_16] : memref<128x128xf32, #tpu.memory_space<vmem>>, vector<128x128xf32>
    %dot_general3A_18 = arith.constant dense<0.000000e+00> : vector<1280x128xf32>
    %dot_general3A_19 = tpu.matmul %get3A_14, %get3A_17, %dot_general3A_18 {dimension_numbers = #tpu.dot_dimension_numbers<[1], [0], [0], [1], [0, 0, 1, 1], [], []>, transpose_lhs_hint = false} : vector<1280x128xf32>, vector<128x128xf32>, vector<1280x128xf32> -> vector<1280x128xf32>
    %get3A_20 = arith.constant 0 : index
    %get3A_21 = arith.constant 0 : index
    %get3A_22 = vector.load %arg5[%get3A_20, %get3A_21] : memref<1x128xf32, #tpu.memory_space<vmem>>, vector<1x128xf32>
    %add3A_23 = vector.broadcast %get3A_22 : vector<1x128xf32> to vector<1280x128xf32>
    %add3A_24 = arith.addf %dot_general3A_19, %add3A_23 : vector<1280x128xf32>
    %max3A_25 = arith.constant 0.000000e+00 : f32
    %max3A_26 = vector.broadcast %max3A_25 : f32 to vector<1280x128xf32>
    %max3A_27 = arith.maximumf %add3A_24, %max3A_26 : vector<1280x128xf32>
    %add3A_28 = arith.addf %max3A_27, %max3A_11 : vector<1280x128xf32>
    %max3A_29 = arith.constant 0.000000e+00 : f32
    %max3A_30 = vector.broadcast %max3A_29 : f32 to vector<1280x128xf32>
    %max3A_31 = arith.maximumf %add3A_28, %max3A_30 : vector<1280x128xf32>
    %swap3A = arith.constant 0 : index
    %swap3A_32 = arith.constant 0 : index
    %swap3A_33 = vector.load %arg6[%swap3A, %swap3A_32] : memref<1280x128xf32, #tpu.memory_space<vmem>>, vector<1280x128xf32>
    tpu.vector_store %arg6[%swap3A, %swap3A_32], %max3A_31 {strides = array<i32>} : memref<1280x128xf32, #tpu.memory_space<vmem>>, vector<1280x128xf32>,
    return
  }
}

</mosaic_0001>

<sc_bundles>
// kernel: kernel.13.cloned.1.call-start
scs
__scs_entry_jumppad:
0x0: {  	(pc) =	sbr.rel $0x88, $3  }
0x1: {  	(tag) =	ssettag $0x0;
	lr =	simm.s32 $0x1  }
0x2: {  	[smem:$0x3F8C] =	sst lr;
	_ =	strace $0xD0000000  }
0x3: {  	_ = 	snop  }
0x4: {  	_ = 	snop  }
0x5: {  	_ = 	snop  }
0x6: {  	_ = 	snop  }
0x7: {  	_ = 	snop  }
__scs_overlays_trampoline_lowered:
0x8: {  	[smem:$0x3F9B] =	sst s0  }
0x9: {  	[smem:$0x3F9C] =	sst s1  }
0xa: {  	[smem:$0x3F9D] =	sst s2  }
0xb: {  	[smem:$0x3F9E] =	sst s3  }
0xc: {  	[smem:$0x3F9F] =	sst s4  }
0xd: {  	[smem:$0x3FA0] =	sst s5  }
0xe: {  	[smem:$0x3FA1] =	sst s6  }
0xf: {  	[smem:$0x3FA2] =	sst s7  }
0x10: {  	[smem:$0x3FA3] =	sst s8  }
0x11: {  	[smem:$0x3FA4] =	sst s9;
	s0 =	simm.s32 @!p0 $0x0  }
0x12: {  	s1 =	sld [smem:$0x3F8A];
	s0 =	simm.s32 @p0 $0x1  }
0x13: {  	[smem:$0x3FA5] =	sst s0;
	s0 =	simm.s32 @!p1 $0x0  }
0x14: {  	s2 =	sld [smem:$0x3F89];
	s0 =	simm.s32 @p1 $0x1  }
0x15: {  	[smem:$0x3FA6] =	sst s0;
	s0 =	simm.s32 @!p2 $0x0  }
0x16: {  	s3 =	sld [smem:$0x3FDB];
	s0 =	simm.s32 @p2 $0x1  }
0x17: {  	s4 =	simm.s32 $0x1BF5;
	[smem:$0x3FA8] =	sst s0  }
0x18: {  	s0 =	sld [smem:$0x3F8B];
	_ =	swait.ge [sflag:s4], $0x0  }
0x19: {  	s7 =	sld [smem:$0x3F8C]  }
0x1a: {  	s8 =	sadd.s32 $0xFFFFE003, lr  }
0x1b: {  	s9 =	sadd.s32 $0xFFFFFEF7, lr;
	s5 =	simm.s32 $0xFFFFFFFF;
	p2 =	slt.u32 s8, $0xFFFFF086  }
0x1c: {  	p1 =	slt.u32 s9, $0xF7A;
	s5 =	simm.s32 @!p2 $0x0  }
0x1d: {  	s5 =	simm.s32 @p1 $0x1;
	p0 =	seq.s32 s7, s2  }
0x1e: {  	s7 =	smul.u32 @!p0 $0xF7A, s2;
	p2 =	seq.s32 @!p0 s5, $0x0  }
0x1f: {  	s9 =	smul.u32 $0xF7A, s1;
	s8 =	simm.s32 @!p0 $0x1BF5;
	p2 =	por !p2, p0  }
0x20: {  	[sflag:s8] =	ssyncset.s32 @!p0 $0xFFFFF086;
	s6 =	sadd.s32 @!p0 s3, s7;
	s7 =	simm.s32 @!p0 $0x108  }
0x21: {  	s3 =	sadd.s32 s3, s9;
	s6 =	sadd.s32 @!p0 $0x88, s6;
	s7 =	simm.s32 @p2 $0x1082  }
0x22: {  	[simem:s7], [sflag:s8] =	dma.local @!p0 [hbm:s6], $0xF7A  }
0x23: {  	s9 =	sor.u32 $0xD0000000, s2;
	s6 =	simm.s32 $0x108;
	_ =	swait.ge @!p0 [sflag:s8], $0x0  }
0x24: {  	s3 =	sadd.s32 $0x88, s3;
	s6 =	simm.s32 @!p1 $0x1082;
	[sflag:s4] =	ssyncset.s32 $0xFFFFF086  }
0x25: {  	[simem:s6], [sflag:s4] =	dma.local [hbm:s3], $0xF7A  }
0x26: {  	[smem:$0x3F8C] =	sst s1;
	(tag) =	ssettag s2;
	_ =	strace s9  }
0x27: {  	s1 =	sld [smem:$0x3F9C]  }
0x28: {  	s2 =	sld [smem:$0x3F9D]  }
0x29: {  	s4 =	sld [smem:$0x3F9F]  }
0x2a: {  	p0 =	seq.s32 s5, $0x0;
	s5 =	sld [smem:$0x3FA0]  }
0x2b: {  	s6 =	sld [smem:$0x3FA1]  }
0x2c: {  	s7 =	sld [smem:$0x3FA2]  }
0x2d: {  	s3 =	simm.s32 $0x108;
	s8 =	sld [smem:$0x3FA3]  }
0x2e: {  	s3 =	simm.s32 @!p0 $0x1082;
	s9 =	sld [smem:$0x3FA4]  }
0x2f: {  	lr =	sadd.s32 s0, s3;
	s0 =	sld [smem:$0x3F9B]  }
0x30: {  	s3 =	sld [smem:$0x3F9E]  }
0x31: {  	[smem:$0x3FA7] =	sst s10  }
0x32: {  	s10 =	sld [smem:$0x3FA5];
	_ =	sdelay $0x3  }
0x33: {  	p0 =	seq.s32 s10, $0x1;
	s10 =	sld [smem:$0x3FA7];
	_ =	sdelay $0x3  }
0x34: {  	[smem:$0x3FA7] =	sst s10  }
0x35: {  	s10 =	sld [smem:$0x3FA6];
	_ =	sdelay $0x3  }
0x36: {  	p1 =	seq.s32 s10, $0x1;
	s10 =	sld [smem:$0x3FA7];
	_ =	sdelay $0x3  }
0x37: {  	[smem:$0x3FA7] =	sst s10  }
0x38: {  	s10 =	sld [smem:$0x3FA8]  }
0x39: {  	_ = 	snop;
	(pc) =	sbr.ind lr, $3  }
0x3a: {  	_ = 	snop  }
0x3b: {  	_ = 	snop  }
0x3c: {  	p2 =	seq.s32 s10, $0x1;
	s10 =	sld [smem:$0x3FA7]  }
0x3d: {  	_ =	shalt  }
0x3e: {  	_ =	shalt  }
0x3f: {  	_ =	shalt  }
0x40: {  	_ =	shalt  }
0x41: {  	_ =	shalt  }
0x42: {  	_ =	shalt  }
0x43: {  	_ =	shalt  }
0x44: {  	_ =	shalt  }
0x45: {  	_ =	shalt  }
0x46: {  	_ =	shalt  }
0x47: {  	_ =	shalt  }
0x48: {  	_ =	shalt  }
0x49: {  	_ =	shalt  }
0x4a: {  	_ =	shalt  }
0x4b: {  	_ =	shalt  }
0x4c: {  	_ =	shalt  }
0x4d: {  	_ =	shalt  }
0x4e: {  	_ =	shalt  }
0x4f: {  	_ =	shalt  }
0x50: {  	_ =	shalt  }
0x51: {  	_ =	shalt  }
0x52: {  	_ =	shalt  }
0x53: {  	_ =	shalt  }
0x54: {  	_ =	shalt  }
0x55: {  	_ =	shalt  }
0x56: {  	_ =	shalt  }
0x57: {  	_ =	shalt  }
0x58: {  	_ =	shalt  }
0x59: {  	_ =	shalt  }
0x5a: {  	_ =	shalt  }
0x5b: {  	_ =	shalt  }
0x5c: {  	_ =	shalt  }
0x5d: {  	_ =	shalt  }
0x5e: {  	_ =	shalt  }
0x5f: {  	_ =	shalt  }
0x60: {  	_ =	shalt  }
0x61: {  	_ =	shalt  }
0x62: {  	_ =	shalt  }
0x63: {  	_ =	shalt  }
0x64: {  	_ =	shalt  }
0x65: {  	_ =	shalt  }
0x66: {  	_ =	shalt  }
0x67: {  	_ =	shalt  }
0x68: {  	_ =	shalt  }
0x69: {  	_ =	shalt  }
0x6a: {  	_ =	shalt  }
0x6b: {  	_ =	shalt  }
0x6c: {  	_ =	shalt  }
0x6d: {  	_ =	shalt  }
0x6e: {  	_ =	shalt  }
0x6f: {  	_ =	shalt  }
0x70: {  	_ =	shalt  }
0x71: {  	_ =	shalt  }
0x72: {  	_ =	shalt  }
0x73: {  	_ =	shalt  }
0x74: {  	_ =	shalt  }
0x75: {  	_ =	shalt  }
0x76: {  	_ =	shalt  }
0x77: {  	_ =	shalt  }
0x78: {  	_ =	shalt  }
0x79: {  	_ =	shalt  }
0x7a: {  	_ =	shalt  }
0x7b: {  	_ =	shalt  }
0x7c: {  	_ =	shalt  }
0x7d: {  	_ =	shalt  }
0x7e: {  	_ =	shalt  }
0x7f: {  	_ =	shalt  }
0x80: {  	_ =	shalt  }
0x81: {  	_ =	shalt  }
0x82: {  	_ =	shalt  }
0x83: {  	_ =	shalt  }
0x84: {  	_ =	shalt  }
0x85: {  	_ =	shalt  }
0x86: {  	_ =	shalt  }
0x87: {  	_ =	shalt  }
.Lfunc_end0:
.L_simem_size_0:
called_computation_lowered:
.L_overlay_start_0:
0x88: {  	s2 =	sld [smem:$0x3FD9]  }
0x89: {  	s3 =	sld [smem:$0x3FFE];
	_ =	sdelay $0x1  }
0x8a: {  	s1 =	srdreg.scid  }
0x8b: {  	s0 =	sand.u32 $0x1, s1  }
0x8c: {  	s14 =	sshll.u32 s0, $0xA;
	s2 =	sadd.s32 s3, s2  }
0x8d: {  	s2 =	sadd.s32 s2, s14  }
0x8e: {  	[smem:$0x3FB3] =	sst s2  }
0x8f: {  	_ = 	snop  }
0x90: {  	s2 =	sld [smem:$0x3FD0];
	_ =	sdelay $0x2  }
0x91: {  	s15 =	simm.s32 $0xC;
	s4 =	simm.s32 $0x10  }
0x92: {  	[smem:s4], [sflag:s15] =	dma.local [hbm:s2], $0x1  }
0x93: {  	_ =	swait.eq [sflag:s15], $0x1  }
0x94: {  	[sflag:s15] =	ssyncset.done $0x0  }
0x95: {  	s16 =	sld [smem:$0x10];
	[sflag:s15] =	ssyncadd.s32 $0xFFFFFFFF  }
0x96: {  	s17 =	sld [smem:$0x11];
	(tm) =	ssettm $0x1  }
0x97: {  	s18 =	sld [smem:$0x3FFB];
	_ =	sdelay $0x3  }
0x98: {  	_ =	strace s18  }
0x99: {  	s4 =	sld [smem:$0x3FFC];
	_ =	sdelay $0x3  }
0x9a: {  	_ =	strace s4  }
0x9b: {  	s4 =	sld [smem:$0x3FFD];
	_ =	sdelay $0x3  }
0x9c: {  	_ =	strace s4  }
0x9d: {  	_ =	strace $0x8FFFFFFF  }
0x9e: {  	s19 =	sld [smem:$0x3FDB];
	_ =	sdelay $0x1  }
0x9f: {  	s5 =	simm.s32 $_scs_section_size  }
0xa0: {  	s6 =	simm.s32 $_size__tile_overlayer_lowered;
	s7 =	simm.s32 $_tile_overlayer_lowered  }
0xa1: {  	s22 =	simm.s32 $0x1BFF;
	s21 =	sshll.u32 s7, $0x1;
	s4 =	sadd.s32 s5, s19  }
0xa2: {  	s8 =	simm.s32 $0x0;
	s20 =	sshll.u32 s6, $0x1;
	s6 =	sadd.s32 s21, s4  }
0xa3: {  	[timem:s8], [sflag:s22] =	dma.local [hbm:s6], s20  }
0xa4: {  	_ =	swait.ge [sflag:s22], s20  }
0xa5: {  	s5 =	ssub.s32 $0x0, s20;
	[sflag:s22] =	ssyncset.done $0x0  }
0xa6: {  	[sflag:s22] =	ssyncadd.s32 s5;
	_ =	sdelay $0x1  }
0xa7: {  	s23 =	simm.s32 $0x1B8B  }
0xa8: {  	_ =	swait.ge [sflag:s23], $0x1  }
0xa9: {  	[sflag:s23] =	ssyncset.done $0x0  }
0xaa: {  	s25 =	simm.s32 $0x1B8E;
	s24 =	sld [smem:$0x3FFE];
	[sflag:s23] =	ssyncadd.s32 $0xFFFFFFFF  }
0xab: {  	s26 =	simm.s32 $execute0_lowered;
	[smem:$0x3FD2] =	sst s25  }
0xac: {  	s6 =	sshll.u32 s26, $0x1;
	_ =	strace $0x80000046;
	[dreg:$0x1] =	wrdreg $0xFFFFFFFF  }
0xad: {  	s28 =	simm.s32 $_size_execute0_lowered;
	s4 =	sadd.s32 s4, s6;
	[dreg:$0x0] =	wrdreg $0x0  }
0xae: {  	s6 =	sshll.u32 s28, $0x1;
	[dreg:$0x2] =	wrdreg s4  }
0xaf: {  	[dreg:$0x3] =	wrdreg s6  }
0xb0: {  	[dreg:$0x4] =	wrdreg $0xC0  }
0xb1: {  	_ =	task [dreg:s8], $0x5FFFF  }
0xb2: {  	[dreg:$0x1] =	wrdreg $0xFFFFFFFF  }
0xb3: {  	[dreg:$0x0] =	wrdreg $0x60  }
0xb4: {  	[dreg:$0x2] =	wrdreg s16  }
0xb5: {  	[dreg:$0x3] =	wrdreg s17  }
0xb6: {  	[dreg:$0x4] =	wrdreg s24  }
0xb7: {  	[dreg:$0x5] =	wrdreg $0x9  }
0xb8: {  	_ =	task.clear_ibuf [dreg:s8], $0x6FFFF;
	_ =	strace $0x90000046  }
0xb9: {  	s29 =	simm.s32 $0x9;
	_ =	strace $0x80000048  }
0xba: {  	_ =	swait.ge [sflag:s29], $0x1  }
0xbb: {  	[sflag:s29] =	ssyncadd.s32 $0xFFFFFFFF  }
0xbc: {  	_ =	strace $0x90000048  }
0xbd: {  	_ =	sfence  }
0xbe: {  	s30 =	sld [smem:$0x0];
	_ =	sdelay $0x2  }
0xbf: {  	s31 =	sshll.u32 s1, $0xD;
	s1 =	sshrl.u32 s1, $0x2  }
0xc0: {  	s3 =	sand.u32 $0x4000, s31;
	s1 =	sadd.s32 s1, s30  }
0xc1: {  	s0 =	sor.u32 s3, s0;
	s1 =	sshll.u32 s1, $0x11  }
0xc2: {  	s0 =	sor.u32 s1, s0  }
0xc3: {  	s0 =	sadd.s32 $0x8F2B, s0  }
0xc4: {  	[sflag:s0] =	ssyncadd.remote.s32 $0x1  }
0xc5: {  	_ =	sfence.sel $0xFFFF  }
0xc6: {  	[dreg:$0x0] =	wrdreg $0xFFFFFFFF;
	(pc) =	sbr.abs _section_cstart, $3  }
0xc7: {  	[dreg:$0x1] =	wrdreg $0xFFFFFFFF  }
0xc8: {  	_ =	task.clear_ibuf [dreg:s8], $0x2FFFF;
	_ =	strace $0x9FFFFFFF  }
0xc9: {  	(tm) =	ssettm $0x7FFFFFFF  }
tec
execute0_lowered:
.L_overlay_start_1:
0x0: {  	(tag) =	ssettag $0x1  }
0x1: {  	s1 =	rddreg [dreg:$0x0]  }
0x2: {  	s2 =	srdreg.scid;
	s0 =	stileid.u32  }
0x3: {  	s4 =	rddreg [dreg:$0x1];
	s6 =	sand.u32 $0x1, s2;
	s30 =	sshll.u32 s0, $0x1  }
0x4: {  	s8 =	rddreg [dreg:$0x2];
	s3 =	simm.s32 $0x0;
	s9 =	sor.u32 s6, s30  }
0x5: {  	[smem:$0x7FF] =	sst s3;
	s5 =	smul.u32 $0xA, s9  }
0x6: {  	s2 =	rddreg [dreg:$0x3];
	_ =	strace $0x80000047  }
0x7: {  	s10 =	ssub.s32 $0x2, s6;
	s5 =	sadd.s32 s4, s5;
	s4 =	simm.s32 $0x2  }
0x8: {  	[tilespmem:s3], [sflag:$0x2] =	stream.linear.gather [hbm4b:s5+s3], $0x50, $0x38;
	[tilespmem:$0x550] =	vst v63  }
0x9: {  	s11 =	sshrl.u32 s10, $0x1;
	_ =	swait.ge [sflag:s4], $0x50  }
0xa: {  	s7 =	simm.s32 $0x1;
	s10 =	ssub.s32 s10, s11;
	[sflag:s4] =	ssyncset.done $0x0  }
0xb: {  	s6 =	simm.s32 $0x50;
	s31 =	smax.u32 s10, $0x1;
	[sflag:s4] =	ssyncadd.s32 $0xFFFFFFB0  }
0xc: {  	[tilespmem:s6], [sflag:$0x1] =	stream.indirect.gather [hbm4b:s1+s6], $0x10, s3, s6, $0xb8;
	[tilespmem:$0x550] =	vst v63  }
0xd: {  	s9 =	smul.u32 $0xA0, s9;
	p0 =	sne.s32 s31, $0x1;
	_ =	swait.ge [sflag:s7], $0x500  }
.Ltmp0:
0xe: {  	[sflag:s7] =	ssyncset.done $0x0;
	(pc) =	sbr.rel @!p0 .LBB2_2-.Ltmp0, $4  }
0xf: {  	s8 =	sadd.s32 s8, s9;
	[sflag:s7] =	ssyncadd.s32 $0xFFFFFB00  }
0x10: {  	[hbm4b:s8+s3] =	stream.linear.scatter [tilespmem:s6], [sflag:$0x2], $0x500, $0x38;
	[tilespmem:$0x550] =	vst v63  }
0x11: {  	_ =	swait.ge [sflag:s4], $0x500  }
0x12: {  	s9 =	sadd.s32 $0xFFFFFFFF, s31;
	[sflag:s4] =	ssyncset.done $0x0  }
.LBB2_1:
0x13: {  	p0 =	sne.s32 s9, $0x1;
	s9 =	sadd.s32 $0xFFFFFFFF, s9;
	[sflag:s4] =	ssyncadd.s32 $0xFFFFFB00  }
0x14: {  	[tilespmem:s3], [sflag:$0x2] =	stream.linear.gather [hbm4b:s5+s3], $0x50, $0x38;
	[tilespmem:$0x550] =	vst v63  }
0x15: {  	_ =	swait.ge [sflag:s4], $0x50  }
0x16: {  	[sflag:s4] =	ssyncset.done $0x0  }
0x17: {  	[sflag:s4] =	ssyncadd.s32 $0xFFFFFFB0  }
0x18: {  	[tilespmem:s6], [sflag:$0x1] =	stream.indirect.gather [hbm4b:s1+s6], $0x10, s3, s6, $0xb8;
	[tilespmem:$0x550] =	vst v63  }
0x19: {  	_ =	swait.ge [sflag:s7], $0x500  }
.Ltmp1:
0x1a: {  	[sflag:s7] =	ssyncset.done $0x0;
	(pc) =	sbr.rel @p0 .LBB2_1-.Ltmp1, $4  }
0x1b: {  	[sflag:s7] =	ssyncadd.s32 $0xFFFFFB00  }
0x1c: {  	[hbm4b:s8+s3] =	stream.linear.scatter [tilespmem:s6], [sflag:$0x2], $0x500, $0x38;
	[tilespmem:$0x550] =	vst v63  }
0x1d: {  	_ =	swait.ge [sflag:s4], $0x500  }
0x1e: {  	[sflag:s4] =	ssyncset.done $0x0  }
.LBB2_2:
0x1f: {  	[sflag:s4] =	ssyncadd.s32 $0xFFFFFB00  }
0x20: {  	_ =	sfence.sel $0x180000  }
0x21: {  	[bflag:$0x0] =	sbarrier.arrive $0xFFFF  }
0x22: {  	p0 =	sne.s32 s0, $0x0;
	_ =	strace $0x90000047  }
0x23: {  	s0 =	sadd.s32 @!p0 $0x100000, s2;
	[bflag:$0x2] =	sbarrier.arrive $0xFFFF  }
0x24: {  	[sflag:s0] =	ssyncadd.tile.s32 @!p0 $0x1;
	_ =	shalt  }
.Lfunc_end2:
_tile_overlayer_lowered:
.L_overlay_start_2:
0x25: {  	(tag) =	ssettag $0x2  }
0x26: {  	s0 =	rddreg [dreg:$0x0];
	s2 =	stileid.u32  }
0x27: {  	s1 =	rddreg [dreg:$0x1];
	p0 =	sne.s32 s2, $0x0  }
0x28: {  	s3 =	rddreg [dreg:$0x2];
	[bflag:$0x3] =	sbarrier.arrive $0xFFFF;
	s2 =	simm.s32 @!p0 $0x1C02  }
0x29: {  	[timem:s3], [sflag:s2] =	dma.local @!p0 [hbm:s0], s1  }
0x2a: {  	s0 =	simm.s32 @!p0 $0x2  }
0x2b: {  	_ =	swait.ge @!p0 [sflag:s0], s1  }
0x2c: {  	s1 =	ssub.s32 @!p0 $0x0, s1;
	[sflag:s0] =	ssyncset.done @!p0 $0x0  }
0x2d: {  	[sflag:s0] =	ssyncadd.s32 @!p0 s1  }
0x2e: {  	[bflag:$0x3] =	sbarrier.arrive $0xFFFF  }
0x2f: {  	_ =	shalt  }

// kernel: kernel.16.cloned.1.call-start
scs
__scs_entry_jumppad:
0x0: {  	(pc) =	sbr.rel $0x88, $3  }
0x1: {  	(tag) =	ssettag $0x0;
	lr =	simm.s32 $0x1  }
0x2: {  	[smem:$0x3F8C] =	sst lr;
	_ =	strace $0xD0000000  }
0x3: {  	_ = 	snop  }
0x4: {  	_ = 	snop  }
0x5: {  	_ = 	snop  }
0x6: {  	_ = 	snop  }
0x7: {  	_ = 	snop  }
__scs_overlays_trampoline_lowered:
0x8: {  	[smem:$0x3F9B] =	sst s0  }
0x9: {  	[smem:$0x3F9C] =	sst s1  }
0xa: {  	[smem:$0x3F9D] =	sst s2  }
0xb: {  	[smem:$0x3F9E] =	sst s3  }
0xc: {  	[smem:$0x3F9F] =	sst s4  }
0xd: {  	[smem:$0x3FA0] =	sst s5  }
0xe: {  	[smem:$0x3FA1] =	sst s6  }
0xf: {  	[smem:$0x3FA2] =	sst s7  }
0x10: {  	[smem:$0x3FA3] =	sst s8  }
0x11: {  	[smem:$0x3FA4] =	sst s9;
	s0 =	simm.s32 @!p0 $0x0  }
0x12: {  	s1 =	sld [smem:$0x3F8A];
	s0 =	simm.s32 @p0 $0x1  }
0x13: {  	[smem:$0x3FA5] =	sst s0;
	s0 =	simm.s32 @!p1 $0x0  }
0x14: {  	s2 =	sld [smem:$0x3F89];
	s0 =	simm.s32 @p1 $0x1  }
0x15: {  	[smem:$0x3FA6] =	sst s0;
	s0 =	simm.s32 @!p2 $0x0  }
0x16: {  	s3 =	sld [smem:$0x3FDB];
	s0 =	simm.s32 @p2 $0x1  }
0x17: {  	s4 =	simm.s32 $0x1BF5;
	[smem:$0x3FA8] =	sst s0  }
0x18: {  	s0 =	sld [smem:$0x3F8B];
	_ =	swait.ge [sflag:s4], $0x0  }
0x19: {  	s7 =	sld [smem:$0x3F8C]  }
0x1a: {  	s8 =	sadd.s32 $0xFFFFE003, lr  }
0x1b: {  	s9 =	sadd.s32 $0xFFFFFEF7, lr;
	s5 =	simm.s32 $0xFFFFFFFF;
	p2 =	slt.u32 s8, $0xFFFFF086  }
0x1c: {  	p1 =	slt.u32 s9, $0xF7A;
	s5 =	simm.s32 @!p2 $0x0  }
0x1d: {  	s5 =	simm.s32 @p1 $0x1;
	p0 =	seq.s32 s7, s2  }
0x1e: {  	s7 =	smul.u32 @!p0 $0xF7A, s2;
	p2 =	seq.s32 @!p0 s5, $0x0  }
0x1f: {  	s9 =	smul.u32 $0xF7A, s1;
	s8 =	simm.s32 @!p0 $0x1BF5;
	p2 =	por !p2, p0  }
0x20: {  	[sflag:s8] =	ssyncset.s32 @!p0 $0xFFFFF086;
	s6 =	sadd.s32 @!p0 s3, s7;
	s7 =	simm.s32 @!p0 $0x108  }
0x21: {  	s3 =	sadd.s32 s3, s9;
	s6 =	sadd.s32 @!p0 $0x88, s6;
	s7 =	simm.s32 @p2 $0x1082  }
0x22: {  	[simem:s7], [sflag:s8] =	dma.local @!p0 [hbm:s6], $0xF7A  }
0x23: {  	s9 =	sor.u32 $0xD0000000, s2;
	s6 =	simm.s32 $0x108;
	_ =	swait.ge @!p0 [sflag:s8], $0x0  }
0x24: {  	s3 =	sadd.s32 $0x88, s3;
	s6 =	simm.s32 @!p1 $0x1082;
	[sflag:s4] =	ssyncset.s32 $0xFFFFF086  }
0x25: {  	[simem:s6], [sflag:s4] =	dma.local [hbm:s3], $0xF7A  }
0x26: {  	[smem:$0x3F8C] =	sst s1;
	(tag) =	ssettag s2;
	_ =	strace s9  }
0x27: {  	s1 =	sld [smem:$0x3F9C]  }
0x28: {  	s2 =	sld [smem:$0x3F9D]  }
0x29: {  	s4 =	sld [smem:$0x3F9F]  }
0x2a: {  	p0 =	seq.s32 s5, $0x0;
	s5 =	sld [smem:$0x3FA0]  }
0x2b: {  	s6 =	sld [smem:$0x3FA1]  }
0x2c: {  	s7 =	sld [smem:$0x3FA2]  }
0x2d: {  	s3 =	simm.s32 $0x108;
	s8 =	sld [smem:$0x3FA3]  }
0x2e: {  	s3 =	simm.s32 @!p0 $0x1082;
	s9 =	sld [smem:$0x3FA4]  }
0x2f: {  	lr =	sadd.s32 s0, s3;
	s0 =	sld [smem:$0x3F9B]  }
0x30: {  	s3 =	sld [smem:$0x3F9E]  }
0x31: {  	[smem:$0x3FA7] =	sst s10  }
0x32: {  	s10 =	sld [smem:$0x3FA5];
	_ =	sdelay $0x3  }
0x33: {  	p0 =	seq.s32 s10, $0x1;
	s10 =	sld [smem:$0x3FA7];
	_ =	sdelay $0x3  }
0x34: {  	[smem:$0x3FA7] =	sst s10  }
0x35: {  	s10 =	sld [smem:$0x3FA6];
	_ =	sdelay $0x3  }
0x36: {  	p1 =	seq.s32 s10, $0x1;
	s10 =	sld [smem:$0x3FA7];
	_ =	sdelay $0x3  }
0x37: {  	[smem:$0x3FA7] =	sst s10  }
0x38: {  	s10 =	sld [smem:$0x3FA8]  }
0x39: {  	_ = 	snop;
	(pc) =	sbr.ind lr, $3  }
0x3a: {  	_ = 	snop  }
0x3b: {  	_ = 	snop  }
0x3c: {  	p2 =	seq.s32 s10, $0x1;
	s10 =	sld [smem:$0x3FA7]  }
0x3d: {  	_ =	shalt  }
0x3e: {  	_ =	shalt  }
0x3f: {  	_ =	shalt  }
0x40: {  	_ =	shalt  }
0x41: {  	_ =	shalt  }
0x42: {  	_ =	shalt  }
0x43: {  	_ =	shalt  }
0x44: {  	_ =	shalt  }
0x45: {  	_ =	shalt  }
0x46: {  	_ =	shalt  }
0x47: {  	_ =	shalt  }
0x48: {  	_ =	shalt  }
0x49: {  	_ =	shalt  }
0x4a: {  	_ =	shalt  }
0x4b: {  	_ =	shalt  }
0x4c: {  	_ =	shalt  }
0x4d: {  	_ =	shalt  }
0x4e: {  	_ =	shalt  }
0x4f: {  	_ =	shalt  }
0x50: {  	_ =	shalt  }
0x51: {  	_ =	shalt  }
0x52: {  	_ =	shalt  }
0x53: {  	_ =	shalt  }
0x54: {  	_ =	shalt  }
0x55: {  	_ =	shalt  }
0x56: {  	_ =	shalt  }
0x57: {  	_ =	shalt  }
0x58: {  	_ =	shalt  }
0x59: {  	_ =	shalt  }
0x5a: {  	_ =	shalt  }
0x5b: {  	_ =	shalt  }
0x5c: {  	_ =	shalt  }
0x5d: {  	_ =	shalt  }
0x5e: {  	_ =	shalt  }
0x5f: {  	_ =	shalt  }
0x60: {  	_ =	shalt  }
0x61: {  	_ =	shalt  }
0x62: {  	_ =	shalt  }
0x63: {  	_ =	shalt  }
0x64: {  	_ =	shalt  }
0x65: {  	_ =	shalt  }
0x66: {  	_ =	shalt  }
0x67: {  	_ =	shalt  }
0x68: {  	_ =	shalt  }
0x69: {  	_ =	shalt  }
0x6a: {  	_ =	shalt  }
0x6b: {  	_ =	shalt  }
0x6c: {  	_ =	shalt  }
0x6d: {  	_ =	shalt  }
0x6e: {  	_ =	shalt  }
0x6f: {  	_ =	shalt  }
0x70: {  	_ =	shalt  }
0x71: {  	_ =	shalt  }
0x72: {  	_ =	shalt  }
0x73: {  	_ =	shalt  }
0x74: {  	_ =	shalt  }
0x75: {  	_ =	shalt  }
0x76: {  	_ =	shalt  }
0x77: {  	_ =	shalt  }
0x78: {  	_ =	shalt  }
0x79: {  	_ =	shalt  }
0x7a: {  	_ =	shalt  }
0x7b: {  	_ =	shalt  }
0x7c: {  	_ =	shalt  }
0x7d: {  	_ =	shalt  }
0x7e: {  	_ =	shalt  }
0x7f: {  	_ =	shalt  }
0x80: {  	_ =	shalt  }
0x81: {  	_ =	shalt  }
0x82: {  	_ =	shalt  }
0x83: {  	_ =	shalt  }
0x84: {  	_ =	shalt  }
0x85: {  	_ =	shalt  }
0x86: {  	_ =	shalt  }
0x87: {  	_ =	shalt  }
.Lfunc_end0:
.L_simem_size_0:
called_computation.1_lowered:
.L_overlay_start_0:
0x88: {  	s2 =	sld [smem:$0x3FD9]  }
0x89: {  	s3 =	sld [smem:$0x3FFE];
	_ =	sdelay $0x1  }
0x8a: {  	s1 =	srdreg.scid  }
0x8b: {  	s0 =	sand.u32 $0x1, s1  }
0x8c: {  	s15 =	sshll.u32 s0, $0xA;
	s2 =	sadd.s32 s3, s2  }
0x8d: {  	s2 =	sadd.s32 s2, s15  }
0x8e: {  	[smem:$0x3FB3] =	sst s2  }
0x8f: {  	_ = 	snop  }
0x90: {  	s2 =	sld [smem:$0x3FD0];
	_ =	sdelay $0x2  }
0x91: {  	s16 =	simm.s32 $0xC;
	s4 =	simm.s32 $0x10  }
0x92: {  	[smem:s4], [sflag:s16] =	dma.local [hbm:s2], $0x1  }
0x93: {  	_ =	swait.eq [sflag:s16], $0x1  }
0x94: {  	[sflag:s16] =	ssyncset.done $0x0  }
0x95: {  	[sflag:s16] =	ssyncadd.s32 $0xFFFFFFFF  }
0x96: {  	s17 =	sld [smem:$0x10];
	(tm) =	ssettm $0x1  }
0x97: {  	s18 =	sld [smem:$0x3FFB];
	_ =	sdelay $0x3  }
0x98: {  	_ =	strace s18  }
0x99: {  	s2 =	sld [smem:$0x3FFC];
	_ =	sdelay $0x3  }
0x9a: {  	_ =	strace s2  }
0x9b: {  	s2 =	sld [smem:$0x3FFD];
	_ =	sdelay $0x3  }
0x9c: {  	_ =	strace s2  }
0x9d: {  	_ =	strace $0x8FFFFFFF  }
0x9e: {  	s19 =	sld [smem:$0x3FDB];
	_ =	sdelay $0x1  }
0x9f: {  	s20 =	simm.s32 $_scs_section_size  }
0xa0: {  	s5 =	simm.s32 $_size__tile_overlayer_lowered;
	s6 =	simm.s32 $_tile_overlayer_lowered  }
0xa1: {  	s7 =	simm.s32 $0x1BFF;
	s21 =	sshll.u32 s6, $0x1;
	s4 =	sadd.s32 s20, s19  }
0xa2: {  	s22 =	simm.s32 $0x0;
	s5 =	sshll.u32 s5, $0x1;
	s6 =	sadd.s32 s21, s4  }
0xa3: {  	[timem:s22], [sflag:s7] =	dma.local [hbm:s6], s5  }
0xa4: {  	_ =	swait.ge [sflag:s7], s5  }
0xa5: {  	s5 =	ssub.s32 $0x0, s5;
	[sflag:s7] =	ssyncset.done $0x0  }
0xa6: {  	[sflag:s7] =	ssyncadd.s32 s5;
	_ =	sdelay $0x1  }
0xa7: {  	s23 =	simm.s32 $0x1B8B  }
0xa8: {  	_ =	swait.ge [sflag:s23], $0x1  }
0xa9: {  	[sflag:s23] =	ssyncset.done $0x0  }
0xaa: {  	[sflag:s23] =	ssyncadd.s32 $0xFFFFFFFF  }
0xab: {  	s5 =	sld [smem:$0x0]  }
0xac: {  	s6 =	sand.u32 $0xFFFFFFFE, s1  }
0xad: {  	p0 =	sne.s32 s1, s6  }
0xae: {  	s6 =	sshll.u32 @p0 s6, $0xE  }
0xaf: {  	s6 =	sadd.s32 @p0 $0x11B8D, s6;
	s7 =	sshll.u32 @p0 s5, $0x11  }
0xb0: {  	s6 =	sor.u32 @p0 s7, s6  }
0xb1: {  	[sflag:s6] =	ssyncadd.remote.s32 @p0 $0x1;
	_ =	sdelay $0x1  }
0xb2: {  	s6 =	simm.s32 @p0 $0x1B8D  }
0xb3: {  	_ =	swait.eq @p0 [sflag:s6], $0x1  }
0xb4: {  	[sflag:s6] =	ssyncadd.s32 @p0 $0xFFFFFFFF  }
0xb5: {  	s7 =	sshll.u32 @!p0 s1, $0xE  }
0xb6: {  	s7 =	sor.u32 @!p0 $0x4000, s7;
	s6 =	simm.s32 @!p0 $0x1B8D  }
0xb7: {  	s5 =	sshll.u32 @!p0 s5, $0x11;
	s7 =	sadd.s32 @!p0 $0x11B8D, s7;
	_ =	swait.eq @!p0 [sflag:s6], $0x1  }
0xb8: {  	s5 =	sor.u32 @!p0 s5, s7;
	[sflag:s6] =	ssyncadd.s32 @!p0 $0xFFFFFFFF  }
0xb9: {  	s25 =	simm.s32 $0x1B8E;
	s24 =	sld [smem:$0x3FFE];
	[sflag:s5] =	ssyncadd.remote.s32 @!p0 $0x1  }
0xba: {  	s26 =	simm.s32 $execute0_lowered;
	[smem:$0x3FD2] =	sst s25  }
0xbb: {  	s6 =	sshll.u32 s26, $0x1;
	_ =	strace $0x8000004C;
	[dreg:$0x1] =	wrdreg $0xFFFFFFFF  }
0xbc: {  	s28 =	simm.s32 $_size_execute0_lowered;
	s4 =	sadd.s32 s4, s6;
	[dreg:$0x0] =	wrdreg $0x0  }
0xbd: {  	s6 =	sshll.u32 s28, $0x1;
	[dreg:$0x2] =	wrdreg s4  }
0xbe: {  	[dreg:$0x3] =	wrdreg s6  }
0xbf: {  	[dreg:$0x4] =	wrdreg $0xC0  }
0xc0: {  	_ =	task [dreg:s22], $0x5FFFF  }
0xc1: {  	[dreg:$0x1] =	wrdreg $0xFFFFFFFF  }
0xc2: {  	[dreg:$0x0] =	wrdreg $0x60  }
0xc3: {  	[dreg:$0x2] =	wrdreg s24  }
0xc4: {  	[dreg:$0x3] =	wrdreg s17  }
0xc5: {  	[dreg:$0x4] =	wrdreg $0xA  }
0xc6: {  	_ =	task.clear_ibuf [dreg:s22], $0x5FFFF;
	_ =	strace $0x9000004C  }
0xc7: {  	s29 =	simm.s32 $0xA;
	_ =	strace $0x8000004E  }
0xc8: {  	_ =	swait.ge [sflag:s29], $0x1  }
0xc9: {  	[sflag:s29] =	ssyncadd.s32 $0xFFFFFFFF  }
0xca: {  	_ =	strace $0x9000004E  }
0xcb: {  	_ =	sfence  }
0xcc: {  	s30 =	sld [smem:$0x0];
	_ =	sdelay $0x2  }
0xcd: {  	s31 =	sshll.u32 s1, $0xD;
	s1 =	sshrl.u32 s1, $0x2  }
0xce: {  	s4 =	sand.u32 $0x4000, s31;
	s1 =	sadd.s32 s1, s30  }
0xcf: {  	s0 =	sor.u32 s4, s0;
	s1 =	sshll.u32 s1, $0x11  }
0xd0: {  	s0 =	sor.u32 s1, s0  }
0xd1: {  	s0 =	sadd.s32 $0x8F2B, s0  }
0xd2: {  	[sflag:s0] =	ssyncadd.remote.s32 $0x1  }
0xd3: {  	_ =	sfence.sel $0xFFFF  }
0xd4: {  	[dreg:$0x0] =	wrdreg $0xFFFFFFFF;
	(pc) =	sbr.abs _section_cstart, $3  }
0xd5: {  	[dreg:$0x1] =	wrdreg $0xFFFFFFFF  }
0xd6: {  	_ =	task.clear_ibuf [dreg:s22], $0x2FFFF;
	_ =	strace $0x9FFFFFFF  }
0xd7: {  	(tm) =	ssettm $0x7FFFFFFF  }
tec
execute0_lowered:
.L_overlay_start_1:
0x0: {  	(tag) =	ssettag $0x1  }
0x1: {  	s1 =	srdreg.scid;
	s0 =	stileid.u32  }
0x2: {  	s26 =	rddreg [dreg:$0x0];
	s28 =	sand.u32 $0x1, s1;
	s31 =	sshll.u32 s0, $0x1  }
0x3: {  	s3 =	rddreg [dreg:$0x1];
	s29 =	sor.u32 s28, s31  }
0x4: {  	s2 =	simm.s32 $0x0;
	s1 =	rddreg [dreg:$0x2];
	s4 =	smul.u32 $0xA0, s29  }
0x5: {  	[smem:$0x7FF] =	sst s2  }
0x6: {  	_ =	strace $0x8000004D;
	s4 =	sadd.s32 s3, s4;
	s3 =	simm.s32 $0x2  }
0x7: {  	[tilespmem:s2], [sflag:$0x2] =	stream.linear.gather [hbm4b:s4+s2], $0x500, $0x38;
	[tilespmem:$0xF500] =	vst v63  }
0x8: {  	_ =	swait.ge [sflag:s3], $0x500  }
0x9: {  	s6 =	simm.s32 $0x80;
	[sflag:s3] =	ssyncset.done $0x0  }
0xa: {  	s7 =	simm.s32 $0x500;
	s5 =	sadd.s32 $0x1E00, s26;
	[sflag:s3] =	ssyncadd.s32 $0xFFFFFB00  }
0xb: {  	[tilespmem:s7], [sflag:$0x1] =	stream.indirect.gather [hbm4b:s5+s6], $0x30, s2, s6, $0xb8;
	[tilespmem:$0xF500] =	vst v63  }
0xc: {  	s8 =	simm.s32 $0x1D00  }
0xd: {  	[tilespmem:s8], [sflag:$0x1] =	stream.indirect.gather [hbm4b:s5+s6], $0x30, s6, s6, $0xb8;
	[tilespmem:$0xF500] =	vst v63  }
0xe: {  	s9 =	simm.s32 $0x100;
	s10 =	simm.s32 $0x3500  }
0xf: {  	[tilespmem:s10], [sflag:$0x1] =	stream.indirect.gather [hbm4b:s5+s6], $0x30, s9, s6, $0xb8;
	[tilespmem:$0xF500] =	vst v63  }
0x10: {  	s11 =	simm.s32 $0x180;
	s12 =	simm.s32 $0x4D00  }
0x11: {  	[tilespmem:s12], [sflag:$0x1] =	stream.indirect.gather [hbm4b:s5+s6], $0x30, s11, s6, $0xb8;
	[tilespmem:$0xF500] =	vst v63  }
0x12: {  	s13 =	simm.s32 $0x200;
	s14 =	simm.s32 $0x6500  }
0x13: {  	[tilespmem:s14], [sflag:$0x1] =	stream.indirect.gather [hbm4b:s5+s6], $0x30, s13, s6, $0xb8;
	[tilespmem:$0xF500] =	vst v63  }
0x14: {  	s15 =	simm.s32 $0x280;
	s16 =	simm.s32 $0x7D00  }
0x15: {  	[tilespmem:s16], [sflag:$0x1] =	stream.indirect.gather [hbm4b:s5+s6], $0x30, s15, s6, $0xb8;
	[tilespmem:$0xF500] =	vst v63  }
0x16: {  	s17 =	simm.s32 $0x300;
	s18 =	simm.s32 $0x9500  }
0x17: {  	[tilespmem:s18], [sflag:$0x1] =	stream.indirect.gather [hbm4b:s5+s6], $0x30, s17, s6, $0xb8;
	[tilespmem:$0xF500] =	vst v63  }
0x18: {  	s19 =	simm.s32 $0x380;
	s20 =	simm.s32 $0xAD00  }
0x19: {  	[tilespmem:s20], [sflag:$0x1] =	stream.indirect.gather [hbm4b:s5+s6], $0x30, s19, s6, $0xb8;
	[tilespmem:$0xF500] =	vst v63  }
0x1a: {  	s21 =	simm.s32 $0x400;
	s22 =	simm.s32 $0xC500  }
0x1b: {  	[tilespmem:s22], [sflag:$0x1] =	stream.indirect.gather [hbm4b:s5+s6], $0x30, s21, s6, $0xb8;
	[tilespmem:$0xF500] =	vst v63  }
0x1c: {  	s23 =	simm.s32 $0x480;
	s24 =	simm.s32 $0xDD00;
	s25 =	simm.s32 $0x1  }
0x1d: {  	[tilespmem:s24], [sflag:$0x1] =	stream.indirect.gather [hbm4b:s5+s6], $0x30, s23, s6, $0xb8;
	[tilespmem:$0xF500] =	vst v63  }
0x1e: {  	_ =	swait.ge [sflag:s25], $0x1800  }
0x1f: {  	[sflag:s25] =	ssyncset.done $0x0  }
0x20: {  	[sflag:s25] =	ssyncadd.s32 $0xFFFFE800  }
0x21: {  	_ =	swait.ge [sflag:s25], $0x1800  }
0x22: {  	[sflag:s25] =	ssyncset.done $0x0  }
0x23: {  	[sflag:s25] =	ssyncadd.s32 $0xFFFFE800  }
0x24: {  	_ =	swait.ge [sflag:s25], $0x1800  }
0x25: {  	[sflag:s25] =	ssyncset.done $0x0  }
0x26: {  	[sflag:s25] =	ssyncadd.s32 $0xFFFFE800  }
0x27: {  	_ =	swait.ge [sflag:s25], $0x1800  }
0x28: {  	[sflag:s25] =	ssyncset.done $0x0  }
0x29: {  	[sflag:s25] =	ssyncadd.s32 $0xFFFFE800  }
0x2a: {  	_ =	swait.ge [sflag:s25], $0x1800  }
0x2b: {  	[sflag:s25] =	ssyncset.done $0x0  }
0x2c: {  	[sflag:s25] =	ssyncadd.s32 $0xFFFFE800  }
0x2d: {  	_ =	swait.ge [sflag:s25], $0x1800  }
0x2e: {  	[sflag:s25] =	ssyncset.done $0x0  }
0x2f: {  	[sflag:s25] =	ssyncadd.s32 $0xFFFFE800  }
0x30: {  	_ =	swait.ge [sflag:s25], $0x1800  }
0x31: {  	[sflag:s25] =	ssyncset.done $0x0  }
0x32: {  	[sflag:s25] =	ssyncadd.s32 $0xFFFFE800  }
0x33: {  	_ =	swait.ge [sflag:s25], $0x1800  }
0x34: {  	[sflag:s25] =	ssyncset.done $0x0  }
0x35: {  	s28 =	ssub.s32 $0x2, s28;
	[sflag:s25] =	ssyncadd.s32 $0xFFFFE800  }
0x36: {  	s30 =	sshrl.u32 s28, $0x1;
	_ =	swait.ge [sflag:s25], $0x1800  }
0x37: {  	s28 =	ssub.s32 s28, s30;
	[sflag:s25] =	ssyncset.done $0x0  }
0x38: {  	s29 =	smul.u32 $0x1E00, s29;
	s28 =	smax.u32 s28, $0x1;
	[sflag:s25] =	ssyncadd.s32 $0xFFFFE800  }
0x39: {  	p0 =	sne.s32 s28, $0x1;
	_ =	swait.ge [sflag:s25], $0x1800  }
.Ltmp0:
0x3a: {  	s26 =	sadd.s32 s29, s26;
	[sflag:s25] =	ssyncset.done $0x0;
	(pc) =	sbr.rel @!p0 .LBB2_2-.Ltmp0, $4  }
0x3b: {  	s26 =	sadd.s32 $0x10E00, s26;
	[sflag:s25] =	ssyncadd.s32 $0xFFFFE800  }
0x3c: {  	[hbm4b:s26+s2] =	stream.linear.scatter [tilespmem:s7], [sflag:$0x2], $0xF000, $0x38;
	[tilespmem:$0xF500] =	vst v63  }
0x3d: {  	_ =	swait.ge [sflag:s3], $0xF000  }
0x3e: {  	s28 =	sadd.s32 $0xFFFFFFFF, s28;
	[sflag:s3] =	ssyncset.done $0x0  }
.LBB2_1:
0x3f: {  	p0 =	sne.s32 s28, $0x1;
	s28 =	sadd.s32 $0xFFFFFFFF, s28;
	[sflag:s3] =	ssyncadd.s32 $0xFFFF1000  }
0x40: {  	[tilespmem:s2], [sflag:$0x2] =	stream.linear.gather [hbm4b:s4+s2], $0x500, $0x38;
	[tilespmem:$0xF500] =	vst v63  }
0x41: {  	_ =	swait.ge [sflag:s3], $0x500  }
0x42: {  	[sflag:s3] =	ssyncset.done $0x0  }
0x43: {  	[sflag:s3] =	ssyncadd.s32 $0xFFFFFB00  }
0x44: {  	[tilespmem:s7], [sflag:$0x1] =	stream.indirect.gather [hbm4b:s5+s6], $0x30, s2, s6, $0xb8;
	[tilespmem:$0xF500] =	vst v63  }
0x45: {  	_ = 	snop  }
0x46: {  	[tilespmem:s8], [sflag:$0x1] =	stream.indirect.gather [hbm4b:s5+s6], $0x30, s6, s6, $0xb8;
	[tilespmem:$0xF500] =	vst v63  }
0x47: {  	_ = 	snop  }
0x48: {  	[tilespmem:s10], [sflag:$0x1] =	stream.indirect.gather [hbm4b:s5+s6], $0x30, s9, s6, $0xb8;
	[tilespmem:$0xF500] =	vst v63  }
0x49: {  	_ = 	snop  }
0x4a: {  	[tilespmem:s12], [sflag:$0x1] =	stream.indirect.gather [hbm4b:s5+s6], $0x30, s11, s6, $0xb8;
	[tilespmem:$0xF500] =	vst v63  }
0x4b: {  	_ = 	snop  }
0x4c: {  	[tilespmem:s14], [sflag:$0x1] =	stream.indirect.gather [hbm4b:s5+s6], $0x30, s13, s6, $0xb8;
	[tilespmem:$0xF500] =	vst v63  }
0x4d: {  	_ = 	snop  }
0x4e: {  	[tilespmem:s16], [sflag:$0x1] =	stream.indirect.gather [hbm4b:s5+s6], $0x30, s15, s6, $0xb8;
	[tilespmem:$0xF500] =	vst v63  }
0x4f: {  	_ = 	snop  }
0x50: {  	[tilespmem:s18], [sflag:$0x1] =	stream.indirect.gather [hbm4b:s5+s6], $0x30, s17, s6, $0xb8;
	[tilespmem:$0xF500] =	vst v63  }
0x51: {  	_ = 	snop  }
0x52: {  	[tilespmem:s20], [sflag:$0x1] =	stream.indirect.gather [hbm4b:s5+s6], $0x30, s19, s6, $0xb8;
	[tilespmem:$0xF500] =	vst v63  }
0x53: {  	_ = 	snop  }
0x54: {  	[tilespmem:s22], [sflag:$0x1] =	stream.indirect.gather [hbm4b:s5+s6], $0x30, s21, s6, $0xb8;
	[tilespmem:$0xF500] =	vst v63  }
0x55: {  	_ = 	snop  }
0x56: {  	[tilespmem:s24], [sflag:$0x1] =	stream.indirect.gather [hbm4b:s5+s6], $0x30, s23, s6, $0xb8;
	[tilespmem:$0xF500] =	vst v63  }
0x57: {  	_ =	swait.ge [sflag:s25], $0x1800  }
0x58: {  	[sflag:s25] =	ssyncset.done $0x0  }
0x59: {  	[sflag:s25] =	ssyncadd.s32 $0xFFFFE800  }
0x5a: {  	_ =	swait.ge [sflag:s25], $0x1800  }
0x5b: {  	[sflag:s25] =	ssyncset.done $0x0  }
0x5c: {  	[sflag:s25] =	ssyncadd.s32 $0xFFFFE800  }
0x5d: {  	_ =	swait.ge [sflag:s25], $0x1800  }
0x5e: {  	[sflag:s25] =	ssyncset.done $0x0  }
0x5f: {  	[sflag:s25] =	ssyncadd.s32 $0xFFFFE800  }
0x60: {  	_ =	swait.ge [sflag:s25], $0x1800  }
0x61: {  	[sflag:s25] =	ssyncset.done $0x0  }
0x62: {  	[sflag:s25] =	ssyncadd.s32 $0xFFFFE800  }
0x63: {  	_ =	swait.ge [sflag:s25], $0x1800  }
0x64: {  	[sflag:s25] =	ssyncset.done $0x0  }
0x65: {  	[sflag:s25] =	ssyncadd.s32 $0xFFFFE800  }
0x66: {  	_ =	swait.ge [sflag:s25], $0x1800  }
0x67: {  	[sflag:s25] =	ssyncset.done $0x0  }
0x68: {  	[sflag:s25] =	ssyncadd.s32 $0xFFFFE800  }
0x69: {  	_ =	swait.ge [sflag:s25], $0x1800  }
0x6a: {  	[sflag:s25] =	ssyncset.done $0x0  }
0x6b: {  	[sflag:s25] =	ssyncadd.s32 $0xFFFFE800  }
0x6c: {  	_ =	swait.ge [sflag:s25], $0x1800  }
0x6d: {  	[sflag:s25] =	ssyncset.done $0x0  }
0x6e: {  	[sflag:s25] =	ssyncadd.s32 $0xFFFFE800  }
0x6f: {  	_ =	swait.ge [sflag:s25], $0x1800  }
0x70: {  	[sflag:s25] =	ssyncset.done $0x0  }
0x71: {  	[sflag:s25] =	ssyncadd.s32 $0xFFFFE800  }
0x72: {  	_ =	swait.ge [sflag:s25], $0x1800  }
.Ltmp1:
0x73: {  	[sflag:s25] =	ssyncset.done $0x0;
	(pc) =	sbr.rel @p0 .LBB2_1-.Ltmp1, $4  }
0x74: {  	[sflag:s25] =	ssyncadd.s32 $0xFFFFE800  }
0x75: {  	[hbm4b:s26+s2] =	stream.linear.scatter [tilespmem:s7], [sflag:$0x2], $0xF000, $0x38;
	[tilespmem:$0xF500] =	vst v63  }
0x76: {  	_ =	swait.ge [sflag:s3], $0xF000  }
0x77: {  	[sflag:s3] =	ssyncset.done $0x0  }
.LBB2_2:
0x78: {  	[sflag:s3] =	ssyncadd.s32 $0xFFFF1000  }
0x79: {  	_ =	sfence.sel $0x180000  }
0x7a: {  	[bflag:$0x0] =	sbarrier.arrive $0xFFFF  }
0x7b: {  	p0 =	sne.s32 s0, $0x0;
	_ =	strace $0x9000004D  }
0x7c: {  	s0 =	sadd.s32 @!p0 $0x100000, s1;
	[bflag:$0x2] =	sbarrier.arrive $0xFFFF  }
0x7d: {  	[sflag:s0] =	ssyncadd.tile.s32 @!p0 $0x1;
	_ =	shalt  }
.Lfunc_end2:
_tile_overlayer_lowered:
.L_overlay_start_2:
0x7e: {  	(tag) =	ssettag $0x2  }
0x7f: {  	s0 =	rddreg [dreg:$0x0];
	s2 =	stileid.u32  }
0x80: {  	s1 =	rddreg [dreg:$0x1];
	p0 =	sne.s32 s2, $0x0  }
0x81: {  	s3 =	rddreg [dreg:$0x2];
	[bflag:$0x3] =	sbarrier.arrive $0xFFFF;
	s2 =	simm.s32 @!p0 $0x1C02  }
0x82: {  	[timem:s3], [sflag:s2] =	dma.local @!p0 [hbm:s0], s1  }
0x83: {  	s0 =	simm.s32 @!p0 $0x2  }
0x84: {  	_ =	swait.ge @!p0 [sflag:s0], s1  }
0x85: {  	s1 =	ssub.s32 @!p0 $0x0, s1;
	[sflag:s0] =	ssyncset.done @!p0 $0x0  }
0x86: {  	[sflag:s0] =	ssyncadd.s32 @!p0 s1  }
0x87: {  	[bflag:$0x3] =	sbarrier.arrive $0xFFFF  }
0x88: {  	_ =	shalt  }

// kernel: kernel.19.cloned.1.call-start
scs
__scs_entry_jumppad:
0x0: {  	(pc) =	sbr.rel $0x88, $3  }
0x1: {  	(tag) =	ssettag $0x0;
	lr =	simm.s32 $0x1  }
0x2: {  	[smem:$0x3F8C] =	sst lr;
	_ =	strace $0xD0000000  }
0x3: {  	_ = 	snop  }
0x4: {  	_ = 	snop  }
0x5: {  	_ = 	snop  }
0x6: {  	_ = 	snop  }
0x7: {  	_ = 	snop  }
__scs_overlays_trampoline_lowered:
0x8: {  	[smem:$0x3F9B] =	sst s0  }
0x9: {  	[smem:$0x3F9C] =	sst s1  }
0xa: {  	[smem:$0x3F9D] =	sst s2  }
0xb: {  	[smem:$0x3F9E] =	sst s3  }
0xc: {  	[smem:$0x3F9F] =	sst s4  }
0xd: {  	[smem:$0x3FA0] =	sst s5  }
0xe: {  	[smem:$0x3FA1] =	sst s6  }
0xf: {  	[smem:$0x3FA2] =	sst s7  }
0x10: {  	[smem:$0x3FA3] =	sst s8  }
0x11: {  	[smem:$0x3FA4] =	sst s9;
	s0 =	simm.s32 @!p0 $0x0  }
0x12: {  	s1 =	sld [smem:$0x3F8A];
	s0 =	simm.s32 @p0 $0x1  }
0x13: {  	[smem:$0x3FA5] =	sst s0;
	s0 =	simm.s32 @!p1 $0x0  }
0x14: {  	s2 =	sld [smem:$0x3F89];
	s0 =	simm.s32 @p1 $0x1  }
0x15: {  	[smem:$0x3FA6] =	sst s0;
	s0 =	simm.s32 @!p2 $0x0  }
0x16: {  	s3 =	sld [smem:$0x3FDB];
	s0 =	simm.s32 @p2 $0x1  }
0x17: {  	s4 =	simm.s32 $0x1BF5;
	[smem:$0x3FA8] =	sst s0  }
0x18: {  	s0 =	sld [smem:$0x3F8B];
	_ =	swait.ge [sflag:s4], $0x0  }
0x19: {  	s7 =	sld [smem:$0x3F8C]  }
0x1a: {  	s8 =	sadd.s32 $0xFFFFE003, lr  }
0x1b: {  	s9 =	sadd.s32 $0xFFFFFEF7, lr;
	s5 =	simm.s32 $0xFFFFFFFF;
	p2 =	slt.u32 s8, $0xFFFFF086  }
0x1c: {  	p1 =	slt.u32 s9, $0xF7A;
	s5 =	simm.s32 @!p2 $0x0  }
0x1d: {  	s5 =	simm.s32 @p1 $0x1;
	p0 =	seq.s32 s7, s2  }
0x1e: {  	s7 =	smul.u32 @!p0 $0xF7A, s2;
	p2 =	seq.s32 @!p0 s5, $0x0  }
0x1f: {  	s9 =	smul.u32 $0xF7A, s1;
	s8 =	simm.s32 @!p0 $0x1BF5;
	p2 =	por !p2, p0  }
0x20: {  	[sflag:s8] =	ssyncset.s32 @!p0 $0xFFFFF086;
	s6 =	sadd.s32 @!p0 s3, s7;
	s7 =	simm.s32 @!p0 $0x108  }
0x21: {  	s3 =	sadd.s32 s3, s9;
	s6 =	sadd.s32 @!p0 $0x88, s6;
	s7 =	simm.s32 @p2 $0x1082  }
0x22: {  	[simem:s7], [sflag:s8] =	dma.local @!p0 [hbm:s6], $0xF7A  }
0x23: {  	s9 =	sor.u32 $0xD0000000, s2;
	s6 =	simm.s32 $0x108;
	_ =	swait.ge @!p0 [sflag:s8], $0x0  }
0x24: {  	s3 =	sadd.s32 $0x88, s3;
	s6 =	simm.s32 @!p1 $0x1082;
	[sflag:s4] =	ssyncset.s32 $0xFFFFF086  }
0x25: {  	[simem:s6], [sflag:s4] =	dma.local [hbm:s3], $0xF7A  }
0x26: {  	[smem:$0x3F8C] =	sst s1;
	(tag) =	ssettag s2;
	_ =	strace s9  }
0x27: {  	s1 =	sld [smem:$0x3F9C]  }
0x28: {  	s2 =	sld [smem:$0x3F9D]  }
0x29: {  	s4 =	sld [smem:$0x3F9F]  }
0x2a: {  	p0 =	seq.s32 s5, $0x0;
	s5 =	sld [smem:$0x3FA0]  }
0x2b: {  	s6 =	sld [smem:$0x3FA1]  }
0x2c: {  	s7 =	sld [smem:$0x3FA2]  }
0x2d: {  	s3 =	simm.s32 $0x108;
	s8 =	sld [smem:$0x3FA3]  }
0x2e: {  	s3 =	simm.s32 @!p0 $0x1082;
	s9 =	sld [smem:$0x3FA4]  }
0x2f: {  	lr =	sadd.s32 s0, s3;
	s0 =	sld [smem:$0x3F9B]  }
0x30: {  	s3 =	sld [smem:$0x3F9E]  }
0x31: {  	[smem:$0x3FA7] =	sst s10  }
0x32: {  	s10 =	sld [smem:$0x3FA5];
	_ =	sdelay $0x3  }
0x33: {  	p0 =	seq.s32 s10, $0x1;
	s10 =	sld [smem:$0x3FA7];
	_ =	sdelay $0x3  }
0x34: {  	[smem:$0x3FA7] =	sst s10  }
0x35: {  	s10 =	sld [smem:$0x3FA6];
	_ =	sdelay $0x3  }
0x36: {  	p1 =	seq.s32 s10, $0x1;
	s10 =	sld [smem:$0x3FA7];
	_ =	sdelay $0x3  }
0x37: {  	[smem:$0x3FA7] =	sst s10  }
0x38: {  	s10 =	sld [smem:$0x3FA8]  }
0x39: {  	_ = 	snop;
	(pc) =	sbr.ind lr, $3  }
0x3a: {  	_ = 	snop  }
0x3b: {  	_ = 	snop  }
0x3c: {  	p2 =	seq.s32 s10, $0x1;
	s10 =	sld [smem:$0x3FA7]  }
0x3d: {  	_ =	shalt  }
0x3e: {  	_ =	shalt  }
0x3f: {  	_ =	shalt  }
0x40: {  	_ =	shalt  }
0x41: {  	_ =	shalt  }
0x42: {  	_ =	shalt  }
0x43: {  	_ =	shalt  }
0x44: {  	_ =	shalt  }
0x45: {  	_ =	shalt  }
0x46: {  	_ =	shalt  }
0x47: {  	_ =	shalt  }
0x48: {  	_ =	shalt  }
0x49: {  	_ =	shalt  }
0x4a: {  	_ =	shalt  }
0x4b: {  	_ =	shalt  }
0x4c: {  	_ =	shalt  }
0x4d: {  	_ =	shalt  }
0x4e: {  	_ =	shalt  }
0x4f: {  	_ =	shalt  }
0x50: {  	_ =	shalt  }
0x51: {  	_ =	shalt  }
0x52: {  	_ =	shalt  }
0x53: {  	_ =	shalt  }
0x54: {  	_ =	shalt  }
0x55: {  	_ =	shalt  }
0x56: {  	_ =	shalt  }
0x57: {  	_ =	shalt  }
0x58: {  	_ =	shalt  }
0x59: {  	_ =	shalt  }
0x5a: {  	_ =	shalt  }
0x5b: {  	_ =	shalt  }
0x5c: {  	_ =	shalt  }
0x5d: {  	_ =	shalt  }
0x5e: {  	_ =	shalt  }
0x5f: {  	_ =	shalt  }
0x60: {  	_ =	shalt  }
0x61: {  	_ =	shalt  }
0x62: {  	_ =	shalt  }
0x63: {  	_ =	shalt  }
0x64: {  	_ =	shalt  }
0x65: {  	_ =	shalt  }
0x66: {  	_ =	shalt  }
0x67: {  	_ =	shalt  }
0x68: {  	_ =	shalt  }
0x69: {  	_ =	shalt  }
0x6a: {  	_ =	shalt  }
0x6b: {  	_ =	shalt  }
0x6c: {  	_ =	shalt  }
0x6d: {  	_ =	shalt  }
0x6e: {  	_ =	shalt  }
0x6f: {  	_ =	shalt  }
0x70: {  	_ =	shalt  }
0x71: {  	_ =	shalt  }
0x72: {  	_ =	shalt  }
0x73: {  	_ =	shalt  }
0x74: {  	_ =	shalt  }
0x75: {  	_ =	shalt  }
0x76: {  	_ =	shalt  }
0x77: {  	_ =	shalt  }
0x78: {  	_ =	shalt  }
0x79: {  	_ =	shalt  }
0x7a: {  	_ =	shalt  }
0x7b: {  	_ =	shalt  }
0x7c: {  	_ =	shalt  }
0x7d: {  	_ =	shalt  }
0x7e: {  	_ =	shalt  }
0x7f: {  	_ =	shalt  }
0x80: {  	_ =	shalt  }
0x81: {  	_ =	shalt  }
0x82: {  	_ =	shalt  }
0x83: {  	_ =	shalt  }
0x84: {  	_ =	shalt  }
0x85: {  	_ =	shalt  }
0x86: {  	_ =	shalt  }
0x87: {  	_ =	shalt  }
.Lfunc_end0:
.L_simem_size_0:
called_computation.2_lowered:
.L_overlay_start_0:
0x88: {  	s2 =	sld [smem:$0x3FD9]  }
0x89: {  	s3 =	sld [smem:$0x3FFE];
	_ =	sdelay $0x1  }
0x8a: {  	s1 =	srdreg.scid  }
0x8b: {  	s0 =	sand.u32 $0x1, s1  }
0x8c: {  	s14 =	sshll.u32 s0, $0xA;
	s2 =	sadd.s32 s3, s2  }
0x8d: {  	s2 =	sadd.s32 s2, s14  }
0x8e: {  	[smem:$0x3FB3] =	sst s2  }
0x8f: {  	_ = 	snop  }
0x90: {  	s2 =	sld [smem:$0x3FD0];
	_ =	sdelay $0x2  }
0x91: {  	s15 =	simm.s32 $0xC;
	s4 =	simm.s32 $0x10  }
0x92: {  	[smem:s4], [sflag:s15] =	dma.local [hbm:s2], $0x1  }
0x93: {  	_ =	swait.eq [sflag:s15], $0x1  }
0x94: {  	[sflag:s15] =	ssyncset.done $0x0  }
0x95: {  	[sflag:s15] =	ssyncadd.s32 $0xFFFFFFFF  }
0x96: {  	s16 =	sld [smem:$0x12];
	(tm) =	ssettm $0x1  }
0x97: {  	s17 =	sld [smem:$0x3FFB];
	_ =	sdelay $0x3  }
0x98: {  	_ =	strace s17  }
0x99: {  	s3 =	sld [smem:$0x3FFC];
	_ =	sdelay $0x3  }
0x9a: {  	_ =	strace s3  }
0x9b: {  	s3 =	sld [smem:$0x3FFD];
	_ =	sdelay $0x3  }
0x9c: {  	_ =	strace s3  }
0x9d: {  	_ =	strace $0x8FFFFFFF  }
0x9e: {  	s18 =	sld [smem:$0x3FDB];
	_ =	sdelay $0x1  }
0x9f: {  	s19 =	simm.s32 $_scs_section_size  }
0xa0: {  	s5 =	simm.s32 $_size__tile_overlayer_lowered;
	s6 =	simm.s32 $_tile_overlayer_lowered  }
0xa1: {  	s22 =	simm.s32 $0x1BFF;
	s21 =	sshll.u32 s6, $0x1;
	s3 =	sadd.s32 s19, s18  }
0xa2: {  	s7 =	simm.s32 $0x0;
	s20 =	sshll.u32 s5, $0x1;
	s5 =	sadd.s32 s21, s3  }
0xa3: {  	[timem:s7], [sflag:s22] =	dma.local [hbm:s5], s20  }
0xa4: {  	_ =	swait.ge [sflag:s22], s20  }
0xa5: {  	s4 =	ssub.s32 $0x0, s20;
	[sflag:s22] =	ssyncset.done $0x0  }
0xa6: {  	[sflag:s22] =	ssyncadd.s32 s4;
	_ =	sdelay $0x1  }
0xa7: {  	s23 =	simm.s32 $0x1B8B  }
0xa8: {  	_ =	swait.ge [sflag:s23], $0x1  }
0xa9: {  	[sflag:s23] =	ssyncset.done $0x0  }
0xaa: {  	s25 =	simm.s32 $0x1B8E;
	s24 =	sld [smem:$0x3FFE];
	[sflag:s23] =	ssyncadd.s32 $0xFFFFFFFF  }
0xab: {  	s26 =	simm.s32 $execute0_lowered;
	[smem:$0x3FD2] =	sst s25  }
0xac: {  	s5 =	sshll.u32 s26, $0x1;
	_ =	strace $0x80000049;
	[dreg:$0x1] =	wrdreg $0xFFFFFFFF  }
0xad: {  	s28 =	simm.s32 $_size_execute0_lowered;
	s3 =	sadd.s32 s3, s5;
	[dreg:$0x0] =	wrdreg $0x0  }
0xae: {  	s5 =	sshll.u32 s28, $0x1;
	[dreg:$0x2] =	wrdreg s3  }
0xaf: {  	[dreg:$0x3] =	wrdreg s5  }
0xb0: {  	[dreg:$0x4] =	wrdreg $0xC0  }
0xb1: {  	_ =	task [dreg:s7], $0x5FFFF  }
0xb2: {  	[dreg:$0x1] =	wrdreg $0xFFFFFFFF  }
0xb3: {  	[dreg:$0x0] =	wrdreg $0x60  }
0xb4: {  	[dreg:$0x2] =	wrdreg s24  }
0xb5: {  	[dreg:$0x3] =	wrdreg s16  }
0xb6: {  	[dreg:$0x4] =	wrdreg $0xB  }
0xb7: {  	_ =	task.clear_ibuf [dreg:s7], $0x5FFFF;
	_ =	strace $0x90000049  }
0xb8: {  	s29 =	simm.s32 $0xB;
	_ =	strace $0x8000004B  }
0xb9: {  	_ =	swait.ge [sflag:s29], $0x1  }
0xba: {  	[sflag:s29] =	ssyncadd.s32 $0xFFFFFFFF  }
0xbb: {  	_ =	strace $0x9000004B  }
0xbc: {  	_ =	sfence  }
0xbd: {  	s30 =	sld [smem:$0x0];
	_ =	sdelay $0x2  }
0xbe: {  	s31 =	sshll.u32 s1, $0xD;
	s1 =	sshrl.u32 s1, $0x2  }
0xbf: {  	s3 =	sand.u32 $0x4000, s31;
	s1 =	sadd.s32 s1, s30  }
0xc0: {  	s0 =	sor.u32 s3, s0;
	s1 =	sshll.u32 s1, $0x11  }
0xc1: {  	s0 =	sor.u32 s1, s0  }
0xc2: {  	s0 =	sadd.s32 $0x8F2B, s0  }
0xc3: {  	[sflag:s0] =	ssyncadd.remote.s32 $0x1  }
0xc4: {  	_ =	sfence.sel $0xFFFF  }
0xc5: {  	[dreg:$0x0] =	wrdreg $0xFFFFFFFF;
	(pc) =	sbr.abs _section_cstart, $3  }
0xc6: {  	[dreg:$0x1] =	wrdreg $0xFFFFFFFF  }
0xc7: {  	_ =	task.clear_ibuf [dreg:s7], $0x2FFFF;
	_ =	strace $0x9FFFFFFF  }
0xc8: {  	(tm) =	ssettm $0x7FFFFFFF  }
0xc9: {  	_ =	shalt  }
tec
execute0_lowered:
.L_overlay_start_1:
0x0: {  	(tag) =	ssettag $0x1  }
0x1: {  	s1 =	srdreg.scid;
	s0 =	stileid.u32  }
0x2: {  	s2 =	rddreg [dreg:$0x0];
	s6 =	sand.u32 $0x1, s1;
	s31 =	sshll.u32 s0, $0x1  }
0x3: {  	s4 =	rddreg [dreg:$0x1];
	s3 =	simm.s32 $0x0;
	s7 =	sor.u32 s6, s31  }
0x4: {  	[smem:$0x7FF] =	sst s3;
	s5 =	smul.u32 $0x5, s7  }
0x5: {  	s1 =	rddreg [dreg:$0x2];
	_ =	strace $0x8000004A  }
0x6: {  	s9 =	ssub.s32 $0x2, s6;
	s5 =	sadd.s32 s4, s5;
	s4 =	simm.s32 $0x2  }
0x7: {  	[tilespmem:s3], [sflag:$0x2] =	stream.linear.gather [hbm4b:s5+s3], $0x28, $0x38;
	[tilespmem:$0x2A8] =	vst v63  }
0x8: {  	s6 =	simm.s32 $0x28;
	s10 =	sshrl.u32 s9, $0x1;
	_ =	swait.ge [sflag:s4], $0x28  }
0x9: {  	s8 =	smul.u32 $0x50, s7;
	s9 =	ssub.s32 s9, s10;
	[sflag:s4] =	ssyncset.done $0x0  }
0xa: {  	s7 =	simm.s32 $0x1;
	s9 =	smax.u32 s9, $0x1;
	[sflag:s4] =	ssyncadd.s32 $0xFFFFFFD8  }
0xb: {  	[tilespmem:s6], [sflag:$0x1] =	stream.indirect.gather [hbm4b:s2+s6], $0x10, s3, s6, $0xb8;
	[tilespmem:$0x2A8] =	vst v63  }
0xc: {  	p0 =	sne.s32 s9, $0x1;
	_ =	swait.ge [sflag:s7], $0x280  }
.Ltmp0:
0xd: {  	s8 =	sadd.s32 s8, s2;
	[sflag:s7] =	ssyncset.done $0x0;
	(pc) =	sbr.rel @!p0 .LBB2_2-.Ltmp0, $4  }
0xe: {  	s8 =	sadd.s32 $0x1400, s8;
	[sflag:s7] =	ssyncadd.s32 $0xFFFFFD80  }
0xf: {  	[hbm4b:s8+s3] =	stream.linear.scatter [tilespmem:s6], [sflag:$0x2], $0x280, $0x38;
	[tilespmem:$0x2A8] =	vst v63  }
0x10: {  	_ =	swait.ge [sflag:s4], $0x280  }
0x11: {  	s9 =	sadd.s32 $0xFFFFFFFF, s9;
	[sflag:s4] =	ssyncset.done $0x0  }
.LBB2_1:
0x12: {  	p0 =	sne.s32 s9, $0x1;
	s9 =	sadd.s32 $0xFFFFFFFF, s9;
	[sflag:s4] =	ssyncadd.s32 $0xFFFFFD80  }
0x13: {  	[tilespmem:s3], [sflag:$0x2] =	stream.linear.gather [hbm4b:s5+s3], $0x28, $0x38;
	[tilespmem:$0x2A8] =	vst v63  }
0x14: {  	_ =	swait.ge [sflag:s4], $0x28  }
0x15: {  	[sflag:s4] =	ssyncset.done $0x0  }
0x16: {  	[sflag:s4] =	ssyncadd.s32 $0xFFFFFFD8  }
0x17: {  	[tilespmem:s6], [sflag:$0x1] =	stream.indirect.gather [hbm4b:s2+s6], $0x10, s3, s6, $0xb8;
	[tilespmem:$0x2A8] =	vst v63  }
0x18: {  	_ =	swait.ge [sflag:s7], $0x280  }
.Ltmp1:
0x19: {  	[sflag:s7] =	ssyncset.done $0x0;
	(pc) =	sbr.rel @p0 .LBB2_1-.Ltmp1, $4  }
0x1a: {  	[sflag:s7] =	ssyncadd.s32 $0xFFFFFD80  }
0x1b: {  	[hbm4b:s8+s3] =	stream.linear.scatter [tilespmem:s6], [sflag:$0x2], $0x280, $0x38;
	[tilespmem:$0x2A8] =	vst v63  }
0x1c: {  	_ =	swait.ge [sflag:s4], $0x280  }
0x1d: {  	[sflag:s4] =	ssyncset.done $0x0  }
.LBB2_2:
0x1e: {  	[sflag:s4] =	ssyncadd.s32 $0xFFFFFD80  }
0x1f: {  	_ =	sfence.sel $0x180000  }
0x20: {  	[bflag:$0x0] =	sbarrier.arrive $0xFFFF  }
0x21: {  	p0 =	sne.s32 s0, $0x0;
	_ =	strace $0x9000004A  }
0x22: {  	s0 =	sadd.s32 @!p0 $0x100000, s1;
	[bflag:$0x2] =	sbarrier.arrive $0xFFFF  }
0x23: {  	[sflag:s0] =	ssyncadd.tile.s32 @!p0 $0x1;
	_ =	shalt  }
.Lfunc_end2:
_tile_overlayer_lowered:
.L_overlay_start_2:
0x24: {  	(tag) =	ssettag $0x2  }
0x25: {  	s0 =	rddreg [dreg:$0x0];
	s2 =	stileid.u32  }
0x26: {  	s1 =	rddreg [dreg:$0x1];
	p0 =	sne.s32 s2, $0x0  }
0x27: {  	s3 =	rddreg [dreg:$0x2];
	[bflag:$0x3] =	sbarrier.arrive $0xFFFF;
	s2 =	simm.s32 @!p0 $0x1C02  }
0x28: {  	[timem:s3], [sflag:s2] =	dma.local @!p0 [hbm:s0], s1  }
0x29: {  	s0 =	simm.s32 @!p0 $0x2  }
0x2a: {  	_ =	swait.ge @!p0 [sflag:s0], s1  }
0x2b: {  	s1 =	ssub.s32 @!p0 $0x0, s1;
	[sflag:s0] =	ssyncset.done @!p0 $0x0  }
0x2c: {  	[sflag:s0] =	ssyncadd.s32 @!p0 s1  }
0x2d: {  	[bflag:$0x3] =	sbarrier.arrive $0xFFFF  }
0x2e: {  	_ =	shalt  }

// kernel: kernel.22.cloned.1.call-start
scs
__scs_entry_jumppad:
0x0: {  	(pc) =	sbr.rel $0x88, $3  }
0x1: {  	(tag) =	ssettag $0x0;
	lr =	simm.s32 $0x1  }
0x2: {  	[smem:$0x3F8C] =	sst lr;
	_ =	strace $0xD0000000  }
0x3: {  	_ = 	snop  }
0x4: {  	_ = 	snop  }
0x5: {  	_ = 	snop  }
0x6: {  	_ = 	snop  }
0x7: {  	_ = 	snop  }
__scs_overlays_trampoline_lowered:
0x8: {  	[smem:$0x3F9B] =	sst s0  }
0x9: {  	[smem:$0x3F9C] =	sst s1  }
0xa: {  	[smem:$0x3F9D] =	sst s2  }
0xb: {  	[smem:$0x3F9E] =	sst s3  }
0xc: {  	[smem:$0x3F9F] =	sst s4  }
0xd: {  	[smem:$0x3FA0] =	sst s5  }
0xe: {  	[smem:$0x3FA1] =	sst s6  }
0xf: {  	[smem:$0x3FA2] =	sst s7  }
0x10: {  	[smem:$0x3FA3] =	sst s8  }
0x11: {  	[smem:$0x3FA4] =	sst s9;
	s0 =	simm.s32 @!p0 $0x0  }
0x12: {  	s1 =	sld [smem:$0x3F8A];
	s0 =	simm.s32 @p0 $0x1  }
0x13: {  	[smem:$0x3FA5] =	sst s0;
	s0 =	simm.s32 @!p1 $0x0  }
0x14: {  	s2 =	sld [smem:$0x3F89];
	s0 =	simm.s32 @p1 $0x1  }
0x15: {  	[smem:$0x3FA6] =	sst s0;
	s0 =	simm.s32 @!p2 $0x0  }
0x16: {  	s3 =	sld [smem:$0x3FDB];
	s0 =	simm.s32 @p2 $0x1  }
0x17: {  	s4 =	simm.s32 $0x1BF5;
	[smem:$0x3FA8] =	sst s0  }
0x18: {  	s0 =	sld [smem:$0x3F8B];
	_ =	swait.ge [sflag:s4], $0x0  }
0x19: {  	s7 =	sld [smem:$0x3F8C]  }
0x1a: {  	s8 =	sadd.s32 $0xFFFFE003, lr  }
0x1b: {  	s9 =	sadd.s32 $0xFFFFFEF7, lr;
	s5 =	simm.s32 $0xFFFFFFFF;
	p2 =	slt.u32 s8, $0xFFFFF086  }
0x1c: {  	p1 =	slt.u32 s9, $0xF7A;
	s5 =	simm.s32 @!p2 $0x0  }
0x1d: {  	s5 =	simm.s32 @p1 $0x1;
	p0 =	seq.s32 s7, s2  }
0x1e: {  	s7 =	smul.u32 @!p0 $0xF7A, s2;
	p2 =	seq.s32 @!p0 s5, $0x0  }
0x1f: {  	s9 =	smul.u32 $0xF7A, s1;
	s8 =	simm.s32 @!p0 $0x1BF5;
	p2 =	por !p2, p0  }
0x20: {  	[sflag:s8] =	ssyncset.s32 @!p0 $0xFFFFF086;
	s6 =	sadd.s32 @!p0 s3, s7;
	s7 =	simm.s32 @!p0 $0x108  }
0x21: {  	s3 =	sadd.s32 s3, s9;
	s6 =	sadd.s32 @!p0 $0x88, s6;
	s7 =	simm.s32 @p2 $0x1082  }
0x22: {  	[simem:s7], [sflag:s8] =	dma.local @!p0 [hbm:s6], $0xF7A  }
0x23: {  	s9 =	sor.u32 $0xD0000000, s2;
	s6 =	simm.s32 $0x108;
	_ =	swait.ge @!p0 [sflag:s8], $0x0  }
0x24: {  	s3 =	sadd.s32 $0x88, s3;
	s6 =	simm.s32 @!p1 $0x1082;
	[sflag:s4] =	ssyncset.s32 $0xFFFFF086  }
0x25: {  	[simem:s6], [sflag:s4] =	dma.local [hbm:s3], $0xF7A  }
0x26: {  	[smem:$0x3F8C] =	sst s1;
	(tag) =	ssettag s2;
	_ =	strace s9  }
0x27: {  	s1 =	sld [smem:$0x3F9C]  }
0x28: {  	s2 =	sld [smem:$0x3F9D]  }
0x29: {  	s4 =	sld [smem:$0x3F9F]  }
0x2a: {  	p0 =	seq.s32 s5, $0x0;
	s5 =	sld [smem:$0x3FA0]  }
0x2b: {  	s6 =	sld [smem:$0x3FA1]  }
0x2c: {  	s7 =	sld [smem:$0x3FA2]  }
0x2d: {  	s3 =	simm.s32 $0x108;
	s8 =	sld [smem:$0x3FA3]  }
0x2e: {  	s3 =	simm.s32 @!p0 $0x1082;
	s9 =	sld [smem:$0x3FA4]  }
0x2f: {  	lr =	sadd.s32 s0, s3;
	s0 =	sld [smem:$0x3F9B]  }
0x30: {  	s3 =	sld [smem:$0x3F9E]  }
0x31: {  	[smem:$0x3FA7] =	sst s10  }
0x32: {  	s10 =	sld [smem:$0x3FA5];
	_ =	sdelay $0x3  }
0x33: {  	p0 =	seq.s32 s10, $0x1;
	s10 =	sld [smem:$0x3FA7];
	_ =	sdelay $0x3  }
0x34: {  	[smem:$0x3FA7] =	sst s10  }
0x35: {  	s10 =	sld [smem:$0x3FA6];
	_ =	sdelay $0x3  }
0x36: {  	p1 =	seq.s32 s10, $0x1;
	s10 =	sld [smem:$0x3FA7];
	_ =	sdelay $0x3  }
0x37: {  	[smem:$0x3FA7] =	sst s10  }
0x38: {  	s10 =	sld [smem:$0x3FA8]  }
0x39: {  	_ = 	snop;
	(pc) =	sbr.ind lr, $3  }
0x3a: {  	_ = 	snop  }
0x3b: {  	_ = 	snop  }
0x3c: {  	p2 =	seq.s32 s10, $0x1;
	s10 =	sld [smem:$0x3FA7]  }
0x3d: {  	_ =	shalt  }
0x3e: {  	_ =	shalt  }
0x3f: {  	_ =	shalt  }
0x40: {  	_ =	shalt  }
0x41: {  	_ =	shalt  }
0x42: {  	_ =	shalt  }
0x43: {  	_ =	shalt  }
0x44: {  	_ =	shalt  }
0x45: {  	_ =	shalt  }
0x46: {  	_ =	shalt  }
0x47: {  	_ =	shalt  }
0x48: {  	_ =	shalt  }
0x49: {  	_ =	shalt  }
0x4a: {  	_ =	shalt  }
0x4b: {  	_ =	shalt  }
0x4c: {  	_ =	shalt  }
0x4d: {  	_ =	shalt  }
0x4e: {  	_ =	shalt  }
0x4f: {  	_ =	shalt  }
0x50: {  	_ =	shalt  }
0x51: {  	_ =	shalt  }
0x52: {  	_ =	shalt  }
0x53: {  	_ =	shalt  }
0x54: {  	_ =	shalt  }
0x55: {  	_ =	shalt  }
0x56: {  	_ =	shalt  }
0x57: {  	_ =	shalt  }
0x58: {  	_ =	shalt  }
0x59: {  	_ =	shalt  }
0x5a: {  	_ =	shalt  }
0x5b: {  	_ =	shalt  }
0x5c: {  	_ =	shalt  }
0x5d: {  	_ =	shalt  }
0x5e: {  	_ =	shalt  }
0x5f: {  	_ =	shalt  }
0x60: {  	_ =	shalt  }
0x61: {  	_ =	shalt  }
0x62: {  	_ =	shalt  }
0x63: {  	_ =	shalt  }
0x64: {  	_ =	shalt  }
0x65: {  	_ =	shalt  }
0x66: {  	_ =	shalt  }
0x67: {  	_ =	shalt  }
0x68: {  	_ =	shalt  }
0x69: {  	_ =	shalt  }
0x6a: {  	_ =	shalt  }
0x6b: {  	_ =	shalt  }
0x6c: {  	_ =	shalt  }
0x6d: {  	_ =	shalt  }
0x6e: {  	_ =	shalt  }
0x6f: {  	_ =	shalt  }
0x70: {  	_ =	shalt  }
0x71: {  	_ =	shalt  }
0x72: {  	_ =	shalt  }
0x73: {  	_ =	shalt  }
0x74: {  	_ =	shalt  }
0x75: {  	_ =	shalt  }
0x76: {  	_ =	shalt  }
0x77: {  	_ =	shalt  }
0x78: {  	_ =	shalt  }
0x79: {  	_ =	shalt  }
0x7a: {  	_ =	shalt  }
0x7b: {  	_ =	shalt  }
0x7c: {  	_ =	shalt  }
0x7d: {  	_ =	shalt  }
0x7e: {  	_ =	shalt  }
0x7f: {  	_ =	shalt  }
0x80: {  	_ =	shalt  }
0x81: {  	_ =	shalt  }
0x82: {  	_ =	shalt  }
0x83: {  	_ =	shalt  }
0x84: {  	_ =	shalt  }
0x85: {  	_ =	shalt  }
0x86: {  	_ =	shalt  }
0x87: {  	_ =	shalt  }
.Lfunc_end0:
.L_simem_size_0:
called_computation.3_lowered:
.L_overlay_start_0:
0x88: {  	s2 =	sld [smem:$0x3FD9]  }
0x89: {  	s3 =	sld [smem:$0x3FFE];
	_ =	sdelay $0x1  }
0x8a: {  	s1 =	srdreg.scid  }
0x8b: {  	s0 =	sand.u32 $0x1, s1  }
0x8c: {  	s17 =	sshll.u32 s0, $0xA;
	s2 =	sadd.s32 s3, s2  }
0x8d: {  	s2 =	sadd.s32 s2, s17  }
0x8e: {  	[smem:$0x3FB3] =	sst s2  }
0x8f: {  	_ = 	snop  }
0x90: {  	(tm) =	ssettm $0x1  }
0x91: {  	s18 =	sld [smem:$0x3FFB];
	_ =	sdelay $0x3  }
0x92: {  	_ =	strace s18  }
0x93: {  	s2 =	sld [smem:$0x3FFC];
	_ =	sdelay $0x3  }
0x94: {  	_ =	strace s2  }
0x95: {  	s2 =	sld [smem:$0x3FFD];
	_ =	sdelay $0x3  }
0x96: {  	_ =	strace s2  }
0x97: {  	_ =	strace $0x8FFFFFFF  }
0x98: {  	s19 =	sld [smem:$0x3FDB];
	_ =	sdelay $0x1  }
0x99: {  	s20 =	simm.s32 $_scs_section_size  }
0x9a: {  	s4 =	simm.s32 $_size__tile_overlayer_lowered;
	s5 =	simm.s32 $_tile_overlayer_lowered  }
0x9b: {  	s6 =	simm.s32 $0x1BFF;
	s21 =	sshll.u32 s5, $0x1;
	s3 =	sadd.s32 s20, s19  }
0x9c: {  	s22 =	simm.s32 $0x0;
	s4 =	sshll.u32 s4, $0x1;
	s5 =	sadd.s32 s21, s3  }
0x9d: {  	[timem:s22], [sflag:s6] =	dma.local [hbm:s5], s4  }
0x9e: {  	_ =	swait.ge [sflag:s6], s4  }
0x9f: {  	s4 =	ssub.s32 $0x0, s4;
	[sflag:s6] =	ssyncset.done $0x0  }
0xa0: {  	[sflag:s6] =	ssyncadd.s32 s4;
	_ =	sdelay $0x1  }
0xa1: {  	s23 =	simm.s32 $0x1B8B  }
0xa2: {  	_ =	swait.ge [sflag:s23], $0x1  }
0xa3: {  	[sflag:s23] =	ssyncset.done $0x0  }
0xa4: {  	[sflag:s23] =	ssyncadd.s32 $0xFFFFFFFF  }
0xa5: {  	s4 =	sld [smem:$0x0]  }
0xa6: {  	s5 =	sand.u32 $0xFFFFFFFE, s1  }
0xa7: {  	p0 =	sne.s32 s1, s5  }
0xa8: {  	s5 =	sshll.u32 @p0 s5, $0xE  }
0xa9: {  	s5 =	sadd.s32 @p0 $0x11B8D, s5;
	s6 =	sshll.u32 @p0 s4, $0x11  }
0xaa: {  	s5 =	sor.u32 @p0 s6, s5  }
0xab: {  	[sflag:s5] =	ssyncadd.remote.s32 @p0 $0x1;
	_ =	sdelay $0x1  }
0xac: {  	s5 =	simm.s32 @p0 $0x1B8D  }
0xad: {  	_ =	swait.eq @p0 [sflag:s5], $0x1  }
0xae: {  	[sflag:s5] =	ssyncadd.s32 @p0 $0xFFFFFFFF  }
0xaf: {  	s6 =	sshll.u32 @!p0 s1, $0xE  }
0xb0: {  	s6 =	sor.u32 @!p0 $0x4000, s6;
	s5 =	simm.s32 @!p0 $0x1B8D  }
0xb1: {  	s4 =	sshll.u32 @!p0 s4, $0x11;
	s6 =	sadd.s32 @!p0 $0x11B8D, s6;
	_ =	swait.eq @!p0 [sflag:s5], $0x1  }
0xb2: {  	s4 =	sor.u32 @!p0 s4, s6;
	[sflag:s5] =	ssyncadd.s32 @!p0 $0xFFFFFFFF  }
0xb3: {  	s25 =	simm.s32 $0x1B8E;
	s24 =	sld [smem:$0x3FFE];
	[sflag:s4] =	ssyncadd.remote.s32 @!p0 $0x1  }
0xb4: {  	s26 =	simm.s32 $execute0_lowered;
	[smem:$0x3FD2] =	sst s25  }
0xb5: {  	s5 =	sshll.u32 s26, $0x1;
	_ =	strace $0x80000052;
	[dreg:$0x1] =	wrdreg $0xFFFFFFFF  }
0xb6: {  	s28 =	simm.s32 $_size_execute0_lowered;
	s3 =	sadd.s32 s3, s5;
	[dreg:$0x0] =	wrdreg $0x0  }
0xb7: {  	s5 =	sshll.u32 s28, $0x1;
	[dreg:$0x2] =	wrdreg s3  }
0xb8: {  	[dreg:$0x3] =	wrdreg s5  }
0xb9: {  	[dreg:$0x4] =	wrdreg $0xC0  }
0xba: {  	_ =	task [dreg:s22], $0x5FFFF  }
0xbb: {  	[dreg:$0x1] =	wrdreg $0xFFFFFFFF  }
0xbc: {  	[dreg:$0x0] =	wrdreg $0x60  }
0xbd: {  	[dreg:$0x2] =	wrdreg s24  }
0xbe: {  	[dreg:$0x3] =	wrdreg $0xA  }
0xbf: {  	_ =	task.clear_ibuf [dreg:s22], $0x4FFFF;
	_ =	strace $0x90000052  }
0xc0: {  	s29 =	simm.s32 $0xA;
	_ =	strace $0x80000054  }
0xc1: {  	_ =	swait.ge [sflag:s29], $0x1  }
0xc2: {  	[sflag:s29] =	ssyncadd.s32 $0xFFFFFFFF  }
0xc3: {  	_ =	strace $0x90000054  }
0xc4: {  	_ =	sfence  }
0xc5: {  	s30 =	sld [smem:$0x0];
	_ =	sdelay $0x2  }
0xc6: {  	s31 =	sshll.u32 s1, $0xD;
	s1 =	sshrl.u32 s1, $0x2  }
0xc7: {  	s4 =	sand.u32 $0x4000, s31;
	s1 =	sadd.s32 s1, s30  }
0xc8: {  	s0 =	sor.u32 s4, s0;
	s1 =	sshll.u32 s1, $0x11  }
0xc9: {  	s0 =	sor.u32 s1, s0  }
0xca: {  	s0 =	sadd.s32 $0x8F2B, s0  }
0xcb: {  	[sflag:s0] =	ssyncadd.remote.s32 $0x1  }
0xcc: {  	_ =	sfence.sel $0xFFFF  }
0xcd: {  	[dreg:$0x0] =	wrdreg $0xFFFFFFFF;
	(pc) =	sbr.abs _section_cstart, $3  }
0xce: {  	[dreg:$0x1] =	wrdreg $0xFFFFFFFF  }
0xcf: {  	_ =	task.clear_ibuf [dreg:s22], $0x2FFFF;
	_ =	strace $0x9FFFFFFF  }
0xd0: {  	(tm) =	ssettm $0x7FFFFFFF  }
0xd1: {  	_ =	shalt  }
tec
execute0_lowered:
.L_overlay_start_1:
0x0: {  	(tag) =	ssettag $0x1  }
0x1: {  	s1 =	srdreg.scid;
	s0 =	stileid.u32  }
0x2: {  	s16 =	sand.u32 $0x1, s1;
	s29 =	sshll.u32 s0, $0x1  }
0x3: {  	s17 =	rddreg [dreg:$0x0];
	s18 =	sor.u32 s16, s29  }
0x4: {  	s2 =	simm.s32 $0x0;
	s1 =	rddreg [dreg:$0x1];
	s3 =	smul.u32 $0x50, s18  }
0x5: {  	[smem:$0x7FF] =	sst s2  }
0x6: {  	_ =	strace $0x80000053;
	s4 =	sadd.s32 s17, s3;
	s3 =	simm.s32 $0x2  }
0x7: {  	[tilespmem:s2], [sflag:$0x2] =	stream.linear.gather [hbm4b:s4+s2], $0x280, $0x38;
	[tilespmem:$0xCA80] =	vst v63  }
0x8: {  	_ =	swait.ge [sflag:s3], $0x280  }
0x9: {  	s6 =	simm.s32 $0x80;
	[sflag:s3] =	ssyncset.done $0x0  }
0xa: {  	s7 =	simm.s32 $0x280;
	s5 =	sadd.s32 $0xA00, s17;
	[sflag:s3] =	ssyncadd.s32 $0xFFFFFD80  }
0xb: {  	[tilespmem:s7], [sflag:$0x1] =	stream.indirect.gather [hbm4b:s5+s6], $0x50, s2, s6, $0xb8;
	[tilespmem:$0xCA80] =	vst v63  }
0xc: {  	s8 =	simm.s32 $0x2A80  }
0xd: {  	[tilespmem:s8], [sflag:$0x1] =	stream.indirect.gather [hbm4b:s5+s6], $0x50, s6, s6, $0xb8;
	[tilespmem:$0xCA80] =	vst v63  }
0xe: {  	s9 =	simm.s32 $0x100;
	s10 =	simm.s32 $0x5280  }
0xf: {  	[tilespmem:s10], [sflag:$0x1] =	stream.indirect.gather [hbm4b:s5+s6], $0x50, s9, s6, $0xb8;
	[tilespmem:$0xCA80] =	vst v63  }
0x10: {  	s11 =	simm.s32 $0x180;
	s12 =	simm.s32 $0x7A80  }
0x11: {  	[tilespmem:s12], [sflag:$0x1] =	stream.indirect.gather [hbm4b:s5+s6], $0x50, s11, s6, $0xb8;
	[tilespmem:$0xCA80] =	vst v63  }
0x12: {  	s13 =	simm.s32 $0x200;
	s14 =	simm.s32 $0xA280;
	s15 =	simm.s32 $0x1  }
0x13: {  	[tilespmem:s14], [sflag:$0x1] =	stream.indirect.gather [hbm4b:s5+s6], $0x50, s13, s6, $0xb8;
	[tilespmem:$0xCA80] =	vst v63  }
0x14: {  	_ =	swait.ge [sflag:s15], $0x2800  }
0x15: {  	[sflag:s15] =	ssyncset.done $0x0  }
0x16: {  	[sflag:s15] =	ssyncadd.s32 $0xFFFFD800  }
0x17: {  	_ =	swait.ge [sflag:s15], $0x2800  }
0x18: {  	[sflag:s15] =	ssyncset.done $0x0  }
0x19: {  	[sflag:s15] =	ssyncadd.s32 $0xFFFFD800  }
0x1a: {  	_ =	swait.ge [sflag:s15], $0x2800  }
0x1b: {  	[sflag:s15] =	ssyncset.done $0x0  }
0x1c: {  	s16 =	ssub.s32 $0x2, s16;
	[sflag:s15] =	ssyncadd.s32 $0xFFFFD800  }
0x1d: {  	s19 =	sshrl.u32 s16, $0x1;
	_ =	swait.ge [sflag:s15], $0x2800  }
0x1e: {  	s30 =	ssub.s32 s16, s19;
	[sflag:s15] =	ssyncset.done $0x0  }
0x1f: {  	s18 =	smul.u32 $0x1900, s18;
	s31 =	smax.u32 s30, $0x1;
	[sflag:s15] =	ssyncadd.s32 $0xFFFFD800  }
0x20: {  	p0 =	sne.s32 s31, $0x1;
	_ =	swait.ge [sflag:s15], $0x2800  }
.Ltmp0:
0x21: {  	s17 =	sadd.s32 s18, s17;
	[sflag:s15] =	ssyncset.done $0x0;
	(pc) =	sbr.rel @!p0 .LBB2_2-.Ltmp0, $4  }
0x22: {  	s16 =	sadd.s32 $0x6C00, s17;
	[sflag:s15] =	ssyncadd.s32 $0xFFFFD800  }
0x23: {  	[hbm4b:s16+s2] =	stream.linear.scatter [tilespmem:s7], [sflag:$0x2], $0xC800, $0x38;
	[tilespmem:$0xCA80] =	vst v63  }
0x24: {  	_ =	swait.ge [sflag:s3], $0xC800  }
0x25: {  	s17 =	sadd.s32 $0xFFFFFFFF, s31;
	[sflag:s3] =	ssyncset.done $0x0  }
.LBB2_1:
0x26: {  	p0 =	sne.s32 s17, $0x1;
	s17 =	sadd.s32 $0xFFFFFFFF, s17;
	[sflag:s3] =	ssyncadd.s32 $0xFFFF3800  }
0x27: {  	[tilespmem:s2], [sflag:$0x2] =	stream.linear.gather [hbm4b:s4+s2], $0x280, $0x38;
	[tilespmem:$0xCA80] =	vst v63  }
0x28: {  	_ =	swait.ge [sflag:s3], $0x280  }
0x29: {  	[sflag:s3] =	ssyncset.done $0x0  }
0x2a: {  	[sflag:s3] =	ssyncadd.s32 $0xFFFFFD80  }
0x2b: {  	[tilespmem:s7], [sflag:$0x1] =	stream.indirect.gather [hbm4b:s5+s6], $0x50, s2, s6, $0xb8;
	[tilespmem:$0xCA80] =	vst v63  }
0x2c: {  	_ = 	snop  }
0x2d: {  	[tilespmem:s8], [sflag:$0x1] =	stream.indirect.gather [hbm4b:s5+s6], $0x50, s6, s6, $0xb8;
	[tilespmem:$0xCA80] =	vst v63  }
0x2e: {  	_ = 	snop  }
0x2f: {  	[tilespmem:s10], [sflag:$0x1] =	stream.indirect.gather [hbm4b:s5+s6], $0x50, s9, s6, $0xb8;
	[tilespmem:$0xCA80] =	vst v63  }
0x30: {  	_ = 	snop  }
0x31: {  	[tilespmem:s12], [sflag:$0x1] =	stream.indirect.gather [hbm4b:s5+s6], $0x50, s11, s6, $0xb8;
	[tilespmem:$0xCA80] =	vst v63  }
0x32: {  	_ = 	snop  }
0x33: {  	[tilespmem:s14], [sflag:$0x1] =	stream.indirect.gather [hbm4b:s5+s6], $0x50, s13, s6, $0xb8;
	[tilespmem:$0xCA80] =	vst v63  }
0x34: {  	_ =	swait.ge [sflag:s15], $0x2800  }
0x35: {  	[sflag:s15] =	ssyncset.done $0x0  }
0x36: {  	[sflag:s15] =	ssyncadd.s32 $0xFFFFD800  }
0x37: {  	_ =	swait.ge [sflag:s15], $0x2800  }
0x38: {  	[sflag:s15] =	ssyncset.done $0x0  }
0x39: {  	[sflag:s15] =	ssyncadd.s32 $0xFFFFD800  }
0x3a: {  	_ =	swait.ge [sflag:s15], $0x2800  }
0x3b: {  	[sflag:s15] =	ssyncset.done $0x0  }
0x3c: {  	[sflag:s15] =	ssyncadd.s32 $0xFFFFD800  }
0x3d: {  	_ =	swait.ge [sflag:s15], $0x2800  }
0x3e: {  	[sflag:s15] =	ssyncset.done $0x0  }
0x3f: {  	[sflag:s15] =	ssyncadd.s32 $0xFFFFD800  }
0x40: {  	_ =	swait.ge [sflag:s15], $0x2800  }
.Ltmp1:
0x41: {  	[sflag:s15] =	ssyncset.done $0x0;
	(pc) =	sbr.rel @p0 .LBB2_1-.Ltmp1, $4  }
0x42: {  	[sflag:s15] =	ssyncadd.s32 $0xFFFFD800  }
0x43: {  	[hbm4b:s16+s2] =	stream.linear.scatter [tilespmem:s7], [sflag:$0x2], $0xC800, $0x38;
	[tilespmem:$0xCA80] =	vst v63  }
0x44: {  	_ =	swait.ge [sflag:s3], $0xC800  }
0x45: {  	[sflag:s3] =	ssyncset.done $0x0  }
.LBB2_2:
0x46: {  	[sflag:s3] =	ssyncadd.s32 $0xFFFF3800  }
0x47: {  	_ =	sfence.sel $0x180000  }
0x48: {  	[bflag:$0x0] =	sbarrier.arrive $0xFFFF  }
0x49: {  	p0 =	sne.s32 s0, $0x0;
	_ =	strace $0x90000053  }
0x4a: {  	s0 =	sadd.s32 @!p0 $0x100000, s1;
	[bflag:$0x2] =	sbarrier.arrive $0xFFFF  }
0x4b: {  	[sflag:s0] =	ssyncadd.tile.s32 @!p0 $0x1;
	_ =	shalt  }
.Lfunc_end2:
_tile_overlayer_lowered:
.L_overlay_start_2:
0x4c: {  	(tag) =	ssettag $0x2  }
0x4d: {  	s0 =	rddreg [dreg:$0x0];
	s2 =	stileid.u32  }
0x4e: {  	s1 =	rddreg [dreg:$0x1];
	p0 =	sne.s32 s2, $0x0  }
0x4f: {  	s3 =	rddreg [dreg:$0x2];
	[bflag:$0x3] =	sbarrier.arrive $0xFFFF;
	s2 =	simm.s32 @!p0 $0x1C02  }
0x50: {  	[timem:s3], [sflag:s2] =	dma.local @!p0 [hbm:s0], s1  }
0x51: {  	s0 =	simm.s32 @!p0 $0x2  }
0x52: {  	_ =	swait.ge @!p0 [sflag:s0], s1  }
0x53: {  	s1 =	ssub.s32 @!p0 $0x0, s1;
	[sflag:s0] =	ssyncset.done @!p0 $0x0  }
0x54: {  	[sflag:s0] =	ssyncadd.s32 @!p0 s1  }
0x55: {  	[bflag:$0x3] =	sbarrier.arrive $0xFFFF  }
0x56: {  	_ =	shalt  }

// kernel: kernel.25.cloned.1.call-start
scs
__scs_entry_jumppad:
0x0: {  	(pc) =	sbr.rel $0x88, $3  }
0x1: {  	(tag) =	ssettag $0x0;
	lr =	simm.s32 $0x1  }
0x2: {  	[smem:$0x3F8C] =	sst lr;
	_ =	strace $0xD0000000  }
0x3: {  	_ = 	snop  }
0x4: {  	_ = 	snop  }
0x5: {  	_ = 	snop  }
0x6: {  	_ = 	snop  }
0x7: {  	_ = 	snop  }
__scs_overlays_trampoline_lowered:
0x8: {  	[smem:$0x3F9B] =	sst s0  }
0x9: {  	[smem:$0x3F9C] =	sst s1  }
0xa: {  	[smem:$0x3F9D] =	sst s2  }
0xb: {  	[smem:$0x3F9E] =	sst s3  }
0xc: {  	[smem:$0x3F9F] =	sst s4  }
0xd: {  	[smem:$0x3FA0] =	sst s5  }
0xe: {  	[smem:$0x3FA1] =	sst s6  }
0xf: {  	[smem:$0x3FA2] =	sst s7  }
0x10: {  	[smem:$0x3FA3] =	sst s8  }
0x11: {  	[smem:$0x3FA4] =	sst s9;
	s0 =	simm.s32 @!p0 $0x0  }
0x12: {  	s1 =	sld [smem:$0x3F8A];
	s0 =	simm.s32 @p0 $0x1  }
0x13: {  	[smem:$0x3FA5] =	sst s0;
	s0 =	simm.s32 @!p1 $0x0  }
0x14: {  	s2 =	sld [smem:$0x3F89];
	s0 =	simm.s32 @p1 $0x1  }
0x15: {  	[smem:$0x3FA6] =	sst s0;
	s0 =	simm.s32 @!p2 $0x0  }
0x16: {  	s3 =	sld [smem:$0x3FDB];
	s0 =	simm.s32 @p2 $0x1  }
0x17: {  	s4 =	simm.s32 $0x1BF5;
	[smem:$0x3FA8] =	sst s0  }
0x18: {  	s0 =	sld [smem:$0x3F8B];
	_ =	swait.ge [sflag:s4], $0x0  }
0x19: {  	s7 =	sld [smem:$0x3F8C]  }
0x1a: {  	s8 =	sadd.s32 $0xFFFFE003, lr  }
0x1b: {  	s9 =	sadd.s32 $0xFFFFFEF7, lr;
	s5 =	simm.s32 $0xFFFFFFFF;
	p2 =	slt.u32 s8, $0xFFFFF086  }
0x1c: {  	p1 =	slt.u32 s9, $0xF7A;
	s5 =	simm.s32 @!p2 $0x0  }
0x1d: {  	s5 =	simm.s32 @p1 $0x1;
	p0 =	seq.s32 s7, s2  }
0x1e: {  	s7 =	smul.u32 @!p0 $0xF7A, s2;
	p2 =	seq.s32 @!p0 s5, $0x0  }
0x1f: {  	s9 =	smul.u32 $0xF7A, s1;
	s8 =	simm.s32 @!p0 $0x1BF5;
	p2 =	por !p2, p0  }
0x20: {  	[sflag:s8] =	ssyncset.s32 @!p0 $0xFFFFF086;
	s6 =	sadd.s32 @!p0 s3, s7;
	s7 =	simm.s32 @!p0 $0x108  }
0x21: {  	s3 =	sadd.s32 s3, s9;
	s6 =	sadd.s32 @!p0 $0x88, s6;
	s7 =	simm.s32 @p2 $0x1082  }
0x22: {  	[simem:s7], [sflag:s8] =	dma.local @!p0 [hbm:s6], $0xF7A  }
0x23: {  	s9 =	sor.u32 $0xD0000000, s2;
	s6 =	simm.s32 $0x108;
	_ =	swait.ge @!p0 [sflag:s8], $0x0  }
0x24: {  	s3 =	sadd.s32 $0x88, s3;
	s6 =	simm.s32 @!p1 $0x1082;
	[sflag:s4] =	ssyncset.s32 $0xFFFFF086  }
0x25: {  	[simem:s6], [sflag:s4] =	dma.local [hbm:s3], $0xF7A  }
0x26: {  	[smem:$0x3F8C] =	sst s1;
	(tag) =	ssettag s2;
	_ =	strace s9  }
0x27: {  	s1 =	sld [smem:$0x3F9C]  }
0x28: {  	s2 =	sld [smem:$0x3F9D]  }
0x29: {  	s4 =	sld [smem:$0x3F9F]  }
0x2a: {  	p0 =	seq.s32 s5, $0x0;
	s5 =	sld [smem:$0x3FA0]  }
0x2b: {  	s6 =	sld [smem:$0x3FA1]  }
0x2c: {  	s7 =	sld [smem:$0x3FA2]  }
0x2d: {  	s3 =	simm.s32 $0x108;
	s8 =	sld [smem:$0x3FA3]  }
0x2e: {  	s3 =	simm.s32 @!p0 $0x1082;
	s9 =	sld [smem:$0x3FA4]  }
0x2f: {  	lr =	sadd.s32 s0, s3;
	s0 =	sld [smem:$0x3F9B]  }
0x30: {  	s3 =	sld [smem:$0x3F9E]  }
0x31: {  	[smem:$0x3FA7] =	sst s10  }
0x32: {  	s10 =	sld [smem:$0x3FA5];
	_ =	sdelay $0x3  }
0x33: {  	p0 =	seq.s32 s10, $0x1;
	s10 =	sld [smem:$0x3FA7];
	_ =	sdelay $0x3  }
0x34: {  	[smem:$0x3FA7] =	sst s10  }
0x35: {  	s10 =	sld [smem:$0x3FA6];
	_ =	sdelay $0x3  }
0x36: {  	p1 =	seq.s32 s10, $0x1;
	s10 =	sld [smem:$0x3FA7];
	_ =	sdelay $0x3  }
0x37: {  	[smem:$0x3FA7] =	sst s10  }
0x38: {  	s10 =	sld [smem:$0x3FA8]  }
0x39: {  	_ = 	snop;
	(pc) =	sbr.ind lr, $3  }
0x3a: {  	_ = 	snop  }
0x3b: {  	_ = 	snop  }
0x3c: {  	p2 =	seq.s32 s10, $0x1;
	s10 =	sld [smem:$0x3FA7]  }
0x3d: {  	_ =	shalt  }
0x3e: {  	_ =	shalt  }
0x3f: {  	_ =	shalt  }
0x40: {  	_ =	shalt  }
0x41: {  	_ =	shalt  }
0x42: {  	_ =	shalt  }
0x43: {  	_ =	shalt  }
0x44: {  	_ =	shalt  }
0x45: {  	_ =	shalt  }
0x46: {  	_ =	shalt  }
0x47: {  	_ =	shalt  }
0x48: {  	_ =	shalt  }
0x49: {  	_ =	shalt  }
0x4a: {  	_ =	shalt  }
0x4b: {  	_ =	shalt  }
0x4c: {  	_ =	shalt  }
0x4d: {  	_ =	shalt  }
0x4e: {  	_ =	shalt  }
0x4f: {  	_ =	shalt  }
0x50: {  	_ =	shalt  }
0x51: {  	_ =	shalt  }
0x52: {  	_ =	shalt  }
0x53: {  	_ =	shalt  }
0x54: {  	_ =	shalt  }
0x55: {  	_ =	shalt  }
0x56: {  	_ =	shalt  }
0x57: {  	_ =	shalt  }
0x58: {  	_ =	shalt  }
0x59: {  	_ =	shalt  }
0x5a: {  	_ =	shalt  }
0x5b: {  	_ =	shalt  }
0x5c: {  	_ =	shalt  }
0x5d: {  	_ =	shalt  }
0x5e: {  	_ =	shalt  }
0x5f: {  	_ =	shalt  }
0x60: {  	_ =	shalt  }
0x61: {  	_ =	shalt  }
0x62: {  	_ =	shalt  }
0x63: {  	_ =	shalt  }
0x64: {  	_ =	shalt  }
0x65: {  	_ =	shalt  }
0x66: {  	_ =	shalt  }
0x67: {  	_ =	shalt  }
0x68: {  	_ =	shalt  }
0x69: {  	_ =	shalt  }
0x6a: {  	_ =	shalt  }
0x6b: {  	_ =	shalt  }
0x6c: {  	_ =	shalt  }
0x6d: {  	_ =	shalt  }
0x6e: {  	_ =	shalt  }
0x6f: {  	_ =	shalt  }
0x70: {  	_ =	shalt  }
0x71: {  	_ =	shalt  }
0x72: {  	_ =	shalt  }
0x73: {  	_ =	shalt  }
0x74: {  	_ =	shalt  }
0x75: {  	_ =	shalt  }
0x76: {  	_ =	shalt  }
0x77: {  	_ =	shalt  }
0x78: {  	_ =	shalt  }
0x79: {  	_ =	shalt  }
0x7a: {  	_ =	shalt  }
0x7b: {  	_ =	shalt  }
0x7c: {  	_ =	shalt  }
0x7d: {  	_ =	shalt  }
0x7e: {  	_ =	shalt  }
0x7f: {  	_ =	shalt  }
0x80: {  	_ =	shalt  }
0x81: {  	_ =	shalt  }
0x82: {  	_ =	shalt  }
0x83: {  	_ =	shalt  }
0x84: {  	_ =	shalt  }
0x85: {  	_ =	shalt  }
0x86: {  	_ =	shalt  }
0x87: {  	_ =	shalt  }
.Lfunc_end0:
.L_simem_size_0:
called_computation.4_lowered:
.L_overlay_start_0:
0x88: {  	s2 =	sld [smem:$0x3FD9]  }
0x89: {  	s3 =	sld [smem:$0x3FFE];
	_ =	sdelay $0x1  }
0x8a: {  	s1 =	srdreg.scid  }
0x8b: {  	s0 =	sand.u32 $0x1, s1  }
0x8c: {  	s15 =	sshll.u32 s0, $0xA;
	s2 =	sadd.s32 s3, s2  }
0x8d: {  	s2 =	sadd.s32 s2, s15  }
0x8e: {  	[smem:$0x3FB3] =	sst s2  }
0x8f: {  	_ = 	snop  }
0x90: {  	s2 =	sld [smem:$0x3FD0];
	_ =	sdelay $0x2  }
0x91: {  	s16 =	simm.s32 $0xC;
	s4 =	simm.s32 $0x10  }
0x92: {  	[smem:s4], [sflag:s16] =	dma.local [hbm:s2], $0x1  }
0x93: {  	_ =	swait.eq [sflag:s16], $0x1  }
0x94: {  	[sflag:s16] =	ssyncset.done $0x0  }
0x95: {  	[sflag:s16] =	ssyncadd.s32 $0xFFFFFFFF  }
0x96: {  	s17 =	sld [smem:$0x11];
	(tm) =	ssettm $0x1  }
0x97: {  	s18 =	sld [smem:$0x3FFB];
	_ =	sdelay $0x3  }
0x98: {  	_ =	strace s18  }
0x99: {  	s2 =	sld [smem:$0x3FFC];
	_ =	sdelay $0x3  }
0x9a: {  	_ =	strace s2  }
0x9b: {  	s2 =	sld [smem:$0x3FFD];
	_ =	sdelay $0x3  }
0x9c: {  	_ =	strace s2  }
0x9d: {  	_ =	strace $0x8FFFFFFF  }
0x9e: {  	s19 =	sld [smem:$0x3FDB];
	_ =	sdelay $0x1  }
0x9f: {  	s20 =	simm.s32 $_scs_section_size  }
0xa0: {  	s5 =	simm.s32 $_size__tile_overlayer_lowered;
	s6 =	simm.s32 $_tile_overlayer_lowered  }
0xa1: {  	s7 =	simm.s32 $0x1BFF;
	s21 =	sshll.u32 s6, $0x1;
	s4 =	sadd.s32 s20, s19  }
0xa2: {  	s22 =	simm.s32 $0x0;
	s5 =	sshll.u32 s5, $0x1;
	s6 =	sadd.s32 s21, s4  }
0xa3: {  	[timem:s22], [sflag:s7] =	dma.local [hbm:s6], s5  }
0xa4: {  	_ =	swait.ge [sflag:s7], s5  }
0xa5: {  	s5 =	ssub.s32 $0x0, s5;
	[sflag:s7] =	ssyncset.done $0x0  }
0xa6: {  	[sflag:s7] =	ssyncadd.s32 s5;
	_ =	sdelay $0x1  }
0xa7: {  	s23 =	simm.s32 $0x1B8B  }
0xa8: {  	_ =	swait.ge [sflag:s23], $0x1  }
0xa9: {  	[sflag:s23] =	ssyncset.done $0x0  }
0xaa: {  	[sflag:s23] =	ssyncadd.s32 $0xFFFFFFFF  }
0xab: {  	s5 =	sld [smem:$0x0]  }
0xac: {  	s6 =	sand.u32 $0xFFFFFFFE, s1  }
0xad: {  	p0 =	sne.s32 s1, s6  }
0xae: {  	s6 =	sshll.u32 @p0 s6, $0xE  }
0xaf: {  	s6 =	sadd.s32 @p0 $0x11B8D, s6;
	s7 =	sshll.u32 @p0 s5, $0x11  }
0xb0: {  	s6 =	sor.u32 @p0 s7, s6  }
0xb1: {  	[sflag:s6] =	ssyncadd.remote.s32 @p0 $0x1;
	_ =	sdelay $0x1  }
0xb2: {  	s6 =	simm.s32 @p0 $0x1B8D  }
0xb3: {  	_ =	swait.eq @p0 [sflag:s6], $0x1  }
0xb4: {  	[sflag:s6] =	ssyncadd.s32 @p0 $0xFFFFFFFF  }
0xb5: {  	s7 =	sshll.u32 @!p0 s1, $0xE  }
0xb6: {  	s7 =	sor.u32 @!p0 $0x4000, s7;
	s6 =	simm.s32 @!p0 $0x1B8D  }
0xb7: {  	s5 =	sshll.u32 @!p0 s5, $0x11;
	s7 =	sadd.s32 @!p0 $0x11B8D, s7;
	_ =	swait.eq @!p0 [sflag:s6], $0x1  }
0xb8: {  	s5 =	sor.u32 @!p0 s5, s7;
	[sflag:s6] =	ssyncadd.s32 @!p0 $0xFFFFFFFF  }
0xb9: {  	s25 =	simm.s32 $0x1B8E;
	s24 =	sld [smem:$0x3FFE];
	[sflag:s5] =	ssyncadd.remote.s32 @!p0 $0x1  }
0xba: {  	s26 =	simm.s32 $execute0_lowered;
	[smem:$0x3FD2] =	sst s25  }
0xbb: {  	s6 =	sshll.u32 s26, $0x1;
	_ =	strace $0x8000004F;
	[dreg:$0x1] =	wrdreg $0xFFFFFFFF  }
0xbc: {  	s28 =	simm.s32 $_size_execute0_lowered;
	s4 =	sadd.s32 s4, s6;
	[dreg:$0x0] =	wrdreg $0x0  }
0xbd: {  	s6 =	sshll.u32 s28, $0x1;
	[dreg:$0x2] =	wrdreg s4  }
0xbe: {  	[dreg:$0x3] =	wrdreg s6  }
0xbf: {  	[dreg:$0x4] =	wrdreg $0xC0  }
0xc0: {  	_ =	task [dreg:s22], $0x5FFFF  }
0xc1: {  	[dreg:$0x1] =	wrdreg $0xFFFFFFFF  }
0xc2: {  	[dreg:$0x0] =	wrdreg $0x60  }
0xc3: {  	[dreg:$0x2] =	wrdreg s24  }
0xc4: {  	[dreg:$0x3] =	wrdreg s17  }
0xc5: {  	[dreg:$0x4] =	wrdreg $0x9  }
0xc6: {  	_ =	task.clear_ibuf [dreg:s22], $0x5FFFF;
	_ =	strace $0x9000004F  }
0xc7: {  	s29 =	simm.s32 $0x9;
	_ =	strace $0x80000051  }
0xc8: {  	_ =	swait.ge [sflag:s29], $0x1  }
0xc9: {  	[sflag:s29] =	ssyncadd.s32 $0xFFFFFFFF  }
0xca: {  	_ =	strace $0x90000051  }
0xcb: {  	_ =	sfence  }
0xcc: {  	s30 =	sld [smem:$0x0];
	_ =	sdelay $0x2  }
0xcd: {  	s31 =	sshll.u32 s1, $0xD;
	s1 =	sshrl.u32 s1, $0x2  }
0xce: {  	s4 =	sand.u32 $0x4000, s31;
	s1 =	sadd.s32 s1, s30  }
0xcf: {  	s0 =	sor.u32 s4, s0;
	s1 =	sshll.u32 s1, $0x11  }
0xd0: {  	s0 =	sor.u32 s1, s0  }
0xd1: {  	s0 =	sadd.s32 $0x8F2B, s0  }
0xd2: {  	[sflag:s0] =	ssyncadd.remote.s32 $0x1  }
0xd3: {  	_ =	sfence.sel $0xFFFF  }
0xd4: {  	[dreg:$0x0] =	wrdreg $0xFFFFFFFF;
	(pc) =	sbr.abs _section_cstart, $3  }
0xd5: {  	[dreg:$0x1] =	wrdreg $0xFFFFFFFF  }
0xd6: {  	_ =	task.clear_ibuf [dreg:s22], $0x2FFFF;
	_ =	strace $0x9FFFFFFF  }
0xd7: {  	(tm) =	ssettm $0x7FFFFFFF  }
tec
execute0_lowered:
.L_overlay_start_1:
0x0: {  	(tag) =	ssettag $0x1  }
0x1: {  	s1 =	srdreg.scid  }
0x2: {  	s0 =	stileid.u32;
	s8 =	rddreg [dreg:$0x0]  }
0x3: {  	s3 =	rddreg [dreg:$0x1];
	s6 =	sand.u32 $0x1, s1;
	s30 =	sshll.u32 s0, $0x1  }
0x4: {  	s2 =	simm.s32 $0x0;
	s1 =	rddreg [dreg:$0x2];
	s7 =	sor.u32 s6, s30  }
0x5: {  	[smem:$0x7FF] =	sst s2;
	s4 =	smul.u32 $0x5, s7  }
0x6: {  	s5 =	sadd.s32 $0x4CE00, s8;
	_ =	strace $0x80000050;
	s10 =	ssub.s32 $0x2, s6  }
0x7: {  	s6 =	simm.s32 $0x28;
	s4 =	sadd.s32 s3, s4;
	s3 =	simm.s32 $0x2  }
0x8: {  	[tilespmem:s2], [sflag:$0x2] =	stream.linear.gather [hbm4b:s4+s2], $0x28, $0x38;
	[tilespmem:$0x16A8] =	vst v63  }
0x9: {  	s9 =	smul.u32 $0x2D0, s7;
	s11 =	sshrl.u32 s10, $0x1;
	_ =	swait.ge [sflag:s3], $0x28  }
0xa: {  	s7 =	simm.s32 $0x1;
	s31 =	ssub.s32 s10, s11;
	[sflag:s3] =	ssyncset.done $0x0  }
0xb: {  	s8 =	sadd.s32 s9, s8;
	s9 =	smax.u32 s31, $0x1;
	[sflag:s3] =	ssyncadd.s32 $0xFFFFFFD8  }
0xc: {  	[tilespmem:s6], [sflag:$0x1] =	stream.indirect.gather [hbm4b:s5+s6], $0x90, s2, s6, $0xb8;
	[tilespmem:$0x16A8] =	vst v63  }
0xd: {  	p0 =	sne.s32 s9, $0x1;
	_ =	swait.ge [sflag:s7], $0x1680  }
.Ltmp0:
0xe: {  	[sflag:s7] =	ssyncset.done $0x0;
	(pc) =	sbr.rel @!p0 .LBB2_2-.Ltmp0, $4  }
0xf: {  	s8 =	sadd.s32 $0x78E00, s8;
	[sflag:s7] =	ssyncadd.s32 $0xFFFFE980  }
0x10: {  	[hbm4b:s8+s2] =	stream.linear.scatter [tilespmem:s6], [sflag:$0x2], $0x1680, $0x38;
	[tilespmem:$0x16A8] =	vst v63  }
0x11: {  	_ =	swait.ge [sflag:s3], $0x1680  }
0x12: {  	s9 =	sadd.s32 $0xFFFFFFFF, s9;
	[sflag:s3] =	ssyncset.done $0x0  }
.LBB2_1:
0x13: {  	p0 =	sne.s32 s9, $0x1;
	s9 =	sadd.s32 $0xFFFFFFFF, s9;
	[sflag:s3] =	ssyncadd.s32 $0xFFFFE980  }
0x14: {  	[tilespmem:s2], [sflag:$0x2] =	stream.linear.gather [hbm4b:s4+s2], $0x28, $0x38;
	[tilespmem:$0x16A8] =	vst v63  }
0x15: {  	_ =	swait.ge [sflag:s3], $0x28  }
0x16: {  	[sflag:s3] =	ssyncset.done $0x0  }
0x17: {  	[sflag:s3] =	ssyncadd.s32 $0xFFFFFFD8  }
0x18: {  	[tilespmem:s6], [sflag:$0x1] =	stream.indirect.gather [hbm4b:s5+s6], $0x90, s2, s6, $0xb8;
	[tilespmem:$0x16A8] =	vst v63  }
0x19: {  	_ =	swait.ge [sflag:s7], $0x1680  }
.Ltmp1:
0x1a: {  	[sflag:s7] =	ssyncset.done $0x0;
	(pc) =	sbr.rel @p0 .LBB2_1-.Ltmp1, $4  }
0x1b: {  	[sflag:s7] =	ssyncadd.s32 $0xFFFFE980  }
0x1c: {  	[hbm4b:s8+s2] =	stream.linear.scatter [tilespmem:s6], [sflag:$0x2], $0x1680, $0x38;
	[tilespmem:$0x16A8] =	vst v63  }
0x1d: {  	_ =	swait.ge [sflag:s3], $0x1680  }
0x1e: {  	[sflag:s3] =	ssyncset.done $0x0  }
.LBB2_2:
0x1f: {  	[sflag:s3] =	ssyncadd.s32 $0xFFFFE980  }
0x20: {  	_ =	sfence.sel $0x180000  }
0x21: {  	[bflag:$0x0] =	sbarrier.arrive $0xFFFF  }
0x22: {  	p0 =	sne.s32 s0, $0x0;
	_ =	strace $0x90000050  }
0x23: {  	s0 =	sadd.s32 @!p0 $0x100000, s1;
	[bflag:$0x2] =	sbarrier.arrive $0xFFFF  }
0x24: {  	[sflag:s0] =	ssyncadd.tile.s32 @!p0 $0x1;
	_ =	shalt  }
.Lfunc_end2:
_tile_overlayer_lowered:
.L_overlay_start_2:
0x25: {  	(tag) =	ssettag $0x2  }
0x26: {  	s0 =	rddreg [dreg:$0x0];
	s2 =	stileid.u32  }
0x27: {  	s1 =	rddreg [dreg:$0x1];
	p0 =	sne.s32 s2, $0x0  }
0x28: {  	s3 =	rddreg [dreg:$0x2];
	[bflag:$0x3] =	sbarrier.arrive $0xFFFF;
	s2 =	simm.s32 @!p0 $0x1C02  }
0x29: {  	[timem:s3], [sflag:s2] =	dma.local @!p0 [hbm:s0], s1  }
0x2a: {  	s0 =	simm.s32 @!p0 $0x2  }
0x2b: {  	_ =	swait.ge @!p0 [sflag:s0], s1  }
0x2c: {  	s1 =	ssub.s32 @!p0 $0x0, s1;
	[sflag:s0] =	ssyncset.done @!p0 $0x0  }
0x2d: {  	[sflag:s0] =	ssyncadd.s32 @!p0 s1  }
0x2e: {  	[bflag:$0x3] =	sbarrier.arrive $0xFFFF  }
0x2f: {  	_ =	shalt  }

</sc_bundles>
